<compile_context>
chip_gen: v7x
topology: tpu7x:2x2x1
jax: 0.10.2.dev20260603
libtpu: 0.0.44.dev20260713+nightly
codegen_flags: <defaults>
</compile_context>

<pallas_src>
import functools
import math

import jax
import jax.numpy as jnp
from jax import lax
from jax.experimental import pallas as pl
from jax.experimental.pallas import tpu as pltpu
from jax.experimental.pallas import tpu_sc as plsc

N = 2048
E = 16384
D = 64
DP = 128
NC = 2
NS = 16
NW = NC * NS
EPB = E // NW
NCHUNK = 4
CB = EPB // NCHUNK
ROWS_PER_TILE = N // NS


@functools.cache
def _sc_kernels():
    mesh = plsc.VectorSubcoreMesh(core_axis_name="c", subcore_axis_name="s")
    params = pltpu.CompilerParams(use_tc_tiling_on_sc=True)

    @functools.partial(
        pl.kernel,
        out_type=jax.ShapeDtypeStruct((E, DP), jnp.float32),
        mesh=mesh,
        compiler_params=params,
        scratch_types=[
            pltpu.VMEM((NCHUNK, CB), jnp.int32),
            pltpu.VMEM((NCHUNK, CB, DP), jnp.float32),
            pltpu.SemaphoreType.DMA,
        ],
    )
    def gather(table_hbm, idx_hbm, out_hbm, idx_v, rows_v, sem):
        wid = lax.axis_index("s") * NC + lax.axis_index("c")
        base = wid * EPB
        pltpu.sync_copy(idx_hbm.at[wid], idx_v)
        copies = [pltpu.async_copy(table_hbm.at[idx_v.at[j]], rows_v.at[j],
                                   sem) for j in range(NCHUNK)]
        for j in range(NCHUNK):
            copies[j].wait()
            pltpu.sync_copy(rows_v.at[j], out_hbm.at[pl.ds(base + j * CB, CB)])

    @functools.partial(
        pl.kernel,
        out_type=jax.ShapeDtypeStruct((NC, N, DP), jnp.float32),
        mesh=mesh,
        compiler_params=params,
        scratch_types=[
            pltpu.VMEM((NCHUNK, CB), jnp.int32),
            pltpu.VMEM((NCHUNK, CB, DP), jnp.float32),
            pltpu.VMEM_SHARED((N, DP), jnp.float32),
            pltpu.SemaphoreType.DMA,
        ],
    )
    def scatter(vals_hbm, idx_hbm, zeros_hbm, out_hbm, idx_v, vals_v, acc_sh,
                sem):
        c = lax.axis_index("c")
        s = lax.axis_index("s")
        wid = s * NC + c
        base = wid * EPB
        rslice = pl.ds(s * ROWS_PER_TILE, ROWS_PER_TILE)
        pltpu.sync_copy(idx_hbm.at[wid], idx_v)
        copies = [pltpu.async_copy(vals_hbm.at[pl.ds(base + j * CB, CB)],
                                   vals_v.at[j], sem) for j in range(NCHUNK)]
        pltpu.sync_copy(zeros_hbm.at[rslice], acc_sh.at[rslice])
        plsc.subcore_barrier()
        for j in range(NCHUNK):
            copies[j].wait()
            pltpu.sync_copy(vals_v.at[j], acc_sh.at[idx_v.at[j]], add=True)
        plsc.subcore_barrier()
        pltpu.sync_copy(acc_sh.at[rslice], out_hbm.at[c, rslice])

    @functools.partial(
        pl.kernel,
        out_type=jax.ShapeDtypeStruct((NC, N, DP), jnp.float32),
        mesh=mesh,
        compiler_params=params,
        scratch_types=[
            pltpu.VMEM((NCHUNK, CB), jnp.int32),
            pltpu.VMEM((CB, DP), jnp.float32),
            pltpu.VMEM_SHARED((N, DP), jnp.float32),
        ],
    )
    def cnt_scatter(idx_hbm, zeros_hbm, ones_hbm, out_hbm, idx_v, ones_v,
                    acc_sh):
        c = lax.axis_index("c")
        s = lax.axis_index("s")
        wid = s * NC + c
        rslice = pl.ds(s * ROWS_PER_TILE, ROWS_PER_TILE)
        pltpu.sync_copy(idx_hbm.at[wid], idx_v)
        pltpu.sync_copy(ones_hbm, ones_v)
        pltpu.sync_copy(zeros_hbm.at[rslice], acc_sh.at[rslice])
        plsc.subcore_barrier()
        for j in range(NCHUNK):
            pltpu.sync_copy(ones_v, acc_sh.at[idx_v.at[j]], add=True)
        plsc.subcore_barrier()
        pltpu.sync_copy(acc_sh.at[rslice], out_hbm.at[c, rslice])

    return gather, scatter, cnt_scatter



BE = 1024
EG = E // BE
BE2 = 2048
BR = 512
RG = N // BR


def _msg1_body(ax_ref, xj_ref, p_ref, o_ref):
    ax = ax_ref[...]
    xjT = jnp.transpose(xj_ref[...])
    acc = jnp.zeros((D, BE), jnp.float32)
    for i in range(D):
        z = jnp.dot(p_ref[i], ax, preferred_element_type=jnp.float32)
        acc = acc + jnp.broadcast_to(xjT[i:i + 1, :], (D, BE)) \
            * jnp.maximum(z, 0.0)
    o_ref[...] = jnp.concatenate(
        [jnp.transpose(acc), jnp.zeros((BE, DP - D), jnp.float32)], axis=1)


def _msg1_call(ax, xj, p):
    return pl.pallas_call(
        _msg1_body,
        grid=(EG,),
        in_specs=[
            pl.BlockSpec((2, BE), lambda i: (0, i)),
            pl.BlockSpec((BE, DP), lambda i: (i, 0)),
            pl.BlockSpec((D, D, 2), lambda i: (0, 0, 0)),
        ],
        out_specs=pl.BlockSpec((BE, DP), lambda i: (i, 0)),
        out_shape=jax.ShapeDtypeStruct((E, DP), jnp.float32),
    )(ax, xj, p)


def _msg2_body(ax_ref, xj_ref, p_ref, o_ref):
    z = jnp.dot(jnp.transpose(ax_ref[...]), p_ref[...],
                preferred_element_type=jnp.float32)
    w2 = jnp.maximum(z, 0.0)
    d = jnp.sum(xj_ref[...] * w2, axis=1, keepdims=True)
    o_ref[...] = jnp.concatenate(
        [d, jnp.zeros((BE2, DP - 1), jnp.float32)], axis=1)


def _msg3_body(ax_ref, xj_ref, p_ref, o_ref):
    z = jnp.dot(jnp.transpose(ax_ref[...]), p_ref[...],
                preferred_element_type=jnp.float32)
    o_ref[...] = xj_ref[...] * jnp.maximum(z, 0.0)


def _msg_call(body, ae, xj, p):
    specs = [
        pl.BlockSpec((2, BE2), lambda i: (0, i)),
        pl.BlockSpec((BE2, DP), lambda i: (i, 0)),
        pl.BlockSpec((2, DP), lambda i: (0, 0)),
    ]
    return pl.pallas_call(
        body,
        grid=(E // BE2,),
        in_specs=specs,
        out_specs=pl.BlockSpec((BE2, DP), lambda i: (i, 0)),
        out_shape=jax.ShapeDtypeStruct((E, DP), jnp.float32),
    )(ae, xj, p)


def _fin1_body(sp_ref, cp_ref, x_ref, root_ref, bias_ref, gs_ref, bb_ref,
               o_ref):
    s = (sp_ref[0] + sp_ref[1])[:, :D]
    cnt = cp_ref[0][:, 0:1] + cp_ref[1][:, 0:1]
    mean = s / jnp.maximum(cnt, 1.0)
    h = mean + jnp.dot(x_ref[...], root_ref[...],
                       preferred_element_type=jnp.float32) + bias_ref[...]
    z = h * gs_ref[...] + bb_ref[...]
    o_ref[...] = jnp.concatenate(
        [jax.nn.sigmoid(z), jnp.zeros((BR, DP - D), jnp.float32)], axis=1)


def _fin2_body(sp_ref, cp_ref, x1_ref, rootr_ref, bias_ref, gs_ref, bb_ref,
               o_ref):
    s2 = sp_ref[0][:, 0:1] + sp_ref[1][:, 0:1]
    cnt = cp_ref[0][:, 0:1] + cp_ref[1][:, 0:1]
    mean2 = s2 / jnp.maximum(cnt, 1.0)
    rr = jnp.sum(x1_ref[...] * rootr_ref[...], axis=1, keepdims=True)
    z = jnp.broadcast_to(mean2 + rr, (BR, DP))
    z = (z + bias_ref[...]) * gs_ref[...] + bb_ref[...]
    o_ref[...] = jax.nn.sigmoid(z)


def _fin3_body(sp_ref, cp_ref, x2b_ref, x1_ref, root_ref, bias_ref, gs_ref,
               bb_ref, o_ref):
    s = (sp_ref[0] + sp_ref[1])[:, :D]
    cnt = cp_ref[0][:, 0:1] + cp_ref[1][:, 0:1]
    mean = s / jnp.maximum(cnt, 1.0)
    xr = x2b_ref[...][:, 0:1] * root_ref[...]
    z = (mean + xr + bias_ref[...]) * gs_ref[...] + bb_ref[...]
    o_ref[...] = (jax.nn.sigmoid(z) + x1_ref[...][:, :D]) * 0.5


def _part_spec():
    return pl.BlockSpec((NC, BR, DP), lambda i: (0, i, 0))


def _vec_spec():
    return pl.BlockSpec((1, D), lambda i: (0, 0))


def _prow_spec():
    return pl.BlockSpec((BR, DP), lambda i: (i, 0))


def _fin_call(body, sp, cp, xa, xa_spec, mat, bias, gs, bb, mat_shape,
              out_w, vec_w=D):
    vs = pl.BlockSpec((1, vec_w), lambda i: (0, 0))
    return pl.pallas_call(
        body,
        grid=(RG,),
        in_specs=[
            _part_spec(), _part_spec(), xa_spec,
            pl.BlockSpec(mat_shape, lambda i: (0, 0)),
            vs, vs, vs,
        ],
        out_specs=pl.BlockSpec((BR, out_w), lambda i: (i, 0)),
        out_shape=jax.ShapeDtypeStruct((N, out_w), jnp.float32),
    )(sp, cp, xa, mat, bias, gs, bb)



def kernel(x, edge_index, edge_attr, W_nn1, b_nn1, root1, bias1, bn1_g, bn1_b,
           W_nn2, b_nn2, root2, bias2, bn2_g, bn2_b,
           W_nn3, b_nn3, root3, bias3, bn3_g, bn3_b):
    src3 = edge_index[0].reshape(NW, NCHUNK, CB)
    dst3 = edge_index[1].reshape(NW, NCHUNK, CB)
    a = edge_attr

    W1 = W_nn1.reshape(D, D)
    B1 = b_nn1.reshape(D, D)
    W2 = W_nn2.reshape(1, D)
    B2 = b_nn2.reshape(1, D)
    W3 = W_nn3.reshape(1, D)
    B3 = b_nn3.reshape(1, D)

    inv = 1.0 / math.sqrt(1.0 + 0.001)
    gs1 = (bn1_g * inv).reshape(1, D)
    bb1 = bn1_b.reshape(1, D)
    b1v = bias1.reshape(1, D)
    g2v = jnp.full((1, DP), bn2_g[0] * inv)
    bb2v = jnp.full((1, DP), bn2_b[0])
    b2v = jnp.full((1, DP), bias2[0])
    gs3 = (bn3_g * inv).reshape(1, D)
    bb3 = bn3_b.reshape(1, D)
    b3v = bias3.reshape(1, D)
    root2r = jnp.concatenate(
        [root2.reshape(1, D), jnp.zeros((1, DP - D), jnp.float32)], axis=1)
    root3r = root3.reshape(1, D)
    pad2 = jnp.zeros((2, DP - D), jnp.float32)
    p2 = jnp.concatenate([jnp.concatenate([W2, B2], axis=0), pad2], axis=1)
    p3 = jnp.concatenate([jnp.concatenate([W3, B3], axis=0), pad2], axis=1)

    zeros_np = jnp.zeros((N, DP), jnp.float32)
    ones_cb = jnp.ones((CB, DP), jnp.float32)
    x_pad = jnp.concatenate([x, jnp.zeros((N, DP - D), jnp.float32)], axis=1)

    _gather, _scatter, _cnt_scatter = _sc_kernels()

    ax = jnp.concatenate([a.reshape(1, E), jnp.ones((1, E), jnp.float32)])
    p1 = jnp.stack([W1, B1], axis=-1)

    cntp = _cnt_scatter(dst3, zeros_np, ones_cb)
    xj = _gather(x_pad, src3)
    m1 = _msg1_call(ax, xj, p1)
    s1p = _scatter(m1, dst3, zeros_np)
    x1 = _fin_call(_fin1_body, s1p, cntp, x,
                   pl.BlockSpec((BR, D), lambda i: (i, 0)),
                   root1, b1v, gs1, bb1, (D, D), DP)

    x1j = _gather(x1, src3)
    m2 = _msg_call(_msg2_body, ax, x1j, p2)
    s2p = _scatter(m2, dst3, zeros_np)
    x2b = _fin_call(_fin2_body, s2p, cntp, x1, _prow_spec(),
                    root2r, b2v, g2v, bb2v, (1, DP), DP, vec_w=DP)

    x2j = _gather(x2b, src3)
    m3 = _msg_call(_msg3_body, ax, x2j, p3)
    s3p = _scatter(m3, dst3, zeros_np)

    return pl.pallas_call(
        _fin3_body,
        grid=(RG,),
        in_specs=[
            _part_spec(), _part_spec(), _prow_spec(), _prow_spec(),
            _vec_spec(), _vec_spec(), _vec_spec(), _vec_spec(),
        ],
        out_specs=pl.BlockSpec((BR, D), lambda i: (i, 0)),
        out_shape=jax.ShapeDtypeStruct((N, D), jnp.float32),
    )(s3p, cntp, x2b, x1, root3r, b3v, gs3, bb3)

# --- scband reference (transcript-rebuilt; emitter-appended) ---
"""Pipeline reference for scband-aligner-63333587746890 (READ-ONLY COPY).

The authoritative reference and input builder live on the scoring server;
editing this copy changes nothing except your own understanding.
"""

import jax, jax.numpy as jnp
import numpy as np

LR_DIM = 64
N_NODES = 2048
N_EDGES = 16384
EPS = 0.001


def setup_inputs(seed: int = 0) -> dict:
    key = jax.random.key(seed)
    ks = jax.random.split(key, 24)
    inp = {}
    inp['x'] = jax.random.normal(ks[0], (N_NODES, LR_DIM), dtype=jnp.float32)
    inp['edge_index'] = jax.random.randint(ks[1], (2, N_EDGES), 0, N_NODES, dtype=jnp.int32)
    inp['edge_attr'] = jax.random.uniform(ks[2], (N_EDGES, 1), dtype=jnp.float32)

    def lin(k, fan_in, shape):
        return jax.random.uniform(k, shape, dtype=jnp.float32, minval=-1.0, maxval=1.0) / np.sqrt(float(fan_in))

    # conv1: NNConv(64 -> 64), nn = Linear(1, 64*64) + ReLU
    inp['W_nn1'] = lin(ks[3], 1, (1, LR_DIM * LR_DIM))
    inp['b_nn1'] = lin(ks[4], 1, (LR_DIM * LR_DIM,))
    inp['root1'] = lin(ks[5], LR_DIM, (LR_DIM, LR_DIM))
    inp['bias1'] = lin(ks[6], LR_DIM, (LR_DIM,))
    inp['bn1_g'] = jnp.ones((LR_DIM,), dtype=jnp.float32)
    inp['bn1_b'] = jnp.zeros((LR_DIM,), dtype=jnp.float32)
    # conv2: NNConv(64 -> 1), nn = Linear(1, 64) + ReLU
    inp['W_nn2'] = lin(ks[7], 1, (1, LR_DIM))
    inp['b_nn2'] = lin(ks[8], 1, (LR_DIM,))
    inp['root2'] = lin(ks[9], LR_DIM, (LR_DIM, 1))
    inp['bias2'] = lin(ks[10], LR_DIM, (1,))
    inp['bn2_g'] = jnp.ones((1,), dtype=jnp.float32)
    inp['bn2_b'] = jnp.zeros((1,), dtype=jnp.float32)
    # conv3: NNConv(1 -> 64), nn = Linear(1, 64) + ReLU
    inp['W_nn3'] = lin(ks[11], 1, (1, LR_DIM))
    inp['b_nn3'] = lin(ks[12], 1, (LR_DIM,))
    inp['root3'] = lin(ks[13], 1, (1, LR_DIM))
    inp['bias3'] = lin(ks[14], 1, (LR_DIM,))
    inp['bn3_g'] = jnp.ones((LR_DIM,), dtype=jnp.float32)
    inp['bn3_b'] = jnp.zeros((LR_DIM,), dtype=jnp.float32)
    return inp


def _nnconv(x, edge_index, edge_attr, Wn, bn, root, bias, ic, oc):
    # PyG NNConv with aggr='mean', root_weight=True, bias=True
    E = edge_attr.shape[0]
    n = x.shape[0]
    w = jax.nn.relu(edge_attr @ Wn + bn).reshape(E, ic, oc)
    src = edge_index[0]
    dst = edge_index[1]
    xj = jnp.take(x, src, axis=0)
    msg = jnp.einsum('ei,eio->eo', xj, w)
    s = jax.ops.segment_sum(msg, dst, num_segments=n)
    cnt = jax.ops.segment_sum(jnp.ones((E,), dtype=x.dtype), dst, num_segments=n)
    mean = s / jnp.maximum(cnt, 1.0)[:, None]
    return mean + x @ root + bias


def _bn_eval(h, g, b):
    # BatchNorm in eval mode with running_mean=0, running_var=1
    return h * (g / jnp.sqrt(1.0 + EPS)) + b


def reference(x, edge_index, edge_attr, W_nn1, b_nn1, root1, bias1, bn1_g, bn1_b, W_nn2, b_nn2, root2, bias2, bn2_g, bn2_b, W_nn3, b_nn3, root3, bias3, bn3_g, bn3_b):
    x1 = jax.nn.sigmoid(_bn_eval(_nnconv(x, edge_index, edge_attr, W_nn1, b_nn1, root1, bias1, LR_DIM, LR_DIM), bn1_g, bn1_b))
    # dropout is identity in eval mode
    x2 = jax.nn.sigmoid(_bn_eval(_nnconv(x1, edge_index, edge_attr, W_nn2, b_nn2, root2, bias2, LR_DIM, 1), bn2_g, bn2_b))
    x3a = jax.nn.sigmoid(_bn_eval(_nnconv(x2, edge_index, edge_attr, W_nn3, b_nn3, root3, bias3, 1, LR_DIM), bn3_g, bn3_b))
    # cat([x3a, x1], dim=1) then average the two halves
    return (x3a + x1) / 2.0

if __name__ == "__main__":
    import jax
    _d = setup_inputs()
    print(jax.jit(kernel)(*tuple(_d.values())))

</pallas_src>

<mosaic_0001>
#map = affine_map<(d0, d1) -> (0, 0)>
#map1 = affine_map<(d0, d1) -> (0, 0, 0)>
module attributes {stable_mosaic.version = 14 : i64} {
  func.func @gather(%arg0: i32, %arg1: i32, %arg2: memref<2048x128xf32, #tpu.memory_space<hbm>>, %arg3: memref<32x4x128xi32, #tpu.memory_space<hbm>>, %arg4: memref<16384x128xf32, #tpu.memory_space<hbm>>, %arg5: memref<4x128xi32, #tpu.memory_space<vmem>>, %arg6: memref<4x128x128xf32, #tpu.memory_space<vmem>>, %arg7: memref<!tpu.dma_semaphore, #tpu.memory_space<semaphore_mem>>) attributes {dimension_semantics = [#tpu.dimension_semantics<core_parallel>, #tpu.dimension_semantics<subcore_parallel>], iteration_bounds = array<i64: 2, 16>, scalar_prefetch = 0 : i64, scratch_operands = 3 : i64, tpu.core_type = #tpu.core_type<sc_vector_subcore>, window_params = [{transform_indices = #map}, {transform_indices = #map1}, {transform_indices = #map}]} {
    %mul3A = arith.constant 2 : i32
    %mul3A_0 = arith.muli %arg1, %mul3A : i32
    %add3A = arith.addi %mul3A_0, %arg0 : i32
    %mul3A_1 = arith.constant 512 : i32
    %mul3A_2 = arith.muli %add3A, %mul3A_1 : i32
    "tpu.region"() ({
      %run_scoped3A_108 = tpu.sem_alloc : memref<!tpu.dma_semaphore, #tpu.memory_space<semaphore_mem>>
      %dma_start3A_109 = arith.constant 0 : i32
      %dma_start3A_110 = arith.constant 0 : i32
      %dma_start3A_111 = tpu.memref_slice %arg3[%add3A, %dma_start3A_109, %dma_start3A_110] : memref<32x4x128xi32, #tpu.memory_space<hbm>> -> memref<1x4x128xi32, #tpu.memory_space<hbm>>
      %dma_start3A_112 = tpu.memref_squeeze %dma_start3A_111 : memref<1x4x128xi32, #tpu.memory_space<hbm>> -> memref<4x128xi32, #tpu.memory_space<hbm>>
      %dma_start3A_113 = arith.constant 0 : i32
      %dma_start3A_114 = arith.constant 0 : i32
      %dma_start3A_115 = tpu.memref_slice %arg3[%add3A, %dma_start3A_113, %dma_start3A_114] : memref<32x4x128xi32, #tpu.memory_space<hbm>> -> memref<1x4x128xi32, #tpu.memory_space<hbm>>
      %dma_start3A_116 = tpu.memref_squeeze %dma_start3A_115 : memref<1x4x128xi32, #tpu.memory_space<hbm>> -> memref<4x128xi32, #tpu.memory_space<hbm>>
      tpu.enqueue_dma source(%dma_start3A_116 : memref<4x128xi32, #tpu.memory_space<hbm>>) target(%arg5 : memref<4x128xi32, #tpu.memory_space<vmem>>) target_semaphore(%run_scoped3A_108 : memref<!tpu.dma_semaphore, #tpu.memory_space<semaphore_mem>>)
      %dma_wait3A_117 = arith.constant 0 : i32
      %dma_wait3A_118 = arith.constant 0 : i32
      %dma_wait3A_119 = tpu.memref_slice %arg3[%add3A, %dma_wait3A_117, %dma_wait3A_118] : memref<32x4x128xi32, #tpu.memory_space<hbm>> -> memref<1x4x128xi32, #tpu.memory_space<hbm>>
      %dma_wait3A_120 = tpu.memref_squeeze %dma_wait3A_119 : memref<1x4x128xi32, #tpu.memory_space<hbm>> -> memref<4x128xi32, #tpu.memory_space<hbm>>
      %dma_wait3A_121 = arith.constant 0 : i32
      %dma_wait3A_122 = arith.constant 0 : i32
      %dma_wait3A_123 = tpu.memref_slice %arg3[%add3A, %dma_wait3A_121, %dma_wait3A_122] : memref<32x4x128xi32, #tpu.memory_space<hbm>> -> memref<1x4x128xi32, #tpu.memory_space<hbm>>
      %dma_wait3A_124 = tpu.memref_squeeze %dma_wait3A_123 : memref<1x4x128xi32, #tpu.memory_space<hbm>> -> memref<4x128xi32, #tpu.memory_space<hbm>>
      tpu.wait_dma2 semaphore(%run_scoped3A_108 : memref<!tpu.dma_semaphore, #tpu.memory_space<semaphore_mem>>) src(%dma_wait3A_124 : memref<4x128xi32, #tpu.memory_space<hbm>>) dst(%arg5 : memref<4x128xi32, #tpu.memory_space<vmem>>)
      tpu.yield
    }) : () -> ()
    %dma_start3A = arith.constant 0 : i32
    %dma_start3A_3 = arith.constant 0 : i32
    %dma_start3A_4 = arith.constant 0 : i32
    %dma_start3A_5 = arith.constant 0 : i32
    %dma_start3A_6 = tpu.memref_slice %arg6[%dma_start3A_3, %dma_start3A_4, %dma_start3A_5] : memref<4x128x128xf32, #tpu.memory_space<vmem>> -> memref<1x128x128xf32, #tpu.memory_space<vmem>>
    %dma_start3A_7 = tpu.memref_squeeze %dma_start3A_6 : memref<1x128x128xf32, #tpu.memory_space<vmem>> -> memref<128x128xf32, #tpu.memory_space<vmem>>
    %dma_start3A_8 = arith.constant 0 : i32
    %dma_start3A_9 = tpu.memref_slice %arg5[%dma_start3A, %dma_start3A_8] : memref<4x128xi32, #tpu.memory_space<vmem>> -> memref<1x128xi32, #tpu.memory_space<vmem>>
    %dma_start3A_10 = tpu.memref_squeeze %dma_start3A_9 : memref<1x128xi32, #tpu.memory_space<vmem>> -> memref<128xi32, #tpu.memory_space<vmem>>
    %dma_start3A_11 = arith.constant 0 : i32
    %dma_start3A_12 = arith.constant 0 : i32
    %dma_start3A_13 = tpu.memref_slice %arg2[%dma_start3A_11, %dma_start3A_12] : memref<2048x128xf32, #tpu.memory_space<hbm>> -> memref<2048x128xf32, #tpu.memory_space<hbm>>
    tpu.enqueue_indirect_dma source(%dma_start3A_13 : memref<2048x128xf32, #tpu.memory_space<hbm>>) target(%dma_start3A_7 : memref<128x128xf32, #tpu.memory_space<vmem>>) offsets(%dma_start3A_10 : memref<128xi32, #tpu.memory_space<vmem>>) semaphore(%arg7 : memref<!tpu.dma_semaphore, #tpu.memory_space<semaphore_mem>>)
    %dma_start3A_14 = arith.constant 1 : i32
    %dma_start3A_15 = arith.constant 1 : i32
    %dma_start3A_16 = arith.constant 0 : i32
    %dma_start3A_17 = arith.constant 0 : i32
    %dma_start3A_18 = tpu.memref_slice %arg6[%dma_start3A_15, %dma_start3A_16, %dma_start3A_17] : memref<4x128x128xf32, #tpu.memory_space<vmem>> -> memref<1x128x128xf32, #tpu.memory_space<vmem>>
    %dma_start3A_19 = tpu.memref_squeeze %dma_start3A_18 : memref<1x128x128xf32, #tpu.memory_space<vmem>> -> memref<128x128xf32, #tpu.memory_space<vmem>>
    %dma_start3A_20 = arith.constant 0 : i32
    %dma_start3A_21 = tpu.memref_slice %arg5[%dma_start3A_14, %dma_start3A_20] : memref<4x128xi32, #tpu.memory_space<vmem>> -> memref<1x128xi32, #tpu.memory_space<vmem>>
    %dma_start3A_22 = tpu.memref_squeeze %dma_start3A_21 : memref<1x128xi32, #tpu.memory_space<vmem>> -> memref<128xi32, #tpu.memory_space<vmem>>
    %dma_start3A_23 = arith.constant 0 : i32
    %dma_start3A_24 = arith.constant 0 : i32
    %dma_start3A_25 = tpu.memref_slice %arg2[%dma_start3A_23, %dma_start3A_24] : memref<2048x128xf32, #tpu.memory_space<hbm>> -> memref<2048x128xf32, #tpu.memory_space<hbm>>
    tpu.enqueue_indirect_dma source(%dma_start3A_25 : memref<2048x128xf32, #tpu.memory_space<hbm>>) target(%dma_start3A_19 : memref<128x128xf32, #tpu.memory_space<vmem>>) offsets(%dma_start3A_22 : memref<128xi32, #tpu.memory_space<vmem>>) semaphore(%arg7 : memref<!tpu.dma_semaphore, #tpu.memory_space<semaphore_mem>>)
    %dma_start3A_26 = arith.constant 2 : i32
    %dma_start3A_27 = arith.constant 2 : i32
    %dma_start3A_28 = arith.constant 0 : i32
    %dma_start3A_29 = arith.constant 0 : i32
    %dma_start3A_30 = tpu.memref_slice %arg6[%dma_start3A_27, %dma_start3A_28, %dma_start3A_29] : memref<4x128x128xf32, #tpu.memory_space<vmem>> -> memref<1x128x128xf32, #tpu.memory_space<vmem>>
    %dma_start3A_31 = tpu.memref_squeeze %dma_start3A_30 : memref<1x128x128xf32, #tpu.memory_space<vmem>> -> memref<128x128xf32, #tpu.memory_space<vmem>>
    %dma_start3A_32 = arith.constant 0 : i32
    %dma_start3A_33 = tpu.memref_slice %arg5[%dma_start3A_26, %dma_start3A_32] : memref<4x128xi32, #tpu.memory_space<vmem>> -> memref<1x128xi32, #tpu.memory_space<vmem>>
    %dma_start3A_34 = tpu.memref_squeeze %dma_start3A_33 : memref<1x128xi32, #tpu.memory_space<vmem>> -> memref<128xi32, #tpu.memory_space<vmem>>
    %dma_start3A_35 = arith.constant 0 : i32
    %dma_start3A_36 = arith.constant 0 : i32
    %dma_start3A_37 = tpu.memref_slice %arg2[%dma_start3A_35, %dma_start3A_36] : memref<2048x128xf32, #tpu.memory_space<hbm>> -> memref<2048x128xf32, #tpu.memory_space<hbm>>
    tpu.enqueue_indirect_dma source(%dma_start3A_37 : memref<2048x128xf32, #tpu.memory_space<hbm>>) target(%dma_start3A_31 : memref<128x128xf32, #tpu.memory_space<vmem>>) offsets(%dma_start3A_34 : memref<128xi32, #tpu.memory_space<vmem>>) semaphore(%arg7 : memref<!tpu.dma_semaphore, #tpu.memory_space<semaphore_mem>>)
    %dma_start3A_38 = arith.constant 3 : i32
    %dma_start3A_39 = arith.constant 3 : i32
    %dma_start3A_40 = arith.constant 0 : i32
    %dma_start3A_41 = arith.constant 0 : i32
    %dma_start3A_42 = tpu.memref_slice %arg6[%dma_start3A_39, %dma_start3A_40, %dma_start3A_41] : memref<4x128x128xf32, #tpu.memory_space<vmem>> -> memref<1x128x128xf32, #tpu.memory_space<vmem>>
    %dma_start3A_43 = tpu.memref_squeeze %dma_start3A_42 : memref<1x128x128xf32, #tpu.memory_space<vmem>> -> memref<128x128xf32, #tpu.memory_space<vmem>>
    %dma_start3A_44 = arith.constant 0 : i32
    %dma_start3A_45 = tpu.memref_slice %arg5[%dma_start3A_38, %dma_start3A_44] : memref<4x128xi32, #tpu.memory_space<vmem>> -> memref<1x128xi32, #tpu.memory_space<vmem>>
    %dma_start3A_46 = tpu.memref_squeeze %dma_start3A_45 : memref<1x128xi32, #tpu.memory_space<vmem>> -> memref<128xi32, #tpu.memory_space<vmem>>
    %dma_start3A_47 = arith.constant 0 : i32
    %dma_start3A_48 = arith.constant 0 : i32
    %dma_start3A_49 = tpu.memref_slice %arg2[%dma_start3A_47, %dma_start3A_48] : memref<2048x128xf32, #tpu.memory_space<hbm>> -> memref<2048x128xf32, #tpu.memory_space<hbm>>
    tpu.enqueue_indirect_dma source(%dma_start3A_49 : memref<2048x128xf32, #tpu.memory_space<hbm>>) target(%dma_start3A_43 : memref<128x128xf32, #tpu.memory_space<vmem>>) offsets(%dma_start3A_46 : memref<128xi32, #tpu.memory_space<vmem>>) semaphore(%arg7 : memref<!tpu.dma_semaphore, #tpu.memory_space<semaphore_mem>>)
    %dma_wait3A = arith.constant 0 : i32
    %dma_wait3A_50 = arith.constant 0 : i32
    %dma_wait3A_51 = arith.constant 0 : i32
    %dma_wait3A_52 = arith.constant 0 : i32
    %dma_wait3A_53 = tpu.memref_slice %arg6[%dma_wait3A_50, %dma_wait3A_51, %dma_wait3A_52] : memref<4x128x128xf32, #tpu.memory_space<vmem>> -> memref<1x128x128xf32, #tpu.memory_space<vmem>>
    %dma_wait3A_54 = tpu.memref_squeeze %dma_wait3A_53 : memref<1x128x128xf32, #tpu.memory_space<vmem>> -> memref<128x128xf32, #tpu.memory_space<vmem>>
    %dma_wait3A_55 = arith.constant 0 : i32
    %dma_wait3A_56 = tpu.memref_slice %arg5[%dma_wait3A, %dma_wait3A_55] : memref<4x128xi32, #tpu.memory_space<vmem>> -> memref<1x128xi32, #tpu.memory_space<vmem>>
    %dma_wait3A_57 = tpu.memref_squeeze %dma_wait3A_56 : memref<1x128xi32, #tpu.memory_space<vmem>> -> memref<128xi32, #tpu.memory_space<vmem>>
    %dma_wait3A_58 = arith.constant 0 : i32
    %dma_wait3A_59 = arith.constant 0 : i32
    %dma_wait3A_60 = tpu.memref_slice %arg2[%dma_wait3A_58, %dma_wait3A_59] : memref<2048x128xf32, #tpu.memory_space<hbm>> -> memref<2048x128xf32, #tpu.memory_space<hbm>>
    tpu.wait_indirect_dma semaphore(%arg7 : memref<!tpu.dma_semaphore, #tpu.memory_space<semaphore_mem>>) src(%dma_wait3A_60 : memref<2048x128xf32, #tpu.memory_space<hbm>>) dst(%dma_wait3A_54 : memref<128x128xf32, #tpu.memory_space<vmem>>)
    %add3A_61 = arith.constant 0 : i32
    %add3A_62 = arith.addi %mul3A_2, %add3A_61 : i32
    %run_scoped3A = arith.constant 0 : i32
    "tpu.region"() ({
      %run_scoped3A_108 = tpu.sem_alloc : memref<!tpu.dma_semaphore, #tpu.memory_space<semaphore_mem>>
      %dma_start3A_109 = arith.constant 0 : i32
      %dma_start3A_110 = arith.constant 0 : i32
      %dma_start3A_111 = tpu.memref_slice %arg6[%run_scoped3A, %dma_start3A_109, %dma_start3A_110] : memref<4x128x128xf32, #tpu.memory_space<vmem>> -> memref<1x128x128xf32, #tpu.memory_space<vmem>>
      %dma_start3A_112 = tpu.memref_squeeze %dma_start3A_111 : memref<1x128x128xf32, #tpu.memory_space<vmem>> -> memref<128x128xf32, #tpu.memory_space<vmem>>
      %dma_start3A_113 = arith.constant 0 : i32
      %dma_start3A_114 = tpu.memref_slice %arg4[%add3A_62, %dma_start3A_113] : memref<16384x128xf32, #tpu.memory_space<hbm>> -> memref<128x128xf32, #tpu.memory_space<hbm>>
      %dma_start3A_115 = arith.constant 0 : i32
      %dma_start3A_116 = tpu.memref_slice %arg4[%add3A_62, %dma_start3A_115] : memref<16384x128xf32, #tpu.memory_space<hbm>> -> memref<128x128xf32, #tpu.memory_space<hbm>>
      %dma_start3A_117 = arith.constant 0 : i32
      %dma_start3A_118 = arith.constant 0 : i32
      %dma_start3A_119 = tpu.memref_slice %arg6[%run_scoped3A, %dma_start3A_117, %dma_start3A_118] : memref<4x128x128xf32, #tpu.memory_space<vmem>> -> memref<1x128x128xf32, #tpu.memory_space<vmem>>
      %dma_start3A_120 = tpu.memref_squeeze %dma_start3A_119 : memref<1x128x128xf32, #tpu.memory_space<vmem>> -> memref<128x128xf32, #tpu.memory_space<vmem>>
      tpu.enqueue_dma source(%dma_start3A_120 : memref<128x128xf32, #tpu.memory_space<vmem>>) target(%dma_start3A_116 : memref<128x128xf32, #tpu.memory_space<hbm>>) target_semaphore(%run_scoped3A_108 : memref<!tpu.dma_semaphore, #tpu.memory_space<semaphore_mem>>)
      %dma_wait3A_121 = arith.constant 0 : i32
      %dma_wait3A_122 = arith.constant 0 : i32
      %dma_wait3A_123 = tpu.memref_slice %arg6[%run_scoped3A, %dma_wait3A_121, %dma_wait3A_122] : memref<4x128x128xf32, #tpu.memory_space<vmem>> -> memref<1x128x128xf32, #tpu.memory_space<vmem>>
      %dma_wait3A_124 = tpu.memref_squeeze %dma_wait3A_123 : memref<1x128x128xf32, #tpu.memory_space<vmem>> -> memref<128x128xf32, #tpu.memory_space<vmem>>
      %dma_wait3A_125 = arith.constant 0 : i32
      %dma_wait3A_126 = tpu.memref_slice %arg4[%add3A_62, %dma_wait3A_125] : memref<16384x128xf32, #tpu.memory_space<hbm>> -> memref<128x128xf32, #tpu.memory_space<hbm>>
      %dma_wait3A_127 = arith.constant 0 : i32
      %dma_wait3A_128 = tpu.memref_slice %arg4[%add3A_62, %dma_wait3A_127] : memref<16384x128xf32, #tpu.memory_space<hbm>> -> memref<128x128xf32, #tpu.memory_space<hbm>>
      %dma_wait3A_129 = arith.constant 0 : i32
      %dma_wait3A_130 = arith.constant 0 : i32
      %dma_wait3A_131 = tpu.memref_slice %arg6[%run_scoped3A, %dma_wait3A_129, %dma_wait3A_130] : memref<4x128x128xf32, #tpu.memory_space<vmem>> -> memref<1x128x128xf32, #tpu.memory_space<vmem>>
      %dma_wait3A_132 = tpu.memref_squeeze %dma_wait3A_131 : memref<1x128x128xf32, #tpu.memory_space<vmem>> -> memref<128x128xf32, #tpu.memory_space<vmem>>
      tpu.wait_dma2 semaphore(%run_scoped3A_108 : memref<!tpu.dma_semaphore, #tpu.memory_space<semaphore_mem>>) src(%dma_wait3A_132 : memref<128x128xf32, #tpu.memory_space<vmem>>) dst(%dma_wait3A_128 : memref<128x128xf32, #tpu.memory_space<hbm>>)
      tpu.yield
    }) : () -> ()
    %dma_wait3A_63 = arith.constant 1 : i32
    %dma_wait3A_64 = arith.constant 1 : i32
    %dma_wait3A_65 = arith.constant 0 : i32
    %dma_wait3A_66 = arith.constant 0 : i32
    %dma_wait3A_67 = tpu.memref_slice %arg6[%dma_wait3A_64, %dma_wait3A_65, %dma_wait3A_66] : memref<4x128x128xf32, #tpu.memory_space<vmem>> -> memref<1x128x128xf32, #tpu.memory_space<vmem>>
    %dma_wait3A_68 = tpu.memref_squeeze %dma_wait3A_67 : memref<1x128x128xf32, #tpu.memory_space<vmem>> -> memref<128x128xf32, #tpu.memory_space<vmem>>
    %dma_wait3A_69 = arith.constant 0 : i32
    %dma_wait3A_70 = tpu.memref_slice %arg5[%dma_wait3A_63, %dma_wait3A_69] : memref<4x128xi32, #tpu.memory_space<vmem>> -> memref<1x128xi32, #tpu.memory_space<vmem>>
    %dma_wait3A_71 = tpu.memref_squeeze %dma_wait3A_70 : memref<1x128xi32, #tpu.memory_space<vmem>> -> memref<128xi32, #tpu.memory_space<vmem>>
    %dma_wait3A_72 = arith.constant 0 : i32
    %dma_wait3A_73 = arith.constant 0 : i32
    %dma_wait3A_74 = tpu.memref_slice %arg2[%dma_wait3A_72, %dma_wait3A_73] : memref<2048x128xf32, #tpu.memory_space<hbm>> -> memref<2048x128xf32, #tpu.memory_space<hbm>>
    tpu.wait_indirect_dma semaphore(%arg7 : memref<!tpu.dma_semaphore, #tpu.memory_space<semaphore_mem>>) src(%dma_wait3A_74 : memref<2048x128xf32, #tpu.memory_space<hbm>>) dst(%dma_wait3A_68 : memref<128x128xf32, #tpu.memory_space<vmem>>)
    %add3A_75 = arith.constant 128 : i32
    %add3A_76 = arith.addi %mul3A_2, %add3A_75 : i32
    %run_scoped3A_77 = arith.constant 1 : i32
    "tpu.region"() ({
      %run_scoped3A_108 = tpu.sem_alloc : memref<!tpu.dma_semaphore, #tpu.memory_space<semaphore_mem>>
      %dma_start3A_109 = arith.constant 0 : i32
      %dma_start3A_110 = arith.constant 0 : i32
      %dma_start3A_111 = tpu.memref_slice %arg6[%run_scoped3A_77, %dma_start3A_109, %dma_start3A_110] : memref<4x128x128xf32, #tpu.memory_space<vmem>> -> memref<1x128x128xf32, #tpu.memory_space<vmem>>
      %dma_start3A_112 = tpu.memref_squeeze %dma_start3A_111 : memref<1x128x128xf32, #tpu.memory_space<vmem>> -> memref<128x128xf32, #tpu.memory_space<vmem>>
      %dma_start3A_113 = arith.constant 0 : i32
      %dma_start3A_114 = tpu.memref_slice %arg4[%add3A_76, %dma_start3A_113] : memref<16384x128xf32, #tpu.memory_space<hbm>> -> memref<128x128xf32, #tpu.memory_space<hbm>>
      %dma_start3A_115 = arith.constant 0 : i32
      %dma_start3A_116 = tpu.memref_slice %arg4[%add3A_76, %dma_start3A_115] : memref<16384x128xf32, #tpu.memory_space<hbm>> -> memref<128x128xf32, #tpu.memory_space<hbm>>
      %dma_start3A_117 = arith.constant 0 : i32
      %dma_start3A_118 = arith.constant 0 : i32
      %dma_start3A_119 = tpu.memref_slice %arg6[%run_scoped3A_77, %dma_start3A_117, %dma_start3A_118] : memref<4x128x128xf32, #tpu.memory_space<vmem>> -> memref<1x128x128xf32, #tpu.memory_space<vmem>>
      %dma_start3A_120 = tpu.memref_squeeze %dma_start3A_119 : memref<1x128x128xf32, #tpu.memory_space<vmem>> -> memref<128x128xf32, #tpu.memory_space<vmem>>
      tpu.enqueue_dma source(%dma_start3A_120 : memref<128x128xf32, #tpu.memory_space<vmem>>) target(%dma_start3A_116 : memref<128x128xf32, #tpu.memory_space<hbm>>) target_semaphore(%run_scoped3A_108 : memref<!tpu.dma_semaphore, #tpu.memory_space<semaphore_mem>>)
      %dma_wait3A_121 = arith.constant 0 : i32
      %dma_wait3A_122 = arith.constant 0 : i32
      %dma_wait3A_123 = tpu.memref_slice %arg6[%run_scoped3A_77, %dma_wait3A_121, %dma_wait3A_122] : memref<4x128x128xf32, #tpu.memory_space<vmem>> -> memref<1x128x128xf32, #tpu.memory_space<vmem>>
      %dma_wait3A_124 = tpu.memref_squeeze %dma_wait3A_123 : memref<1x128x128xf32, #tpu.memory_space<vmem>> -> memref<128x128xf32, #tpu.memory_space<vmem>>
      %dma_wait3A_125 = arith.constant 0 : i32
      %dma_wait3A_126 = tpu.memref_slice %arg4[%add3A_76, %dma_wait3A_125] : memref<16384x128xf32, #tpu.memory_space<hbm>> -> memref<128x128xf32, #tpu.memory_space<hbm>>
      %dma_wait3A_127 = arith.constant 0 : i32
      %dma_wait3A_128 = tpu.memref_slice %arg4[%add3A_76, %dma_wait3A_127] : memref<16384x128xf32, #tpu.memory_space<hbm>> -> memref<128x128xf32, #tpu.memory_space<hbm>>
      %dma_wait3A_129 = arith.constant 0 : i32
      %dma_wait3A_130 = arith.constant 0 : i32
      %dma_wait3A_131 = tpu.memref_slice %arg6[%run_scoped3A_77, %dma_wait3A_129, %dma_wait3A_130] : memref<4x128x128xf32, #tpu.memory_space<vmem>> -> memref<1x128x128xf32, #tpu.memory_space<vmem>>
      %dma_wait3A_132 = tpu.memref_squeeze %dma_wait3A_131 : memref<1x128x128xf32, #tpu.memory_space<vmem>> -> memref<128x128xf32, #tpu.memory_space<vmem>>
      tpu.wait_dma2 semaphore(%run_scoped3A_108 : memref<!tpu.dma_semaphore, #tpu.memory_space<semaphore_mem>>) src(%dma_wait3A_132 : memref<128x128xf32, #tpu.memory_space<vmem>>) dst(%dma_wait3A_128 : memref<128x128xf32, #tpu.memory_space<hbm>>)
      tpu.yield
    }) : () -> ()
    %dma_wait3A_78 = arith.constant 2 : i32
    %dma_wait3A_79 = arith.constant 2 : i32
    %dma_wait3A_80 = arith.constant 0 : i32
    %dma_wait3A_81 = arith.constant 0 : i32
    %dma_wait3A_82 = tpu.memref_slice %arg6[%dma_wait3A_79, %dma_wait3A_80, %dma_wait3A_81] : memref<4x128x128xf32, #tpu.memory_space<vmem>> -> memref<1x128x128xf32, #tpu.memory_space<vmem>>
    %dma_wait3A_83 = tpu.memref_squeeze %dma_wait3A_82 : memref<1x128x128xf32, #tpu.memory_space<vmem>> -> memref<128x128xf32, #tpu.memory_space<vmem>>
    %dma_wait3A_84 = arith.constant 0 : i32
    %dma_wait3A_85 = tpu.memref_slice %arg5[%dma_wait3A_78, %dma_wait3A_84] : memref<4x128xi32, #tpu.memory_space<vmem>> -> memref<1x128xi32, #tpu.memory_space<vmem>>
    %dma_wait3A_86 = tpu.memref_squeeze %dma_wait3A_85 : memref<1x128xi32, #tpu.memory_space<vmem>> -> memref<128xi32, #tpu.memory_space<vmem>>
    %dma_wait3A_87 = arith.constant 0 : i32
    %dma_wait3A_88 = arith.constant 0 : i32
    %dma_wait3A_89 = tpu.memref_slice %arg2[%dma_wait3A_87, %dma_wait3A_88] : memref<2048x128xf32, #tpu.memory_space<hbm>> -> memref<2048x128xf32, #tpu.memory_space<hbm>>
    tpu.wait_indirect_dma semaphore(%arg7 : memref<!tpu.dma_semaphore, #tpu.memory_space<semaphore_mem>>) src(%dma_wait3A_89 : memref<2048x128xf32, #tpu.memory_space<hbm>>) dst(%dma_wait3A_83 : memref<128x128xf32, #tpu.memory_space<vmem>>)
    %add3A_90 = arith.constant 256 : i32
    %add3A_91 = arith.addi %mul3A_2, %add3A_90 : i32
    %run_scoped3A_92 = arith.constant 2 : i32
    "tpu.region"() ({
      %run_scoped3A_108 = tpu.sem_alloc : memref<!tpu.dma_semaphore, #tpu.memory_space<semaphore_mem>>
      %dma_start3A_109 = arith.constant 0 : i32
      %dma_start3A_110 = arith.constant 0 : i32
      %dma_start3A_111 = tpu.memref_slice %arg6[%run_scoped3A_92, %dma_start3A_109, %dma_start3A_110] : memref<4x128x128xf32, #tpu.memory_space<vmem>> -> memref<1x128x128xf32, #tpu.memory_space<vmem>>
      %dma_start3A_112 = tpu.memref_squeeze %dma_start3A_111 : memref<1x128x128xf32, #tpu.memory_space<vmem>> -> memref<128x128xf32, #tpu.memory_space<vmem>>
      %dma_start3A_113 = arith.constant 0 : i32
      %dma_start3A_114 = tpu.memref_slice %arg4[%add3A_91, %dma_start3A_113] : memref<16384x128xf32, #tpu.memory_space<hbm>> -> memref<128x128xf32, #tpu.memory_space<hbm>>
      %dma_start3A_115 = arith.constant 0 : i32
      %dma_start3A_116 = tpu.memref_slice %arg4[%add3A_91, %dma_start3A_115] : memref<16384x128xf32, #tpu.memory_space<hbm>> -> memref<128x128xf32, #tpu.memory_space<hbm>>
      %dma_start3A_117 = arith.constant 0 : i32
      %dma_start3A_118 = arith.constant 0 : i32
      %dma_start3A_119 = tpu.memref_slice %arg6[%run_scoped3A_92, %dma_start3A_117, %dma_start3A_118] : memref<4x128x128xf32, #tpu.memory_space<vmem>> -> memref<1x128x128xf32, #tpu.memory_space<vmem>>
      %dma_start3A_120 = tpu.memref_squeeze %dma_start3A_119 : memref<1x128x128xf32, #tpu.memory_space<vmem>> -> memref<128x128xf32, #tpu.memory_space<vmem>>
      tpu.enqueue_dma source(%dma_start3A_120 : memref<128x128xf32, #tpu.memory_space<vmem>>) target(%dma_start3A_116 : memref<128x128xf32, #tpu.memory_space<hbm>>) target_semaphore(%run_scoped3A_108 : memref<!tpu.dma_semaphore, #tpu.memory_space<semaphore_mem>>)
      %dma_wait3A_121 = arith.constant 0 : i32
      %dma_wait3A_122 = arith.constant 0 : i32
      %dma_wait3A_123 = tpu.memref_slice %arg6[%run_scoped3A_92, %dma_wait3A_121, %dma_wait3A_122] : memref<4x128x128xf32, #tpu.memory_space<vmem>> -> memref<1x128x128xf32, #tpu.memory_space<vmem>>
      %dma_wait3A_124 = tpu.memref_squeeze %dma_wait3A_123 : memref<1x128x128xf32, #tpu.memory_space<vmem>> -> memref<128x128xf32, #tpu.memory_space<vmem>>
      %dma_wait3A_125 = arith.constant 0 : i32
      %dma_wait3A_126 = tpu.memref_slice %arg4[%add3A_91, %dma_wait3A_125] : memref<16384x128xf32, #tpu.memory_space<hbm>> -> memref<128x128xf32, #tpu.memory_space<hbm>>
      %dma_wait3A_127 = arith.constant 0 : i32
      %dma_wait3A_128 = tpu.memref_slice %arg4[%add3A_91, %dma_wait3A_127] : memref<16384x128xf32, #tpu.memory_space<hbm>> -> memref<128x128xf32, #tpu.memory_space<hbm>>
      %dma_wait3A_129 = arith.constant 0 : i32
      %dma_wait3A_130 = arith.constant 0 : i32
      %dma_wait3A_131 = tpu.memref_slice %arg6[%run_scoped3A_92, %dma_wait3A_129, %dma_wait3A_130] : memref<4x128x128xf32, #tpu.memory_space<vmem>> -> memref<1x128x128xf32, #tpu.memory_space<vmem>>
      %dma_wait3A_132 = tpu.memref_squeeze %dma_wait3A_131 : memref<1x128x128xf32, #tpu.memory_space<vmem>> -> memref<128x128xf32, #tpu.memory_space<vmem>>
      tpu.wait_dma2 semaphore(%run_scoped3A_108 : memref<!tpu.dma_semaphore, #tpu.memory_space<semaphore_mem>>) src(%dma_wait3A_132 : memref<128x128xf32, #tpu.memory_space<vmem>>) dst(%dma_wait3A_128 : memref<128x128xf32, #tpu.memory_space<hbm>>)
      tpu.yield
    }) : () -> ()
    %dma_wait3A_93 = arith.constant 3 : i32
    %dma_wait3A_94 = arith.constant 3 : i32
    %dma_wait3A_95 = arith.constant 0 : i32
    %dma_wait3A_96 = arith.constant 0 : i32
    %dma_wait3A_97 = tpu.memref_slice %arg6[%dma_wait3A_94, %dma_wait3A_95, %dma_wait3A_96] : memref<4x128x128xf32, #tpu.memory_space<vmem>> -> memref<1x128x128xf32, #tpu.memory_space<vmem>>
    %dma_wait3A_98 = tpu.memref_squeeze %dma_wait3A_97 : memref<1x128x128xf32, #tpu.memory_space<vmem>> -> memref<128x128xf32, #tpu.memory_space<vmem>>
    %dma_wait3A_99 = arith.constant 0 : i32
    %dma_wait3A_100 = tpu.memref_slice %arg5[%dma_wait3A_93, %dma_wait3A_99] : memref<4x128xi32, #tpu.memory_space<vmem>> -> memref<1x128xi32, #tpu.memory_space<vmem>>
    %dma_wait3A_101 = tpu.memref_squeeze %dma_wait3A_100 : memref<1x128xi32, #tpu.memory_space<vmem>> -> memref<128xi32, #tpu.memory_space<vmem>>
    %dma_wait3A_102 = arith.constant 0 : i32
    %dma_wait3A_103 = arith.constant 0 : i32
    %dma_wait3A_104 = tpu.memref_slice %arg2[%dma_wait3A_102, %dma_wait3A_103] : memref<2048x128xf32, #tpu.memory_space<hbm>> -> memref<2048x128xf32, #tpu.memory_space<hbm>>
    tpu.wait_indirect_dma semaphore(%arg7 : memref<!tpu.dma_semaphore, #tpu.memory_space<semaphore_mem>>) src(%dma_wait3A_104 : memref<2048x128xf32, #tpu.memory_space<hbm>>) dst(%dma_wait3A_98 : memref<128x128xf32, #tpu.memory_space<vmem>>)
    %add3A_105 = arith.constant 384 : i32
    %add3A_106 = arith.addi %mul3A_2, %add3A_105 : i32
    %run_scoped3A_107 = arith.constant 3 : i32
    "tpu.region"() ({
      %run_scoped3A_108 = tpu.sem_alloc : memref<!tpu.dma_semaphore, #tpu.memory_space<semaphore_mem>>
      %dma_start3A_109 = arith.constant 0 : i32
      %dma_start3A_110 = arith.constant 0 : i32
      %dma_start3A_111 = tpu.memref_slice %arg6[%run_scoped3A_107, %dma_start3A_109, %dma_start3A_110] : memref<4x128x128xf32, #tpu.memory_space<vmem>> -> memref<1x128x128xf32, #tpu.memory_space<vmem>>
      %dma_start3A_112 = tpu.memref_squeeze %dma_start3A_111 : memref<1x128x128xf32, #tpu.memory_space<vmem>> -> memref<128x128xf32, #tpu.memory_space<vmem>>
      %dma_start3A_113 = arith.constant 0 : i32
      %dma_start3A_114 = tpu.memref_slice %arg4[%add3A_106, %dma_start3A_113] : memref<16384x128xf32, #tpu.memory_space<hbm>> -> memref<128x128xf32, #tpu.memory_space<hbm>>
      %dma_start3A_115 = arith.constant 0 : i32
      %dma_start3A_116 = tpu.memref_slice %arg4[%add3A_106, %dma_start3A_115] : memref<16384x128xf32, #tpu.memory_space<hbm>> -> memref<128x128xf32, #tpu.memory_space<hbm>>
      %dma_start3A_117 = arith.constant 0 : i32
      %dma_start3A_118 = arith.constant 0 : i32
      %dma_start3A_119 = tpu.memref_slice %arg6[%run_scoped3A_107, %dma_start3A_117, %dma_start3A_118] : memref<4x128x128xf32, #tpu.memory_space<vmem>> -> memref<1x128x128xf32, #tpu.memory_space<vmem>>
      %dma_start3A_120 = tpu.memref_squeeze %dma_start3A_119 : memref<1x128x128xf32, #tpu.memory_space<vmem>> -> memref<128x128xf32, #tpu.memory_space<vmem>>
      tpu.enqueue_dma source(%dma_start3A_120 : memref<128x128xf32, #tpu.memory_space<vmem>>) target(%dma_start3A_116 : memref<128x128xf32, #tpu.memory_space<hbm>>) target_semaphore(%run_scoped3A_108 : memref<!tpu.dma_semaphore, #tpu.memory_space<semaphore_mem>>)
      %dma_wait3A_121 = arith.constant 0 : i32
      %dma_wait3A_122 = arith.constant 0 : i32
      %dma_wait3A_123 = tpu.memref_slice %arg6[%run_scoped3A_107, %dma_wait3A_121, %dma_wait3A_122] : memref<4x128x128xf32, #tpu.memory_space<vmem>> -> memref<1x128x128xf32, #tpu.memory_space<vmem>>
      %dma_wait3A_124 = tpu.memref_squeeze %dma_wait3A_123 : memref<1x128x128xf32, #tpu.memory_space<vmem>> -> memref<128x128xf32, #tpu.memory_space<vmem>>
      %dma_wait3A_125 = arith.constant 0 : i32
      %dma_wait3A_126 = tpu.memref_slice %arg4[%add3A_106, %dma_wait3A_125] : memref<16384x128xf32, #tpu.memory_space<hbm>> -> memref<128x128xf32, #tpu.memory_space<hbm>>
      %dma_wait3A_127 = arith.constant 0 : i32
      %dma_wait3A_128 = tpu.memref_slice %arg4[%add3A_106, %dma_wait3A_127] : memref<16384x128xf32, #tpu.memory_space<hbm>> -> memref<128x128xf32, #tpu.memory_space<hbm>>
      %dma_wait3A_129 = arith.constant 0 : i32
      %dma_wait3A_130 = arith.constant 0 : i32
      %dma_wait3A_131 = tpu.memref_slice %arg6[%run_scoped3A_107, %dma_wait3A_129, %dma_wait3A_130] : memref<4x128x128xf32, #tpu.memory_space<vmem>> -> memref<1x128x128xf32, #tpu.memory_space<vmem>>
      %dma_wait3A_132 = tpu.memref_squeeze %dma_wait3A_131 : memref<1x128x128xf32, #tpu.memory_space<vmem>> -> memref<128x128xf32, #tpu.memory_space<vmem>>
      tpu.wait_dma2 semaphore(%run_scoped3A_108 : memref<!tpu.dma_semaphore, #tpu.memory_space<semaphore_mem>>) src(%dma_wait3A_132 : memref<128x128xf32, #tpu.memory_space<vmem>>) dst(%dma_wait3A_128 : memref<128x128xf32, #tpu.memory_space<hbm>>)
      tpu.yield
    }) : () -> ()
    return
  }
}

#map = affine_map<(d0, d1) -> (0, 0)>
#map1 = affine_map<(d0, d1) -> (0, 0, 0)>
module attributes {stable_mosaic.version = 14 : i64} {
  func.func @gather(%arg0: i32, %arg1: i32, %arg2: memref<2048x128xf32, #tpu.memory_space<hbm>>, %arg3: memref<32x4x128xi32, #tpu.memory_space<hbm>>, %arg4: memref<16384x128xf32, #tpu.memory_space<hbm>>, %arg5: memref<4x128xi32, #tpu.memory_space<vmem>>, %arg6: memref<4x128x128xf32, #tpu.memory_space<vmem>>, %arg7: memref<!tpu.dma_semaphore, #tpu.memory_space<semaphore_mem>>) attributes {dimension_semantics = [#tpu.dimension_semantics<core_parallel>, #tpu.dimension_semantics<subcore_parallel>], iteration_bounds = array<i64: 2, 16>, scalar_prefetch = 0 : i64, scratch_operands = 3 : i64, tpu.core_type = #tpu.core_type<sc_vector_subcore>, window_params = [{transform_indices = #map}, {transform_indices = #map1}, {transform_indices = #map}]} {
    %mul3A = arith.constant 2 : i32
    %mul3A_0 = arith.muli %arg1, %mul3A : i32
    %add3A = arith.addi %mul3A_0, %arg0 : i32
    %mul3A_1 = arith.constant 512 : i32
    %mul3A_2 = arith.muli %add3A, %mul3A_1 : i32
    "tpu.region"() ({
      %run_scoped3A_108 = tpu.sem_alloc : memref<!tpu.dma_semaphore, #tpu.memory_space<semaphore_mem>>
      %dma_start3A_109 = arith.constant 0 : i32
      %dma_start3A_110 = arith.constant 0 : i32
      %dma_start3A_111 = tpu.memref_slice %arg3[%add3A, %dma_start3A_109, %dma_start3A_110] : memref<32x4x128xi32, #tpu.memory_space<hbm>> -> memref<1x4x128xi32, #tpu.memory_space<hbm>>
      %dma_start3A_112 = tpu.memref_squeeze %dma_start3A_111 : memref<1x4x128xi32, #tpu.memory_space<hbm>> -> memref<4x128xi32, #tpu.memory_space<hbm>>
      %dma_start3A_113 = arith.constant 0 : i32
      %dma_start3A_114 = arith.constant 0 : i32
      %dma_start3A_115 = tpu.memref_slice %arg3[%add3A, %dma_start3A_113, %dma_start3A_114] : memref<32x4x128xi32, #tpu.memory_space<hbm>> -> memref<1x4x128xi32, #tpu.memory_space<hbm>>
      %dma_start3A_116 = tpu.memref_squeeze %dma_start3A_115 : memref<1x4x128xi32, #tpu.memory_space<hbm>> -> memref<4x128xi32, #tpu.memory_space<hbm>>
      tpu.enqueue_dma source(%dma_start3A_116 : memref<4x128xi32, #tpu.memory_space<hbm>>) target(%arg5 : memref<4x128xi32, #tpu.memory_space<vmem>>) target_semaphore(%run_scoped3A_108 : memref<!tpu.dma_semaphore, #tpu.memory_space<semaphore_mem>>)
      %dma_wait3A_117 = arith.constant 0 : i32
      %dma_wait3A_118 = arith.constant 0 : i32
      %dma_wait3A_119 = tpu.memref_slice %arg3[%add3A, %dma_wait3A_117, %dma_wait3A_118] : memref<32x4x128xi32, #tpu.memory_space<hbm>> -> memref<1x4x128xi32, #tpu.memory_space<hbm>>
      %dma_wait3A_120 = tpu.memref_squeeze %dma_wait3A_119 : memref<1x4x128xi32, #tpu.memory_space<hbm>> -> memref<4x128xi32, #tpu.memory_space<hbm>>
      %dma_wait3A_121 = arith.constant 0 : i32
      %dma_wait3A_122 = arith.constant 0 : i32
      %dma_wait3A_123 = tpu.memref_slice %arg3[%add3A, %dma_wait3A_121, %dma_wait3A_122] : memref<32x4x128xi32, #tpu.memory_space<hbm>> -> memref<1x4x128xi32, #tpu.memory_space<hbm>>
      %dma_wait3A_124 = tpu.memref_squeeze %dma_wait3A_123 : memref<1x4x128xi32, #tpu.memory_space<hbm>> -> memref<4x128xi32, #tpu.memory_space<hbm>>
      tpu.wait_dma2 semaphore(%run_scoped3A_108 : memref<!tpu.dma_semaphore, #tpu.memory_space<semaphore_mem>>) src(%dma_wait3A_124 : memref<4x128xi32, #tpu.memory_space<hbm>>) dst(%arg5 : memref<4x128xi32, #tpu.memory_space<vmem>>)
      tpu.yield
    }) : () -> ()
    %dma_start3A = arith.constant 0 : i32
    %dma_start3A_3 = arith.constant 0 : i32
    %dma_start3A_4 = arith.constant 0 : i32
    %dma_start3A_5 = arith.constant 0 : i32
    %dma_start3A_6 = tpu.memref_slice %arg6[%dma_start3A_3, %dma_start3A_4, %dma_start3A_5] : memref<4x128x128xf32, #tpu.memory_space<vmem>> -> memref<1x128x128xf32, #tpu.memory_space<vmem>>
    %dma_start3A_7 = tpu.memref_squeeze %dma_start3A_6 : memref<1x128x128xf32, #tpu.memory_space<vmem>> -> memref<128x128xf32, #tpu.memory_space<vmem>>
    %dma_start3A_8 = arith.constant 0 : i32
    %dma_start3A_9 = tpu.memref_slice %arg5[%dma_start3A, %dma_start3A_8] : memref<4x128xi32, #tpu.memory_space<vmem>> -> memref<1x128xi32, #tpu.memory_space<vmem>>
    %dma_start3A_10 = tpu.memref_squeeze %dma_start3A_9 : memref<1x128xi32, #tpu.memory_space<vmem>> -> memref<128xi32, #tpu.memory_space<vmem>>
    %dma_start3A_11 = arith.constant 0 : i32
    %dma_start3A_12 = arith.constant 0 : i32
    %dma_start3A_13 = tpu.memref_slice %arg2[%dma_start3A_11, %dma_start3A_12] : memref<2048x128xf32, #tpu.memory_space<hbm>> -> memref<2048x128xf32, #tpu.memory_space<hbm>>
    tpu.enqueue_indirect_dma source(%dma_start3A_13 : memref<2048x128xf32, #tpu.memory_space<hbm>>) target(%dma_start3A_7 : memref<128x128xf32, #tpu.memory_space<vmem>>) offsets(%dma_start3A_10 : memref<128xi32, #tpu.memory_space<vmem>>) semaphore(%arg7 : memref<!tpu.dma_semaphore, #tpu.memory_space<semaphore_mem>>)
    %dma_start3A_14 = arith.constant 1 : i32
    %dma_start3A_15 = arith.constant 1 : i32
    %dma_start3A_16 = arith.constant 0 : i32
    %dma_start3A_17 = arith.constant 0 : i32
    %dma_start3A_18 = tpu.memref_slice %arg6[%dma_start3A_15, %dma_start3A_16, %dma_start3A_17] : memref<4x128x128xf32, #tpu.memory_space<vmem>> -> memref<1x128x128xf32, #tpu.memory_space<vmem>>
    %dma_start3A_19 = tpu.memref_squeeze %dma_start3A_18 : memref<1x128x128xf32, #tpu.memory_space<vmem>> -> memref<128x128xf32, #tpu.memory_space<vmem>>
    %dma_start3A_20 = arith.constant 0 : i32
    %dma_start3A_21 = tpu.memref_slice %arg5[%dma_start3A_14, %dma_start3A_20] : memref<4x128xi32, #tpu.memory_space<vmem>> -> memref<1x128xi32, #tpu.memory_space<vmem>>
    %dma_start3A_22 = tpu.memref_squeeze %dma_start3A_21 : memref<1x128xi32, #tpu.memory_space<vmem>> -> memref<128xi32, #tpu.memory_space<vmem>>
    %dma_start3A_23 = arith.constant 0 : i32
    %dma_start3A_24 = arith.constant 0 : i32
    %dma_start3A_25 = tpu.memref_slice %arg2[%dma_start3A_23, %dma_start3A_24] : memref<2048x128xf32, #tpu.memory_space<hbm>> -> memref<2048x128xf32, #tpu.memory_space<hbm>>
    tpu.enqueue_indirect_dma source(%dma_start3A_25 : memref<2048x128xf32, #tpu.memory_space<hbm>>) target(%dma_start3A_19 : memref<128x128xf32, #tpu.memory_space<vmem>>) offsets(%dma_start3A_22 : memref<128xi32, #tpu.memory_space<vmem>>) semaphore(%arg7 : memref<!tpu.dma_semaphore, #tpu.memory_space<semaphore_mem>>)
    %dma_start3A_26 = arith.constant 2 : i32
    %dma_start3A_27 = arith.constant 2 : i32
    %dma_start3A_28 = arith.constant 0 : i32
    %dma_start3A_29 = arith.constant 0 : i32
    %dma_start3A_30 = tpu.memref_slice %arg6[%dma_start3A_27, %dma_start3A_28, %dma_start3A_29] : memref<4x128x128xf32, #tpu.memory_space<vmem>> -> memref<1x128x128xf32, #tpu.memory_space<vmem>>
    %dma_start3A_31 = tpu.memref_squeeze %dma_start3A_30 : memref<1x128x128xf32, #tpu.memory_space<vmem>> -> memref<128x128xf32, #tpu.memory_space<vmem>>
    %dma_start3A_32 = arith.constant 0 : i32
    %dma_start3A_33 = tpu.memref_slice %arg5[%dma_start3A_26, %dma_start3A_32] : memref<4x128xi32, #tpu.memory_space<vmem>> -> memref<1x128xi32, #tpu.memory_space<vmem>>
    %dma_start3A_34 = tpu.memref_squeeze %dma_start3A_33 : memref<1x128xi32, #tpu.memory_space<vmem>> -> memref<128xi32, #tpu.memory_space<vmem>>
    %dma_start3A_35 = arith.constant 0 : i32
    %dma_start3A_36 = arith.constant 0 : i32
    %dma_start3A_37 = tpu.memref_slice %arg2[%dma_start3A_35, %dma_start3A_36] : memref<2048x128xf32, #tpu.memory_space<hbm>> -> memref<2048x128xf32, #tpu.memory_space<hbm>>
    tpu.enqueue_indirect_dma source(%dma_start3A_37 : memref<2048x128xf32, #tpu.memory_space<hbm>>) target(%dma_start3A_31 : memref<128x128xf32, #tpu.memory_space<vmem>>) offsets(%dma_start3A_34 : memref<128xi32, #tpu.memory_space<vmem>>) semaphore(%arg7 : memref<!tpu.dma_semaphore, #tpu.memory_space<semaphore_mem>>)
    %dma_start3A_38 = arith.constant 3 : i32
    %dma_start3A_39 = arith.constant 3 : i32
    %dma_start3A_40 = arith.constant 0 : i32
    %dma_start3A_41 = arith.constant 0 : i32
    %dma_start3A_42 = tpu.memref_slice %arg6[%dma_start3A_39, %dma_start3A_40, %dma_start3A_41] : memref<4x128x128xf32, #tpu.memory_space<vmem>> -> memref<1x128x128xf32, #tpu.memory_space<vmem>>
    %dma_start3A_43 = tpu.memref_squeeze %dma_start3A_42 : memref<1x128x128xf32, #tpu.memory_space<vmem>> -> memref<128x128xf32, #tpu.memory_space<vmem>>
    %dma_start3A_44 = arith.constant 0 : i32
    %dma_start3A_45 = tpu.memref_slice %arg5[%dma_start3A_38, %dma_start3A_44] : memref<4x128xi32, #tpu.memory_space<vmem>> -> memref<1x128xi32, #tpu.memory_space<vmem>>
    %dma_start3A_46 = tpu.memref_squeeze %dma_start3A_45 : memref<1x128xi32, #tpu.memory_space<vmem>> -> memref<128xi32, #tpu.memory_space<vmem>>
    %dma_start3A_47 = arith.constant 0 : i32
    %dma_start3A_48 = arith.constant 0 : i32
    %dma_start3A_49 = tpu.memref_slice %arg2[%dma_start3A_47, %dma_start3A_48] : memref<2048x128xf32, #tpu.memory_space<hbm>> -> memref<2048x128xf32, #tpu.memory_space<hbm>>
    tpu.enqueue_indirect_dma source(%dma_start3A_49 : memref<2048x128xf32, #tpu.memory_space<hbm>>) target(%dma_start3A_43 : memref<128x128xf32, #tpu.memory_space<vmem>>) offsets(%dma_start3A_46 : memref<128xi32, #tpu.memory_space<vmem>>) semaphore(%arg7 : memref<!tpu.dma_semaphore, #tpu.memory_space<semaphore_mem>>)
    %dma_wait3A = arith.constant 0 : i32
    %dma_wait3A_50 = arith.constant 0 : i32
    %dma_wait3A_51 = arith.constant 0 : i32
    %dma_wait3A_52 = arith.constant 0 : i32
    %dma_wait3A_53 = tpu.memref_slice %arg6[%dma_wait3A_50, %dma_wait3A_51, %dma_wait3A_52] : memref<4x128x128xf32, #tpu.memory_space<vmem>> -> memref<1x128x128xf32, #tpu.memory_space<vmem>>
    %dma_wait3A_54 = tpu.memref_squeeze %dma_wait3A_53 : memref<1x128x128xf32, #tpu.memory_space<vmem>> -> memref<128x128xf32, #tpu.memory_space<vmem>>
    %dma_wait3A_55 = arith.constant 0 : i32
    %dma_wait3A_56 = tpu.memref_slice %arg5[%dma_wait3A, %dma_wait3A_55] : memref<4x128xi32, #tpu.memory_space<vmem>> -> memref<1x128xi32, #tpu.memory_space<vmem>>
    %dma_wait3A_57 = tpu.memref_squeeze %dma_wait3A_56 : memref<1x128xi32, #tpu.memory_space<vmem>> -> memref<128xi32, #tpu.memory_space<vmem>>
    %dma_wait3A_58 = arith.constant 0 : i32
    %dma_wait3A_59 = arith.constant 0 : i32
    %dma_wait3A_60 = tpu.memref_slice %arg2[%dma_wait3A_58, %dma_wait3A_59] : memref<2048x128xf32, #tpu.memory_space<hbm>> -> memref<2048x128xf32, #tpu.memory_space<hbm>>
    tpu.wait_indirect_dma semaphore(%arg7 : memref<!tpu.dma_semaphore, #tpu.memory_space<semaphore_mem>>) src(%dma_wait3A_60 : memref<2048x128xf32, #tpu.memory_space<hbm>>) dst(%dma_wait3A_54 : memref<128x128xf32, #tpu.memory_space<vmem>>)
    %add3A_61 = arith.constant 0 : i32
    %add3A_62 = arith.addi %mul3A_2, %add3A_61 : i32
    %run_scoped3A = arith.constant 0 : i32
    "tpu.region"() ({
      %run_scoped3A_108 = tpu.sem_alloc : memref<!tpu.dma_semaphore, #tpu.memory_space<semaphore_mem>>
      %dma_start3A_109 = arith.constant 0 : i32
      %dma_start3A_110 = arith.constant 0 : i32
      %dma_start3A_111 = tpu.memref_slice %arg6[%run_scoped3A, %dma_start3A_109, %dma_start3A_110] : memref<4x128x128xf32, #tpu.memory_space<vmem>> -> memref<1x128x128xf32, #tpu.memory_space<vmem>>
      %dma_start3A_112 = tpu.memref_squeeze %dma_start3A_111 : memref<1x128x128xf32, #tpu.memory_space<vmem>> -> memref<128x128xf32, #tpu.memory_space<vmem>>
      %dma_start3A_113 = arith.constant 0 : i32
      %dma_start3A_114 = tpu.memref_slice %arg4[%add3A_62, %dma_start3A_113] : memref<16384x128xf32, #tpu.memory_space<hbm>> -> memref<128x128xf32, #tpu.memory_space<hbm>>
      %dma_start3A_115 = arith.constant 0 : i32
      %dma_start3A_116 = tpu.memref_slice %arg4[%add3A_62, %dma_start3A_115] : memref<16384x128xf32, #tpu.memory_space<hbm>> -> memref<128x128xf32, #tpu.memory_space<hbm>>
      %dma_start3A_117 = arith.constant 0 : i32
      %dma_start3A_118 = arith.constant 0 : i32
      %dma_start3A_119 = tpu.memref_slice %arg6[%run_scoped3A, %dma_start3A_117, %dma_start3A_118] : memref<4x128x128xf32, #tpu.memory_space<vmem>> -> memref<1x128x128xf32, #tpu.memory_space<vmem>>
      %dma_start3A_120 = tpu.memref_squeeze %dma_start3A_119 : memref<1x128x128xf32, #tpu.memory_space<vmem>> -> memref<128x128xf32, #tpu.memory_space<vmem>>
      tpu.enqueue_dma source(%dma_start3A_120 : memref<128x128xf32, #tpu.memory_space<vmem>>) target(%dma_start3A_116 : memref<128x128xf32, #tpu.memory_space<hbm>>) target_semaphore(%run_scoped3A_108 : memref<!tpu.dma_semaphore, #tpu.memory_space<semaphore_mem>>)
      %dma_wait3A_121 = arith.constant 0 : i32
      %dma_wait3A_122 = arith.constant 0 : i32
      %dma_wait3A_123 = tpu.memref_slice %arg6[%run_scoped3A, %dma_wait3A_121, %dma_wait3A_122] : memref<4x128x128xf32, #tpu.memory_space<vmem>> -> memref<1x128x128xf32, #tpu.memory_space<vmem>>
      %dma_wait3A_124 = tpu.memref_squeeze %dma_wait3A_123 : memref<1x128x128xf32, #tpu.memory_space<vmem>> -> memref<128x128xf32, #tpu.memory_space<vmem>>
      %dma_wait3A_125 = arith.constant 0 : i32
      %dma_wait3A_126 = tpu.memref_slice %arg4[%add3A_62, %dma_wait3A_125] : memref<16384x128xf32, #tpu.memory_space<hbm>> -> memref<128x128xf32, #tpu.memory_space<hbm>>
      %dma_wait3A_127 = arith.constant 0 : i32
      %dma_wait3A_128 = tpu.memref_slice %arg4[%add3A_62, %dma_wait3A_127] : memref<16384x128xf32, #tpu.memory_space<hbm>> -> memref<128x128xf32, #tpu.memory_space<hbm>>
      %dma_wait3A_129 = arith.constant 0 : i32
      %dma_wait3A_130 = arith.constant 0 : i32
      %dma_wait3A_131 = tpu.memref_slice %arg6[%run_scoped3A, %dma_wait3A_129, %dma_wait3A_130] : memref<4x128x128xf32, #tpu.memory_space<vmem>> -> memref<1x128x128xf32, #tpu.memory_space<vmem>>
      %dma_wait3A_132 = tpu.memref_squeeze %dma_wait3A_131 : memref<1x128x128xf32, #tpu.memory_space<vmem>> -> memref<128x128xf32, #tpu.memory_space<vmem>>
      tpu.wait_dma2 semaphore(%run_scoped3A_108 : memref<!tpu.dma_semaphore, #tpu.memory_space<semaphore_mem>>) src(%dma_wait3A_132 : memref<128x128xf32, #tpu.memory_space<vmem>>) dst(%dma_wait3A_128 : memref<128x128xf32, #tpu.memory_space<hbm>>)
      tpu.yield
    }) : () -> ()
    %dma_wait3A_63 = arith.constant 1 : i32
    %dma_wait3A_64 = arith.constant 1 : i32
    %dma_wait3A_65 = arith.constant 0 : i32
    %dma_wait3A_66 = arith.constant 0 : i32
    %dma_wait3A_67 = tpu.memref_slice %arg6[%dma_wait3A_64, %dma_wait3A_65, %dma_wait3A_66] : memref<4x128x128xf32, #tpu.memory_space<vmem>> -> memref<1x128x128xf32, #tpu.memory_space<vmem>>
    %dma_wait3A_68 = tpu.memref_squeeze %dma_wait3A_67 : memref<1x128x128xf32, #tpu.memory_space<vmem>> -> memref<128x128xf32, #tpu.memory_space<vmem>>
    %dma_wait3A_69 = arith.constant 0 : i32
    %dma_wait3A_70 = tpu.memref_slice %arg5[%dma_wait3A_63, %dma_wait3A_69] : memref<4x128xi32, #tpu.memory_space<vmem>> -> memref<1x128xi32, #tpu.memory_space<vmem>>
    %dma_wait3A_71 = tpu.memref_squeeze %dma_wait3A_70 : memref<1x128xi32, #tpu.memory_space<vmem>> -> memref<128xi32, #tpu.memory_space<vmem>>
    %dma_wait3A_72 = arith.constant 0 : i32
    %dma_wait3A_73 = arith.constant 0 : i32
    %dma_wait3A_74 = tpu.memref_slice %arg2[%dma_wait3A_72, %dma_wait3A_73] : memref<2048x128xf32, #tpu.memory_space<hbm>> -> memref<2048x128xf32, #tpu.memory_space<hbm>>
    tpu.wait_indirect_dma semaphore(%arg7 : memref<!tpu.dma_semaphore, #tpu.memory_space<semaphore_mem>>) src(%dma_wait3A_74 : memref<2048x128xf32, #tpu.memory_space<hbm>>) dst(%dma_wait3A_68 : memref<128x128xf32, #tpu.memory_space<vmem>>)
    %add3A_75 = arith.constant 128 : i32
    %add3A_76 = arith.addi %mul3A_2, %add3A_75 : i32
    %run_scoped3A_77 = arith.constant 1 : i32
    "tpu.region"() ({
      %run_scoped3A_108 = tpu.sem_alloc : memref<!tpu.dma_semaphore, #tpu.memory_space<semaphore_mem>>
      %dma_start3A_109 = arith.constant 0 : i32
      %dma_start3A_110 = arith.constant 0 : i32
      %dma_start3A_111 = tpu.memref_slice %arg6[%run_scoped3A_77, %dma_start3A_109, %dma_start3A_110] : memref<4x128x128xf32, #tpu.memory_space<vmem>> -> memref<1x128x128xf32, #tpu.memory_space<vmem>>
      %dma_start3A_112 = tpu.memref_squeeze %dma_start3A_111 : memref<1x128x128xf32, #tpu.memory_space<vmem>> -> memref<128x128xf32, #tpu.memory_space<vmem>>
      %dma_start3A_113 = arith.constant 0 : i32
      %dma_start3A_114 = tpu.memref_slice %arg4[%add3A_76, %dma_start3A_113] : memref<16384x128xf32, #tpu.memory_space<hbm>> -> memref<128x128xf32, #tpu.memory_space<hbm>>
      %dma_start3A_115 = arith.constant 0 : i32
      %dma_start3A_116 = tpu.memref_slice %arg4[%add3A_76, %dma_start3A_115] : memref<16384x128xf32, #tpu.memory_space<hbm>> -> memref<128x128xf32, #tpu.memory_space<hbm>>
      %dma_start3A_117 = arith.constant 0 : i32
      %dma_start3A_118 = arith.constant 0 : i32
      %dma_start3A_119 = tpu.memref_slice %arg6[%run_scoped3A_77, %dma_start3A_117, %dma_start3A_118] : memref<4x128x128xf32, #tpu.memory_space<vmem>> -> memref<1x128x128xf32, #tpu.memory_space<vmem>>
      %dma_start3A_120 = tpu.memref_squeeze %dma_start3A_119 : memref<1x128x128xf32, #tpu.memory_space<vmem>> -> memref<128x128xf32, #tpu.memory_space<vmem>>
      tpu.enqueue_dma source(%dma_start3A_120 : memref<128x128xf32, #tpu.memory_space<vmem>>) target(%dma_start3A_116 : memref<128x128xf32, #tpu.memory_space<hbm>>) target_semaphore(%run_scoped3A_108 : memref<!tpu.dma_semaphore, #tpu.memory_space<semaphore_mem>>)
      %dma_wait3A_121 = arith.constant 0 : i32
      %dma_wait3A_122 = arith.constant 0 : i32
      %dma_wait3A_123 = tpu.memref_slice %arg6[%run_scoped3A_77, %dma_wait3A_121, %dma_wait3A_122] : memref<4x128x128xf32, #tpu.memory_space<vmem>> -> memref<1x128x128xf32, #tpu.memory_space<vmem>>
      %dma_wait3A_124 = tpu.memref_squeeze %dma_wait3A_123 : memref<1x128x128xf32, #tpu.memory_space<vmem>> -> memref<128x128xf32, #tpu.memory_space<vmem>>
      %dma_wait3A_125 = arith.constant 0 : i32
      %dma_wait3A_126 = tpu.memref_slice %arg4[%add3A_76, %dma_wait3A_125] : memref<16384x128xf32, #tpu.memory_space<hbm>> -> memref<128x128xf32, #tpu.memory_space<hbm>>
      %dma_wait3A_127 = arith.constant 0 : i32
      %dma_wait3A_128 = tpu.memref_slice %arg4[%add3A_76, %dma_wait3A_127] : memref<16384x128xf32, #tpu.memory_space<hbm>> -> memref<128x128xf32, #tpu.memory_space<hbm>>
      %dma_wait3A_129 = arith.constant 0 : i32
      %dma_wait3A_130 = arith.constant 0 : i32
      %dma_wait3A_131 = tpu.memref_slice %arg6[%run_scoped3A_77, %dma_wait3A_129, %dma_wait3A_130] : memref<4x128x128xf32, #tpu.memory_space<vmem>> -> memref<1x128x128xf32, #tpu.memory_space<vmem>>
      %dma_wait3A_132 = tpu.memref_squeeze %dma_wait3A_131 : memref<1x128x128xf32, #tpu.memory_space<vmem>> -> memref<128x128xf32, #tpu.memory_space<vmem>>
      tpu.wait_dma2 semaphore(%run_scoped3A_108 : memref<!tpu.dma_semaphore, #tpu.memory_space<semaphore_mem>>) src(%dma_wait3A_132 : memref<128x128xf32, #tpu.memory_space<vmem>>) dst(%dma_wait3A_128 : memref<128x128xf32, #tpu.memory_space<hbm>>)
      tpu.yield
    }) : () -> ()
    %dma_wait3A_78 = arith.constant 2 : i32
    %dma_wait3A_79 = arith.constant 2 : i32
    %dma_wait3A_80 = arith.constant 0 : i32
    %dma_wait3A_81 = arith.constant 0 : i32
    %dma_wait3A_82 = tpu.memref_slice %arg6[%dma_wait3A_79, %dma_wait3A_80, %dma_wait3A_81] : memref<4x128x128xf32, #tpu.memory_space<vmem>> -> memref<1x128x128xf32, #tpu.memory_space<vmem>>
    %dma_wait3A_83 = tpu.memref_squeeze %dma_wait3A_82 : memref<1x128x128xf32, #tpu.memory_space<vmem>> -> memref<128x128xf32, #tpu.memory_space<vmem>>
    %dma_wait3A_84 = arith.constant 0 : i32
    %dma_wait3A_85 = tpu.memref_slice %arg5[%dma_wait3A_78, %dma_wait3A_84] : memref<4x128xi32, #tpu.memory_space<vmem>> -> memref<1x128xi32, #tpu.memory_space<vmem>>
    %dma_wait3A_86 = tpu.memref_squeeze %dma_wait3A_85 : memref<1x128xi32, #tpu.memory_space<vmem>> -> memref<128xi32, #tpu.memory_space<vmem>>
    %dma_wait3A_87 = arith.constant 0 : i32
    %dma_wait3A_88 = arith.constant 0 : i32
    %dma_wait3A_89 = tpu.memref_slice %arg2[%dma_wait3A_87, %dma_wait3A_88] : memref<2048x128xf32, #tpu.memory_space<hbm>> -> memref<2048x128xf32, #tpu.memory_space<hbm>>
    tpu.wait_indirect_dma semaphore(%arg7 : memref<!tpu.dma_semaphore, #tpu.memory_space<semaphore_mem>>) src(%dma_wait3A_89 : memref<2048x128xf32, #tpu.memory_space<hbm>>) dst(%dma_wait3A_83 : memref<128x128xf32, #tpu.memory_space<vmem>>)
    %add3A_90 = arith.constant 256 : i32
    %add3A_91 = arith.addi %mul3A_2, %add3A_90 : i32
    %run_scoped3A_92 = arith.constant 2 : i32
    "tpu.region"() ({
      %run_scoped3A_108 = tpu.sem_alloc : memref<!tpu.dma_semaphore, #tpu.memory_space<semaphore_mem>>
      %dma_start3A_109 = arith.constant 0 : i32
      %dma_start3A_110 = arith.constant 0 : i32
      %dma_start3A_111 = tpu.memref_slice %arg6[%run_scoped3A_92, %dma_start3A_109, %dma_start3A_110] : memref<4x128x128xf32, #tpu.memory_space<vmem>> -> memref<1x128x128xf32, #tpu.memory_space<vmem>>
      %dma_start3A_112 = tpu.memref_squeeze %dma_start3A_111 : memref<1x128x128xf32, #tpu.memory_space<vmem>> -> memref<128x128xf32, #tpu.memory_space<vmem>>
      %dma_start3A_113 = arith.constant 0 : i32
      %dma_start3A_114 = tpu.memref_slice %arg4[%add3A_91, %dma_start3A_113] : memref<16384x128xf32, #tpu.memory_space<hbm>> -> memref<128x128xf32, #tpu.memory_space<hbm>>
      %dma_start3A_115 = arith.constant 0 : i32
      %dma_start3A_116 = tpu.memref_slice %arg4[%add3A_91, %dma_start3A_115] : memref<16384x128xf32, #tpu.memory_space<hbm>> -> memref<128x128xf32, #tpu.memory_space<hbm>>
      %dma_start3A_117 = arith.constant 0 : i32
      %dma_start3A_118 = arith.constant 0 : i32
      %dma_start3A_119 = tpu.memref_slice %arg6[%run_scoped3A_92, %dma_start3A_117, %dma_start3A_118] : memref<4x128x128xf32, #tpu.memory_space<vmem>> -> memref<1x128x128xf32, #tpu.memory_space<vmem>>
      %dma_start3A_120 = tpu.memref_squeeze %dma_start3A_119 : memref<1x128x128xf32, #tpu.memory_space<vmem>> -> memref<128x128xf32, #tpu.memory_space<vmem>>
      tpu.enqueue_dma source(%dma_start3A_120 : memref<128x128xf32, #tpu.memory_space<vmem>>) target(%dma_start3A_116 : memref<128x128xf32, #tpu.memory_space<hbm>>) target_semaphore(%run_scoped3A_108 : memref<!tpu.dma_semaphore, #tpu.memory_space<semaphore_mem>>)
      %dma_wait3A_121 = arith.constant 0 : i32
      %dma_wait3A_122 = arith.constant 0 : i32
      %dma_wait3A_123 = tpu.memref_slice %arg6[%run_scoped3A_92, %dma_wait3A_121, %dma_wait3A_122] : memref<4x128x128xf32, #tpu.memory_space<vmem>> -> memref<1x128x128xf32, #tpu.memory_space<vmem>>
      %dma_wait3A_124 = tpu.memref_squeeze %dma_wait3A_123 : memref<1x128x128xf32, #tpu.memory_space<vmem>> -> memref<128x128xf32, #tpu.memory_space<vmem>>
      %dma_wait3A_125 = arith.constant 0 : i32
      %dma_wait3A_126 = tpu.memref_slice %arg4[%add3A_91, %dma_wait3A_125] : memref<16384x128xf32, #tpu.memory_space<hbm>> -> memref<128x128xf32, #tpu.memory_space<hbm>>
      %dma_wait3A_127 = arith.constant 0 : i32
      %dma_wait3A_128 = tpu.memref_slice %arg4[%add3A_91, %dma_wait3A_127] : memref<16384x128xf32, #tpu.memory_space<hbm>> -> memref<128x128xf32, #tpu.memory_space<hbm>>
      %dma_wait3A_129 = arith.constant 0 : i32
      %dma_wait3A_130 = arith.constant 0 : i32
      %dma_wait3A_131 = tpu.memref_slice %arg6[%run_scoped3A_92, %dma_wait3A_129, %dma_wait3A_130] : memref<4x128x128xf32, #tpu.memory_space<vmem>> -> memref<1x128x128xf32, #tpu.memory_space<vmem>>
      %dma_wait3A_132 = tpu.memref_squeeze %dma_wait3A_131 : memref<1x128x128xf32, #tpu.memory_space<vmem>> -> memref<128x128xf32, #tpu.memory_space<vmem>>
      tpu.wait_dma2 semaphore(%run_scoped3A_108 : memref<!tpu.dma_semaphore, #tpu.memory_space<semaphore_mem>>) src(%dma_wait3A_132 : memref<128x128xf32, #tpu.memory_space<vmem>>) dst(%dma_wait3A_128 : memref<128x128xf32, #tpu.memory_space<hbm>>)
      tpu.yield
    }) : () -> ()
    %dma_wait3A_93 = arith.constant 3 : i32
    %dma_wait3A_94 = arith.constant 3 : i32
    %dma_wait3A_95 = arith.constant 0 : i32
    %dma_wait3A_96 = arith.constant 0 : i32
    %dma_wait3A_97 = tpu.memref_slice %arg6[%dma_wait3A_94, %dma_wait3A_95, %dma_wait3A_96] : memref<4x128x128xf32, #tpu.memory_space<vmem>> -> memref<1x128x128xf32, #tpu.memory_space<vmem>>
    %dma_wait3A_98 = tpu.memref_squeeze %dma_wait3A_97 : memref<1x128x128xf32, #tpu.memory_space<vmem>> -> memref<128x128xf32, #tpu.memory_space<vmem>>
    %dma_wait3A_99 = arith.constant 0 : i32
    %dma_wait3A_100 = tpu.memref_slice %arg5[%dma_wait3A_93, %dma_wait3A_99] : memref<4x128xi32, #tpu.memory_space<vmem>> -> memref<1x128xi32, #tpu.memory_space<vmem>>
    %dma_wait3A_101 = tpu.memref_squeeze %dma_wait3A_100 : memref<1x128xi32, #tpu.memory_space<vmem>> -> memref<128xi32, #tpu.memory_space<vmem>>
    %dma_wait3A_102 = arith.constant 0 : i32
    %dma_wait3A_103 = arith.constant 0 : i32
    %dma_wait3A_104 = tpu.memref_slice %arg2[%dma_wait3A_102, %dma_wait3A_103] : memref<2048x128xf32, #tpu.memory_space<hbm>> -> memref<2048x128xf32, #tpu.memory_space<hbm>>
    tpu.wait_indirect_dma semaphore(%arg7 : memref<!tpu.dma_semaphore, #tpu.memory_space<semaphore_mem>>) src(%dma_wait3A_104 : memref<2048x128xf32, #tpu.memory_space<hbm>>) dst(%dma_wait3A_98 : memref<128x128xf32, #tpu.memory_space<vmem>>)
    %add3A_105 = arith.constant 384 : i32
    %add3A_106 = arith.addi %mul3A_2, %add3A_105 : i32
    %run_scoped3A_107 = arith.constant 3 : i32
    "tpu.region"() ({
      %run_scoped3A_108 = tpu.sem_alloc : memref<!tpu.dma_semaphore, #tpu.memory_space<semaphore_mem>>
      %dma_start3A_109 = arith.constant 0 : i32
      %dma_start3A_110 = arith.constant 0 : i32
      %dma_start3A_111 = tpu.memref_slice %arg6[%run_scoped3A_107, %dma_start3A_109, %dma_start3A_110] : memref<4x128x128xf32, #tpu.memory_space<vmem>> -> memref<1x128x128xf32, #tpu.memory_space<vmem>>
      %dma_start3A_112 = tpu.memref_squeeze %dma_start3A_111 : memref<1x128x128xf32, #tpu.memory_space<vmem>> -> memref<128x128xf32, #tpu.memory_space<vmem>>
      %dma_start3A_113 = arith.constant 0 : i32
      %dma_start3A_114 = tpu.memref_slice %arg4[%add3A_106, %dma_start3A_113] : memref<16384x128xf32, #tpu.memory_space<hbm>> -> memref<128x128xf32, #tpu.memory_space<hbm>>
      %dma_start3A_115 = arith.constant 0 : i32
      %dma_start3A_116 = tpu.memref_slice %arg4[%add3A_106, %dma_start3A_115] : memref<16384x128xf32, #tpu.memory_space<hbm>> -> memref<128x128xf32, #tpu.memory_space<hbm>>
      %dma_start3A_117 = arith.constant 0 : i32
      %dma_start3A_118 = arith.constant 0 : i32
      %dma_start3A_119 = tpu.memref_slice %arg6[%run_scoped3A_107, %dma_start3A_117, %dma_start3A_118] : memref<4x128x128xf32, #tpu.memory_space<vmem>> -> memref<1x128x128xf32, #tpu.memory_space<vmem>>
      %dma_start3A_120 = tpu.memref_squeeze %dma_start3A_119 : memref<1x128x128xf32, #tpu.memory_space<vmem>> -> memref<128x128xf32, #tpu.memory_space<vmem>>
      tpu.enqueue_dma source(%dma_start3A_120 : memref<128x128xf32, #tpu.memory_space<vmem>>) target(%dma_start3A_116 : memref<128x128xf32, #tpu.memory_space<hbm>>) target_semaphore(%run_scoped3A_108 : memref<!tpu.dma_semaphore, #tpu.memory_space<semaphore_mem>>)
      %dma_wait3A_121 = arith.constant 0 : i32
      %dma_wait3A_122 = arith.constant 0 : i32
      %dma_wait3A_123 = tpu.memref_slice %arg6[%run_scoped3A_107, %dma_wait3A_121, %dma_wait3A_122] : memref<4x128x128xf32, #tpu.memory_space<vmem>> -> memref<1x128x128xf32, #tpu.memory_space<vmem>>
      %dma_wait3A_124 = tpu.memref_squeeze %dma_wait3A_123 : memref<1x128x128xf32, #tpu.memory_space<vmem>> -> memref<128x128xf32, #tpu.memory_space<vmem>>
      %dma_wait3A_125 = arith.constant 0 : i32
      %dma_wait3A_126 = tpu.memref_slice %arg4[%add3A_106, %dma_wait3A_125] : memref<16384x128xf32, #tpu.memory_space<hbm>> -> memref<128x128xf32, #tpu.memory_space<hbm>>
      %dma_wait3A_127 = arith.constant 0 : i32
      %dma_wait3A_128 = tpu.memref_slice %arg4[%add3A_106, %dma_wait3A_127] : memref<16384x128xf32, #tpu.memory_space<hbm>> -> memref<128x128xf32, #tpu.memory_space<hbm>>
      %dma_wait3A_129 = arith.constant 0 : i32
      %dma_wait3A_130 = arith.constant 0 : i32
      %dma_wait3A_131 = tpu.memref_slice %arg6[%run_scoped3A_107, %dma_wait3A_129, %dma_wait3A_130] : memref<4x128x128xf32, #tpu.memory_space<vmem>> -> memref<1x128x128xf32, #tpu.memory_space<vmem>>
      %dma_wait3A_132 = tpu.memref_squeeze %dma_wait3A_131 : memref<1x128x128xf32, #tpu.memory_space<vmem>> -> memref<128x128xf32, #tpu.memory_space<vmem>>
      tpu.wait_dma2 semaphore(%run_scoped3A_108 : memref<!tpu.dma_semaphore, #tpu.memory_space<semaphore_mem>>) src(%dma_wait3A_132 : memref<128x128xf32, #tpu.memory_space<vmem>>) dst(%dma_wait3A_128 : memref<128x128xf32, #tpu.memory_space<hbm>>)
      tpu.yield
    }) : () -> ()
    return
  }
}

#map = affine_map<(d0, d1) -> (0, 0, 0)>
#map1 = affine_map<(d0, d1) -> (0, 0)>
module attributes {stable_mosaic.version = 14 : i64} {
  func.func @cnt_scatter(%arg0: i32, %arg1: i32, %arg2: memref<32x4x128xi32, #tpu.memory_space<hbm>>, %arg3: memref<2048x128xf32, #tpu.memory_space<hbm>>, %arg4: memref<128x128xf32, #tpu.memory_space<hbm>>, %arg5: memref<2x2048x128xf32, #tpu.memory_space<hbm>>, %arg6: memref<4x128xi32, #tpu.memory_space<vmem>>, %arg7: memref<128x128xf32, #tpu.memory_space<vmem>>, %arg8: memref<2048x128xf32, #tpu.memory_space<vmem_shared>>) attributes {dimension_semantics = [#tpu.dimension_semantics<core_parallel>, #tpu.dimension_semantics<subcore_parallel>], iteration_bounds = array<i64: 2, 16>, scalar_prefetch = 0 : i64, scratch_operands = 3 : i64, tpu.core_type = #tpu.core_type<sc_vector_subcore>, window_params = [{transform_indices = #map}, {transform_indices = #map1}, {transform_indices = #map1}, {transform_indices = #map}]} {
    %mul3A = arith.constant 2 : i32
    %mul3A_0 = arith.muli %arg1, %mul3A : i32
    %add3A = arith.addi %mul3A_0, %arg0 : i32
    %mul3A_1 = arith.constant 128 : i32
    %mul3A_2 = arith.muli %arg1, %mul3A_1 : i32
    "tpu.region"() ({
      %run_scoped3A_7 = tpu.sem_alloc : memref<!tpu.dma_semaphore, #tpu.memory_space<semaphore_mem>>
      %dma_start3A = arith.constant 0 : i32
      %dma_start3A_8 = arith.constant 0 : i32
      %dma_start3A_9 = tpu.memref_slice %arg2[%add3A, %dma_start3A, %dma_start3A_8] : memref<32x4x128xi32, #tpu.memory_space<hbm>> -> memref<1x4x128xi32, #tpu.memory_space<hbm>>
      %dma_start3A_10 = tpu.memref_squeeze %dma_start3A_9 : memref<1x4x128xi32, #tpu.memory_space<hbm>> -> memref<4x128xi32, #tpu.memory_space<hbm>>
      %dma_start3A_11 = arith.constant 0 : i32
      %dma_start3A_12 = arith.constant 0 : i32
      %dma_start3A_13 = tpu.memref_slice %arg2[%add3A, %dma_start3A_11, %dma_start3A_12] : memref<32x4x128xi32, #tpu.memory_space<hbm>> -> memref<1x4x128xi32, #tpu.memory_space<hbm>>
      %dma_start3A_14 = tpu.memref_squeeze %dma_start3A_13 : memref<1x4x128xi32, #tpu.memory_space<hbm>> -> memref<4x128xi32, #tpu.memory_space<hbm>>
      tpu.enqueue_dma source(%dma_start3A_14 : memref<4x128xi32, #tpu.memory_space<hbm>>) target(%arg6 : memref<4x128xi32, #tpu.memory_space<vmem>>) target_semaphore(%run_scoped3A_7 : memref<!tpu.dma_semaphore, #tpu.memory_space<semaphore_mem>>)
      %dma_wait3A = arith.constant 0 : i32
      %dma_wait3A_15 = arith.constant 0 : i32
      %dma_wait3A_16 = tpu.memref_slice %arg2[%add3A, %dma_wait3A, %dma_wait3A_15] : memref<32x4x128xi32, #tpu.memory_space<hbm>> -> memref<1x4x128xi32, #tpu.memory_space<hbm>>
      %dma_wait3A_17 = tpu.memref_squeeze %dma_wait3A_16 : memref<1x4x128xi32, #tpu.memory_space<hbm>> -> memref<4x128xi32, #tpu.memory_space<hbm>>
      %dma_wait3A_18 = arith.constant 0 : i32
      %dma_wait3A_19 = arith.constant 0 : i32
      %dma_wait3A_20 = tpu.memref_slice %arg2[%add3A, %dma_wait3A_18, %dma_wait3A_19] : memref<32x4x128xi32, #tpu.memory_space<hbm>> -> memref<1x4x128xi32, #tpu.memory_space<hbm>>
      %dma_wait3A_21 = tpu.memref_squeeze %dma_wait3A_20 : memref<1x4x128xi32, #tpu.memory_space<hbm>> -> memref<4x128xi32, #tpu.memory_space<hbm>>
      tpu.wait_dma2 semaphore(%run_scoped3A_7 : memref<!tpu.dma_semaphore, #tpu.memory_space<semaphore_mem>>) src(%dma_wait3A_21 : memref<4x128xi32, #tpu.memory_space<hbm>>) dst(%arg6 : memref<4x128xi32, #tpu.memory_space<vmem>>)
      tpu.yield
    }) : () -> ()
    "tpu.region"() ({
      %run_scoped3A_7 = tpu.sem_alloc : memref<!tpu.dma_semaphore, #tpu.memory_space<semaphore_mem>>
      tpu.enqueue_dma source(%arg4 : memref<128x128xf32, #tpu.memory_space<hbm>>) target(%arg7 : memref<128x128xf32, #tpu.memory_space<vmem>>) target_semaphore(%run_scoped3A_7 : memref<!tpu.dma_semaphore, #tpu.memory_space<semaphore_mem>>)
      tpu.wait_dma2 semaphore(%run_scoped3A_7 : memref<!tpu.dma_semaphore, #tpu.memory_space<semaphore_mem>>) src(%arg4 : memref<128x128xf32, #tpu.memory_space<hbm>>) dst(%arg7 : memref<128x128xf32, #tpu.memory_space<vmem>>)
      tpu.yield
    }) : () -> ()
    "tpu.region"() ({
      %run_scoped3A_7 = tpu.sem_alloc : memref<!tpu.dma_semaphore, #tpu.memory_space<semaphore_mem>>
      %dma_start3A = arith.constant 0 : i32
      %dma_start3A_8 = tpu.memref_slice %arg8[%mul3A_2, %dma_start3A] : memref<2048x128xf32, #tpu.memory_space<vmem_shared>> -> memref<128x128xf32, #tpu.memory_space<vmem_shared>>
      %dma_start3A_9 = arith.constant 0 : i32
      %dma_start3A_10 = tpu.memref_slice %arg3[%mul3A_2, %dma_start3A_9] : memref<2048x128xf32, #tpu.memory_space<hbm>> -> memref<128x128xf32, #tpu.memory_space<hbm>>
      tpu.enqueue_dma source(%dma_start3A_10 : memref<128x128xf32, #tpu.memory_space<hbm>>) target(%dma_start3A_8 : memref<128x128xf32, #tpu.memory_space<vmem_shared>>) target_semaphore(%run_scoped3A_7 : memref<!tpu.dma_semaphore, #tpu.memory_space<semaphore_mem>>)
      %dma_wait3A = arith.constant 0 : i32
      %dma_wait3A_11 = tpu.memref_slice %arg8[%mul3A_2, %dma_wait3A] : memref<2048x128xf32, #tpu.memory_space<vmem_shared>> -> memref<128x128xf32, #tpu.memory_space<vmem_shared>>
      %dma_wait3A_12 = arith.constant 0 : i32
      %dma_wait3A_13 = tpu.memref_slice %arg3[%mul3A_2, %dma_wait3A_12] : memref<2048x128xf32, #tpu.memory_space<hbm>> -> memref<128x128xf32, #tpu.memory_space<hbm>>
      tpu.wait_dma2 semaphore(%run_scoped3A_7 : memref<!tpu.dma_semaphore, #tpu.memory_space<semaphore_mem>>) src(%dma_wait3A_13 : memref<128x128xf32, #tpu.memory_space<hbm>>) dst(%dma_wait3A_11 : memref<128x128xf32, #tpu.memory_space<vmem_shared>>)
      tpu.yield
    }) : () -> ()
    %barrier3A = arith.constant 0 : index
    tpu.barrier barrier_id(%barrier3A)
    %run_scoped3A = arith.constant 0 : i32
    "tpu.region"() ({
      %run_scoped3A_7 = tpu.sem_alloc : memref<!tpu.dma_semaphore, #tpu.memory_space<semaphore_mem>>
      %dma_start3A = arith.constant 0 : i32
      %dma_start3A_8 = tpu.memref_slice %arg6[%run_scoped3A, %dma_start3A] : memref<4x128xi32, #tpu.memory_space<vmem>> -> memref<1x128xi32, #tpu.memory_space<vmem>>
      %dma_start3A_9 = tpu.memref_squeeze %dma_start3A_8 : memref<1x128xi32, #tpu.memory_space<vmem>> -> memref<128xi32, #tpu.memory_space<vmem>>
      %dma_start3A_10 = arith.constant 0 : i32
      %dma_start3A_11 = arith.constant 0 : i32
      %dma_start3A_12 = tpu.memref_slice %arg8[%dma_start3A_10, %dma_start3A_11] : memref<2048x128xf32, #tpu.memory_space<vmem_shared>> -> memref<2048x128xf32, #tpu.memory_space<vmem_shared>>
      tpu.enqueue_indirect_dma source(%arg7 : memref<128x128xf32, #tpu.memory_space<vmem>>) target(%dma_start3A_12 : memref<2048x128xf32, #tpu.memory_space<vmem_shared>>) offsets(%dma_start3A_9 : memref<128xi32, #tpu.memory_space<vmem>>) semaphore(%run_scoped3A_7 : memref<!tpu.dma_semaphore, #tpu.memory_space<semaphore_mem>>) {add = true}
      %dma_wait3A = arith.constant 0 : i32
      %dma_wait3A_13 = tpu.memref_slice %arg6[%run_scoped3A, %dma_wait3A] : memref<4x128xi32, #tpu.memory_space<vmem>> -> memref<1x128xi32, #tpu.memory_space<vmem>>
      %dma_wait3A_14 = tpu.memref_squeeze %dma_wait3A_13 : memref<1x128xi32, #tpu.memory_space<vmem>> -> memref<128xi32, #tpu.memory_space<vmem>>
      %dma_wait3A_15 = arith.constant 0 : i32
      %dma_wait3A_16 = arith.constant 0 : i32
      %dma_wait3A_17 = tpu.memref_slice %arg8[%dma_wait3A_15, %dma_wait3A_16] : memref<2048x128xf32, #tpu.memory_space<vmem_shared>> -> memref<2048x128xf32, #tpu.memory_space<vmem_shared>>
      tpu.wait_indirect_dma semaphore(%run_scoped3A_7 : memref<!tpu.dma_semaphore, #tpu.memory_space<semaphore_mem>>) src(%arg7 : memref<128x128xf32, #tpu.memory_space<vmem>>) dst(%dma_wait3A_17 : memref<2048x128xf32, #tpu.memory_space<vmem_shared>>)
      tpu.yield
    }) : () -> ()
    %run_scoped3A_3 = arith.constant 1 : i32
    "tpu.region"() ({
      %run_scoped3A_7 = tpu.sem_alloc : memref<!tpu.dma_semaphore, #tpu.memory_space<semaphore_mem>>
      %dma_start3A = arith.constant 0 : i32
      %dma_start3A_8 = tpu.memref_slice %arg6[%run_scoped3A_3, %dma_start3A] : memref<4x128xi32, #tpu.memory_space<vmem>> -> memref<1x128xi32, #tpu.memory_space<vmem>>
      %dma_start3A_9 = tpu.memref_squeeze %dma_start3A_8 : memref<1x128xi32, #tpu.memory_space<vmem>> -> memref<128xi32, #tpu.memory_space<vmem>>
      %dma_start3A_10 = arith.constant 0 : i32
      %dma_start3A_11 = arith.constant 0 : i32
      %dma_start3A_12 = tpu.memref_slice %arg8[%dma_start3A_10, %dma_start3A_11] : memref<2048x128xf32, #tpu.memory_space<vmem_shared>> -> memref<2048x128xf32, #tpu.memory_space<vmem_shared>>
      tpu.enqueue_indirect_dma source(%arg7 : memref<128x128xf32, #tpu.memory_space<vmem>>) target(%dma_start3A_12 : memref<2048x128xf32, #tpu.memory_space<vmem_shared>>) offsets(%dma_start3A_9 : memref<128xi32, #tpu.memory_space<vmem>>) semaphore(%run_scoped3A_7 : memref<!tpu.dma_semaphore, #tpu.memory_space<semaphore_mem>>) {add = true}
      %dma_wait3A = arith.constant 0 : i32
      %dma_wait3A_13 = tpu.memref_slice %arg6[%run_scoped3A_3, %dma_wait3A] : memref<4x128xi32, #tpu.memory_space<vmem>> -> memref<1x128xi32, #tpu.memory_space<vmem>>
      %dma_wait3A_14 = tpu.memref_squeeze %dma_wait3A_13 : memref<1x128xi32, #tpu.memory_space<vmem>> -> memref<128xi32, #tpu.memory_space<vmem>>
      %dma_wait3A_15 = arith.constant 0 : i32
      %dma_wait3A_16 = arith.constant 0 : i32
      %dma_wait3A_17 = tpu.memref_slice %arg8[%dma_wait3A_15, %dma_wait3A_16] : memref<2048x128xf32, #tpu.memory_space<vmem_shared>> -> memref<2048x128xf32, #tpu.memory_space<vmem_shared>>
      tpu.wait_indirect_dma semaphore(%run_scoped3A_7 : memref<!tpu.dma_semaphore, #tpu.memory_space<semaphore_mem>>) src(%arg7 : memref<128x128xf32, #tpu.memory_space<vmem>>) dst(%dma_wait3A_17 : memref<2048x128xf32, #tpu.memory_space<vmem_shared>>)
      tpu.yield
    }) : () -> ()
    %run_scoped3A_4 = arith.constant 2 : i32
    "tpu.region"() ({
      %run_scoped3A_7 = tpu.sem_alloc : memref<!tpu.dma_semaphore, #tpu.memory_space<semaphore_mem>>
      %dma_start3A = arith.constant 0 : i32
      %dma_start3A_8 = tpu.memref_slice %arg6[%run_scoped3A_4, %dma_start3A] : memref<4x128xi32, #tpu.memory_space<vmem>> -> memref<1x128xi32, #tpu.memory_space<vmem>>
      %dma_start3A_9 = tpu.memref_squeeze %dma_start3A_8 : memref<1x128xi32, #tpu.memory_space<vmem>> -> memref<128xi32, #tpu.memory_space<vmem>>
      %dma_start3A_10 = arith.constant 0 : i32
      %dma_start3A_11 = arith.constant 0 : i32
      %dma_start3A_12 = tpu.memref_slice %arg8[%dma_start3A_10, %dma_start3A_11] : memref<2048x128xf32, #tpu.memory_space<vmem_shared>> -> memref<2048x128xf32, #tpu.memory_space<vmem_shared>>
      tpu.enqueue_indirect_dma source(%arg7 : memref<128x128xf32, #tpu.memory_space<vmem>>) target(%dma_start3A_12 : memref<2048x128xf32, #tpu.memory_space<vmem_shared>>) offsets(%dma_start3A_9 : memref<128xi32, #tpu.memory_space<vmem>>) semaphore(%run_scoped3A_7 : memref<!tpu.dma_semaphore, #tpu.memory_space<semaphore_mem>>) {add = true}
      %dma_wait3A = arith.constant 0 : i32
      %dma_wait3A_13 = tpu.memref_slice %arg6[%run_scoped3A_4, %dma_wait3A] : memref<4x128xi32, #tpu.memory_space<vmem>> -> memref<1x128xi32, #tpu.memory_space<vmem>>
      %dma_wait3A_14 = tpu.memref_squeeze %dma_wait3A_13 : memref<1x128xi32, #tpu.memory_space<vmem>> -> memref<128xi32, #tpu.memory_space<vmem>>
      %dma_wait3A_15 = arith.constant 0 : i32
      %dma_wait3A_16 = arith.constant 0 : i32
      %dma_wait3A_17 = tpu.memref_slice %arg8[%dma_wait3A_15, %dma_wait3A_16] : memref<2048x128xf32, #tpu.memory_space<vmem_shared>> -> memref<2048x128xf32, #tpu.memory_space<vmem_shared>>
      tpu.wait_indirect_dma semaphore(%run_scoped3A_7 : memref<!tpu.dma_semaphore, #tpu.memory_space<semaphore_mem>>) src(%arg7 : memref<128x128xf32, #tpu.memory_space<vmem>>) dst(%dma_wait3A_17 : memref<2048x128xf32, #tpu.memory_space<vmem_shared>>)
      tpu.yield
    }) : () -> ()
    %run_scoped3A_5 = arith.constant 3 : i32
    "tpu.region"() ({
      %run_scoped3A_7 = tpu.sem_alloc : memref<!tpu.dma_semaphore, #tpu.memory_space<semaphore_mem>>
      %dma_start3A = arith.constant 0 : i32
      %dma_start3A_8 = tpu.memref_slice %arg6[%run_scoped3A_5, %dma_start3A] : memref<4x128xi32, #tpu.memory_space<vmem>> -> memref<1x128xi32, #tpu.memory_space<vmem>>
      %dma_start3A_9 = tpu.memref_squeeze %dma_start3A_8 : memref<1x128xi32, #tpu.memory_space<vmem>> -> memref<128xi32, #tpu.memory_space<vmem>>
      %dma_start3A_10 = arith.constant 0 : i32
      %dma_start3A_11 = arith.constant 0 : i32
      %dma_start3A_12 = tpu.memref_slice %arg8[%dma_start3A_10, %dma_start3A_11] : memref<2048x128xf32, #tpu.memory_space<vmem_shared>> -> memref<2048x128xf32, #tpu.memory_space<vmem_shared>>
      tpu.enqueue_indirect_dma source(%arg7 : memref<128x128xf32, #tpu.memory_space<vmem>>) target(%dma_start3A_12 : memref<2048x128xf32, #tpu.memory_space<vmem_shared>>) offsets(%dma_start3A_9 : memref<128xi32, #tpu.memory_space<vmem>>) semaphore(%run_scoped3A_7 : memref<!tpu.dma_semaphore, #tpu.memory_space<semaphore_mem>>) {add = true}
      %dma_wait3A = arith.constant 0 : i32
      %dma_wait3A_13 = tpu.memref_slice %arg6[%run_scoped3A_5, %dma_wait3A] : memref<4x128xi32, #tpu.memory_space<vmem>> -> memref<1x128xi32, #tpu.memory_space<vmem>>
      %dma_wait3A_14 = tpu.memref_squeeze %dma_wait3A_13 : memref<1x128xi32, #tpu.memory_space<vmem>> -> memref<128xi32, #tpu.memory_space<vmem>>
      %dma_wait3A_15 = arith.constant 0 : i32
      %dma_wait3A_16 = arith.constant 0 : i32
      %dma_wait3A_17 = tpu.memref_slice %arg8[%dma_wait3A_15, %dma_wait3A_16] : memref<2048x128xf32, #tpu.memory_space<vmem_shared>> -> memref<2048x128xf32, #tpu.memory_space<vmem_shared>>
      tpu.wait_indirect_dma semaphore(%run_scoped3A_7 : memref<!tpu.dma_semaphore, #tpu.memory_space<semaphore_mem>>) src(%arg7 : memref<128x128xf32, #tpu.memory_space<vmem>>) dst(%dma_wait3A_17 : memref<2048x128xf32, #tpu.memory_space<vmem_shared>>)
      tpu.yield
    }) : () -> ()
    %barrier3A_6 = arith.constant 0 : index
    tpu.barrier barrier_id(%barrier3A_6)
    "tpu.region"() ({
      %run_scoped3A_7 = tpu.sem_alloc : memref<!tpu.dma_semaphore, #tpu.memory_space<semaphore_mem>>
      %dma_start3A = arith.constant 0 : i32
      %dma_start3A_8 = tpu.memref_slice %arg5[%arg0, %mul3A_2, %dma_start3A] : memref<2x2048x128xf32, #tpu.memory_space<hbm>> -> memref<1x128x128xf32, #tpu.memory_space<hbm>>
      %dma_start3A_9 = tpu.memref_squeeze %dma_start3A_8 : memref<1x128x128xf32, #tpu.memory_space<hbm>> -> memref<128x128xf32, #tpu.memory_space<hbm>>
      %dma_start3A_10 = arith.constant 0 : i32
      %dma_start3A_11 = tpu.memref_slice %arg8[%mul3A_2, %dma_start3A_10] : memref<2048x128xf32, #tpu.memory_space<vmem_shared>> -> memref<128x128xf32, #tpu.memory_space<vmem_shared>>
      tpu.enqueue_dma source(%dma_start3A_11 : memref<128x128xf32, #tpu.memory_space<vmem_shared>>) target(%dma_start3A_9 : memref<128x128xf32, #tpu.memory_space<hbm>>) target_semaphore(%run_scoped3A_7 : memref<!tpu.dma_semaphore, #tpu.memory_space<semaphore_mem>>)
      %dma_wait3A = arith.constant 0 : i32
      %dma_wait3A_12 = tpu.memref_slice %arg5[%arg0, %mul3A_2, %dma_wait3A] : memref<2x2048x128xf32, #tpu.memory_space<hbm>> -> memref<1x128x128xf32, #tpu.memory_space<hbm>>
      %dma_wait3A_13 = tpu.memref_squeeze %dma_wait3A_12 : memref<1x128x128xf32, #tpu.memory_space<hbm>> -> memref<128x128xf32, #tpu.memory_space<hbm>>
      %dma_wait3A_14 = arith.constant 0 : i32
      %dma_wait3A_15 = tpu.memref_slice %arg8[%mul3A_2, %dma_wait3A_14] : memref<2048x128xf32, #tpu.memory_space<vmem_shared>> -> memref<128x128xf32, #tpu.memory_space<vmem_shared>>
      tpu.wait_dma2 semaphore(%run_scoped3A_7 : memref<!tpu.dma_semaphore, #tpu.memory_space<semaphore_mem>>) src(%dma_wait3A_15 : memref<128x128xf32, #tpu.memory_space<vmem_shared>>) dst(%dma_wait3A_13 : memref<128x128xf32, #tpu.memory_space<hbm>>)
      tpu.yield
    }) : () -> ()
    return
  }
}

#map = affine_map<(d0, d1) -> (0, 0)>
#map1 = affine_map<(d0, d1) -> (0, 0, 0)>
module attributes {stable_mosaic.version = 14 : i64} {
  func.func @scatter(%arg0: i32, %arg1: i32, %arg2: memref<16384x128xf32, #tpu.memory_space<hbm>>, %arg3: memref<32x4x128xi32, #tpu.memory_space<hbm>>, %arg4: memref<2048x128xf32, #tpu.memory_space<hbm>>, %arg5: memref<2x2048x128xf32, #tpu.memory_space<hbm>>, %arg6: memref<4x128xi32, #tpu.memory_space<vmem>>, %arg7: memref<4x128x128xf32, #tpu.memory_space<vmem>>, %arg8: memref<2048x128xf32, #tpu.memory_space<vmem_shared>>, %arg9: memref<!tpu.dma_semaphore, #tpu.memory_space<semaphore_mem>>) attributes {dimension_semantics = [#tpu.dimension_semantics<core_parallel>, #tpu.dimension_semantics<subcore_parallel>], iteration_bounds = array<i64: 2, 16>, scalar_prefetch = 0 : i64, scratch_operands = 4 : i64, tpu.core_type = #tpu.core_type<sc_vector_subcore>, window_params = [{transform_indices = #map}, {transform_indices = #map1}, {transform_indices = #map}, {transform_indices = #map1}]} {
    %mul3A = arith.constant 2 : i32
    %mul3A_0 = arith.muli %arg1, %mul3A : i32
    %add3A = arith.addi %mul3A_0, %arg0 : i32
    %mul3A_1 = arith.constant 512 : i32
    %mul3A_2 = arith.muli %add3A, %mul3A_1 : i32
    %mul3A_3 = arith.constant 128 : i32
    %mul3A_4 = arith.muli %arg1, %mul3A_3 : i32
    "tpu.region"() ({
      %run_scoped3A_123 = tpu.sem_alloc : memref<!tpu.dma_semaphore, #tpu.memory_space<semaphore_mem>>
      %dma_start3A_124 = arith.constant 0 : i32
      %dma_start3A_125 = arith.constant 0 : i32
      %dma_start3A_126 = tpu.memref_slice %arg3[%add3A, %dma_start3A_124, %dma_start3A_125] : memref<32x4x128xi32, #tpu.memory_space<hbm>> -> memref<1x4x128xi32, #tpu.memory_space<hbm>>
      %dma_start3A_127 = tpu.memref_squeeze %dma_start3A_126 : memref<1x4x128xi32, #tpu.memory_space<hbm>> -> memref<4x128xi32, #tpu.memory_space<hbm>>
      %dma_start3A_128 = arith.constant 0 : i32
      %dma_start3A_129 = arith.constant 0 : i32
      %dma_start3A_130 = tpu.memref_slice %arg3[%add3A, %dma_start3A_128, %dma_start3A_129] : memref<32x4x128xi32, #tpu.memory_space<hbm>> -> memref<1x4x128xi32, #tpu.memory_space<hbm>>
      %dma_start3A_131 = tpu.memref_squeeze %dma_start3A_130 : memref<1x4x128xi32, #tpu.memory_space<hbm>> -> memref<4x128xi32, #tpu.memory_space<hbm>>
      tpu.enqueue_dma source(%dma_start3A_131 : memref<4x128xi32, #tpu.memory_space<hbm>>) target(%arg6 : memref<4x128xi32, #tpu.memory_space<vmem>>) target_semaphore(%run_scoped3A_123 : memref<!tpu.dma_semaphore, #tpu.memory_space<semaphore_mem>>)
      %dma_wait3A_132 = arith.constant 0 : i32
      %dma_wait3A_133 = arith.constant 0 : i32
      %dma_wait3A_134 = tpu.memref_slice %arg3[%add3A, %dma_wait3A_132, %dma_wait3A_133] : memref<32x4x128xi32, #tpu.memory_space<hbm>> -> memref<1x4x128xi32, #tpu.memory_space<hbm>>
      %dma_wait3A_135 = tpu.memref_squeeze %dma_wait3A_134 : memref<1x4x128xi32, #tpu.memory_space<hbm>> -> memref<4x128xi32, #tpu.memory_space<hbm>>
      %dma_wait3A_136 = arith.constant 0 : i32
      %dma_wait3A_137 = arith.constant 0 : i32
      %dma_wait3A_138 = tpu.memref_slice %arg3[%add3A, %dma_wait3A_136, %dma_wait3A_137] : memref<32x4x128xi32, #tpu.memory_space<hbm>> -> memref<1x4x128xi32, #tpu.memory_space<hbm>>
      %dma_wait3A_139 = tpu.memref_squeeze %dma_wait3A_138 : memref<1x4x128xi32, #tpu.memory_space<hbm>> -> memref<4x128xi32, #tpu.memory_space<hbm>>
      tpu.wait_dma2 semaphore(%run_scoped3A_123 : memref<!tpu.dma_semaphore, #tpu.memory_space<semaphore_mem>>) src(%dma_wait3A_139 : memref<4x128xi32, #tpu.memory_space<hbm>>) dst(%arg6 : memref<4x128xi32, #tpu.memory_space<vmem>>)
      tpu.yield
    }) : () -> ()
    %add3A_5 = arith.constant 0 : i32
    %add3A_6 = arith.addi %mul3A_2, %add3A_5 : i32
    %dma_start3A = arith.constant 0 : i32
    %dma_start3A_7 = arith.constant 0 : i32
    %dma_start3A_8 = arith.constant 0 : i32
    %dma_start3A_9 = tpu.memref_slice %arg7[%dma_start3A, %dma_start3A_7, %dma_start3A_8] : memref<4x128x128xf32, #tpu.memory_space<vmem>> -> memref<1x128x128xf32, #tpu.memory_space<vmem>>
    %dma_start3A_10 = tpu.memref_squeeze %dma_start3A_9 : memref<1x128x128xf32, #tpu.memory_space<vmem>> -> memref<128x128xf32, #tpu.memory_space<vmem>>
    %dma_start3A_11 = arith.constant 0 : i32
    %dma_start3A_12 = tpu.memref_slice %arg2[%add3A_6, %dma_start3A_11] : memref<16384x128xf32, #tpu.memory_space<hbm>> -> memref<128x128xf32, #tpu.memory_space<hbm>>
    %dma_start3A_13 = arith.constant 0 : i32
    %dma_start3A_14 = arith.constant 0 : i32
    %dma_start3A_15 = tpu.memref_slice %arg7[%dma_start3A, %dma_start3A_13, %dma_start3A_14] : memref<4x128x128xf32, #tpu.memory_space<vmem>> -> memref<1x128x128xf32, #tpu.memory_space<vmem>>
    %dma_start3A_16 = tpu.memref_squeeze %dma_start3A_15 : memref<1x128x128xf32, #tpu.memory_space<vmem>> -> memref<128x128xf32, #tpu.memory_space<vmem>>
    %dma_start3A_17 = arith.constant 0 : i32
    %dma_start3A_18 = tpu.memref_slice %arg2[%add3A_6, %dma_start3A_17] : memref<16384x128xf32, #tpu.memory_space<hbm>> -> memref<128x128xf32, #tpu.memory_space<hbm>>
    tpu.enqueue_dma source(%dma_start3A_18 : memref<128x128xf32, #tpu.memory_space<hbm>>) target(%dma_start3A_16 : memref<128x128xf32, #tpu.memory_space<vmem>>) target_semaphore(%arg9 : memref<!tpu.dma_semaphore, #tpu.memory_space<semaphore_mem>>)
    %add3A_19 = arith.constant 128 : i32
    %add3A_20 = arith.addi %mul3A_2, %add3A_19 : i32
    %dma_start3A_21 = arith.constant 1 : i32
    %dma_start3A_22 = arith.constant 0 : i32
    %dma_start3A_23 = arith.constant 0 : i32
    %dma_start3A_24 = tpu.memref_slice %arg7[%dma_start3A_21, %dma_start3A_22, %dma_start3A_23] : memref<4x128x128xf32, #tpu.memory_space<vmem>> -> memref<1x128x128xf32, #tpu.memory_space<vmem>>
    %dma_start3A_25 = tpu.memref_squeeze %dma_start3A_24 : memref<1x128x128xf32, #tpu.memory_space<vmem>> -> memref<128x128xf32, #tpu.memory_space<vmem>>
    %dma_start3A_26 = arith.constant 0 : i32
    %dma_start3A_27 = tpu.memref_slice %arg2[%add3A_20, %dma_start3A_26] : memref<16384x128xf32, #tpu.memory_space<hbm>> -> memref<128x128xf32, #tpu.memory_space<hbm>>
    %dma_start3A_28 = arith.constant 0 : i32
    %dma_start3A_29 = arith.constant 0 : i32
    %dma_start3A_30 = tpu.memref_slice %arg7[%dma_start3A_21, %dma_start3A_28, %dma_start3A_29] : memref<4x128x128xf32, #tpu.memory_space<vmem>> -> memref<1x128x128xf32, #tpu.memory_space<vmem>>
    %dma_start3A_31 = tpu.memref_squeeze %dma_start3A_30 : memref<1x128x128xf32, #tpu.memory_space<vmem>> -> memref<128x128xf32, #tpu.memory_space<vmem>>
    %dma_start3A_32 = arith.constant 0 : i32
    %dma_start3A_33 = tpu.memref_slice %arg2[%add3A_20, %dma_start3A_32] : memref<16384x128xf32, #tpu.memory_space<hbm>> -> memref<128x128xf32, #tpu.memory_space<hbm>>
    tpu.enqueue_dma source(%dma_start3A_33 : memref<128x128xf32, #tpu.memory_space<hbm>>) target(%dma_start3A_31 : memref<128x128xf32, #tpu.memory_space<vmem>>) target_semaphore(%arg9 : memref<!tpu.dma_semaphore, #tpu.memory_space<semaphore_mem>>)
    %add3A_34 = arith.constant 256 : i32
    %add3A_35 = arith.addi %mul3A_2, %add3A_34 : i32
    %dma_start3A_36 = arith.constant 2 : i32
    %dma_start3A_37 = arith.constant 0 : i32
    %dma_start3A_38 = arith.constant 0 : i32
    %dma_start3A_39 = tpu.memref_slice %arg7[%dma_start3A_36, %dma_start3A_37, %dma_start3A_38] : memref<4x128x128xf32, #tpu.memory_space<vmem>> -> memref<1x128x128xf32, #tpu.memory_space<vmem>>
    %dma_start3A_40 = tpu.memref_squeeze %dma_start3A_39 : memref<1x128x128xf32, #tpu.memory_space<vmem>> -> memref<128x128xf32, #tpu.memory_space<vmem>>
    %dma_start3A_41 = arith.constant 0 : i32
    %dma_start3A_42 = tpu.memref_slice %arg2[%add3A_35, %dma_start3A_41] : memref<16384x128xf32, #tpu.memory_space<hbm>> -> memref<128x128xf32, #tpu.memory_space<hbm>>
    %dma_start3A_43 = arith.constant 0 : i32
    %dma_start3A_44 = arith.constant 0 : i32
    %dma_start3A_45 = tpu.memref_slice %arg7[%dma_start3A_36, %dma_start3A_43, %dma_start3A_44] : memref<4x128x128xf32, #tpu.memory_space<vmem>> -> memref<1x128x128xf32, #tpu.memory_space<vmem>>
    %dma_start3A_46 = tpu.memref_squeeze %dma_start3A_45 : memref<1x128x128xf32, #tpu.memory_space<vmem>> -> memref<128x128xf32, #tpu.memory_space<vmem>>
    %dma_start3A_47 = arith.constant 0 : i32
    %dma_start3A_48 = tpu.memref_slice %arg2[%add3A_35, %dma_start3A_47] : memref<16384x128xf32, #tpu.memory_space<hbm>> -> memref<128x128xf32, #tpu.memory_space<hbm>>
    tpu.enqueue_dma source(%dma_start3A_48 : memref<128x128xf32, #tpu.memory_space<hbm>>) target(%dma_start3A_46 : memref<128x128xf32, #tpu.memory_space<vmem>>) target_semaphore(%arg9 : memref<!tpu.dma_semaphore, #tpu.memory_space<semaphore_mem>>)
    %add3A_49 = arith.constant 384 : i32
    %add3A_50 = arith.addi %mul3A_2, %add3A_49 : i32
    %dma_start3A_51 = arith.constant 3 : i32
    %dma_start3A_52 = arith.constant 0 : i32
    %dma_start3A_53 = arith.constant 0 : i32
    %dma_start3A_54 = tpu.memref_slice %arg7[%dma_start3A_51, %dma_start3A_52, %dma_start3A_53] : memref<4x128x128xf32, #tpu.memory_space<vmem>> -> memref<1x128x128xf32, #tpu.memory_space<vmem>>
    %dma_start3A_55 = tpu.memref_squeeze %dma_start3A_54 : memref<1x128x128xf32, #tpu.memory_space<vmem>> -> memref<128x128xf32, #tpu.memory_space<vmem>>
    %dma_start3A_56 = arith.constant 0 : i32
    %dma_start3A_57 = tpu.memref_slice %arg2[%add3A_50, %dma_start3A_56] : memref<16384x128xf32, #tpu.memory_space<hbm>> -> memref<128x128xf32, #tpu.memory_space<hbm>>
    %dma_start3A_58 = arith.constant 0 : i32
    %dma_start3A_59 = arith.constant 0 : i32
    %dma_start3A_60 = tpu.memref_slice %arg7[%dma_start3A_51, %dma_start3A_58, %dma_start3A_59] : memref<4x128x128xf32, #tpu.memory_space<vmem>> -> memref<1x128x128xf32, #tpu.memory_space<vmem>>
    %dma_start3A_61 = tpu.memref_squeeze %dma_start3A_60 : memref<1x128x128xf32, #tpu.memory_space<vmem>> -> memref<128x128xf32, #tpu.memory_space<vmem>>
    %dma_start3A_62 = arith.constant 0 : i32
    %dma_start3A_63 = tpu.memref_slice %arg2[%add3A_50, %dma_start3A_62] : memref<16384x128xf32, #tpu.memory_space<hbm>> -> memref<128x128xf32, #tpu.memory_space<hbm>>
    tpu.enqueue_dma source(%dma_start3A_63 : memref<128x128xf32, #tpu.memory_space<hbm>>) target(%dma_start3A_61 : memref<128x128xf32, #tpu.memory_space<vmem>>) target_semaphore(%arg9 : memref<!tpu.dma_semaphore, #tpu.memory_space<semaphore_mem>>)
    "tpu.region"() ({
      %run_scoped3A_123 = tpu.sem_alloc : memref<!tpu.dma_semaphore, #tpu.memory_space<semaphore_mem>>
      %dma_start3A_124 = arith.constant 0 : i32
      %dma_start3A_125 = tpu.memref_slice %arg8[%mul3A_4, %dma_start3A_124] : memref<2048x128xf32, #tpu.memory_space<vmem_shared>> -> memref<128x128xf32, #tpu.memory_space<vmem_shared>>
      %dma_start3A_126 = arith.constant 0 : i32
      %dma_start3A_127 = tpu.memref_slice %arg4[%mul3A_4, %dma_start3A_126] : memref<2048x128xf32, #tpu.memory_space<hbm>> -> memref<128x128xf32, #tpu.memory_space<hbm>>
      tpu.enqueue_dma source(%dma_start3A_127 : memref<128x128xf32, #tpu.memory_space<hbm>>) target(%dma_start3A_125 : memref<128x128xf32, #tpu.memory_space<vmem_shared>>) target_semaphore(%run_scoped3A_123 : memref<!tpu.dma_semaphore, #tpu.memory_space<semaphore_mem>>)
      %dma_wait3A_128 = arith.constant 0 : i32
      %dma_wait3A_129 = tpu.memref_slice %arg8[%mul3A_4, %dma_wait3A_128] : memref<2048x128xf32, #tpu.memory_space<vmem_shared>> -> memref<128x128xf32, #tpu.memory_space<vmem_shared>>
      %dma_wait3A_130 = arith.constant 0 : i32
      %dma_wait3A_131 = tpu.memref_slice %arg4[%mul3A_4, %dma_wait3A_130] : memref<2048x128xf32, #tpu.memory_space<hbm>> -> memref<128x128xf32, #tpu.memory_space<hbm>>
      tpu.wait_dma2 semaphore(%run_scoped3A_123 : memref<!tpu.dma_semaphore, #tpu.memory_space<semaphore_mem>>) src(%dma_wait3A_131 : memref<128x128xf32, #tpu.memory_space<hbm>>) dst(%dma_wait3A_129 : memref<128x128xf32, #tpu.memory_space<vmem_shared>>)
      tpu.yield
    }) : () -> ()
    %barrier3A = arith.constant 0 : index
    tpu.barrier barrier_id(%barrier3A)
    %dma_wait3A = arith.constant 0 : i32
    %dma_wait3A_64 = arith.constant 0 : i32
    %dma_wait3A_65 = arith.constant 0 : i32
    %dma_wait3A_66 = tpu.memref_slice %arg7[%dma_wait3A, %dma_wait3A_64, %dma_wait3A_65] : memref<4x128x128xf32, #tpu.memory_space<vmem>> -> memref<1x128x128xf32, #tpu.memory_space<vmem>>
    %dma_wait3A_67 = tpu.memref_squeeze %dma_wait3A_66 : memref<1x128x128xf32, #tpu.memory_space<vmem>> -> memref<128x128xf32, #tpu.memory_space<vmem>>
    %dma_wait3A_68 = arith.constant 0 : i32
    %dma_wait3A_69 = tpu.memref_slice %arg2[%add3A_6, %dma_wait3A_68] : memref<16384x128xf32, #tpu.memory_space<hbm>> -> memref<128x128xf32, #tpu.memory_space<hbm>>
    %dma_wait3A_70 = arith.constant 0 : i32
    %dma_wait3A_71 = arith.constant 0 : i32
    %dma_wait3A_72 = tpu.memref_slice %arg7[%dma_wait3A, %dma_wait3A_70, %dma_wait3A_71] : memref<4x128x128xf32, #tpu.memory_space<vmem>> -> memref<1x128x128xf32, #tpu.memory_space<vmem>>
    %dma_wait3A_73 = tpu.memref_squeeze %dma_wait3A_72 : memref<1x128x128xf32, #tpu.memory_space<vmem>> -> memref<128x128xf32, #tpu.memory_space<vmem>>
    %dma_wait3A_74 = arith.constant 0 : i32
    %dma_wait3A_75 = tpu.memref_slice %arg2[%add3A_6, %dma_wait3A_74] : memref<16384x128xf32, #tpu.memory_space<hbm>> -> memref<128x128xf32, #tpu.memory_space<hbm>>
    tpu.wait_dma2 semaphore(%arg9 : memref<!tpu.dma_semaphore, #tpu.memory_space<semaphore_mem>>) src(%dma_wait3A_75 : memref<128x128xf32, #tpu.memory_space<hbm>>) dst(%dma_wait3A_73 : memref<128x128xf32, #tpu.memory_space<vmem>>)
    %run_scoped3A = arith.constant 0 : i32
    %run_scoped3A_76 = arith.constant 0 : i32
    "tpu.region"() ({
      %run_scoped3A_123 = tpu.sem_alloc : memref<!tpu.dma_semaphore, #tpu.memory_space<semaphore_mem>>
      %dma_start3A_124 = arith.constant 0 : i32
      %dma_start3A_125 = arith.constant 0 : i32
      %dma_start3A_126 = tpu.memref_slice %arg7[%run_scoped3A, %dma_start3A_124, %dma_start3A_125] : memref<4x128x128xf32, #tpu.memory_space<vmem>> -> memref<1x128x128xf32, #tpu.memory_space<vmem>>
      %dma_start3A_127 = tpu.memref_squeeze %dma_start3A_126 : memref<1x128x128xf32, #tpu.memory_space<vmem>> -> memref<128x128xf32, #tpu.memory_space<vmem>>
      %dma_start3A_128 = arith.constant 0 : i32
      %dma_start3A_129 = tpu.memref_slice %arg6[%run_scoped3A_76, %dma_start3A_128] : memref<4x128xi32, #tpu.memory_space<vmem>> -> memref<1x128xi32, #tpu.memory_space<vmem>>
      %dma_start3A_130 = tpu.memref_squeeze %dma_start3A_129 : memref<1x128xi32, #tpu.memory_space<vmem>> -> memref<128xi32, #tpu.memory_space<vmem>>
      %dma_start3A_131 = arith.constant 0 : i32
      %dma_start3A_132 = arith.constant 0 : i32
      %dma_start3A_133 = tpu.memref_slice %arg8[%dma_start3A_131, %dma_start3A_132] : memref<2048x128xf32, #tpu.memory_space<vmem_shared>> -> memref<2048x128xf32, #tpu.memory_space<vmem_shared>>
      tpu.enqueue_indirect_dma source(%dma_start3A_127 : memref<128x128xf32, #tpu.memory_space<vmem>>) target(%dma_start3A_133 : memref<2048x128xf32, #tpu.memory_space<vmem_shared>>) offsets(%dma_start3A_130 : memref<128xi32, #tpu.memory_space<vmem>>) semaphore(%run_scoped3A_123 : memref<!tpu.dma_semaphore, #tpu.memory_space<semaphore_mem>>) {add = true}
      %dma_wait3A_134 = arith.constant 0 : i32
      %dma_wait3A_135 = arith.constant 0 : i32
      %dma_wait3A_136 = tpu.memref_slice %arg7[%run_scoped3A, %dma_wait3A_134, %dma_wait3A_135] : memref<4x128x128xf32, #tpu.memory_space<vmem>> -> memref<1x128x128xf32, #tpu.memory_space<vmem>>
      %dma_wait3A_137 = tpu.memref_squeeze %dma_wait3A_136 : memref<1x128x128xf32, #tpu.memory_space<vmem>> -> memref<128x128xf32, #tpu.memory_space<vmem>>
      %dma_wait3A_138 = arith.constant 0 : i32
      %dma_wait3A_139 = tpu.memref_slice %arg6[%run_scoped3A_76, %dma_wait3A_138] : memref<4x128xi32, #tpu.memory_space<vmem>> -> memref<1x128xi32, #tpu.memory_space<vmem>>
      %dma_wait3A_140 = tpu.memref_squeeze %dma_wait3A_139 : memref<1x128xi32, #tpu.memory_space<vmem>> -> memref<128xi32, #tpu.memory_space<vmem>>
      %dma_wait3A_141 = arith.constant 0 : i32
      %dma_wait3A_142 = arith.constant 0 : i32
      %dma_wait3A_143 = tpu.memref_slice %arg8[%dma_wait3A_141, %dma_wait3A_142] : memref<2048x128xf32, #tpu.memory_space<vmem_shared>> -> memref<2048x128xf32, #tpu.memory_space<vmem_shared>>
      tpu.wait_indirect_dma semaphore(%run_scoped3A_123 : memref<!tpu.dma_semaphore, #tpu.memory_space<semaphore_mem>>) src(%dma_wait3A_137 : memref<128x128xf32, #tpu.memory_space<vmem>>) dst(%dma_wait3A_143 : memref<2048x128xf32, #tpu.memory_space<vmem_shared>>)
      tpu.yield
    }) : () -> ()
    %dma_wait3A_77 = arith.constant 1 : i32
    %dma_wait3A_78 = arith.constant 0 : i32
    %dma_wait3A_79 = arith.constant 0 : i32
    %dma_wait3A_80 = tpu.memref_slice %arg7[%dma_wait3A_77, %dma_wait3A_78, %dma_wait3A_79] : memref<4x128x128xf32, #tpu.memory_space<vmem>> -> memref<1x128x128xf32, #tpu.memory_space<vmem>>
    %dma_wait3A_81 = tpu.memref_squeeze %dma_wait3A_80 : memref<1x128x128xf32, #tpu.memory_space<vmem>> -> memref<128x128xf32, #tpu.memory_space<vmem>>
    %dma_wait3A_82 = arith.constant 0 : i32
    %dma_wait3A_83 = tpu.memref_slice %arg2[%add3A_20, %dma_wait3A_82] : memref<16384x128xf32, #tpu.memory_space<hbm>> -> memref<128x128xf32, #tpu.memory_space<hbm>>
    %dma_wait3A_84 = arith.constant 0 : i32
    %dma_wait3A_85 = arith.constant 0 : i32
    %dma_wait3A_86 = tpu.memref_slice %arg7[%dma_wait3A_77, %dma_wait3A_84, %dma_wait3A_85] : memref<4x128x128xf32, #tpu.memory_space<vmem>> -> memref<1x128x128xf32, #tpu.memory_space<vmem>>
    %dma_wait3A_87 = tpu.memref_squeeze %dma_wait3A_86 : memref<1x128x128xf32, #tpu.memory_space<vmem>> -> memref<128x128xf32, #tpu.memory_space<vmem>>
    %dma_wait3A_88 = arith.constant 0 : i32
    %dma_wait3A_89 = tpu.memref_slice %arg2[%add3A_20, %dma_wait3A_88] : memref<16384x128xf32, #tpu.memory_space<hbm>> -> memref<128x128xf32, #tpu.memory_space<hbm>>
    tpu.wait_dma2 semaphore(%arg9 : memref<!tpu.dma_semaphore, #tpu.memory_space<semaphore_mem>>) src(%dma_wait3A_89 : memref<128x128xf32, #tpu.memory_space<hbm>>) dst(%dma_wait3A_87 : memref<128x128xf32, #tpu.memory_space<vmem>>)
    %run_scoped3A_90 = arith.constant 1 : i32
    %run_scoped3A_91 = arith.constant 1 : i32
    "tpu.region"() ({
      %run_scoped3A_123 = tpu.sem_alloc : memref<!tpu.dma_semaphore, #tpu.memory_space<semaphore_mem>>
      %dma_start3A_124 = arith.constant 0 : i32
      %dma_start3A_125 = arith.constant 0 : i32
      %dma_start3A_126 = tpu.memref_slice %arg7[%run_scoped3A_90, %dma_start3A_124, %dma_start3A_125] : memref<4x128x128xf32, #tpu.memory_space<vmem>> -> memref<1x128x128xf32, #tpu.memory_space<vmem>>
      %dma_start3A_127 = tpu.memref_squeeze %dma_start3A_126 : memref<1x128x128xf32, #tpu.memory_space<vmem>> -> memref<128x128xf32, #tpu.memory_space<vmem>>
      %dma_start3A_128 = arith.constant 0 : i32
      %dma_start3A_129 = tpu.memref_slice %arg6[%run_scoped3A_91, %dma_start3A_128] : memref<4x128xi32, #tpu.memory_space<vmem>> -> memref<1x128xi32, #tpu.memory_space<vmem>>
      %dma_start3A_130 = tpu.memref_squeeze %dma_start3A_129 : memref<1x128xi32, #tpu.memory_space<vmem>> -> memref<128xi32, #tpu.memory_space<vmem>>
      %dma_start3A_131 = arith.constant 0 : i32
      %dma_start3A_132 = arith.constant 0 : i32
      %dma_start3A_133 = tpu.memref_slice %arg8[%dma_start3A_131, %dma_start3A_132] : memref<2048x128xf32, #tpu.memory_space<vmem_shared>> -> memref<2048x128xf32, #tpu.memory_space<vmem_shared>>
      tpu.enqueue_indirect_dma source(%dma_start3A_127 : memref<128x128xf32, #tpu.memory_space<vmem>>) target(%dma_start3A_133 : memref<2048x128xf32, #tpu.memory_space<vmem_shared>>) offsets(%dma_start3A_130 : memref<128xi32, #tpu.memory_space<vmem>>) semaphore(%run_scoped3A_123 : memref<!tpu.dma_semaphore, #tpu.memory_space<semaphore_mem>>) {add = true}
      %dma_wait3A_134 = arith.constant 0 : i32
      %dma_wait3A_135 = arith.constant 0 : i32
      %dma_wait3A_136 = tpu.memref_slice %arg7[%run_scoped3A_90, %dma_wait3A_134, %dma_wait3A_135] : memref<4x128x128xf32, #tpu.memory_space<vmem>> -> memref<1x128x128xf32, #tpu.memory_space<vmem>>
      %dma_wait3A_137 = tpu.memref_squeeze %dma_wait3A_136 : memref<1x128x128xf32, #tpu.memory_space<vmem>> -> memref<128x128xf32, #tpu.memory_space<vmem>>
      %dma_wait3A_138 = arith.constant 0 : i32
      %dma_wait3A_139 = tpu.memref_slice %arg6[%run_scoped3A_91, %dma_wait3A_138] : memref<4x128xi32, #tpu.memory_space<vmem>> -> memref<1x128xi32, #tpu.memory_space<vmem>>
      %dma_wait3A_140 = tpu.memref_squeeze %dma_wait3A_139 : memref<1x128xi32, #tpu.memory_space<vmem>> -> memref<128xi32, #tpu.memory_space<vmem>>
      %dma_wait3A_141 = arith.constant 0 : i32
      %dma_wait3A_142 = arith.constant 0 : i32
      %dma_wait3A_143 = tpu.memref_slice %arg8[%dma_wait3A_141, %dma_wait3A_142] : memref<2048x128xf32, #tpu.memory_space<vmem_shared>> -> memref<2048x128xf32, #tpu.memory_space<vmem_shared>>
      tpu.wait_indirect_dma semaphore(%run_scoped3A_123 : memref<!tpu.dma_semaphore, #tpu.memory_space<semaphore_mem>>) src(%dma_wait3A_137 : memref<128x128xf32, #tpu.memory_space<vmem>>) dst(%dma_wait3A_143 : memref<2048x128xf32, #tpu.memory_space<vmem_shared>>)
      tpu.yield
    }) : () -> ()
    %dma_wait3A_92 = arith.constant 2 : i32
    %dma_wait3A_93 = arith.constant 0 : i32
    %dma_wait3A_94 = arith.constant 0 : i32
    %dma_wait3A_95 = tpu.memref_slice %arg7[%dma_wait3A_92, %dma_wait3A_93, %dma_wait3A_94] : memref<4x128x128xf32, #tpu.memory_space<vmem>> -> memref<1x128x128xf32, #tpu.memory_space<vmem>>
    %dma_wait3A_96 = tpu.memref_squeeze %dma_wait3A_95 : memref<1x128x128xf32, #tpu.memory_space<vmem>> -> memref<128x128xf32, #tpu.memory_space<vmem>>
    %dma_wait3A_97 = arith.constant 0 : i32
    %dma_wait3A_98 = tpu.memref_slice %arg2[%add3A_35, %dma_wait3A_97] : memref<16384x128xf32, #tpu.memory_space<hbm>> -> memref<128x128xf32, #tpu.memory_space<hbm>>
    %dma_wait3A_99 = arith.constant 0 : i32
    %dma_wait3A_100 = arith.constant 0 : i32
    %dma_wait3A_101 = tpu.memref_slice %arg7[%dma_wait3A_92, %dma_wait3A_99, %dma_wait3A_100] : memref<4x128x128xf32, #tpu.memory_space<vmem>> -> memref<1x128x128xf32, #tpu.memory_space<vmem>>
    %dma_wait3A_102 = tpu.memref_squeeze %dma_wait3A_101 : memref<1x128x128xf32, #tpu.memory_space<vmem>> -> memref<128x128xf32, #tpu.memory_space<vmem>>
    %dma_wait3A_103 = arith.constant 0 : i32
    %dma_wait3A_104 = tpu.memref_slice %arg2[%add3A_35, %dma_wait3A_103] : memref<16384x128xf32, #tpu.memory_space<hbm>> -> memref<128x128xf32, #tpu.memory_space<hbm>>
    tpu.wait_dma2 semaphore(%arg9 : memref<!tpu.dma_semaphore, #tpu.memory_space<semaphore_mem>>) src(%dma_wait3A_104 : memref<128x128xf32, #tpu.memory_space<hbm>>) dst(%dma_wait3A_102 : memref<128x128xf32, #tpu.memory_space<vmem>>)
    %run_scoped3A_105 = arith.constant 2 : i32
    %run_scoped3A_106 = arith.constant 2 : i32
    "tpu.region"() ({
      %run_scoped3A_123 = tpu.sem_alloc : memref<!tpu.dma_semaphore, #tpu.memory_space<semaphore_mem>>
      %dma_start3A_124 = arith.constant 0 : i32
      %dma_start3A_125 = arith.constant 0 : i32
      %dma_start3A_126 = tpu.memref_slice %arg7[%run_scoped3A_105, %dma_start3A_124, %dma_start3A_125] : memref<4x128x128xf32, #tpu.memory_space<vmem>> -> memref<1x128x128xf32, #tpu.memory_space<vmem>>
      %dma_start3A_127 = tpu.memref_squeeze %dma_start3A_126 : memref<1x128x128xf32, #tpu.memory_space<vmem>> -> memref<128x128xf32, #tpu.memory_space<vmem>>
      %dma_start3A_128 = arith.constant 0 : i32
      %dma_start3A_129 = tpu.memref_slice %arg6[%run_scoped3A_106, %dma_start3A_128] : memref<4x128xi32, #tpu.memory_space<vmem>> -> memref<1x128xi32, #tpu.memory_space<vmem>>
      %dma_start3A_130 = tpu.memref_squeeze %dma_start3A_129 : memref<1x128xi32, #tpu.memory_space<vmem>> -> memref<128xi32, #tpu.memory_space<vmem>>
      %dma_start3A_131 = arith.constant 0 : i32
      %dma_start3A_132 = arith.constant 0 : i32
      %dma_start3A_133 = tpu.memref_slice %arg8[%dma_start3A_131, %dma_start3A_132] : memref<2048x128xf32, #tpu.memory_space<vmem_shared>> -> memref<2048x128xf32, #tpu.memory_space<vmem_shared>>
      tpu.enqueue_indirect_dma source(%dma_start3A_127 : memref<128x128xf32, #tpu.memory_space<vmem>>) target(%dma_start3A_133 : memref<2048x128xf32, #tpu.memory_space<vmem_shared>>) offsets(%dma_start3A_130 : memref<128xi32, #tpu.memory_space<vmem>>) semaphore(%run_scoped3A_123 : memref<!tpu.dma_semaphore, #tpu.memory_space<semaphore_mem>>) {add = true}
      %dma_wait3A_134 = arith.constant 0 : i32
      %dma_wait3A_135 = arith.constant 0 : i32
      %dma_wait3A_136 = tpu.memref_slice %arg7[%run_scoped3A_105, %dma_wait3A_134, %dma_wait3A_135] : memref<4x128x128xf32, #tpu.memory_space<vmem>> -> memref<1x128x128xf32, #tpu.memory_space<vmem>>
      %dma_wait3A_137 = tpu.memref_squeeze %dma_wait3A_136 : memref<1x128x128xf32, #tpu.memory_space<vmem>> -> memref<128x128xf32, #tpu.memory_space<vmem>>
      %dma_wait3A_138 = arith.constant 0 : i32
      %dma_wait3A_139 = tpu.memref_slice %arg6[%run_scoped3A_106, %dma_wait3A_138] : memref<4x128xi32, #tpu.memory_space<vmem>> -> memref<1x128xi32, #tpu.memory_space<vmem>>
      %dma_wait3A_140 = tpu.memref_squeeze %dma_wait3A_139 : memref<1x128xi32, #tpu.memory_space<vmem>> -> memref<128xi32, #tpu.memory_space<vmem>>
      %dma_wait3A_141 = arith.constant 0 : i32
      %dma_wait3A_142 = arith.constant 0 : i32
      %dma_wait3A_143 = tpu.memref_slice %arg8[%dma_wait3A_141, %dma_wait3A_142] : memref<2048x128xf32, #tpu.memory_space<vmem_shared>> -> memref<2048x128xf32, #tpu.memory_space<vmem_shared>>
      tpu.wait_indirect_dma semaphore(%run_scoped3A_123 : memref<!tpu.dma_semaphore, #tpu.memory_space<semaphore_mem>>) src(%dma_wait3A_137 : memref<128x128xf32, #tpu.memory_space<vmem>>) dst(%dma_wait3A_143 : memref<2048x128xf32, #tpu.memory_space<vmem_shared>>)
      tpu.yield
    }) : () -> ()
    %dma_wait3A_107 = arith.constant 3 : i32
    %dma_wait3A_108 = arith.constant 0 : i32
    %dma_wait3A_109 = arith.constant 0 : i32
    %dma_wait3A_110 = tpu.memref_slice %arg7[%dma_wait3A_107, %dma_wait3A_108, %dma_wait3A_109] : memref<4x128x128xf32, #tpu.memory_space<vmem>> -> memref<1x128x128xf32, #tpu.memory_space<vmem>>
    %dma_wait3A_111 = tpu.memref_squeeze %dma_wait3A_110 : memref<1x128x128xf32, #tpu.memory_space<vmem>> -> memref<128x128xf32, #tpu.memory_space<vmem>>
    %dma_wait3A_112 = arith.constant 0 : i32
    %dma_wait3A_113 = tpu.memref_slice %arg2[%add3A_50, %dma_wait3A_112] : memref<16384x128xf32, #tpu.memory_space<hbm>> -> memref<128x128xf32, #tpu.memory_space<hbm>>
    %dma_wait3A_114 = arith.constant 0 : i32
    %dma_wait3A_115 = arith.constant 0 : i32
    %dma_wait3A_116 = tpu.memref_slice %arg7[%dma_wait3A_107, %dma_wait3A_114, %dma_wait3A_115] : memref<4x128x128xf32, #tpu.memory_space<vmem>> -> memref<1x128x128xf32, #tpu.memory_space<vmem>>
    %dma_wait3A_117 = tpu.memref_squeeze %dma_wait3A_116 : memref<1x128x128xf32, #tpu.memory_space<vmem>> -> memref<128x128xf32, #tpu.memory_space<vmem>>
    %dma_wait3A_118 = arith.constant 0 : i32
    %dma_wait3A_119 = tpu.memref_slice %arg2[%add3A_50, %dma_wait3A_118] : memref<16384x128xf32, #tpu.memory_space<hbm>> -> memref<128x128xf32, #tpu.memory_space<hbm>>
    tpu.wait_dma2 semaphore(%arg9 : memref<!tpu.dma_semaphore, #tpu.memory_space<semaphore_mem>>) src(%dma_wait3A_119 : memref<128x128xf32, #tpu.memory_space<hbm>>) dst(%dma_wait3A_117 : memref<128x128xf32, #tpu.memory_space<vmem>>)
    %run_scoped3A_120 = arith.constant 3 : i32
    %run_scoped3A_121 = arith.constant 3 : i32
    "tpu.region"() ({
      %run_scoped3A_123 = tpu.sem_alloc : memref<!tpu.dma_semaphore, #tpu.memory_space<semaphore_mem>>
      %dma_start3A_124 = arith.constant 0 : i32
      %dma_start3A_125 = arith.constant 0 : i32
      %dma_start3A_126 = tpu.memref_slice %arg7[%run_scoped3A_120, %dma_start3A_124, %dma_start3A_125] : memref<4x128x128xf32, #tpu.memory_space<vmem>> -> memref<1x128x128xf32, #tpu.memory_space<vmem>>
      %dma_start3A_127 = tpu.memref_squeeze %dma_start3A_126 : memref<1x128x128xf32, #tpu.memory_space<vmem>> -> memref<128x128xf32, #tpu.memory_space<vmem>>
      %dma_start3A_128 = arith.constant 0 : i32
      %dma_start3A_129 = tpu.memref_slice %arg6[%run_scoped3A_121, %dma_start3A_128] : memref<4x128xi32, #tpu.memory_space<vmem>> -> memref<1x128xi32, #tpu.memory_space<vmem>>
      %dma_start3A_130 = tpu.memref_squeeze %dma_start3A_129 : memref<1x128xi32, #tpu.memory_space<vmem>> -> memref<128xi32, #tpu.memory_space<vmem>>
      %dma_start3A_131 = arith.constant 0 : i32
      %dma_start3A_132 = arith.constant 0 : i32
      %dma_start3A_133 = tpu.memref_slice %arg8[%dma_start3A_131, %dma_start3A_132] : memref<2048x128xf32, #tpu.memory_space<vmem_shared>> -> memref<2048x128xf32, #tpu.memory_space<vmem_shared>>
      tpu.enqueue_indirect_dma source(%dma_start3A_127 : memref<128x128xf32, #tpu.memory_space<vmem>>) target(%dma_start3A_133 : memref<2048x128xf32, #tpu.memory_space<vmem_shared>>) offsets(%dma_start3A_130 : memref<128xi32, #tpu.memory_space<vmem>>) semaphore(%run_scoped3A_123 : memref<!tpu.dma_semaphore, #tpu.memory_space<semaphore_mem>>) {add = true}
      %dma_wait3A_134 = arith.constant 0 : i32
      %dma_wait3A_135 = arith.constant 0 : i32
      %dma_wait3A_136 = tpu.memref_slice %arg7[%run_scoped3A_120, %dma_wait3A_134, %dma_wait3A_135] : memref<4x128x128xf32, #tpu.memory_space<vmem>> -> memref<1x128x128xf32, #tpu.memory_space<vmem>>
      %dma_wait3A_137 = tpu.memref_squeeze %dma_wait3A_136 : memref<1x128x128xf32, #tpu.memory_space<vmem>> -> memref<128x128xf32, #tpu.memory_space<vmem>>
      %dma_wait3A_138 = arith.constant 0 : i32
      %dma_wait3A_139 = tpu.memref_slice %arg6[%run_scoped3A_121, %dma_wait3A_138] : memref<4x128xi32, #tpu.memory_space<vmem>> -> memref<1x128xi32, #tpu.memory_space<vmem>>
      %dma_wait3A_140 = tpu.memref_squeeze %dma_wait3A_139 : memref<1x128xi32, #tpu.memory_space<vmem>> -> memref<128xi32, #tpu.memory_space<vmem>>
      %dma_wait3A_141 = arith.constant 0 : i32
      %dma_wait3A_142 = arith.constant 0 : i32
      %dma_wait3A_143 = tpu.memref_slice %arg8[%dma_wait3A_141, %dma_wait3A_142] : memref<2048x128xf32, #tpu.memory_space<vmem_shared>> -> memref<2048x128xf32, #tpu.memory_space<vmem_shared>>
      tpu.wait_indirect_dma semaphore(%run_scoped3A_123 : memref<!tpu.dma_semaphore, #tpu.memory_space<semaphore_mem>>) src(%dma_wait3A_137 : memref<128x128xf32, #tpu.memory_space<vmem>>) dst(%dma_wait3A_143 : memref<2048x128xf32, #tpu.memory_space<vmem_shared>>)
      tpu.yield
    }) : () -> ()
    %barrier3A_122 = arith.constant 0 : index
    tpu.barrier barrier_id(%barrier3A_122)
    "tpu.region"() ({
      %run_scoped3A_123 = tpu.sem_alloc : memref<!tpu.dma_semaphore, #tpu.memory_space<semaphore_mem>>
      %dma_start3A_124 = arith.constant 0 : i32
      %dma_start3A_125 = tpu.memref_slice %arg5[%arg0, %mul3A_4, %dma_start3A_124] : memref<2x2048x128xf32, #tpu.memory_space<hbm>> -> memref<1x128x128xf32, #tpu.memory_space<hbm>>
      %dma_start3A_126 = tpu.memref_squeeze %dma_start3A_125 : memref<1x128x128xf32, #tpu.memory_space<hbm>> -> memref<128x128xf32, #tpu.memory_space<hbm>>
      %dma_start3A_127 = arith.constant 0 : i32
      %dma_start3A_128 = tpu.memref_slice %arg8[%mul3A_4, %dma_start3A_127] : memref<2048x128xf32, #tpu.memory_space<vmem_shared>> -> memref<128x128xf32, #tpu.memory_space<vmem_shared>>
      tpu.enqueue_dma source(%dma_start3A_128 : memref<128x128xf32, #tpu.memory_space<vmem_shared>>) target(%dma_start3A_126 : memref<128x128xf32, #tpu.memory_space<hbm>>) target_semaphore(%run_scoped3A_123 : memref<!tpu.dma_semaphore, #tpu.memory_space<semaphore_mem>>)
      %dma_wait3A_129 = arith.constant 0 : i32
      %dma_wait3A_130 = tpu.memref_slice %arg5[%arg0, %mul3A_4, %dma_wait3A_129] : memref<2x2048x128xf32, #tpu.memory_space<hbm>> -> memref<1x128x128xf32, #tpu.memory_space<hbm>>
      %dma_wait3A_131 = tpu.memref_squeeze %dma_wait3A_130 : memref<1x128x128xf32, #tpu.memory_space<hbm>> -> memref<128x128xf32, #tpu.memory_space<hbm>>
      %dma_wait3A_132 = arith.constant 0 : i32
      %dma_wait3A_133 = tpu.memref_slice %arg8[%mul3A_4, %dma_wait3A_132] : memref<2048x128xf32, #tpu.memory_space<vmem_shared>> -> memref<128x128xf32, #tpu.memory_space<vmem_shared>>
      tpu.wait_dma2 semaphore(%run_scoped3A_123 : memref<!tpu.dma_semaphore, #tpu.memory_space<semaphore_mem>>) src(%dma_wait3A_133 : memref<128x128xf32, #tpu.memory_space<vmem_shared>>) dst(%dma_wait3A_131 : memref<128x128xf32, #tpu.memory_space<hbm>>)
      tpu.yield
    }) : () -> ()
    return
  }
}

#map = affine_map<(d0, d1) -> (0, 0)>
#map1 = affine_map<(d0, d1) -> (0, 0, 0)>
module attributes {stable_mosaic.version = 14 : i64} {
  func.func @scatter(%arg0: i32, %arg1: i32, %arg2: memref<16384x128xf32, #tpu.memory_space<hbm>>, %arg3: memref<32x4x128xi32, #tpu.memory_space<hbm>>, %arg4: memref<2048x128xf32, #tpu.memory_space<hbm>>, %arg5: memref<2x2048x128xf32, #tpu.memory_space<hbm>>, %arg6: memref<4x128xi32, #tpu.memory_space<vmem>>, %arg7: memref<4x128x128xf32, #tpu.memory_space<vmem>>, %arg8: memref<2048x128xf32, #tpu.memory_space<vmem_shared>>, %arg9: memref<!tpu.dma_semaphore, #tpu.memory_space<semaphore_mem>>) attributes {dimension_semantics = [#tpu.dimension_semantics<core_parallel>, #tpu.dimension_semantics<subcore_parallel>], iteration_bounds = array<i64: 2, 16>, scalar_prefetch = 0 : i64, scratch_operands = 4 : i64, tpu.core_type = #tpu.core_type<sc_vector_subcore>, window_params = [{transform_indices = #map}, {transform_indices = #map1}, {transform_indices = #map}, {transform_indices = #map1}]} {
    %mul3A = arith.constant 2 : i32
    %mul3A_0 = arith.muli %arg1, %mul3A : i32
    %add3A = arith.addi %mul3A_0, %arg0 : i32
    %mul3A_1 = arith.constant 512 : i32
    %mul3A_2 = arith.muli %add3A, %mul3A_1 : i32
    %mul3A_3 = arith.constant 128 : i32
    %mul3A_4 = arith.muli %arg1, %mul3A_3 : i32
    "tpu.region"() ({
      %run_scoped3A_123 = tpu.sem_alloc : memref<!tpu.dma_semaphore, #tpu.memory_space<semaphore_mem>>
      %dma_start3A_124 = arith.constant 0 : i32
      %dma_start3A_125 = arith.constant 0 : i32
      %dma_start3A_126 = tpu.memref_slice %arg3[%add3A, %dma_start3A_124, %dma_start3A_125] : memref<32x4x128xi32, #tpu.memory_space<hbm>> -> memref<1x4x128xi32, #tpu.memory_space<hbm>>
      %dma_start3A_127 = tpu.memref_squeeze %dma_start3A_126 : memref<1x4x128xi32, #tpu.memory_space<hbm>> -> memref<4x128xi32, #tpu.memory_space<hbm>>
      %dma_start3A_128 = arith.constant 0 : i32
      %dma_start3A_129 = arith.constant 0 : i32
      %dma_start3A_130 = tpu.memref_slice %arg3[%add3A, %dma_start3A_128, %dma_start3A_129] : memref<32x4x128xi32, #tpu.memory_space<hbm>> -> memref<1x4x128xi32, #tpu.memory_space<hbm>>
      %dma_start3A_131 = tpu.memref_squeeze %dma_start3A_130 : memref<1x4x128xi32, #tpu.memory_space<hbm>> -> memref<4x128xi32, #tpu.memory_space<hbm>>
      tpu.enqueue_dma source(%dma_start3A_131 : memref<4x128xi32, #tpu.memory_space<hbm>>) target(%arg6 : memref<4x128xi32, #tpu.memory_space<vmem>>) target_semaphore(%run_scoped3A_123 : memref<!tpu.dma_semaphore, #tpu.memory_space<semaphore_mem>>)
      %dma_wait3A_132 = arith.constant 0 : i32
      %dma_wait3A_133 = arith.constant 0 : i32
      %dma_wait3A_134 = tpu.memref_slice %arg3[%add3A, %dma_wait3A_132, %dma_wait3A_133] : memref<32x4x128xi32, #tpu.memory_space<hbm>> -> memref<1x4x128xi32, #tpu.memory_space<hbm>>
      %dma_wait3A_135 = tpu.memref_squeeze %dma_wait3A_134 : memref<1x4x128xi32, #tpu.memory_space<hbm>> -> memref<4x128xi32, #tpu.memory_space<hbm>>
      %dma_wait3A_136 = arith.constant 0 : i32
      %dma_wait3A_137 = arith.constant 0 : i32
      %dma_wait3A_138 = tpu.memref_slice %arg3[%add3A, %dma_wait3A_136, %dma_wait3A_137] : memref<32x4x128xi32, #tpu.memory_space<hbm>> -> memref<1x4x128xi32, #tpu.memory_space<hbm>>
      %dma_wait3A_139 = tpu.memref_squeeze %dma_wait3A_138 : memref<1x4x128xi32, #tpu.memory_space<hbm>> -> memref<4x128xi32, #tpu.memory_space<hbm>>
      tpu.wait_dma2 semaphore(%run_scoped3A_123 : memref<!tpu.dma_semaphore, #tpu.memory_space<semaphore_mem>>) src(%dma_wait3A_139 : memref<4x128xi32, #tpu.memory_space<hbm>>) dst(%arg6 : memref<4x128xi32, #tpu.memory_space<vmem>>)
      tpu.yield
    }) : () -> ()
    %add3A_5 = arith.constant 0 : i32
    %add3A_6 = arith.addi %mul3A_2, %add3A_5 : i32
    %dma_start3A = arith.constant 0 : i32
    %dma_start3A_7 = arith.constant 0 : i32
    %dma_start3A_8 = arith.constant 0 : i32
    %dma_start3A_9 = tpu.memref_slice %arg7[%dma_start3A, %dma_start3A_7, %dma_start3A_8] : memref<4x128x128xf32, #tpu.memory_space<vmem>> -> memref<1x128x128xf32, #tpu.memory_space<vmem>>
    %dma_start3A_10 = tpu.memref_squeeze %dma_start3A_9 : memref<1x128x128xf32, #tpu.memory_space<vmem>> -> memref<128x128xf32, #tpu.memory_space<vmem>>
    %dma_start3A_11 = arith.constant 0 : i32
    %dma_start3A_12 = tpu.memref_slice %arg2[%add3A_6, %dma_start3A_11] : memref<16384x128xf32, #tpu.memory_space<hbm>> -> memref<128x128xf32, #tpu.memory_space<hbm>>
    %dma_start3A_13 = arith.constant 0 : i32
    %dma_start3A_14 = arith.constant 0 : i32
    %dma_start3A_15 = tpu.memref_slice %arg7[%dma_start3A, %dma_start3A_13, %dma_start3A_14] : memref<4x128x128xf32, #tpu.memory_space<vmem>> -> memref<1x128x128xf32, #tpu.memory_space<vmem>>
    %dma_start3A_16 = tpu.memref_squeeze %dma_start3A_15 : memref<1x128x128xf32, #tpu.memory_space<vmem>> -> memref<128x128xf32, #tpu.memory_space<vmem>>
    %dma_start3A_17 = arith.constant 0 : i32
    %dma_start3A_18 = tpu.memref_slice %arg2[%add3A_6, %dma_start3A_17] : memref<16384x128xf32, #tpu.memory_space<hbm>> -> memref<128x128xf32, #tpu.memory_space<hbm>>
    tpu.enqueue_dma source(%dma_start3A_18 : memref<128x128xf32, #tpu.memory_space<hbm>>) target(%dma_start3A_16 : memref<128x128xf32, #tpu.memory_space<vmem>>) target_semaphore(%arg9 : memref<!tpu.dma_semaphore, #tpu.memory_space<semaphore_mem>>)
    %add3A_19 = arith.constant 128 : i32
    %add3A_20 = arith.addi %mul3A_2, %add3A_19 : i32
    %dma_start3A_21 = arith.constant 1 : i32
    %dma_start3A_22 = arith.constant 0 : i32
    %dma_start3A_23 = arith.constant 0 : i32
    %dma_start3A_24 = tpu.memref_slice %arg7[%dma_start3A_21, %dma_start3A_22, %dma_start3A_23] : memref<4x128x128xf32, #tpu.memory_space<vmem>> -> memref<1x128x128xf32, #tpu.memory_space<vmem>>
    %dma_start3A_25 = tpu.memref_squeeze %dma_start3A_24 : memref<1x128x128xf32, #tpu.memory_space<vmem>> -> memref<128x128xf32, #tpu.memory_space<vmem>>
    %dma_start3A_26 = arith.constant 0 : i32
    %dma_start3A_27 = tpu.memref_slice %arg2[%add3A_20, %dma_start3A_26] : memref<16384x128xf32, #tpu.memory_space<hbm>> -> memref<128x128xf32, #tpu.memory_space<hbm>>
    %dma_start3A_28 = arith.constant 0 : i32
    %dma_start3A_29 = arith.constant 0 : i32
    %dma_start3A_30 = tpu.memref_slice %arg7[%dma_start3A_21, %dma_start3A_28, %dma_start3A_29] : memref<4x128x128xf32, #tpu.memory_space<vmem>> -> memref<1x128x128xf32, #tpu.memory_space<vmem>>
    %dma_start3A_31 = tpu.memref_squeeze %dma_start3A_30 : memref<1x128x128xf32, #tpu.memory_space<vmem>> -> memref<128x128xf32, #tpu.memory_space<vmem>>
    %dma_start3A_32 = arith.constant 0 : i32
    %dma_start3A_33 = tpu.memref_slice %arg2[%add3A_20, %dma_start3A_32] : memref<16384x128xf32, #tpu.memory_space<hbm>> -> memref<128x128xf32, #tpu.memory_space<hbm>>
    tpu.enqueue_dma source(%dma_start3A_33 : memref<128x128xf32, #tpu.memory_space<hbm>>) target(%dma_start3A_31 : memref<128x128xf32, #tpu.memory_space<vmem>>) target_semaphore(%arg9 : memref<!tpu.dma_semaphore, #tpu.memory_space<semaphore_mem>>)
    %add3A_34 = arith.constant 256 : i32
    %add3A_35 = arith.addi %mul3A_2, %add3A_34 : i32
    %dma_start3A_36 = arith.constant 2 : i32
    %dma_start3A_37 = arith.constant 0 : i32
    %dma_start3A_38 = arith.constant 0 : i32
    %dma_start3A_39 = tpu.memref_slice %arg7[%dma_start3A_36, %dma_start3A_37, %dma_start3A_38] : memref<4x128x128xf32, #tpu.memory_space<vmem>> -> memref<1x128x128xf32, #tpu.memory_space<vmem>>
    %dma_start3A_40 = tpu.memref_squeeze %dma_start3A_39 : memref<1x128x128xf32, #tpu.memory_space<vmem>> -> memref<128x128xf32, #tpu.memory_space<vmem>>
    %dma_start3A_41 = arith.constant 0 : i32
    %dma_start3A_42 = tpu.memref_slice %arg2[%add3A_35, %dma_start3A_41] : memref<16384x128xf32, #tpu.memory_space<hbm>> -> memref<128x128xf32, #tpu.memory_space<hbm>>
    %dma_start3A_43 = arith.constant 0 : i32
    %dma_start3A_44 = arith.constant 0 : i32
    %dma_start3A_45 = tpu.memref_slice %arg7[%dma_start3A_36, %dma_start3A_43, %dma_start3A_44] : memref<4x128x128xf32, #tpu.memory_space<vmem>> -> memref<1x128x128xf32, #tpu.memory_space<vmem>>
    %dma_start3A_46 = tpu.memref_squeeze %dma_start3A_45 : memref<1x128x128xf32, #tpu.memory_space<vmem>> -> memref<128x128xf32, #tpu.memory_space<vmem>>
    %dma_start3A_47 = arith.constant 0 : i32
    %dma_start3A_48 = tpu.memref_slice %arg2[%add3A_35, %dma_start3A_47] : memref<16384x128xf32, #tpu.memory_space<hbm>> -> memref<128x128xf32, #tpu.memory_space<hbm>>
    tpu.enqueue_dma source(%dma_start3A_48 : memref<128x128xf32, #tpu.memory_space<hbm>>) target(%dma_start3A_46 : memref<128x128xf32, #tpu.memory_space<vmem>>) target_semaphore(%arg9 : memref<!tpu.dma_semaphore, #tpu.memory_space<semaphore_mem>>)
    %add3A_49 = arith.constant 384 : i32
    %add3A_50 = arith.addi %mul3A_2, %add3A_49 : i32
    %dma_start3A_51 = arith.constant 3 : i32
    %dma_start3A_52 = arith.constant 0 : i32
    %dma_start3A_53 = arith.constant 0 : i32
    %dma_start3A_54 = tpu.memref_slice %arg7[%dma_start3A_51, %dma_start3A_52, %dma_start3A_53] : memref<4x128x128xf32, #tpu.memory_space<vmem>> -> memref<1x128x128xf32, #tpu.memory_space<vmem>>
    %dma_start3A_55 = tpu.memref_squeeze %dma_start3A_54 : memref<1x128x128xf32, #tpu.memory_space<vmem>> -> memref<128x128xf32, #tpu.memory_space<vmem>>
    %dma_start3A_56 = arith.constant 0 : i32
    %dma_start3A_57 = tpu.memref_slice %arg2[%add3A_50, %dma_start3A_56] : memref<16384x128xf32, #tpu.memory_space<hbm>> -> memref<128x128xf32, #tpu.memory_space<hbm>>
    %dma_start3A_58 = arith.constant 0 : i32
    %dma_start3A_59 = arith.constant 0 : i32
    %dma_start3A_60 = tpu.memref_slice %arg7[%dma_start3A_51, %dma_start3A_58, %dma_start3A_59] : memref<4x128x128xf32, #tpu.memory_space<vmem>> -> memref<1x128x128xf32, #tpu.memory_space<vmem>>
    %dma_start3A_61 = tpu.memref_squeeze %dma_start3A_60 : memref<1x128x128xf32, #tpu.memory_space<vmem>> -> memref<128x128xf32, #tpu.memory_space<vmem>>
    %dma_start3A_62 = arith.constant 0 : i32
    %dma_start3A_63 = tpu.memref_slice %arg2[%add3A_50, %dma_start3A_62] : memref<16384x128xf32, #tpu.memory_space<hbm>> -> memref<128x128xf32, #tpu.memory_space<hbm>>
    tpu.enqueue_dma source(%dma_start3A_63 : memref<128x128xf32, #tpu.memory_space<hbm>>) target(%dma_start3A_61 : memref<128x128xf32, #tpu.memory_space<vmem>>) target_semaphore(%arg9 : memref<!tpu.dma_semaphore, #tpu.memory_space<semaphore_mem>>)
    "tpu.region"() ({
      %run_scoped3A_123 = tpu.sem_alloc : memref<!tpu.dma_semaphore, #tpu.memory_space<semaphore_mem>>
      %dma_start3A_124 = arith.constant 0 : i32
      %dma_start3A_125 = tpu.memref_slice %arg8[%mul3A_4, %dma_start3A_124] : memref<2048x128xf32, #tpu.memory_space<vmem_shared>> -> memref<128x128xf32, #tpu.memory_space<vmem_shared>>
      %dma_start3A_126 = arith.constant 0 : i32
      %dma_start3A_127 = tpu.memref_slice %arg4[%mul3A_4, %dma_start3A_126] : memref<2048x128xf32, #tpu.memory_space<hbm>> -> memref<128x128xf32, #tpu.memory_space<hbm>>
      tpu.enqueue_dma source(%dma_start3A_127 : memref<128x128xf32, #tpu.memory_space<hbm>>) target(%dma_start3A_125 : memref<128x128xf32, #tpu.memory_space<vmem_shared>>) target_semaphore(%run_scoped3A_123 : memref<!tpu.dma_semaphore, #tpu.memory_space<semaphore_mem>>)
      %dma_wait3A_128 = arith.constant 0 : i32
      %dma_wait3A_129 = tpu.memref_slice %arg8[%mul3A_4, %dma_wait3A_128] : memref<2048x128xf32, #tpu.memory_space<vmem_shared>> -> memref<128x128xf32, #tpu.memory_space<vmem_shared>>
      %dma_wait3A_130 = arith.constant 0 : i32
      %dma_wait3A_131 = tpu.memref_slice %arg4[%mul3A_4, %dma_wait3A_130] : memref<2048x128xf32, #tpu.memory_space<hbm>> -> memref<128x128xf32, #tpu.memory_space<hbm>>
      tpu.wait_dma2 semaphore(%run_scoped3A_123 : memref<!tpu.dma_semaphore, #tpu.memory_space<semaphore_mem>>) src(%dma_wait3A_131 : memref<128x128xf32, #tpu.memory_space<hbm>>) dst(%dma_wait3A_129 : memref<128x128xf32, #tpu.memory_space<vmem_shared>>)
      tpu.yield
    }) : () -> ()
    %barrier3A = arith.constant 0 : index
    tpu.barrier barrier_id(%barrier3A)
    %dma_wait3A = arith.constant 0 : i32
    %dma_wait3A_64 = arith.constant 0 : i32
    %dma_wait3A_65 = arith.constant 0 : i32
    %dma_wait3A_66 = tpu.memref_slice %arg7[%dma_wait3A, %dma_wait3A_64, %dma_wait3A_65] : memref<4x128x128xf32, #tpu.memory_space<vmem>> -> memref<1x128x128xf32, #tpu.memory_space<vmem>>
    %dma_wait3A_67 = tpu.memref_squeeze %dma_wait3A_66 : memref<1x128x128xf32, #tpu.memory_space<vmem>> -> memref<128x128xf32, #tpu.memory_space<vmem>>
    %dma_wait3A_68 = arith.constant 0 : i32
    %dma_wait3A_69 = tpu.memref_slice %arg2[%add3A_6, %dma_wait3A_68] : memref<16384x128xf32, #tpu.memory_space<hbm>> -> memref<128x128xf32, #tpu.memory_space<hbm>>
    %dma_wait3A_70 = arith.constant 0 : i32
    %dma_wait3A_71 = arith.constant 0 : i32
    %dma_wait3A_72 = tpu.memref_slice %arg7[%dma_wait3A, %dma_wait3A_70, %dma_wait3A_71] : memref<4x128x128xf32, #tpu.memory_space<vmem>> -> memref<1x128x128xf32, #tpu.memory_space<vmem>>
    %dma_wait3A_73 = tpu.memref_squeeze %dma_wait3A_72 : memref<1x128x128xf32, #tpu.memory_space<vmem>> -> memref<128x128xf32, #tpu.memory_space<vmem>>
    %dma_wait3A_74 = arith.constant 0 : i32
    %dma_wait3A_75 = tpu.memref_slice %arg2[%add3A_6, %dma_wait3A_74] : memref<16384x128xf32, #tpu.memory_space<hbm>> -> memref<128x128xf32, #tpu.memory_space<hbm>>
    tpu.wait_dma2 semaphore(%arg9 : memref<!tpu.dma_semaphore, #tpu.memory_space<semaphore_mem>>) src(%dma_wait3A_75 : memref<128x128xf32, #tpu.memory_space<hbm>>) dst(%dma_wait3A_73 : memref<128x128xf32, #tpu.memory_space<vmem>>)
    %run_scoped3A = arith.constant 0 : i32
    %run_scoped3A_76 = arith.constant 0 : i32
    "tpu.region"() ({
      %run_scoped3A_123 = tpu.sem_alloc : memref<!tpu.dma_semaphore, #tpu.memory_space<semaphore_mem>>
      %dma_start3A_124 = arith.constant 0 : i32
      %dma_start3A_125 = arith.constant 0 : i32
      %dma_start3A_126 = tpu.memref_slice %arg7[%run_scoped3A, %dma_start3A_124, %dma_start3A_125] : memref<4x128x128xf32, #tpu.memory_space<vmem>> -> memref<1x128x128xf32, #tpu.memory_space<vmem>>
      %dma_start3A_127 = tpu.memref_squeeze %dma_start3A_126 : memref<1x128x128xf32, #tpu.memory_space<vmem>> -> memref<128x128xf32, #tpu.memory_space<vmem>>
      %dma_start3A_128 = arith.constant 0 : i32
      %dma_start3A_129 = tpu.memref_slice %arg6[%run_scoped3A_76, %dma_start3A_128] : memref<4x128xi32, #tpu.memory_space<vmem>> -> memref<1x128xi32, #tpu.memory_space<vmem>>
      %dma_start3A_130 = tpu.memref_squeeze %dma_start3A_129 : memref<1x128xi32, #tpu.memory_space<vmem>> -> memref<128xi32, #tpu.memory_space<vmem>>
      %dma_start3A_131 = arith.constant 0 : i32
      %dma_start3A_132 = arith.constant 0 : i32
      %dma_start3A_133 = tpu.memref_slice %arg8[%dma_start3A_131, %dma_start3A_132] : memref<2048x128xf32, #tpu.memory_space<vmem_shared>> -> memref<2048x128xf32, #tpu.memory_space<vmem_shared>>
      tpu.enqueue_indirect_dma source(%dma_start3A_127 : memref<128x128xf32, #tpu.memory_space<vmem>>) target(%dma_start3A_133 : memref<2048x128xf32, #tpu.memory_space<vmem_shared>>) offsets(%dma_start3A_130 : memref<128xi32, #tpu.memory_space<vmem>>) semaphore(%run_scoped3A_123 : memref<!tpu.dma_semaphore, #tpu.memory_space<semaphore_mem>>) {add = true}
      %dma_wait3A_134 = arith.constant 0 : i32
      %dma_wait3A_135 = arith.constant 0 : i32
      %dma_wait3A_136 = tpu.memref_slice %arg7[%run_scoped3A, %dma_wait3A_134, %dma_wait3A_135] : memref<4x128x128xf32, #tpu.memory_space<vmem>> -> memref<1x128x128xf32, #tpu.memory_space<vmem>>
      %dma_wait3A_137 = tpu.memref_squeeze %dma_wait3A_136 : memref<1x128x128xf32, #tpu.memory_space<vmem>> -> memref<128x128xf32, #tpu.memory_space<vmem>>
      %dma_wait3A_138 = arith.constant 0 : i32
      %dma_wait3A_139 = tpu.memref_slice %arg6[%run_scoped3A_76, %dma_wait3A_138] : memref<4x128xi32, #tpu.memory_space<vmem>> -> memref<1x128xi32, #tpu.memory_space<vmem>>
      %dma_wait3A_140 = tpu.memref_squeeze %dma_wait3A_139 : memref<1x128xi32, #tpu.memory_space<vmem>> -> memref<128xi32, #tpu.memory_space<vmem>>
      %dma_wait3A_141 = arith.constant 0 : i32
      %dma_wait3A_142 = arith.constant 0 : i32
      %dma_wait3A_143 = tpu.memref_slice %arg8[%dma_wait3A_141, %dma_wait3A_142] : memref<2048x128xf32, #tpu.memory_space<vmem_shared>> -> memref<2048x128xf32, #tpu.memory_space<vmem_shared>>
      tpu.wait_indirect_dma semaphore(%run_scoped3A_123 : memref<!tpu.dma_semaphore, #tpu.memory_space<semaphore_mem>>) src(%dma_wait3A_137 : memref<128x128xf32, #tpu.memory_space<vmem>>) dst(%dma_wait3A_143 : memref<2048x128xf32, #tpu.memory_space<vmem_shared>>)
      tpu.yield
    }) : () -> ()
    %dma_wait3A_77 = arith.constant 1 : i32
    %dma_wait3A_78 = arith.constant 0 : i32
    %dma_wait3A_79 = arith.constant 0 : i32
    %dma_wait3A_80 = tpu.memref_slice %arg7[%dma_wait3A_77, %dma_wait3A_78, %dma_wait3A_79] : memref<4x128x128xf32, #tpu.memory_space<vmem>> -> memref<1x128x128xf32, #tpu.memory_space<vmem>>
    %dma_wait3A_81 = tpu.memref_squeeze %dma_wait3A_80 : memref<1x128x128xf32, #tpu.memory_space<vmem>> -> memref<128x128xf32, #tpu.memory_space<vmem>>
    %dma_wait3A_82 = arith.constant 0 : i32
    %dma_wait3A_83 = tpu.memref_slice %arg2[%add3A_20, %dma_wait3A_82] : memref<16384x128xf32, #tpu.memory_space<hbm>> -> memref<128x128xf32, #tpu.memory_space<hbm>>
    %dma_wait3A_84 = arith.constant 0 : i32
    %dma_wait3A_85 = arith.constant 0 : i32
    %dma_wait3A_86 = tpu.memref_slice %arg7[%dma_wait3A_77, %dma_wait3A_84, %dma_wait3A_85] : memref<4x128x128xf32, #tpu.memory_space<vmem>> -> memref<1x128x128xf32, #tpu.memory_space<vmem>>
    %dma_wait3A_87 = tpu.memref_squeeze %dma_wait3A_86 : memref<1x128x128xf32, #tpu.memory_space<vmem>> -> memref<128x128xf32, #tpu.memory_space<vmem>>
    %dma_wait3A_88 = arith.constant 0 : i32
    %dma_wait3A_89 = tpu.memref_slice %arg2[%add3A_20, %dma_wait3A_88] : memref<16384x128xf32, #tpu.memory_space<hbm>> -> memref<128x128xf32, #tpu.memory_space<hbm>>
    tpu.wait_dma2 semaphore(%arg9 : memref<!tpu.dma_semaphore, #tpu.memory_space<semaphore_mem>>) src(%dma_wait3A_89 : memref<128x128xf32, #tpu.memory_space<hbm>>) dst(%dma_wait3A_87 : memref<128x128xf32, #tpu.memory_space<vmem>>)
    %run_scoped3A_90 = arith.constant 1 : i32
    %run_scoped3A_91 = arith.constant 1 : i32
    "tpu.region"() ({
      %run_scoped3A_123 = tpu.sem_alloc : memref<!tpu.dma_semaphore, #tpu.memory_space<semaphore_mem>>
      %dma_start3A_124 = arith.constant 0 : i32
      %dma_start3A_125 = arith.constant 0 : i32
      %dma_start3A_126 = tpu.memref_slice %arg7[%run_scoped3A_90, %dma_start3A_124, %dma_start3A_125] : memref<4x128x128xf32, #tpu.memory_space<vmem>> -> memref<1x128x128xf32, #tpu.memory_space<vmem>>
      %dma_start3A_127 = tpu.memref_squeeze %dma_start3A_126 : memref<1x128x128xf32, #tpu.memory_space<vmem>> -> memref<128x128xf32, #tpu.memory_space<vmem>>
      %dma_start3A_128 = arith.constant 0 : i32
      %dma_start3A_129 = tpu.memref_slice %arg6[%run_scoped3A_91, %dma_start3A_128] : memref<4x128xi32, #tpu.memory_space<vmem>> -> memref<1x128xi32, #tpu.memory_space<vmem>>
      %dma_start3A_130 = tpu.memref_squeeze %dma_start3A_129 : memref<1x128xi32, #tpu.memory_space<vmem>> -> memref<128xi32, #tpu.memory_space<vmem>>
      %dma_start3A_131 = arith.constant 0 : i32
      %dma_start3A_132 = arith.constant 0 : i32
      %dma_start3A_133 = tpu.memref_slice %arg8[%dma_start3A_131, %dma_start3A_132] : memref<2048x128xf32, #tpu.memory_space<vmem_shared>> -> memref<2048x128xf32, #tpu.memory_space<vmem_shared>>
      tpu.enqueue_indirect_dma source(%dma_start3A_127 : memref<128x128xf32, #tpu.memory_space<vmem>>) target(%dma_start3A_133 : memref<2048x128xf32, #tpu.memory_space<vmem_shared>>) offsets(%dma_start3A_130 : memref<128xi32, #tpu.memory_space<vmem>>) semaphore(%run_scoped3A_123 : memref<!tpu.dma_semaphore, #tpu.memory_space<semaphore_mem>>) {add = true}
      %dma_wait3A_134 = arith.constant 0 : i32
      %dma_wait3A_135 = arith.constant 0 : i32
      %dma_wait3A_136 = tpu.memref_slice %arg7[%run_scoped3A_90, %dma_wait3A_134, %dma_wait3A_135] : memref<4x128x128xf32, #tpu.memory_space<vmem>> -> memref<1x128x128xf32, #tpu.memory_space<vmem>>
      %dma_wait3A_137 = tpu.memref_squeeze %dma_wait3A_136 : memref<1x128x128xf32, #tpu.memory_space<vmem>> -> memref<128x128xf32, #tpu.memory_space<vmem>>
      %dma_wait3A_138 = arith.constant 0 : i32
      %dma_wait3A_139 = tpu.memref_slice %arg6[%run_scoped3A_91, %dma_wait3A_138] : memref<4x128xi32, #tpu.memory_space<vmem>> -> memref<1x128xi32, #tpu.memory_space<vmem>>
      %dma_wait3A_140 = tpu.memref_squeeze %dma_wait3A_139 : memref<1x128xi32, #tpu.memory_space<vmem>> -> memref<128xi32, #tpu.memory_space<vmem>>
      %dma_wait3A_141 = arith.constant 0 : i32
      %dma_wait3A_142 = arith.constant 0 : i32
      %dma_wait3A_143 = tpu.memref_slice %arg8[%dma_wait3A_141, %dma_wait3A_142] : memref<2048x128xf32, #tpu.memory_space<vmem_shared>> -> memref<2048x128xf32, #tpu.memory_space<vmem_shared>>
      tpu.wait_indirect_dma semaphore(%run_scoped3A_123 : memref<!tpu.dma_semaphore, #tpu.memory_space<semaphore_mem>>) src(%dma_wait3A_137 : memref<128x128xf32, #tpu.memory_space<vmem>>) dst(%dma_wait3A_143 : memref<2048x128xf32, #tpu.memory_space<vmem_shared>>)
      tpu.yield
    }) : () -> ()
    %dma_wait3A_92 = arith.constant 2 : i32
    %dma_wait3A_93 = arith.constant 0 : i32
    %dma_wait3A_94 = arith.constant 0 : i32
    %dma_wait3A_95 = tpu.memref_slice %arg7[%dma_wait3A_92, %dma_wait3A_93, %dma_wait3A_94] : memref<4x128x128xf32, #tpu.memory_space<vmem>> -> memref<1x128x128xf32, #tpu.memory_space<vmem>>
    %dma_wait3A_96 = tpu.memref_squeeze %dma_wait3A_95 : memref<1x128x128xf32, #tpu.memory_space<vmem>> -> memref<128x128xf32, #tpu.memory_space<vmem>>
    %dma_wait3A_97 = arith.constant 0 : i32
    %dma_wait3A_98 = tpu.memref_slice %arg2[%add3A_35, %dma_wait3A_97] : memref<16384x128xf32, #tpu.memory_space<hbm>> -> memref<128x128xf32, #tpu.memory_space<hbm>>
    %dma_wait3A_99 = arith.constant 0 : i32
    %dma_wait3A_100 = arith.constant 0 : i32
    %dma_wait3A_101 = tpu.memref_slice %arg7[%dma_wait3A_92, %dma_wait3A_99, %dma_wait3A_100] : memref<4x128x128xf32, #tpu.memory_space<vmem>> -> memref<1x128x128xf32, #tpu.memory_space<vmem>>
    %dma_wait3A_102 = tpu.memref_squeeze %dma_wait3A_101 : memref<1x128x128xf32, #tpu.memory_space<vmem>> -> memref<128x128xf32, #tpu.memory_space<vmem>>
    %dma_wait3A_103 = arith.constant 0 : i32
    %dma_wait3A_104 = tpu.memref_slice %arg2[%add3A_35, %dma_wait3A_103] : memref<16384x128xf32, #tpu.memory_space<hbm>> -> memref<128x128xf32, #tpu.memory_space<hbm>>
    tpu.wait_dma2 semaphore(%arg9 : memref<!tpu.dma_semaphore, #tpu.memory_space<semaphore_mem>>) src(%dma_wait3A_104 : memref<128x128xf32, #tpu.memory_space<hbm>>) dst(%dma_wait3A_102 : memref<128x128xf32, #tpu.memory_space<vmem>>)
    %run_scoped3A_105 = arith.constant 2 : i32
    %run_scoped3A_106 = arith.constant 2 : i32
    "tpu.region"() ({
      %run_scoped3A_123 = tpu.sem_alloc : memref<!tpu.dma_semaphore, #tpu.memory_space<semaphore_mem>>
      %dma_start3A_124 = arith.constant 0 : i32
      %dma_start3A_125 = arith.constant 0 : i32
      %dma_start3A_126 = tpu.memref_slice %arg7[%run_scoped3A_105, %dma_start3A_124, %dma_start3A_125] : memref<4x128x128xf32, #tpu.memory_space<vmem>> -> memref<1x128x128xf32, #tpu.memory_space<vmem>>
      %dma_start3A_127 = tpu.memref_squeeze %dma_start3A_126 : memref<1x128x128xf32, #tpu.memory_space<vmem>> -> memref<128x128xf32, #tpu.memory_space<vmem>>
      %dma_start3A_128 = arith.constant 0 : i32
      %dma_start3A_129 = tpu.memref_slice %arg6[%run_scoped3A_106, %dma_start3A_128] : memref<4x128xi32, #tpu.memory_space<vmem>> -> memref<1x128xi32, #tpu.memory_space<vmem>>
      %dma_start3A_130 = tpu.memref_squeeze %dma_start3A_129 : memref<1x128xi32, #tpu.memory_space<vmem>> -> memref<128xi32, #tpu.memory_space<vmem>>
      %dma_start3A_131 = arith.constant 0 : i32
      %dma_start3A_132 = arith.constant 0 : i32
      %dma_start3A_133 = tpu.memref_slice %arg8[%dma_start3A_131, %dma_start3A_132] : memref<2048x128xf32, #tpu.memory_space<vmem_shared>> -> memref<2048x128xf32, #tpu.memory_space<vmem_shared>>
      tpu.enqueue_indirect_dma source(%dma_start3A_127 : memref<128x128xf32, #tpu.memory_space<vmem>>) target(%dma_start3A_133 : memref<2048x128xf32, #tpu.memory_space<vmem_shared>>) offsets(%dma_start3A_130 : memref<128xi32, #tpu.memory_space<vmem>>) semaphore(%run_scoped3A_123 : memref<!tpu.dma_semaphore, #tpu.memory_space<semaphore_mem>>) {add = true}
      %dma_wait3A_134 = arith.constant 0 : i32
      %dma_wait3A_135 = arith.constant 0 : i32
      %dma_wait3A_136 = tpu.memref_slice %arg7[%run_scoped3A_105, %dma_wait3A_134, %dma_wait3A_135] : memref<4x128x128xf32, #tpu.memory_space<vmem>> -> memref<1x128x128xf32, #tpu.memory_space<vmem>>
      %dma_wait3A_137 = tpu.memref_squeeze %dma_wait3A_136 : memref<1x128x128xf32, #tpu.memory_space<vmem>> -> memref<128x128xf32, #tpu.memory_space<vmem>>
      %dma_wait3A_138 = arith.constant 0 : i32
      %dma_wait3A_139 = tpu.memref_slice %arg6[%run_scoped3A_106, %dma_wait3A_138] : memref<4x128xi32, #tpu.memory_space<vmem>> -> memref<1x128xi32, #tpu.memory_space<vmem>>
      %dma_wait3A_140 = tpu.memref_squeeze %dma_wait3A_139 : memref<1x128xi32, #tpu.memory_space<vmem>> -> memref<128xi32, #tpu.memory_space<vmem>>
      %dma_wait3A_141 = arith.constant 0 : i32
      %dma_wait3A_142 = arith.constant 0 : i32
      %dma_wait3A_143 = tpu.memref_slice %arg8[%dma_wait3A_141, %dma_wait3A_142] : memref<2048x128xf32, #tpu.memory_space<vmem_shared>> -> memref<2048x128xf32, #tpu.memory_space<vmem_shared>>
      tpu.wait_indirect_dma semaphore(%run_scoped3A_123 : memref<!tpu.dma_semaphore, #tpu.memory_space<semaphore_mem>>) src(%dma_wait3A_137 : memref<128x128xf32, #tpu.memory_space<vmem>>) dst(%dma_wait3A_143 : memref<2048x128xf32, #tpu.memory_space<vmem_shared>>)
      tpu.yield
    }) : () -> ()
    %dma_wait3A_107 = arith.constant 3 : i32
    %dma_wait3A_108 = arith.constant 0 : i32
    %dma_wait3A_109 = arith.constant 0 : i32
    %dma_wait3A_110 = tpu.memref_slice %arg7[%dma_wait3A_107, %dma_wait3A_108, %dma_wait3A_109] : memref<4x128x128xf32, #tpu.memory_space<vmem>> -> memref<1x128x128xf32, #tpu.memory_space<vmem>>
    %dma_wait3A_111 = tpu.memref_squeeze %dma_wait3A_110 : memref<1x128x128xf32, #tpu.memory_space<vmem>> -> memref<128x128xf32, #tpu.memory_space<vmem>>
    %dma_wait3A_112 = arith.constant 0 : i32
    %dma_wait3A_113 = tpu.memref_slice %arg2[%add3A_50, %dma_wait3A_112] : memref<16384x128xf32, #tpu.memory_space<hbm>> -> memref<128x128xf32, #tpu.memory_space<hbm>>
    %dma_wait3A_114 = arith.constant 0 : i32
    %dma_wait3A_115 = arith.constant 0 : i32
    %dma_wait3A_116 = tpu.memref_slice %arg7[%dma_wait3A_107, %dma_wait3A_114, %dma_wait3A_115] : memref<4x128x128xf32, #tpu.memory_space<vmem>> -> memref<1x128x128xf32, #tpu.memory_space<vmem>>
    %dma_wait3A_117 = tpu.memref_squeeze %dma_wait3A_116 : memref<1x128x128xf32, #tpu.memory_space<vmem>> -> memref<128x128xf32, #tpu.memory_space<vmem>>
    %dma_wait3A_118 = arith.constant 0 : i32
    %dma_wait3A_119 = tpu.memref_slice %arg2[%add3A_50, %dma_wait3A_118] : memref<16384x128xf32, #tpu.memory_space<hbm>> -> memref<128x128xf32, #tpu.memory_space<hbm>>
    tpu.wait_dma2 semaphore(%arg9 : memref<!tpu.dma_semaphore, #tpu.memory_space<semaphore_mem>>) src(%dma_wait3A_119 : memref<128x128xf32, #tpu.memory_space<hbm>>) dst(%dma_wait3A_117 : memref<128x128xf32, #tpu.memory_space<vmem>>)
    %run_scoped3A_120 = arith.constant 3 : i32
    %run_scoped3A_121 = arith.constant 3 : i32
    "tpu.region"() ({
      %run_scoped3A_123 = tpu.sem_alloc : memref<!tpu.dma_semaphore, #tpu.memory_space<semaphore_mem>>
      %dma_start3A_124 = arith.constant 0 : i32
      %dma_start3A_125 = arith.constant 0 : i32
      %dma_start3A_126 = tpu.memref_slice %arg7[%run_scoped3A_120, %dma_start3A_124, %dma_start3A_125] : memref<4x128x128xf32, #tpu.memory_space<vmem>> -> memref<1x128x128xf32, #tpu.memory_space<vmem>>
      %dma_start3A_127 = tpu.memref_squeeze %dma_start3A_126 : memref<1x128x128xf32, #tpu.memory_space<vmem>> -> memref<128x128xf32, #tpu.memory_space<vmem>>
      %dma_start3A_128 = arith.constant 0 : i32
      %dma_start3A_129 = tpu.memref_slice %arg6[%run_scoped3A_121, %dma_start3A_128] : memref<4x128xi32, #tpu.memory_space<vmem>> -> memref<1x128xi32, #tpu.memory_space<vmem>>
      %dma_start3A_130 = tpu.memref_squeeze %dma_start3A_129 : memref<1x128xi32, #tpu.memory_space<vmem>> -> memref<128xi32, #tpu.memory_space<vmem>>
      %dma_start3A_131 = arith.constant 0 : i32
      %dma_start3A_132 = arith.constant 0 : i32
      %dma_start3A_133 = tpu.memref_slice %arg8[%dma_start3A_131, %dma_start3A_132] : memref<2048x128xf32, #tpu.memory_space<vmem_shared>> -> memref<2048x128xf32, #tpu.memory_space<vmem_shared>>
      tpu.enqueue_indirect_dma source(%dma_start3A_127 : memref<128x128xf32, #tpu.memory_space<vmem>>) target(%dma_start3A_133 : memref<2048x128xf32, #tpu.memory_space<vmem_shared>>) offsets(%dma_start3A_130 : memref<128xi32, #tpu.memory_space<vmem>>) semaphore(%run_scoped3A_123 : memref<!tpu.dma_semaphore, #tpu.memory_space<semaphore_mem>>) {add = true}
      %dma_wait3A_134 = arith.constant 0 : i32
      %dma_wait3A_135 = arith.constant 0 : i32
      %dma_wait3A_136 = tpu.memref_slice %arg7[%run_scoped3A_120, %dma_wait3A_134, %dma_wait3A_135] : memref<4x128x128xf32, #tpu.memory_space<vmem>> -> memref<1x128x128xf32, #tpu.memory_space<vmem>>
      %dma_wait3A_137 = tpu.memref_squeeze %dma_wait3A_136 : memref<1x128x128xf32, #tpu.memory_space<vmem>> -> memref<128x128xf32, #tpu.memory_space<vmem>>
      %dma_wait3A_138 = arith.constant 0 : i32
      %dma_wait3A_139 = tpu.memref_slice %arg6[%run_scoped3A_121, %dma_wait3A_138] : memref<4x128xi32, #tpu.memory_space<vmem>> -> memref<1x128xi32, #tpu.memory_space<vmem>>
      %dma_wait3A_140 = tpu.memref_squeeze %dma_wait3A_139 : memref<1x128xi32, #tpu.memory_space<vmem>> -> memref<128xi32, #tpu.memory_space<vmem>>
      %dma_wait3A_141 = arith.constant 0 : i32
      %dma_wait3A_142 = arith.constant 0 : i32
      %dma_wait3A_143 = tpu.memref_slice %arg8[%dma_wait3A_141, %dma_wait3A_142] : memref<2048x128xf32, #tpu.memory_space<vmem_shared>> -> memref<2048x128xf32, #tpu.memory_space<vmem_shared>>
      tpu.wait_indirect_dma semaphore(%run_scoped3A_123 : memref<!tpu.dma_semaphore, #tpu.memory_space<semaphore_mem>>) src(%dma_wait3A_137 : memref<128x128xf32, #tpu.memory_space<vmem>>) dst(%dma_wait3A_143 : memref<2048x128xf32, #tpu.memory_space<vmem_shared>>)
      tpu.yield
    }) : () -> ()
    %barrier3A_122 = arith.constant 0 : index
    tpu.barrier barrier_id(%barrier3A_122)
    "tpu.region"() ({
      %run_scoped3A_123 = tpu.sem_alloc : memref<!tpu.dma_semaphore, #tpu.memory_space<semaphore_mem>>
      %dma_start3A_124 = arith.constant 0 : i32
      %dma_start3A_125 = tpu.memref_slice %arg5[%arg0, %mul3A_4, %dma_start3A_124] : memref<2x2048x128xf32, #tpu.memory_space<hbm>> -> memref<1x128x128xf32, #tpu.memory_space<hbm>>
      %dma_start3A_126 = tpu.memref_squeeze %dma_start3A_125 : memref<1x128x128xf32, #tpu.memory_space<hbm>> -> memref<128x128xf32, #tpu.memory_space<hbm>>
      %dma_start3A_127 = arith.constant 0 : i32
      %dma_start3A_128 = tpu.memref_slice %arg8[%mul3A_4, %dma_start3A_127] : memref<2048x128xf32, #tpu.memory_space<vmem_shared>> -> memref<128x128xf32, #tpu.memory_space<vmem_shared>>
      tpu.enqueue_dma source(%dma_start3A_128 : memref<128x128xf32, #tpu.memory_space<vmem_shared>>) target(%dma_start3A_126 : memref<128x128xf32, #tpu.memory_space<hbm>>) target_semaphore(%run_scoped3A_123 : memref<!tpu.dma_semaphore, #tpu.memory_space<semaphore_mem>>)
      %dma_wait3A_129 = arith.constant 0 : i32
      %dma_wait3A_130 = tpu.memref_slice %arg5[%arg0, %mul3A_4, %dma_wait3A_129] : memref<2x2048x128xf32, #tpu.memory_space<hbm>> -> memref<1x128x128xf32, #tpu.memory_space<hbm>>
      %dma_wait3A_131 = tpu.memref_squeeze %dma_wait3A_130 : memref<1x128x128xf32, #tpu.memory_space<hbm>> -> memref<128x128xf32, #tpu.memory_space<hbm>>
      %dma_wait3A_132 = arith.constant 0 : i32
      %dma_wait3A_133 = tpu.memref_slice %arg8[%mul3A_4, %dma_wait3A_132] : memref<2048x128xf32, #tpu.memory_space<vmem_shared>> -> memref<128x128xf32, #tpu.memory_space<vmem_shared>>
      tpu.wait_dma2 semaphore(%run_scoped3A_123 : memref<!tpu.dma_semaphore, #tpu.memory_space<semaphore_mem>>) src(%dma_wait3A_133 : memref<128x128xf32, #tpu.memory_space<vmem_shared>>) dst(%dma_wait3A_131 : memref<128x128xf32, #tpu.memory_space<hbm>>)
      tpu.yield
    }) : () -> ()
    return
  }
}

#map = affine_map<(d0, d1) -> (0, 0)>
#map1 = affine_map<(d0, d1) -> (0, 0, 0)>
module attributes {stable_mosaic.version = 14 : i64} {
  func.func @gather(%arg0: i32, %arg1: i32, %arg2: memref<2048x128xf32, #tpu.memory_space<hbm>>, %arg3: memref<32x4x128xi32, #tpu.memory_space<hbm>>, %arg4: memref<16384x128xf32, #tpu.memory_space<hbm>>, %arg5: memref<4x128xi32, #tpu.memory_space<vmem>>, %arg6: memref<4x128x128xf32, #tpu.memory_space<vmem>>, %arg7: memref<!tpu.dma_semaphore, #tpu.memory_space<semaphore_mem>>) attributes {dimension_semantics = [#tpu.dimension_semantics<core_parallel>, #tpu.dimension_semantics<subcore_parallel>], iteration_bounds = array<i64: 2, 16>, scalar_prefetch = 0 : i64, scratch_operands = 3 : i64, tpu.core_type = #tpu.core_type<sc_vector_subcore>, window_params = [{transform_indices = #map}, {transform_indices = #map1}, {transform_indices = #map}]} {
    %mul3A = arith.constant 2 : i32
    %mul3A_0 = arith.muli %arg1, %mul3A : i32
    %add3A = arith.addi %mul3A_0, %arg0 : i32
    %mul3A_1 = arith.constant 512 : i32
    %mul3A_2 = arith.muli %add3A, %mul3A_1 : i32
    "tpu.region"() ({
      %run_scoped3A_108 = tpu.sem_alloc : memref<!tpu.dma_semaphore, #tpu.memory_space<semaphore_mem>>
      %dma_start3A_109 = arith.constant 0 : i32
      %dma_start3A_110 = arith.constant 0 : i32
      %dma_start3A_111 = tpu.memref_slice %arg3[%add3A, %dma_start3A_109, %dma_start3A_110] : memref<32x4x128xi32, #tpu.memory_space<hbm>> -> memref<1x4x128xi32, #tpu.memory_space<hbm>>
      %dma_start3A_112 = tpu.memref_squeeze %dma_start3A_111 : memref<1x4x128xi32, #tpu.memory_space<hbm>> -> memref<4x128xi32, #tpu.memory_space<hbm>>
      %dma_start3A_113 = arith.constant 0 : i32
      %dma_start3A_114 = arith.constant 0 : i32
      %dma_start3A_115 = tpu.memref_slice %arg3[%add3A, %dma_start3A_113, %dma_start3A_114] : memref<32x4x128xi32, #tpu.memory_space<hbm>> -> memref<1x4x128xi32, #tpu.memory_space<hbm>>
      %dma_start3A_116 = tpu.memref_squeeze %dma_start3A_115 : memref<1x4x128xi32, #tpu.memory_space<hbm>> -> memref<4x128xi32, #tpu.memory_space<hbm>>
      tpu.enqueue_dma source(%dma_start3A_116 : memref<4x128xi32, #tpu.memory_space<hbm>>) target(%arg5 : memref<4x128xi32, #tpu.memory_space<vmem>>) target_semaphore(%run_scoped3A_108 : memref<!tpu.dma_semaphore, #tpu.memory_space<semaphore_mem>>)
      %dma_wait3A_117 = arith.constant 0 : i32
      %dma_wait3A_118 = arith.constant 0 : i32
      %dma_wait3A_119 = tpu.memref_slice %arg3[%add3A, %dma_wait3A_117, %dma_wait3A_118] : memref<32x4x128xi32, #tpu.memory_space<hbm>> -> memref<1x4x128xi32, #tpu.memory_space<hbm>>
      %dma_wait3A_120 = tpu.memref_squeeze %dma_wait3A_119 : memref<1x4x128xi32, #tpu.memory_space<hbm>> -> memref<4x128xi32, #tpu.memory_space<hbm>>
      %dma_wait3A_121 = arith.constant 0 : i32
      %dma_wait3A_122 = arith.constant 0 : i32
      %dma_wait3A_123 = tpu.memref_slice %arg3[%add3A, %dma_wait3A_121, %dma_wait3A_122] : memref<32x4x128xi32, #tpu.memory_space<hbm>> -> memref<1x4x128xi32, #tpu.memory_space<hbm>>
      %dma_wait3A_124 = tpu.memref_squeeze %dma_wait3A_123 : memref<1x4x128xi32, #tpu.memory_space<hbm>> -> memref<4x128xi32, #tpu.memory_space<hbm>>
      tpu.wait_dma2 semaphore(%run_scoped3A_108 : memref<!tpu.dma_semaphore, #tpu.memory_space<semaphore_mem>>) src(%dma_wait3A_124 : memref<4x128xi32, #tpu.memory_space<hbm>>) dst(%arg5 : memref<4x128xi32, #tpu.memory_space<vmem>>)
      tpu.yield
    }) : () -> ()
    %dma_start3A = arith.constant 0 : i32
    %dma_start3A_3 = arith.constant 0 : i32
    %dma_start3A_4 = arith.constant 0 : i32
    %dma_start3A_5 = arith.constant 0 : i32
    %dma_start3A_6 = tpu.memref_slice %arg6[%dma_start3A_3, %dma_start3A_4, %dma_start3A_5] : memref<4x128x128xf32, #tpu.memory_space<vmem>> -> memref<1x128x128xf32, #tpu.memory_space<vmem>>
    %dma_start3A_7 = tpu.memref_squeeze %dma_start3A_6 : memref<1x128x128xf32, #tpu.memory_space<vmem>> -> memref<128x128xf32, #tpu.memory_space<vmem>>
    %dma_start3A_8 = arith.constant 0 : i32
    %dma_start3A_9 = tpu.memref_slice %arg5[%dma_start3A, %dma_start3A_8] : memref<4x128xi32, #tpu.memory_space<vmem>> -> memref<1x128xi32, #tpu.memory_space<vmem>>
    %dma_start3A_10 = tpu.memref_squeeze %dma_start3A_9 : memref<1x128xi32, #tpu.memory_space<vmem>> -> memref<128xi32, #tpu.memory_space<vmem>>
    %dma_start3A_11 = arith.constant 0 : i32
    %dma_start3A_12 = arith.constant 0 : i32
    %dma_start3A_13 = tpu.memref_slice %arg2[%dma_start3A_11, %dma_start3A_12] : memref<2048x128xf32, #tpu.memory_space<hbm>> -> memref<2048x128xf32, #tpu.memory_space<hbm>>
    tpu.enqueue_indirect_dma source(%dma_start3A_13 : memref<2048x128xf32, #tpu.memory_space<hbm>>) target(%dma_start3A_7 : memref<128x128xf32, #tpu.memory_space<vmem>>) offsets(%dma_start3A_10 : memref<128xi32, #tpu.memory_space<vmem>>) semaphore(%arg7 : memref<!tpu.dma_semaphore, #tpu.memory_space<semaphore_mem>>)
    %dma_start3A_14 = arith.constant 1 : i32
    %dma_start3A_15 = arith.constant 1 : i32
    %dma_start3A_16 = arith.constant 0 : i32
    %dma_start3A_17 = arith.constant 0 : i32
    %dma_start3A_18 = tpu.memref_slice %arg6[%dma_start3A_15, %dma_start3A_16, %dma_start3A_17] : memref<4x128x128xf32, #tpu.memory_space<vmem>> -> memref<1x128x128xf32, #tpu.memory_space<vmem>>
    %dma_start3A_19 = tpu.memref_squeeze %dma_start3A_18 : memref<1x128x128xf32, #tpu.memory_space<vmem>> -> memref<128x128xf32, #tpu.memory_space<vmem>>
    %dma_start3A_20 = arith.constant 0 : i32
    %dma_start3A_21 = tpu.memref_slice %arg5[%dma_start3A_14, %dma_start3A_20] : memref<4x128xi32, #tpu.memory_space<vmem>> -> memref<1x128xi32, #tpu.memory_space<vmem>>
    %dma_start3A_22 = tpu.memref_squeeze %dma_start3A_21 : memref<1x128xi32, #tpu.memory_space<vmem>> -> memref<128xi32, #tpu.memory_space<vmem>>
    %dma_start3A_23 = arith.constant 0 : i32
    %dma_start3A_24 = arith.constant 0 : i32
    %dma_start3A_25 = tpu.memref_slice %arg2[%dma_start3A_23, %dma_start3A_24] : memref<2048x128xf32, #tpu.memory_space<hbm>> -> memref<2048x128xf32, #tpu.memory_space<hbm>>
    tpu.enqueue_indirect_dma source(%dma_start3A_25 : memref<2048x128xf32, #tpu.memory_space<hbm>>) target(%dma_start3A_19 : memref<128x128xf32, #tpu.memory_space<vmem>>) offsets(%dma_start3A_22 : memref<128xi32, #tpu.memory_space<vmem>>) semaphore(%arg7 : memref<!tpu.dma_semaphore, #tpu.memory_space<semaphore_mem>>)
    %dma_start3A_26 = arith.constant 2 : i32
    %dma_start3A_27 = arith.constant 2 : i32
    %dma_start3A_28 = arith.constant 0 : i32
    %dma_start3A_29 = arith.constant 0 : i32
    %dma_start3A_30 = tpu.memref_slice %arg6[%dma_start3A_27, %dma_start3A_28, %dma_start3A_29] : memref<4x128x128xf32, #tpu.memory_space<vmem>> -> memref<1x128x128xf32, #tpu.memory_space<vmem>>
    %dma_start3A_31 = tpu.memref_squeeze %dma_start3A_30 : memref<1x128x128xf32, #tpu.memory_space<vmem>> -> memref<128x128xf32, #tpu.memory_space<vmem>>
    %dma_start3A_32 = arith.constant 0 : i32
    %dma_start3A_33 = tpu.memref_slice %arg5[%dma_start3A_26, %dma_start3A_32] : memref<4x128xi32, #tpu.memory_space<vmem>> -> memref<1x128xi32, #tpu.memory_space<vmem>>
    %dma_start3A_34 = tpu.memref_squeeze %dma_start3A_33 : memref<1x128xi32, #tpu.memory_space<vmem>> -> memref<128xi32, #tpu.memory_space<vmem>>
    %dma_start3A_35 = arith.constant 0 : i32
    %dma_start3A_36 = arith.constant 0 : i32
    %dma_start3A_37 = tpu.memref_slice %arg2[%dma_start3A_35, %dma_start3A_36] : memref<2048x128xf32, #tpu.memory_space<hbm>> -> memref<2048x128xf32, #tpu.memory_space<hbm>>
    tpu.enqueue_indirect_dma source(%dma_start3A_37 : memref<2048x128xf32, #tpu.memory_space<hbm>>) target(%dma_start3A_31 : memref<128x128xf32, #tpu.memory_space<vmem>>) offsets(%dma_start3A_34 : memref<128xi32, #tpu.memory_space<vmem>>) semaphore(%arg7 : memref<!tpu.dma_semaphore, #tpu.memory_space<semaphore_mem>>)
    %dma_start3A_38 = arith.constant 3 : i32
    %dma_start3A_39 = arith.constant 3 : i32
    %dma_start3A_40 = arith.constant 0 : i32
    %dma_start3A_41 = arith.constant 0 : i32
    %dma_start3A_42 = tpu.memref_slice %arg6[%dma_start3A_39, %dma_start3A_40, %dma_start3A_41] : memref<4x128x128xf32, #tpu.memory_space<vmem>> -> memref<1x128x128xf32, #tpu.memory_space<vmem>>
    %dma_start3A_43 = tpu.memref_squeeze %dma_start3A_42 : memref<1x128x128xf32, #tpu.memory_space<vmem>> -> memref<128x128xf32, #tpu.memory_space<vmem>>
    %dma_start3A_44 = arith.constant 0 : i32
    %dma_start3A_45 = tpu.memref_slice %arg5[%dma_start3A_38, %dma_start3A_44] : memref<4x128xi32, #tpu.memory_space<vmem>> -> memref<1x128xi32, #tpu.memory_space<vmem>>
    %dma_start3A_46 = tpu.memref_squeeze %dma_start3A_45 : memref<1x128xi32, #tpu.memory_space<vmem>> -> memref<128xi32, #tpu.memory_space<vmem>>
    %dma_start3A_47 = arith.constant 0 : i32
    %dma_start3A_48 = arith.constant 0 : i32
    %dma_start3A_49 = tpu.memref_slice %arg2[%dma_start3A_47, %dma_start3A_48] : memref<2048x128xf32, #tpu.memory_space<hbm>> -> memref<2048x128xf32, #tpu.memory_space<hbm>>
    tpu.enqueue_indirect_dma source(%dma_start3A_49 : memref<2048x128xf32, #tpu.memory_space<hbm>>) target(%dma_start3A_43 : memref<128x128xf32, #tpu.memory_space<vmem>>) offsets(%dma_start3A_46 : memref<128xi32, #tpu.memory_space<vmem>>) semaphore(%arg7 : memref<!tpu.dma_semaphore, #tpu.memory_space<semaphore_mem>>)
    %dma_wait3A = arith.constant 0 : i32
    %dma_wait3A_50 = arith.constant 0 : i32
    %dma_wait3A_51 = arith.constant 0 : i32
    %dma_wait3A_52 = arith.constant 0 : i32
    %dma_wait3A_53 = tpu.memref_slice %arg6[%dma_wait3A_50, %dma_wait3A_51, %dma_wait3A_52] : memref<4x128x128xf32, #tpu.memory_space<vmem>> -> memref<1x128x128xf32, #tpu.memory_space<vmem>>
    %dma_wait3A_54 = tpu.memref_squeeze %dma_wait3A_53 : memref<1x128x128xf32, #tpu.memory_space<vmem>> -> memref<128x128xf32, #tpu.memory_space<vmem>>
    %dma_wait3A_55 = arith.constant 0 : i32
    %dma_wait3A_56 = tpu.memref_slice %arg5[%dma_wait3A, %dma_wait3A_55] : memref<4x128xi32, #tpu.memory_space<vmem>> -> memref<1x128xi32, #tpu.memory_space<vmem>>
    %dma_wait3A_57 = tpu.memref_squeeze %dma_wait3A_56 : memref<1x128xi32, #tpu.memory_space<vmem>> -> memref<128xi32, #tpu.memory_space<vmem>>
    %dma_wait3A_58 = arith.constant 0 : i32
    %dma_wait3A_59 = arith.constant 0 : i32
    %dma_wait3A_60 = tpu.memref_slice %arg2[%dma_wait3A_58, %dma_wait3A_59] : memref<2048x128xf32, #tpu.memory_space<hbm>> -> memref<2048x128xf32, #tpu.memory_space<hbm>>
    tpu.wait_indirect_dma semaphore(%arg7 : memref<!tpu.dma_semaphore, #tpu.memory_space<semaphore_mem>>) src(%dma_wait3A_60 : memref<2048x128xf32, #tpu.memory_space<hbm>>) dst(%dma_wait3A_54 : memref<128x128xf32, #tpu.memory_space<vmem>>)
    %add3A_61 = arith.constant 0 : i32
    %add3A_62 = arith.addi %mul3A_2, %add3A_61 : i32
    %run_scoped3A = arith.constant 0 : i32
    "tpu.region"() ({
      %run_scoped3A_108 = tpu.sem_alloc : memref<!tpu.dma_semaphore, #tpu.memory_space<semaphore_mem>>
      %dma_start3A_109 = arith.constant 0 : i32
      %dma_start3A_110 = arith.constant 0 : i32
      %dma_start3A_111 = tpu.memref_slice %arg6[%run_scoped3A, %dma_start3A_109, %dma_start3A_110] : memref<4x128x128xf32, #tpu.memory_space<vmem>> -> memref<1x128x128xf32, #tpu.memory_space<vmem>>
      %dma_start3A_112 = tpu.memref_squeeze %dma_start3A_111 : memref<1x128x128xf32, #tpu.memory_space<vmem>> -> memref<128x128xf32, #tpu.memory_space<vmem>>
      %dma_start3A_113 = arith.constant 0 : i32
      %dma_start3A_114 = tpu.memref_slice %arg4[%add3A_62, %dma_start3A_113] : memref<16384x128xf32, #tpu.memory_space<hbm>> -> memref<128x128xf32, #tpu.memory_space<hbm>>
      %dma_start3A_115 = arith.constant 0 : i32
      %dma_start3A_116 = tpu.memref_slice %arg4[%add3A_62, %dma_start3A_115] : memref<16384x128xf32, #tpu.memory_space<hbm>> -> memref<128x128xf32, #tpu.memory_space<hbm>>
      %dma_start3A_117 = arith.constant 0 : i32
      %dma_start3A_118 = arith.constant 0 : i32
      %dma_start3A_119 = tpu.memref_slice %arg6[%run_scoped3A, %dma_start3A_117, %dma_start3A_118] : memref<4x128x128xf32, #tpu.memory_space<vmem>> -> memref<1x128x128xf32, #tpu.memory_space<vmem>>
      %dma_start3A_120 = tpu.memref_squeeze %dma_start3A_119 : memref<1x128x128xf32, #tpu.memory_space<vmem>> -> memref<128x128xf32, #tpu.memory_space<vmem>>
      tpu.enqueue_dma source(%dma_start3A_120 : memref<128x128xf32, #tpu.memory_space<vmem>>) target(%dma_start3A_116 : memref<128x128xf32, #tpu.memory_space<hbm>>) target_semaphore(%run_scoped3A_108 : memref<!tpu.dma_semaphore, #tpu.memory_space<semaphore_mem>>)
      %dma_wait3A_121 = arith.constant 0 : i32
      %dma_wait3A_122 = arith.constant 0 : i32
      %dma_wait3A_123 = tpu.memref_slice %arg6[%run_scoped3A, %dma_wait3A_121, %dma_wait3A_122] : memref<4x128x128xf32, #tpu.memory_space<vmem>> -> memref<1x128x128xf32, #tpu.memory_space<vmem>>
      %dma_wait3A_124 = tpu.memref_squeeze %dma_wait3A_123 : memref<1x128x128xf32, #tpu.memory_space<vmem>> -> memref<128x128xf32, #tpu.memory_space<vmem>>
      %dma_wait3A_125 = arith.constant 0 : i32
      %dma_wait3A_126 = tpu.memref_slice %arg4[%add3A_62, %dma_wait3A_125] : memref<16384x128xf32, #tpu.memory_space<hbm>> -> memref<128x128xf32, #tpu.memory_space<hbm>>
      %dma_wait3A_127 = arith.constant 0 : i32
      %dma_wait3A_128 = tpu.memref_slice %arg4[%add3A_62, %dma_wait3A_127] : memref<16384x128xf32, #tpu.memory_space<hbm>> -> memref<128x128xf32, #tpu.memory_space<hbm>>
      %dma_wait3A_129 = arith.constant 0 : i32
      %dma_wait3A_130 = arith.constant 0 : i32
      %dma_wait3A_131 = tpu.memref_slice %arg6[%run_scoped3A, %dma_wait3A_129, %dma_wait3A_130] : memref<4x128x128xf32, #tpu.memory_space<vmem>> -> memref<1x128x128xf32, #tpu.memory_space<vmem>>
      %dma_wait3A_132 = tpu.memref_squeeze %dma_wait3A_131 : memref<1x128x128xf32, #tpu.memory_space<vmem>> -> memref<128x128xf32, #tpu.memory_space<vmem>>
      tpu.wait_dma2 semaphore(%run_scoped3A_108 : memref<!tpu.dma_semaphore, #tpu.memory_space<semaphore_mem>>) src(%dma_wait3A_132 : memref<128x128xf32, #tpu.memory_space<vmem>>) dst(%dma_wait3A_128 : memref<128x128xf32, #tpu.memory_space<hbm>>)
      tpu.yield
    }) : () -> ()
    %dma_wait3A_63 = arith.constant 1 : i32
    %dma_wait3A_64 = arith.constant 1 : i32
    %dma_wait3A_65 = arith.constant 0 : i32
    %dma_wait3A_66 = arith.constant 0 : i32
    %dma_wait3A_67 = tpu.memref_slice %arg6[%dma_wait3A_64, %dma_wait3A_65, %dma_wait3A_66] : memref<4x128x128xf32, #tpu.memory_space<vmem>> -> memref<1x128x128xf32, #tpu.memory_space<vmem>>
    %dma_wait3A_68 = tpu.memref_squeeze %dma_wait3A_67 : memref<1x128x128xf32, #tpu.memory_space<vmem>> -> memref<128x128xf32, #tpu.memory_space<vmem>>
    %dma_wait3A_69 = arith.constant 0 : i32
    %dma_wait3A_70 = tpu.memref_slice %arg5[%dma_wait3A_63, %dma_wait3A_69] : memref<4x128xi32, #tpu.memory_space<vmem>> -> memref<1x128xi32, #tpu.memory_space<vmem>>
    %dma_wait3A_71 = tpu.memref_squeeze %dma_wait3A_70 : memref<1x128xi32, #tpu.memory_space<vmem>> -> memref<128xi32, #tpu.memory_space<vmem>>
    %dma_wait3A_72 = arith.constant 0 : i32
    %dma_wait3A_73 = arith.constant 0 : i32
    %dma_wait3A_74 = tpu.memref_slice %arg2[%dma_wait3A_72, %dma_wait3A_73] : memref<2048x128xf32, #tpu.memory_space<hbm>> -> memref<2048x128xf32, #tpu.memory_space<hbm>>
    tpu.wait_indirect_dma semaphore(%arg7 : memref<!tpu.dma_semaphore, #tpu.memory_space<semaphore_mem>>) src(%dma_wait3A_74 : memref<2048x128xf32, #tpu.memory_space<hbm>>) dst(%dma_wait3A_68 : memref<128x128xf32, #tpu.memory_space<vmem>>)
    %add3A_75 = arith.constant 128 : i32
    %add3A_76 = arith.addi %mul3A_2, %add3A_75 : i32
    %run_scoped3A_77 = arith.constant 1 : i32
    "tpu.region"() ({
      %run_scoped3A_108 = tpu.sem_alloc : memref<!tpu.dma_semaphore, #tpu.memory_space<semaphore_mem>>
      %dma_start3A_109 = arith.constant 0 : i32
      %dma_start3A_110 = arith.constant 0 : i32
      %dma_start3A_111 = tpu.memref_slice %arg6[%run_scoped3A_77, %dma_start3A_109, %dma_start3A_110] : memref<4x128x128xf32, #tpu.memory_space<vmem>> -> memref<1x128x128xf32, #tpu.memory_space<vmem>>
      %dma_start3A_112 = tpu.memref_squeeze %dma_start3A_111 : memref<1x128x128xf32, #tpu.memory_space<vmem>> -> memref<128x128xf32, #tpu.memory_space<vmem>>
      %dma_start3A_113 = arith.constant 0 : i32
      %dma_start3A_114 = tpu.memref_slice %arg4[%add3A_76, %dma_start3A_113] : memref<16384x128xf32, #tpu.memory_space<hbm>> -> memref<128x128xf32, #tpu.memory_space<hbm>>
      %dma_start3A_115 = arith.constant 0 : i32
      %dma_start3A_116 = tpu.memref_slice %arg4[%add3A_76, %dma_start3A_115] : memref<16384x128xf32, #tpu.memory_space<hbm>> -> memref<128x128xf32, #tpu.memory_space<hbm>>
      %dma_start3A_117 = arith.constant 0 : i32
      %dma_start3A_118 = arith.constant 0 : i32
      %dma_start3A_119 = tpu.memref_slice %arg6[%run_scoped3A_77, %dma_start3A_117, %dma_start3A_118] : memref<4x128x128xf32, #tpu.memory_space<vmem>> -> memref<1x128x128xf32, #tpu.memory_space<vmem>>
      %dma_start3A_120 = tpu.memref_squeeze %dma_start3A_119 : memref<1x128x128xf32, #tpu.memory_space<vmem>> -> memref<128x128xf32, #tpu.memory_space<vmem>>
      tpu.enqueue_dma source(%dma_start3A_120 : memref<128x128xf32, #tpu.memory_space<vmem>>) target(%dma_start3A_116 : memref<128x128xf32, #tpu.memory_space<hbm>>) target_semaphore(%run_scoped3A_108 : memref<!tpu.dma_semaphore, #tpu.memory_space<semaphore_mem>>)
      %dma_wait3A_121 = arith.constant 0 : i32
      %dma_wait3A_122 = arith.constant 0 : i32
      %dma_wait3A_123 = tpu.memref_slice %arg6[%run_scoped3A_77, %dma_wait3A_121, %dma_wait3A_122] : memref<4x128x128xf32, #tpu.memory_space<vmem>> -> memref<1x128x128xf32, #tpu.memory_space<vmem>>
      %dma_wait3A_124 = tpu.memref_squeeze %dma_wait3A_123 : memref<1x128x128xf32, #tpu.memory_space<vmem>> -> memref<128x128xf32, #tpu.memory_space<vmem>>
      %dma_wait3A_125 = arith.constant 0 : i32
      %dma_wait3A_126 = tpu.memref_slice %arg4[%add3A_76, %dma_wait3A_125] : memref<16384x128xf32, #tpu.memory_space<hbm>> -> memref<128x128xf32, #tpu.memory_space<hbm>>
      %dma_wait3A_127 = arith.constant 0 : i32
      %dma_wait3A_128 = tpu.memref_slice %arg4[%add3A_76, %dma_wait3A_127] : memref<16384x128xf32, #tpu.memory_space<hbm>> -> memref<128x128xf32, #tpu.memory_space<hbm>>
      %dma_wait3A_129 = arith.constant 0 : i32
      %dma_wait3A_130 = arith.constant 0 : i32
      %dma_wait3A_131 = tpu.memref_slice %arg6[%run_scoped3A_77, %dma_wait3A_129, %dma_wait3A_130] : memref<4x128x128xf32, #tpu.memory_space<vmem>> -> memref<1x128x128xf32, #tpu.memory_space<vmem>>
      %dma_wait3A_132 = tpu.memref_squeeze %dma_wait3A_131 : memref<1x128x128xf32, #tpu.memory_space<vmem>> -> memref<128x128xf32, #tpu.memory_space<vmem>>
      tpu.wait_dma2 semaphore(%run_scoped3A_108 : memref<!tpu.dma_semaphore, #tpu.memory_space<semaphore_mem>>) src(%dma_wait3A_132 : memref<128x128xf32, #tpu.memory_space<vmem>>) dst(%dma_wait3A_128 : memref<128x128xf32, #tpu.memory_space<hbm>>)
      tpu.yield
    }) : () -> ()
    %dma_wait3A_78 = arith.constant 2 : i32
    %dma_wait3A_79 = arith.constant 2 : i32
    %dma_wait3A_80 = arith.constant 0 : i32
    %dma_wait3A_81 = arith.constant 0 : i32
    %dma_wait3A_82 = tpu.memref_slice %arg6[%dma_wait3A_79, %dma_wait3A_80, %dma_wait3A_81] : memref<4x128x128xf32, #tpu.memory_space<vmem>> -> memref<1x128x128xf32, #tpu.memory_space<vmem>>
    %dma_wait3A_83 = tpu.memref_squeeze %dma_wait3A_82 : memref<1x128x128xf32, #tpu.memory_space<vmem>> -> memref<128x128xf32, #tpu.memory_space<vmem>>
    %dma_wait3A_84 = arith.constant 0 : i32
    %dma_wait3A_85 = tpu.memref_slice %arg5[%dma_wait3A_78, %dma_wait3A_84] : memref<4x128xi32, #tpu.memory_space<vmem>> -> memref<1x128xi32, #tpu.memory_space<vmem>>
    %dma_wait3A_86 = tpu.memref_squeeze %dma_wait3A_85 : memref<1x128xi32, #tpu.memory_space<vmem>> -> memref<128xi32, #tpu.memory_space<vmem>>
    %dma_wait3A_87 = arith.constant 0 : i32
    %dma_wait3A_88 = arith.constant 0 : i32
    %dma_wait3A_89 = tpu.memref_slice %arg2[%dma_wait3A_87, %dma_wait3A_88] : memref<2048x128xf32, #tpu.memory_space<hbm>> -> memref<2048x128xf32, #tpu.memory_space<hbm>>
    tpu.wait_indirect_dma semaphore(%arg7 : memref<!tpu.dma_semaphore, #tpu.memory_space<semaphore_mem>>) src(%dma_wait3A_89 : memref<2048x128xf32, #tpu.memory_space<hbm>>) dst(%dma_wait3A_83 : memref<128x128xf32, #tpu.memory_space<vmem>>)
    %add3A_90 = arith.constant 256 : i32
    %add3A_91 = arith.addi %mul3A_2, %add3A_90 : i32
    %run_scoped3A_92 = arith.constant 2 : i32
    "tpu.region"() ({
      %run_scoped3A_108 = tpu.sem_alloc : memref<!tpu.dma_semaphore, #tpu.memory_space<semaphore_mem>>
      %dma_start3A_109 = arith.constant 0 : i32
      %dma_start3A_110 = arith.constant 0 : i32
      %dma_start3A_111 = tpu.memref_slice %arg6[%run_scoped3A_92, %dma_start3A_109, %dma_start3A_110] : memref<4x128x128xf32, #tpu.memory_space<vmem>> -> memref<1x128x128xf32, #tpu.memory_space<vmem>>
      %dma_start3A_112 = tpu.memref_squeeze %dma_start3A_111 : memref<1x128x128xf32, #tpu.memory_space<vmem>> -> memref<128x128xf32, #tpu.memory_space<vmem>>
      %dma_start3A_113 = arith.constant 0 : i32
      %dma_start3A_114 = tpu.memref_slice %arg4[%add3A_91, %dma_start3A_113] : memref<16384x128xf32, #tpu.memory_space<hbm>> -> memref<128x128xf32, #tpu.memory_space<hbm>>
      %dma_start3A_115 = arith.constant 0 : i32
      %dma_start3A_116 = tpu.memref_slice %arg4[%add3A_91, %dma_start3A_115] : memref<16384x128xf32, #tpu.memory_space<hbm>> -> memref<128x128xf32, #tpu.memory_space<hbm>>
      %dma_start3A_117 = arith.constant 0 : i32
      %dma_start3A_118 = arith.constant 0 : i32
      %dma_start3A_119 = tpu.memref_slice %arg6[%run_scoped3A_92, %dma_start3A_117, %dma_start3A_118] : memref<4x128x128xf32, #tpu.memory_space<vmem>> -> memref<1x128x128xf32, #tpu.memory_space<vmem>>
      %dma_start3A_120 = tpu.memref_squeeze %dma_start3A_119 : memref<1x128x128xf32, #tpu.memory_space<vmem>> -> memref<128x128xf32, #tpu.memory_space<vmem>>
      tpu.enqueue_dma source(%dma_start3A_120 : memref<128x128xf32, #tpu.memory_space<vmem>>) target(%dma_start3A_116 : memref<128x128xf32, #tpu.memory_space<hbm>>) target_semaphore(%run_scoped3A_108 : memref<!tpu.dma_semaphore, #tpu.memory_space<semaphore_mem>>)
      %dma_wait3A_121 = arith.constant 0 : i32
      %dma_wait3A_122 = arith.constant 0 : i32
      %dma_wait3A_123 = tpu.memref_slice %arg6[%run_scoped3A_92, %dma_wait3A_121, %dma_wait3A_122] : memref<4x128x128xf32, #tpu.memory_space<vmem>> -> memref<1x128x128xf32, #tpu.memory_space<vmem>>
      %dma_wait3A_124 = tpu.memref_squeeze %dma_wait3A_123 : memref<1x128x128xf32, #tpu.memory_space<vmem>> -> memref<128x128xf32, #tpu.memory_space<vmem>>
      %dma_wait3A_125 = arith.constant 0 : i32
      %dma_wait3A_126 = tpu.memref_slice %arg4[%add3A_91, %dma_wait3A_125] : memref<16384x128xf32, #tpu.memory_space<hbm>> -> memref<128x128xf32, #tpu.memory_space<hbm>>
      %dma_wait3A_127 = arith.constant 0 : i32
      %dma_wait3A_128 = tpu.memref_slice %arg4[%add3A_91, %dma_wait3A_127] : memref<16384x128xf32, #tpu.memory_space<hbm>> -> memref<128x128xf32, #tpu.memory_space<hbm>>
      %dma_wait3A_129 = arith.constant 0 : i32
      %dma_wait3A_130 = arith.constant 0 : i32
      %dma_wait3A_131 = tpu.memref_slice %arg6[%run_scoped3A_92, %dma_wait3A_129, %dma_wait3A_130] : memref<4x128x128xf32, #tpu.memory_space<vmem>> -> memref<1x128x128xf32, #tpu.memory_space<vmem>>
      %dma_wait3A_132 = tpu.memref_squeeze %dma_wait3A_131 : memref<1x128x128xf32, #tpu.memory_space<vmem>> -> memref<128x128xf32, #tpu.memory_space<vmem>>
      tpu.wait_dma2 semaphore(%run_scoped3A_108 : memref<!tpu.dma_semaphore, #tpu.memory_space<semaphore_mem>>) src(%dma_wait3A_132 : memref<128x128xf32, #tpu.memory_space<vmem>>) dst(%dma_wait3A_128 : memref<128x128xf32, #tpu.memory_space<hbm>>)
      tpu.yield
    }) : () -> ()
    %dma_wait3A_93 = arith.constant 3 : i32
    %dma_wait3A_94 = arith.constant 3 : i32
    %dma_wait3A_95 = arith.constant 0 : i32
    %dma_wait3A_96 = arith.constant 0 : i32
    %dma_wait3A_97 = tpu.memref_slice %arg6[%dma_wait3A_94, %dma_wait3A_95, %dma_wait3A_96] : memref<4x128x128xf32, #tpu.memory_space<vmem>> -> memref<1x128x128xf32, #tpu.memory_space<vmem>>
    %dma_wait3A_98 = tpu.memref_squeeze %dma_wait3A_97 : memref<1x128x128xf32, #tpu.memory_space<vmem>> -> memref<128x128xf32, #tpu.memory_space<vmem>>
    %dma_wait3A_99 = arith.constant 0 : i32
    %dma_wait3A_100 = tpu.memref_slice %arg5[%dma_wait3A_93, %dma_wait3A_99] : memref<4x128xi32, #tpu.memory_space<vmem>> -> memref<1x128xi32, #tpu.memory_space<vmem>>
    %dma_wait3A_101 = tpu.memref_squeeze %dma_wait3A_100 : memref<1x128xi32, #tpu.memory_space<vmem>> -> memref<128xi32, #tpu.memory_space<vmem>>
    %dma_wait3A_102 = arith.constant 0 : i32
    %dma_wait3A_103 = arith.constant 0 : i32
    %dma_wait3A_104 = tpu.memref_slice %arg2[%dma_wait3A_102, %dma_wait3A_103] : memref<2048x128xf32, #tpu.memory_space<hbm>> -> memref<2048x128xf32, #tpu.memory_space<hbm>>
    tpu.wait_indirect_dma semaphore(%arg7 : memref<!tpu.dma_semaphore, #tpu.memory_space<semaphore_mem>>) src(%dma_wait3A_104 : memref<2048x128xf32, #tpu.memory_space<hbm>>) dst(%dma_wait3A_98 : memref<128x128xf32, #tpu.memory_space<vmem>>)
    %add3A_105 = arith.constant 384 : i32
    %add3A_106 = arith.addi %mul3A_2, %add3A_105 : i32
    %run_scoped3A_107 = arith.constant 3 : i32
    "tpu.region"() ({
      %run_scoped3A_108 = tpu.sem_alloc : memref<!tpu.dma_semaphore, #tpu.memory_space<semaphore_mem>>
      %dma_start3A_109 = arith.constant 0 : i32
      %dma_start3A_110 = arith.constant 0 : i32
      %dma_start3A_111 = tpu.memref_slice %arg6[%run_scoped3A_107, %dma_start3A_109, %dma_start3A_110] : memref<4x128x128xf32, #tpu.memory_space<vmem>> -> memref<1x128x128xf32, #tpu.memory_space<vmem>>
      %dma_start3A_112 = tpu.memref_squeeze %dma_start3A_111 : memref<1x128x128xf32, #tpu.memory_space<vmem>> -> memref<128x128xf32, #tpu.memory_space<vmem>>
      %dma_start3A_113 = arith.constant 0 : i32
      %dma_start3A_114 = tpu.memref_slice %arg4[%add3A_106, %dma_start3A_113] : memref<16384x128xf32, #tpu.memory_space<hbm>> -> memref<128x128xf32, #tpu.memory_space<hbm>>
      %dma_start3A_115 = arith.constant 0 : i32
      %dma_start3A_116 = tpu.memref_slice %arg4[%add3A_106, %dma_start3A_115] : memref<16384x128xf32, #tpu.memory_space<hbm>> -> memref<128x128xf32, #tpu.memory_space<hbm>>
      %dma_start3A_117 = arith.constant 0 : i32
      %dma_start3A_118 = arith.constant 0 : i32
      %dma_start3A_119 = tpu.memref_slice %arg6[%run_scoped3A_107, %dma_start3A_117, %dma_start3A_118] : memref<4x128x128xf32, #tpu.memory_space<vmem>> -> memref<1x128x128xf32, #tpu.memory_space<vmem>>
      %dma_start3A_120 = tpu.memref_squeeze %dma_start3A_119 : memref<1x128x128xf32, #tpu.memory_space<vmem>> -> memref<128x128xf32, #tpu.memory_space<vmem>>
      tpu.enqueue_dma source(%dma_start3A_120 : memref<128x128xf32, #tpu.memory_space<vmem>>) target(%dma_start3A_116 : memref<128x128xf32, #tpu.memory_space<hbm>>) target_semaphore(%run_scoped3A_108 : memref<!tpu.dma_semaphore, #tpu.memory_space<semaphore_mem>>)
      %dma_wait3A_121 = arith.constant 0 : i32
      %dma_wait3A_122 = arith.constant 0 : i32
      %dma_wait3A_123 = tpu.memref_slice %arg6[%run_scoped3A_107, %dma_wait3A_121, %dma_wait3A_122] : memref<4x128x128xf32, #tpu.memory_space<vmem>> -> memref<1x128x128xf32, #tpu.memory_space<vmem>>
      %dma_wait3A_124 = tpu.memref_squeeze %dma_wait3A_123 : memref<1x128x128xf32, #tpu.memory_space<vmem>> -> memref<128x128xf32, #tpu.memory_space<vmem>>
      %dma_wait3A_125 = arith.constant 0 : i32
      %dma_wait3A_126 = tpu.memref_slice %arg4[%add3A_106, %dma_wait3A_125] : memref<16384x128xf32, #tpu.memory_space<hbm>> -> memref<128x128xf32, #tpu.memory_space<hbm>>
      %dma_wait3A_127 = arith.constant 0 : i32
      %dma_wait3A_128 = tpu.memref_slice %arg4[%add3A_106, %dma_wait3A_127] : memref<16384x128xf32, #tpu.memory_space<hbm>> -> memref<128x128xf32, #tpu.memory_space<hbm>>
      %dma_wait3A_129 = arith.constant 0 : i32
      %dma_wait3A_130 = arith.constant 0 : i32
      %dma_wait3A_131 = tpu.memref_slice %arg6[%run_scoped3A_107, %dma_wait3A_129, %dma_wait3A_130] : memref<4x128x128xf32, #tpu.memory_space<vmem>> -> memref<1x128x128xf32, #tpu.memory_space<vmem>>
      %dma_wait3A_132 = tpu.memref_squeeze %dma_wait3A_131 : memref<1x128x128xf32, #tpu.memory_space<vmem>> -> memref<128x128xf32, #tpu.memory_space<vmem>>
      tpu.wait_dma2 semaphore(%run_scoped3A_108 : memref<!tpu.dma_semaphore, #tpu.memory_space<semaphore_mem>>) src(%dma_wait3A_132 : memref<128x128xf32, #tpu.memory_space<vmem>>) dst(%dma_wait3A_128 : memref<128x128xf32, #tpu.memory_space<hbm>>)
      tpu.yield
    }) : () -> ()
    return
  }
}

#map = affine_map<(d0, d1) -> (0, 0)>
#map1 = affine_map<(d0, d1) -> (0, 0, 0)>
module attributes {stable_mosaic.version = 14 : i64} {
  func.func @scatter(%arg0: i32, %arg1: i32, %arg2: memref<16384x128xf32, #tpu.memory_space<hbm>>, %arg3: memref<32x4x128xi32, #tpu.memory_space<hbm>>, %arg4: memref<2048x128xf32, #tpu.memory_space<hbm>>, %arg5: memref<2x2048x128xf32, #tpu.memory_space<hbm>>, %arg6: memref<4x128xi32, #tpu.memory_space<vmem>>, %arg7: memref<4x128x128xf32, #tpu.memory_space<vmem>>, %arg8: memref<2048x128xf32, #tpu.memory_space<vmem_shared>>, %arg9: memref<!tpu.dma_semaphore, #tpu.memory_space<semaphore_mem>>) attributes {dimension_semantics = [#tpu.dimension_semantics<core_parallel>, #tpu.dimension_semantics<subcore_parallel>], iteration_bounds = array<i64: 2, 16>, scalar_prefetch = 0 : i64, scratch_operands = 4 : i64, tpu.core_type = #tpu.core_type<sc_vector_subcore>, window_params = [{transform_indices = #map}, {transform_indices = #map1}, {transform_indices = #map}, {transform_indices = #map1}]} {
    %mul3A = arith.constant 2 : i32
    %mul3A_0 = arith.muli %arg1, %mul3A : i32
    %add3A = arith.addi %mul3A_0, %arg0 : i32
    %mul3A_1 = arith.constant 512 : i32
    %mul3A_2 = arith.muli %add3A, %mul3A_1 : i32
    %mul3A_3 = arith.constant 128 : i32
    %mul3A_4 = arith.muli %arg1, %mul3A_3 : i32
    "tpu.region"() ({
      %run_scoped3A_123 = tpu.sem_alloc : memref<!tpu.dma_semaphore, #tpu.memory_space<semaphore_mem>>
      %dma_start3A_124 = arith.constant 0 : i32
      %dma_start3A_125 = arith.constant 0 : i32
      %dma_start3A_126 = tpu.memref_slice %arg3[%add3A, %dma_start3A_124, %dma_start3A_125] : memref<32x4x128xi32, #tpu.memory_space<hbm>> -> memref<1x4x128xi32, #tpu.memory_space<hbm>>
      %dma_start3A_127 = tpu.memref_squeeze %dma_start3A_126 : memref<1x4x128xi32, #tpu.memory_space<hbm>> -> memref<4x128xi32, #tpu.memory_space<hbm>>
      %dma_start3A_128 = arith.constant 0 : i32
      %dma_start3A_129 = arith.constant 0 : i32
      %dma_start3A_130 = tpu.memref_slice %arg3[%add3A, %dma_start3A_128, %dma_start3A_129] : memref<32x4x128xi32, #tpu.memory_space<hbm>> -> memref<1x4x128xi32, #tpu.memory_space<hbm>>
      %dma_start3A_131 = tpu.memref_squeeze %dma_start3A_130 : memref<1x4x128xi32, #tpu.memory_space<hbm>> -> memref<4x128xi32, #tpu.memory_space<hbm>>
      tpu.enqueue_dma source(%dma_start3A_131 : memref<4x128xi32, #tpu.memory_space<hbm>>) target(%arg6 : memref<4x128xi32, #tpu.memory_space<vmem>>) target_semaphore(%run_scoped3A_123 : memref<!tpu.dma_semaphore, #tpu.memory_space<semaphore_mem>>)
      %dma_wait3A_132 = arith.constant 0 : i32
      %dma_wait3A_133 = arith.constant 0 : i32
      %dma_wait3A_134 = tpu.memref_slice %arg3[%add3A, %dma_wait3A_132, %dma_wait3A_133] : memref<32x4x128xi32, #tpu.memory_space<hbm>> -> memref<1x4x128xi32, #tpu.memory_space<hbm>>
      %dma_wait3A_135 = tpu.memref_squeeze %dma_wait3A_134 : memref<1x4x128xi32, #tpu.memory_space<hbm>> -> memref<4x128xi32, #tpu.memory_space<hbm>>
      %dma_wait3A_136 = arith.constant 0 : i32
      %dma_wait3A_137 = arith.constant 0 : i32
      %dma_wait3A_138 = tpu.memref_slice %arg3[%add3A, %dma_wait3A_136, %dma_wait3A_137] : memref<32x4x128xi32, #tpu.memory_space<hbm>> -> memref<1x4x128xi32, #tpu.memory_space<hbm>>
      %dma_wait3A_139 = tpu.memref_squeeze %dma_wait3A_138 : memref<1x4x128xi32, #tpu.memory_space<hbm>> -> memref<4x128xi32, #tpu.memory_space<hbm>>
      tpu.wait_dma2 semaphore(%run_scoped3A_123 : memref<!tpu.dma_semaphore, #tpu.memory_space<semaphore_mem>>) src(%dma_wait3A_139 : memref<4x128xi32, #tpu.memory_space<hbm>>) dst(%arg6 : memref<4x128xi32, #tpu.memory_space<vmem>>)
      tpu.yield
    }) : () -> ()
    %add3A_5 = arith.constant 0 : i32
    %add3A_6 = arith.addi %mul3A_2, %add3A_5 : i32
    %dma_start3A = arith.constant 0 : i32
    %dma_start3A_7 = arith.constant 0 : i32
    %dma_start3A_8 = arith.constant 0 : i32
    %dma_start3A_9 = tpu.memref_slice %arg7[%dma_start3A, %dma_start3A_7, %dma_start3A_8] : memref<4x128x128xf32, #tpu.memory_space<vmem>> -> memref<1x128x128xf32, #tpu.memory_space<vmem>>
    %dma_start3A_10 = tpu.memref_squeeze %dma_start3A_9 : memref<1x128x128xf32, #tpu.memory_space<vmem>> -> memref<128x128xf32, #tpu.memory_space<vmem>>
    %dma_start3A_11 = arith.constant 0 : i32
    %dma_start3A_12 = tpu.memref_slice %arg2[%add3A_6, %dma_start3A_11] : memref<16384x128xf32, #tpu.memory_space<hbm>> -> memref<128x128xf32, #tpu.memory_space<hbm>>
    %dma_start3A_13 = arith.constant 0 : i32
    %dma_start3A_14 = arith.constant 0 : i32
    %dma_start3A_15 = tpu.memref_slice %arg7[%dma_start3A, %dma_start3A_13, %dma_start3A_14] : memref<4x128x128xf32, #tpu.memory_space<vmem>> -> memref<1x128x128xf32, #tpu.memory_space<vmem>>
    %dma_start3A_16 = tpu.memref_squeeze %dma_start3A_15 : memref<1x128x128xf32, #tpu.memory_space<vmem>> -> memref<128x128xf32, #tpu.memory_space<vmem>>
    %dma_start3A_17 = arith.constant 0 : i32
    %dma_start3A_18 = tpu.memref_slice %arg2[%add3A_6, %dma_start3A_17] : memref<16384x128xf32, #tpu.memory_space<hbm>> -> memref<128x128xf32, #tpu.memory_space<hbm>>
    tpu.enqueue_dma source(%dma_start3A_18 : memref<128x128xf32, #tpu.memory_space<hbm>>) target(%dma_start3A_16 : memref<128x128xf32, #tpu.memory_space<vmem>>) target_semaphore(%arg9 : memref<!tpu.dma_semaphore, #tpu.memory_space<semaphore_mem>>)
    %add3A_19 = arith.constant 128 : i32
    %add3A_20 = arith.addi %mul3A_2, %add3A_19 : i32
    %dma_start3A_21 = arith.constant 1 : i32
    %dma_start3A_22 = arith.constant 0 : i32
    %dma_start3A_23 = arith.constant 0 : i32
    %dma_start3A_24 = tpu.memref_slice %arg7[%dma_start3A_21, %dma_start3A_22, %dma_start3A_23] : memref<4x128x128xf32, #tpu.memory_space<vmem>> -> memref<1x128x128xf32, #tpu.memory_space<vmem>>
    %dma_start3A_25 = tpu.memref_squeeze %dma_start3A_24 : memref<1x128x128xf32, #tpu.memory_space<vmem>> -> memref<128x128xf32, #tpu.memory_space<vmem>>
    %dma_start3A_26 = arith.constant 0 : i32
    %dma_start3A_27 = tpu.memref_slice %arg2[%add3A_20, %dma_start3A_26] : memref<16384x128xf32, #tpu.memory_space<hbm>> -> memref<128x128xf32, #tpu.memory_space<hbm>>
    %dma_start3A_28 = arith.constant 0 : i32
    %dma_start3A_29 = arith.constant 0 : i32
    %dma_start3A_30 = tpu.memref_slice %arg7[%dma_start3A_21, %dma_start3A_28, %dma_start3A_29] : memref<4x128x128xf32, #tpu.memory_space<vmem>> -> memref<1x128x128xf32, #tpu.memory_space<vmem>>
    %dma_start3A_31 = tpu.memref_squeeze %dma_start3A_30 : memref<1x128x128xf32, #tpu.memory_space<vmem>> -> memref<128x128xf32, #tpu.memory_space<vmem>>
    %dma_start3A_32 = arith.constant 0 : i32
    %dma_start3A_33 = tpu.memref_slice %arg2[%add3A_20, %dma_start3A_32] : memref<16384x128xf32, #tpu.memory_space<hbm>> -> memref<128x128xf32, #tpu.memory_space<hbm>>
    tpu.enqueue_dma source(%dma_start3A_33 : memref<128x128xf32, #tpu.memory_space<hbm>>) target(%dma_start3A_31 : memref<128x128xf32, #tpu.memory_space<vmem>>) target_semaphore(%arg9 : memref<!tpu.dma_semaphore, #tpu.memory_space<semaphore_mem>>)
    %add3A_34 = arith.constant 256 : i32
    %add3A_35 = arith.addi %mul3A_2, %add3A_34 : i32
    %dma_start3A_36 = arith.constant 2 : i32
    %dma_start3A_37 = arith.constant 0 : i32
    %dma_start3A_38 = arith.constant 0 : i32
    %dma_start3A_39 = tpu.memref_slice %arg7[%dma_start3A_36, %dma_start3A_37, %dma_start3A_38] : memref<4x128x128xf32, #tpu.memory_space<vmem>> -> memref<1x128x128xf32, #tpu.memory_space<vmem>>
    %dma_start3A_40 = tpu.memref_squeeze %dma_start3A_39 : memref<1x128x128xf32, #tpu.memory_space<vmem>> -> memref<128x128xf32, #tpu.memory_space<vmem>>
    %dma_start3A_41 = arith.constant 0 : i32
    %dma_start3A_42 = tpu.memref_slice %arg2[%add3A_35, %dma_start3A_41] : memref<16384x128xf32, #tpu.memory_space<hbm>> -> memref<128x128xf32, #tpu.memory_space<hbm>>
    %dma_start3A_43 = arith.constant 0 : i32
    %dma_start3A_44 = arith.constant 0 : i32
    %dma_start3A_45 = tpu.memref_slice %arg7[%dma_start3A_36, %dma_start3A_43, %dma_start3A_44] : memref<4x128x128xf32, #tpu.memory_space<vmem>> -> memref<1x128x128xf32, #tpu.memory_space<vmem>>
    %dma_start3A_46 = tpu.memref_squeeze %dma_start3A_45 : memref<1x128x128xf32, #tpu.memory_space<vmem>> -> memref<128x128xf32, #tpu.memory_space<vmem>>
    %dma_start3A_47 = arith.constant 0 : i32
    %dma_start3A_48 = tpu.memref_slice %arg2[%add3A_35, %dma_start3A_47] : memref<16384x128xf32, #tpu.memory_space<hbm>> -> memref<128x128xf32, #tpu.memory_space<hbm>>
    tpu.enqueue_dma source(%dma_start3A_48 : memref<128x128xf32, #tpu.memory_space<hbm>>) target(%dma_start3A_46 : memref<128x128xf32, #tpu.memory_space<vmem>>) target_semaphore(%arg9 : memref<!tpu.dma_semaphore, #tpu.memory_space<semaphore_mem>>)
    %add3A_49 = arith.constant 384 : i32
    %add3A_50 = arith.addi %mul3A_2, %add3A_49 : i32
    %dma_start3A_51 = arith.constant 3 : i32
    %dma_start3A_52 = arith.constant 0 : i32
    %dma_start3A_53 = arith.constant 0 : i32
    %dma_start3A_54 = tpu.memref_slice %arg7[%dma_start3A_51, %dma_start3A_52, %dma_start3A_53] : memref<4x128x128xf32, #tpu.memory_space<vmem>> -> memref<1x128x128xf32, #tpu.memory_space<vmem>>
    %dma_start3A_55 = tpu.memref_squeeze %dma_start3A_54 : memref<1x128x128xf32, #tpu.memory_space<vmem>> -> memref<128x128xf32, #tpu.memory_space<vmem>>
    %dma_start3A_56 = arith.constant 0 : i32
    %dma_start3A_57 = tpu.memref_slice %arg2[%add3A_50, %dma_start3A_56] : memref<16384x128xf32, #tpu.memory_space<hbm>> -> memref<128x128xf32, #tpu.memory_space<hbm>>
    %dma_start3A_58 = arith.constant 0 : i32
    %dma_start3A_59 = arith.constant 0 : i32
    %dma_start3A_60 = tpu.memref_slice %arg7[%dma_start3A_51, %dma_start3A_58, %dma_start3A_59] : memref<4x128x128xf32, #tpu.memory_space<vmem>> -> memref<1x128x128xf32, #tpu.memory_space<vmem>>
    %dma_start3A_61 = tpu.memref_squeeze %dma_start3A_60 : memref<1x128x128xf32, #tpu.memory_space<vmem>> -> memref<128x128xf32, #tpu.memory_space<vmem>>
    %dma_start3A_62 = arith.constant 0 : i32
    %dma_start3A_63 = tpu.memref_slice %arg2[%add3A_50, %dma_start3A_62] : memref<16384x128xf32, #tpu.memory_space<hbm>> -> memref<128x128xf32, #tpu.memory_space<hbm>>
    tpu.enqueue_dma source(%dma_start3A_63 : memref<128x128xf32, #tpu.memory_space<hbm>>) target(%dma_start3A_61 : memref<128x128xf32, #tpu.memory_space<vmem>>) target_semaphore(%arg9 : memref<!tpu.dma_semaphore, #tpu.memory_space<semaphore_mem>>)
    "tpu.region"() ({
      %run_scoped3A_123 = tpu.sem_alloc : memref<!tpu.dma_semaphore, #tpu.memory_space<semaphore_mem>>
      %dma_start3A_124 = arith.constant 0 : i32
      %dma_start3A_125 = tpu.memref_slice %arg8[%mul3A_4, %dma_start3A_124] : memref<2048x128xf32, #tpu.memory_space<vmem_shared>> -> memref<128x128xf32, #tpu.memory_space<vmem_shared>>
      %dma_start3A_126 = arith.constant 0 : i32
      %dma_start3A_127 = tpu.memref_slice %arg4[%mul3A_4, %dma_start3A_126] : memref<2048x128xf32, #tpu.memory_space<hbm>> -> memref<128x128xf32, #tpu.memory_space<hbm>>
      tpu.enqueue_dma source(%dma_start3A_127 : memref<128x128xf32, #tpu.memory_space<hbm>>) target(%dma_start3A_125 : memref<128x128xf32, #tpu.memory_space<vmem_shared>>) target_semaphore(%run_scoped3A_123 : memref<!tpu.dma_semaphore, #tpu.memory_space<semaphore_mem>>)
      %dma_wait3A_128 = arith.constant 0 : i32
      %dma_wait3A_129 = tpu.memref_slice %arg8[%mul3A_4, %dma_wait3A_128] : memref<2048x128xf32, #tpu.memory_space<vmem_shared>> -> memref<128x128xf32, #tpu.memory_space<vmem_shared>>
      %dma_wait3A_130 = arith.constant 0 : i32
      %dma_wait3A_131 = tpu.memref_slice %arg4[%mul3A_4, %dma_wait3A_130] : memref<2048x128xf32, #tpu.memory_space<hbm>> -> memref<128x128xf32, #tpu.memory_space<hbm>>
      tpu.wait_dma2 semaphore(%run_scoped3A_123 : memref<!tpu.dma_semaphore, #tpu.memory_space<semaphore_mem>>) src(%dma_wait3A_131 : memref<128x128xf32, #tpu.memory_space<hbm>>) dst(%dma_wait3A_129 : memref<128x128xf32, #tpu.memory_space<vmem_shared>>)
      tpu.yield
    }) : () -> ()
    %barrier3A = arith.constant 0 : index
    tpu.barrier barrier_id(%barrier3A)
    %dma_wait3A = arith.constant 0 : i32
    %dma_wait3A_64 = arith.constant 0 : i32
    %dma_wait3A_65 = arith.constant 0 : i32
    %dma_wait3A_66 = tpu.memref_slice %arg7[%dma_wait3A, %dma_wait3A_64, %dma_wait3A_65] : memref<4x128x128xf32, #tpu.memory_space<vmem>> -> memref<1x128x128xf32, #tpu.memory_space<vmem>>
    %dma_wait3A_67 = tpu.memref_squeeze %dma_wait3A_66 : memref<1x128x128xf32, #tpu.memory_space<vmem>> -> memref<128x128xf32, #tpu.memory_space<vmem>>
    %dma_wait3A_68 = arith.constant 0 : i32
    %dma_wait3A_69 = tpu.memref_slice %arg2[%add3A_6, %dma_wait3A_68] : memref<16384x128xf32, #tpu.memory_space<hbm>> -> memref<128x128xf32, #tpu.memory_space<hbm>>
    %dma_wait3A_70 = arith.constant 0 : i32
    %dma_wait3A_71 = arith.constant 0 : i32
    %dma_wait3A_72 = tpu.memref_slice %arg7[%dma_wait3A, %dma_wait3A_70, %dma_wait3A_71] : memref<4x128x128xf32, #tpu.memory_space<vmem>> -> memref<1x128x128xf32, #tpu.memory_space<vmem>>
    %dma_wait3A_73 = tpu.memref_squeeze %dma_wait3A_72 : memref<1x128x128xf32, #tpu.memory_space<vmem>> -> memref<128x128xf32, #tpu.memory_space<vmem>>
    %dma_wait3A_74 = arith.constant 0 : i32
    %dma_wait3A_75 = tpu.memref_slice %arg2[%add3A_6, %dma_wait3A_74] : memref<16384x128xf32, #tpu.memory_space<hbm>> -> memref<128x128xf32, #tpu.memory_space<hbm>>
    tpu.wait_dma2 semaphore(%arg9 : memref<!tpu.dma_semaphore, #tpu.memory_space<semaphore_mem>>) src(%dma_wait3A_75 : memref<128x128xf32, #tpu.memory_space<hbm>>) dst(%dma_wait3A_73 : memref<128x128xf32, #tpu.memory_space<vmem>>)
    %run_scoped3A = arith.constant 0 : i32
    %run_scoped3A_76 = arith.constant 0 : i32
    "tpu.region"() ({
      %run_scoped3A_123 = tpu.sem_alloc : memref<!tpu.dma_semaphore, #tpu.memory_space<semaphore_mem>>
      %dma_start3A_124 = arith.constant 0 : i32
      %dma_start3A_125 = arith.constant 0 : i32
      %dma_start3A_126 = tpu.memref_slice %arg7[%run_scoped3A, %dma_start3A_124, %dma_start3A_125] : memref<4x128x128xf32, #tpu.memory_space<vmem>> -> memref<1x128x128xf32, #tpu.memory_space<vmem>>
      %dma_start3A_127 = tpu.memref_squeeze %dma_start3A_126 : memref<1x128x128xf32, #tpu.memory_space<vmem>> -> memref<128x128xf32, #tpu.memory_space<vmem>>
      %dma_start3A_128 = arith.constant 0 : i32
      %dma_start3A_129 = tpu.memref_slice %arg6[%run_scoped3A_76, %dma_start3A_128] : memref<4x128xi32, #tpu.memory_space<vmem>> -> memref<1x128xi32, #tpu.memory_space<vmem>>
      %dma_start3A_130 = tpu.memref_squeeze %dma_start3A_129 : memref<1x128xi32, #tpu.memory_space<vmem>> -> memref<128xi32, #tpu.memory_space<vmem>>
      %dma_start3A_131 = arith.constant 0 : i32
      %dma_start3A_132 = arith.constant 0 : i32
      %dma_start3A_133 = tpu.memref_slice %arg8[%dma_start3A_131, %dma_start3A_132] : memref<2048x128xf32, #tpu.memory_space<vmem_shared>> -> memref<2048x128xf32, #tpu.memory_space<vmem_shared>>
      tpu.enqueue_indirect_dma source(%dma_start3A_127 : memref<128x128xf32, #tpu.memory_space<vmem>>) target(%dma_start3A_133 : memref<2048x128xf32, #tpu.memory_space<vmem_shared>>) offsets(%dma_start3A_130 : memref<128xi32, #tpu.memory_space<vmem>>) semaphore(%run_scoped3A_123 : memref<!tpu.dma_semaphore, #tpu.memory_space<semaphore_mem>>) {add = true}
      %dma_wait3A_134 = arith.constant 0 : i32
      %dma_wait3A_135 = arith.constant 0 : i32
      %dma_wait3A_136 = tpu.memref_slice %arg7[%run_scoped3A, %dma_wait3A_134, %dma_wait3A_135] : memref<4x128x128xf32, #tpu.memory_space<vmem>> -> memref<1x128x128xf32, #tpu.memory_space<vmem>>
      %dma_wait3A_137 = tpu.memref_squeeze %dma_wait3A_136 : memref<1x128x128xf32, #tpu.memory_space<vmem>> -> memref<128x128xf32, #tpu.memory_space<vmem>>
      %dma_wait3A_138 = arith.constant 0 : i32
      %dma_wait3A_139 = tpu.memref_slice %arg6[%run_scoped3A_76, %dma_wait3A_138] : memref<4x128xi32, #tpu.memory_space<vmem>> -> memref<1x128xi32, #tpu.memory_space<vmem>>
      %dma_wait3A_140 = tpu.memref_squeeze %dma_wait3A_139 : memref<1x128xi32, #tpu.memory_space<vmem>> -> memref<128xi32, #tpu.memory_space<vmem>>
      %dma_wait3A_141 = arith.constant 0 : i32
      %dma_wait3A_142 = arith.constant 0 : i32
      %dma_wait3A_143 = tpu.memref_slice %arg8[%dma_wait3A_141, %dma_wait3A_142] : memref<2048x128xf32, #tpu.memory_space<vmem_shared>> -> memref<2048x128xf32, #tpu.memory_space<vmem_shared>>
      tpu.wait_indirect_dma semaphore(%run_scoped3A_123 : memref<!tpu.dma_semaphore, #tpu.memory_space<semaphore_mem>>) src(%dma_wait3A_137 : memref<128x128xf32, #tpu.memory_space<vmem>>) dst(%dma_wait3A_143 : memref<2048x128xf32, #tpu.memory_space<vmem_shared>>)
      tpu.yield
    }) : () -> ()
    %dma_wait3A_77 = arith.constant 1 : i32
    %dma_wait3A_78 = arith.constant 0 : i32
    %dma_wait3A_79 = arith.constant 0 : i32
    %dma_wait3A_80 = tpu.memref_slice %arg7[%dma_wait3A_77, %dma_wait3A_78, %dma_wait3A_79] : memref<4x128x128xf32, #tpu.memory_space<vmem>> -> memref<1x128x128xf32, #tpu.memory_space<vmem>>
    %dma_wait3A_81 = tpu.memref_squeeze %dma_wait3A_80 : memref<1x128x128xf32, #tpu.memory_space<vmem>> -> memref<128x128xf32, #tpu.memory_space<vmem>>
    %dma_wait3A_82 = arith.constant 0 : i32
    %dma_wait3A_83 = tpu.memref_slice %arg2[%add3A_20, %dma_wait3A_82] : memref<16384x128xf32, #tpu.memory_space<hbm>> -> memref<128x128xf32, #tpu.memory_space<hbm>>
    %dma_wait3A_84 = arith.constant 0 : i32
    %dma_wait3A_85 = arith.constant 0 : i32
    %dma_wait3A_86 = tpu.memref_slice %arg7[%dma_wait3A_77, %dma_wait3A_84, %dma_wait3A_85] : memref<4x128x128xf32, #tpu.memory_space<vmem>> -> memref<1x128x128xf32, #tpu.memory_space<vmem>>
    %dma_wait3A_87 = tpu.memref_squeeze %dma_wait3A_86 : memref<1x128x128xf32, #tpu.memory_space<vmem>> -> memref<128x128xf32, #tpu.memory_space<vmem>>
    %dma_wait3A_88 = arith.constant 0 : i32
    %dma_wait3A_89 = tpu.memref_slice %arg2[%add3A_20, %dma_wait3A_88] : memref<16384x128xf32, #tpu.memory_space<hbm>> -> memref<128x128xf32, #tpu.memory_space<hbm>>
    tpu.wait_dma2 semaphore(%arg9 : memref<!tpu.dma_semaphore, #tpu.memory_space<semaphore_mem>>) src(%dma_wait3A_89 : memref<128x128xf32, #tpu.memory_space<hbm>>) dst(%dma_wait3A_87 : memref<128x128xf32, #tpu.memory_space<vmem>>)
    %run_scoped3A_90 = arith.constant 1 : i32
    %run_scoped3A_91 = arith.constant 1 : i32
    "tpu.region"() ({
      %run_scoped3A_123 = tpu.sem_alloc : memref<!tpu.dma_semaphore, #tpu.memory_space<semaphore_mem>>
      %dma_start3A_124 = arith.constant 0 : i32
      %dma_start3A_125 = arith.constant 0 : i32
      %dma_start3A_126 = tpu.memref_slice %arg7[%run_scoped3A_90, %dma_start3A_124, %dma_start3A_125] : memref<4x128x128xf32, #tpu.memory_space<vmem>> -> memref<1x128x128xf32, #tpu.memory_space<vmem>>
      %dma_start3A_127 = tpu.memref_squeeze %dma_start3A_126 : memref<1x128x128xf32, #tpu.memory_space<vmem>> -> memref<128x128xf32, #tpu.memory_space<vmem>>
      %dma_start3A_128 = arith.constant 0 : i32
      %dma_start3A_129 = tpu.memref_slice %arg6[%run_scoped3A_91, %dma_start3A_128] : memref<4x128xi32, #tpu.memory_space<vmem>> -> memref<1x128xi32, #tpu.memory_space<vmem>>
      %dma_start3A_130 = tpu.memref_squeeze %dma_start3A_129 : memref<1x128xi32, #tpu.memory_space<vmem>> -> memref<128xi32, #tpu.memory_space<vmem>>
      %dma_start3A_131 = arith.constant 0 : i32
      %dma_start3A_132 = arith.constant 0 : i32
      %dma_start3A_133 = tpu.memref_slice %arg8[%dma_start3A_131, %dma_start3A_132] : memref<2048x128xf32, #tpu.memory_space<vmem_shared>> -> memref<2048x128xf32, #tpu.memory_space<vmem_shared>>
      tpu.enqueue_indirect_dma source(%dma_start3A_127 : memref<128x128xf32, #tpu.memory_space<vmem>>) target(%dma_start3A_133 : memref<2048x128xf32, #tpu.memory_space<vmem_shared>>) offsets(%dma_start3A_130 : memref<128xi32, #tpu.memory_space<vmem>>) semaphore(%run_scoped3A_123 : memref<!tpu.dma_semaphore, #tpu.memory_space<semaphore_mem>>) {add = true}
      %dma_wait3A_134 = arith.constant 0 : i32
      %dma_wait3A_135 = arith.constant 0 : i32
      %dma_wait3A_136 = tpu.memref_slice %arg7[%run_scoped3A_90, %dma_wait3A_134, %dma_wait3A_135] : memref<4x128x128xf32, #tpu.memory_space<vmem>> -> memref<1x128x128xf32, #tpu.memory_space<vmem>>
      %dma_wait3A_137 = tpu.memref_squeeze %dma_wait3A_136 : memref<1x128x128xf32, #tpu.memory_space<vmem>> -> memref<128x128xf32, #tpu.memory_space<vmem>>
      %dma_wait3A_138 = arith.constant 0 : i32
      %dma_wait3A_139 = tpu.memref_slice %arg6[%run_scoped3A_91, %dma_wait3A_138] : memref<4x128xi32, #tpu.memory_space<vmem>> -> memref<1x128xi32, #tpu.memory_space<vmem>>
      %dma_wait3A_140 = tpu.memref_squeeze %dma_wait3A_139 : memref<1x128xi32, #tpu.memory_space<vmem>> -> memref<128xi32, #tpu.memory_space<vmem>>
      %dma_wait3A_141 = arith.constant 0 : i32
      %dma_wait3A_142 = arith.constant 0 : i32
      %dma_wait3A_143 = tpu.memref_slice %arg8[%dma_wait3A_141, %dma_wait3A_142] : memref<2048x128xf32, #tpu.memory_space<vmem_shared>> -> memref<2048x128xf32, #tpu.memory_space<vmem_shared>>
      tpu.wait_indirect_dma semaphore(%run_scoped3A_123 : memref<!tpu.dma_semaphore, #tpu.memory_space<semaphore_mem>>) src(%dma_wait3A_137 : memref<128x128xf32, #tpu.memory_space<vmem>>) dst(%dma_wait3A_143 : memref<2048x128xf32, #tpu.memory_space<vmem_shared>>)
      tpu.yield
    }) : () -> ()
    %dma_wait3A_92 = arith.constant 2 : i32
    %dma_wait3A_93 = arith.constant 0 : i32
    %dma_wait3A_94 = arith.constant 0 : i32
    %dma_wait3A_95 = tpu.memref_slice %arg7[%dma_wait3A_92, %dma_wait3A_93, %dma_wait3A_94] : memref<4x128x128xf32, #tpu.memory_space<vmem>> -> memref<1x128x128xf32, #tpu.memory_space<vmem>>
    %dma_wait3A_96 = tpu.memref_squeeze %dma_wait3A_95 : memref<1x128x128xf32, #tpu.memory_space<vmem>> -> memref<128x128xf32, #tpu.memory_space<vmem>>
    %dma_wait3A_97 = arith.constant 0 : i32
    %dma_wait3A_98 = tpu.memref_slice %arg2[%add3A_35, %dma_wait3A_97] : memref<16384x128xf32, #tpu.memory_space<hbm>> -> memref<128x128xf32, #tpu.memory_space<hbm>>
    %dma_wait3A_99 = arith.constant 0 : i32
    %dma_wait3A_100 = arith.constant 0 : i32
    %dma_wait3A_101 = tpu.memref_slice %arg7[%dma_wait3A_92, %dma_wait3A_99, %dma_wait3A_100] : memref<4x128x128xf32, #tpu.memory_space<vmem>> -> memref<1x128x128xf32, #tpu.memory_space<vmem>>
    %dma_wait3A_102 = tpu.memref_squeeze %dma_wait3A_101 : memref<1x128x128xf32, #tpu.memory_space<vmem>> -> memref<128x128xf32, #tpu.memory_space<vmem>>
    %dma_wait3A_103 = arith.constant 0 : i32
    %dma_wait3A_104 = tpu.memref_slice %arg2[%add3A_35, %dma_wait3A_103] : memref<16384x128xf32, #tpu.memory_space<hbm>> -> memref<128x128xf32, #tpu.memory_space<hbm>>
    tpu.wait_dma2 semaphore(%arg9 : memref<!tpu.dma_semaphore, #tpu.memory_space<semaphore_mem>>) src(%dma_wait3A_104 : memref<128x128xf32, #tpu.memory_space<hbm>>) dst(%dma_wait3A_102 : memref<128x128xf32, #tpu.memory_space<vmem>>)
    %run_scoped3A_105 = arith.constant 2 : i32
    %run_scoped3A_106 = arith.constant 2 : i32
    "tpu.region"() ({
      %run_scoped3A_123 = tpu.sem_alloc : memref<!tpu.dma_semaphore, #tpu.memory_space<semaphore_mem>>
      %dma_start3A_124 = arith.constant 0 : i32
      %dma_start3A_125 = arith.constant 0 : i32
      %dma_start3A_126 = tpu.memref_slice %arg7[%run_scoped3A_105, %dma_start3A_124, %dma_start3A_125] : memref<4x128x128xf32, #tpu.memory_space<vmem>> -> memref<1x128x128xf32, #tpu.memory_space<vmem>>
      %dma_start3A_127 = tpu.memref_squeeze %dma_start3A_126 : memref<1x128x128xf32, #tpu.memory_space<vmem>> -> memref<128x128xf32, #tpu.memory_space<vmem>>
      %dma_start3A_128 = arith.constant 0 : i32
      %dma_start3A_129 = tpu.memref_slice %arg6[%run_scoped3A_106, %dma_start3A_128] : memref<4x128xi32, #tpu.memory_space<vmem>> -> memref<1x128xi32, #tpu.memory_space<vmem>>
      %dma_start3A_130 = tpu.memref_squeeze %dma_start3A_129 : memref<1x128xi32, #tpu.memory_space<vmem>> -> memref<128xi32, #tpu.memory_space<vmem>>
      %dma_start3A_131 = arith.constant 0 : i32
      %dma_start3A_132 = arith.constant 0 : i32
      %dma_start3A_133 = tpu.memref_slice %arg8[%dma_start3A_131, %dma_start3A_132] : memref<2048x128xf32, #tpu.memory_space<vmem_shared>> -> memref<2048x128xf32, #tpu.memory_space<vmem_shared>>
      tpu.enqueue_indirect_dma source(%dma_start3A_127 : memref<128x128xf32, #tpu.memory_space<vmem>>) target(%dma_start3A_133 : memref<2048x128xf32, #tpu.memory_space<vmem_shared>>) offsets(%dma_start3A_130 : memref<128xi32, #tpu.memory_space<vmem>>) semaphore(%run_scoped3A_123 : memref<!tpu.dma_semaphore, #tpu.memory_space<semaphore_mem>>) {add = true}
      %dma_wait3A_134 = arith.constant 0 : i32
      %dma_wait3A_135 = arith.constant 0 : i32
      %dma_wait3A_136 = tpu.memref_slice %arg7[%run_scoped3A_105, %dma_wait3A_134, %dma_wait3A_135] : memref<4x128x128xf32, #tpu.memory_space<vmem>> -> memref<1x128x128xf32, #tpu.memory_space<vmem>>
      %dma_wait3A_137 = tpu.memref_squeeze %dma_wait3A_136 : memref<1x128x128xf32, #tpu.memory_space<vmem>> -> memref<128x128xf32, #tpu.memory_space<vmem>>
      %dma_wait3A_138 = arith.constant 0 : i32
      %dma_wait3A_139 = tpu.memref_slice %arg6[%run_scoped3A_106, %dma_wait3A_138] : memref<4x128xi32, #tpu.memory_space<vmem>> -> memref<1x128xi32, #tpu.memory_space<vmem>>
      %dma_wait3A_140 = tpu.memref_squeeze %dma_wait3A_139 : memref<1x128xi32, #tpu.memory_space<vmem>> -> memref<128xi32, #tpu.memory_space<vmem>>
      %dma_wait3A_141 = arith.constant 0 : i32
      %dma_wait3A_142 = arith.constant 0 : i32
      %dma_wait3A_143 = tpu.memref_slice %arg8[%dma_wait3A_141, %dma_wait3A_142] : memref<2048x128xf32, #tpu.memory_space<vmem_shared>> -> memref<2048x128xf32, #tpu.memory_space<vmem_shared>>
      tpu.wait_indirect_dma semaphore(%run_scoped3A_123 : memref<!tpu.dma_semaphore, #tpu.memory_space<semaphore_mem>>) src(%dma_wait3A_137 : memref<128x128xf32, #tpu.memory_space<vmem>>) dst(%dma_wait3A_143 : memref<2048x128xf32, #tpu.memory_space<vmem_shared>>)
      tpu.yield
    }) : () -> ()
    %dma_wait3A_107 = arith.constant 3 : i32
    %dma_wait3A_108 = arith.constant 0 : i32
    %dma_wait3A_109 = arith.constant 0 : i32
    %dma_wait3A_110 = tpu.memref_slice %arg7[%dma_wait3A_107, %dma_wait3A_108, %dma_wait3A_109] : memref<4x128x128xf32, #tpu.memory_space<vmem>> -> memref<1x128x128xf32, #tpu.memory_space<vmem>>
    %dma_wait3A_111 = tpu.memref_squeeze %dma_wait3A_110 : memref<1x128x128xf32, #tpu.memory_space<vmem>> -> memref<128x128xf32, #tpu.memory_space<vmem>>
    %dma_wait3A_112 = arith.constant 0 : i32
    %dma_wait3A_113 = tpu.memref_slice %arg2[%add3A_50, %dma_wait3A_112] : memref<16384x128xf32, #tpu.memory_space<hbm>> -> memref<128x128xf32, #tpu.memory_space<hbm>>
    %dma_wait3A_114 = arith.constant 0 : i32
    %dma_wait3A_115 = arith.constant 0 : i32
    %dma_wait3A_116 = tpu.memref_slice %arg7[%dma_wait3A_107, %dma_wait3A_114, %dma_wait3A_115] : memref<4x128x128xf32, #tpu.memory_space<vmem>> -> memref<1x128x128xf32, #tpu.memory_space<vmem>>
    %dma_wait3A_117 = tpu.memref_squeeze %dma_wait3A_116 : memref<1x128x128xf32, #tpu.memory_space<vmem>> -> memref<128x128xf32, #tpu.memory_space<vmem>>
    %dma_wait3A_118 = arith.constant 0 : i32
    %dma_wait3A_119 = tpu.memref_slice %arg2[%add3A_50, %dma_wait3A_118] : memref<16384x128xf32, #tpu.memory_space<hbm>> -> memref<128x128xf32, #tpu.memory_space<hbm>>
    tpu.wait_dma2 semaphore(%arg9 : memref<!tpu.dma_semaphore, #tpu.memory_space<semaphore_mem>>) src(%dma_wait3A_119 : memref<128x128xf32, #tpu.memory_space<hbm>>) dst(%dma_wait3A_117 : memref<128x128xf32, #tpu.memory_space<vmem>>)
    %run_scoped3A_120 = arith.constant 3 : i32
    %run_scoped3A_121 = arith.constant 3 : i32
    "tpu.region"() ({
      %run_scoped3A_123 = tpu.sem_alloc : memref<!tpu.dma_semaphore, #tpu.memory_space<semaphore_mem>>
      %dma_start3A_124 = arith.constant 0 : i32
      %dma_start3A_125 = arith.constant 0 : i32
      %dma_start3A_126 = tpu.memref_slice %arg7[%run_scoped3A_120, %dma_start3A_124, %dma_start3A_125] : memref<4x128x128xf32, #tpu.memory_space<vmem>> -> memref<1x128x128xf32, #tpu.memory_space<vmem>>
      %dma_start3A_127 = tpu.memref_squeeze %dma_start3A_126 : memref<1x128x128xf32, #tpu.memory_space<vmem>> -> memref<128x128xf32, #tpu.memory_space<vmem>>
      %dma_start3A_128 = arith.constant 0 : i32
      %dma_start3A_129 = tpu.memref_slice %arg6[%run_scoped3A_121, %dma_start3A_128] : memref<4x128xi32, #tpu.memory_space<vmem>> -> memref<1x128xi32, #tpu.memory_space<vmem>>
      %dma_start3A_130 = tpu.memref_squeeze %dma_start3A_129 : memref<1x128xi32, #tpu.memory_space<vmem>> -> memref<128xi32, #tpu.memory_space<vmem>>
      %dma_start3A_131 = arith.constant 0 : i32
      %dma_start3A_132 = arith.constant 0 : i32
      %dma_start3A_133 = tpu.memref_slice %arg8[%dma_start3A_131, %dma_start3A_132] : memref<2048x128xf32, #tpu.memory_space<vmem_shared>> -> memref<2048x128xf32, #tpu.memory_space<vmem_shared>>
      tpu.enqueue_indirect_dma source(%dma_start3A_127 : memref<128x128xf32, #tpu.memory_space<vmem>>) target(%dma_start3A_133 : memref<2048x128xf32, #tpu.memory_space<vmem_shared>>) offsets(%dma_start3A_130 : memref<128xi32, #tpu.memory_space<vmem>>) semaphore(%run_scoped3A_123 : memref<!tpu.dma_semaphore, #tpu.memory_space<semaphore_mem>>) {add = true}
      %dma_wait3A_134 = arith.constant 0 : i32
      %dma_wait3A_135 = arith.constant 0 : i32
      %dma_wait3A_136 = tpu.memref_slice %arg7[%run_scoped3A_120, %dma_wait3A_134, %dma_wait3A_135] : memref<4x128x128xf32, #tpu.memory_space<vmem>> -> memref<1x128x128xf32, #tpu.memory_space<vmem>>
      %dma_wait3A_137 = tpu.memref_squeeze %dma_wait3A_136 : memref<1x128x128xf32, #tpu.memory_space<vmem>> -> memref<128x128xf32, #tpu.memory_space<vmem>>
      %dma_wait3A_138 = arith.constant 0 : i32
      %dma_wait3A_139 = tpu.memref_slice %arg6[%run_scoped3A_121, %dma_wait3A_138] : memref<4x128xi32, #tpu.memory_space<vmem>> -> memref<1x128xi32, #tpu.memory_space<vmem>>
      %dma_wait3A_140 = tpu.memref_squeeze %dma_wait3A_139 : memref<1x128xi32, #tpu.memory_space<vmem>> -> memref<128xi32, #tpu.memory_space<vmem>>
      %dma_wait3A_141 = arith.constant 0 : i32
      %dma_wait3A_142 = arith.constant 0 : i32
      %dma_wait3A_143 = tpu.memref_slice %arg8[%dma_wait3A_141, %dma_wait3A_142] : memref<2048x128xf32, #tpu.memory_space<vmem_shared>> -> memref<2048x128xf32, #tpu.memory_space<vmem_shared>>
      tpu.wait_indirect_dma semaphore(%run_scoped3A_123 : memref<!tpu.dma_semaphore, #tpu.memory_space<semaphore_mem>>) src(%dma_wait3A_137 : memref<128x128xf32, #tpu.memory_space<vmem>>) dst(%dma_wait3A_143 : memref<2048x128xf32, #tpu.memory_space<vmem_shared>>)
      tpu.yield
    }) : () -> ()
    %barrier3A_122 = arith.constant 0 : index
    tpu.barrier barrier_id(%barrier3A_122)
    "tpu.region"() ({
      %run_scoped3A_123 = tpu.sem_alloc : memref<!tpu.dma_semaphore, #tpu.memory_space<semaphore_mem>>
      %dma_start3A_124 = arith.constant 0 : i32
      %dma_start3A_125 = tpu.memref_slice %arg5[%arg0, %mul3A_4, %dma_start3A_124] : memref<2x2048x128xf32, #tpu.memory_space<hbm>> -> memref<1x128x128xf32, #tpu.memory_space<hbm>>
      %dma_start3A_126 = tpu.memref_squeeze %dma_start3A_125 : memref<1x128x128xf32, #tpu.memory_space<hbm>> -> memref<128x128xf32, #tpu.memory_space<hbm>>
      %dma_start3A_127 = arith.constant 0 : i32
      %dma_start3A_128 = tpu.memref_slice %arg8[%mul3A_4, %dma_start3A_127] : memref<2048x128xf32, #tpu.memory_space<vmem_shared>> -> memref<128x128xf32, #tpu.memory_space<vmem_shared>>
      tpu.enqueue_dma source(%dma_start3A_128 : memref<128x128xf32, #tpu.memory_space<vmem_shared>>) target(%dma_start3A_126 : memref<128x128xf32, #tpu.memory_space<hbm>>) target_semaphore(%run_scoped3A_123 : memref<!tpu.dma_semaphore, #tpu.memory_space<semaphore_mem>>)
      %dma_wait3A_129 = arith.constant 0 : i32
      %dma_wait3A_130 = tpu.memref_slice %arg5[%arg0, %mul3A_4, %dma_wait3A_129] : memref<2x2048x128xf32, #tpu.memory_space<hbm>> -> memref<1x128x128xf32, #tpu.memory_space<hbm>>
      %dma_wait3A_131 = tpu.memref_squeeze %dma_wait3A_130 : memref<1x128x128xf32, #tpu.memory_space<hbm>> -> memref<128x128xf32, #tpu.memory_space<hbm>>
      %dma_wait3A_132 = arith.constant 0 : i32
      %dma_wait3A_133 = tpu.memref_slice %arg8[%mul3A_4, %dma_wait3A_132] : memref<2048x128xf32, #tpu.memory_space<vmem_shared>> -> memref<128x128xf32, #tpu.memory_space<vmem_shared>>
      tpu.wait_dma2 semaphore(%run_scoped3A_123 : memref<!tpu.dma_semaphore, #tpu.memory_space<semaphore_mem>>) src(%dma_wait3A_133 : memref<128x128xf32, #tpu.memory_space<vmem_shared>>) dst(%dma_wait3A_131 : memref<128x128xf32, #tpu.memory_space<hbm>>)
      tpu.yield
    }) : () -> ()
    return
  }
}

module attributes {stable_mosaic.version = 14 : i64} {
  func.func @_fin1_body(%arg0: i32, %arg1: memref<2x512x128xf32, #tpu.memory_space<vmem>>, %arg2: memref<2x512x128xf32, #tpu.memory_space<vmem>>, %arg3: memref<512x64xf32, #tpu.memory_space<vmem>>, %arg4: memref<64x64xf32, #tpu.memory_space<vmem>>, %arg5: memref<1x64xf32, #tpu.memory_space<vmem>>, %arg6: memref<1x64xf32, #tpu.memory_space<vmem>>, %arg7: memref<1x64xf32, #tpu.memory_space<vmem>>, %arg8: memref<512x128xf32, #tpu.memory_space<vmem>>) attributes {dimension_semantics = [#tpu.dimension_semantics<arbitrary>], iteration_bounds = array<i64: 4>, scalar_prefetch = 0 : i64, scratch_operands = 0 : i64, tpu.core_type = #tpu.core_type<tc>, window_params = [{transform_indices = @transform_0, window_bounds = array<i64: 2, 512, 128>}, {transform_indices = @transform_1, window_bounds = array<i64: 2, 512, 128>}, {transform_indices = @transform_2, window_bounds = array<i64: 512, 64>}, {pipeline_mode = #tpu.pipeline_mode<synchronous>, transform_indices = @transform_3, window_bounds = array<i64: 64, 64>}, {pipeline_mode = #tpu.pipeline_mode<synchronous>, transform_indices = @transform_4, window_bounds = array<i64: 1, 64>}, {pipeline_mode = #tpu.pipeline_mode<synchronous>, transform_indices = @transform_5, window_bounds = array<i64: 1, 64>}, {pipeline_mode = #tpu.pipeline_mode<synchronous>, transform_indices = @transform_6, window_bounds = array<i64: 1, 64>}, {transform_indices = @transform_7, window_bounds = array<i64: 512, 128>}]} {
    %get3A = arith.constant 0 : index
    %get3A_0 = arith.constant 0 : index
    %get3A_1 = arith.constant 0 : index
    %get3A_2 = vector.load %arg1[%get3A, %get3A_0, %get3A_1] : memref<2x512x128xf32, #tpu.memory_space<vmem>>, vector<1x512x128xf32>
    %get3A_3 = vector.shape_cast %get3A_2 : vector<1x512x128xf32> to vector<512x128xf32>
    %get3A_4 = arith.constant 1 : index
    %get3A_5 = arith.constant 0 : index
    %get3A_6 = arith.constant 0 : index
    %get3A_7 = vector.load %arg1[%get3A_4, %get3A_5, %get3A_6] : memref<2x512x128xf32, #tpu.memory_space<vmem>>, vector<1x512x128xf32>
    %get3A_8 = vector.shape_cast %get3A_7 : vector<1x512x128xf32> to vector<512x128xf32>
    %add3A = arith.addf %get3A_3, %get3A_8 : vector<512x128xf32>
    %slice3A = vector.extract_strided_slice %add3A {offsets = [0, 0], sizes = [512, 64], strides = [1, 1]} : vector<512x128xf32> to vector<512x64xf32>
    %get3A_9 = arith.constant 0 : index
    %get3A_10 = arith.constant 0 : index
    %get3A_11 = arith.constant 0 : index
    %get3A_12 = vector.load %arg2[%get3A_9, %get3A_10, %get3A_11] : memref<2x512x128xf32, #tpu.memory_space<vmem>>, vector<1x512x128xf32>
    %get3A_13 = vector.shape_cast %get3A_12 : vector<1x512x128xf32> to vector<512x128xf32>
    %slice3A_14 = vector.extract_strided_slice %get3A_13 {offsets = [0, 0], sizes = [512, 1], strides = [1, 1]} : vector<512x128xf32> to vector<512x1xf32>
    %get3A_15 = arith.constant 1 : index
    %get3A_16 = arith.constant 0 : index
    %get3A_17 = arith.constant 0 : index
    %get3A_18 = vector.load %arg2[%get3A_15, %get3A_16, %get3A_17] : memref<2x512x128xf32, #tpu.memory_space<vmem>>, vector<1x512x128xf32>
    %get3A_19 = vector.shape_cast %get3A_18 : vector<1x512x128xf32> to vector<512x128xf32>
    %slice3A_20 = vector.extract_strided_slice %get3A_19 {offsets = [0, 0], sizes = [512, 1], strides = [1, 1]} : vector<512x128xf32> to vector<512x1xf32>
    %add3A_21 = arith.addf %slice3A_14, %slice3A_20 : vector<512x1xf32>
    %max3A = arith.constant 1.000000e+00 : f32
    %max3A_22 = vector.broadcast %max3A : f32 to vector<512x1xf32>
    %max3A_23 = arith.maximumf %add3A_21, %max3A_22 : vector<512x1xf32>
    %div3A = vector.broadcast %max3A_23 : vector<512x1xf32> to vector<512x64xf32>
    %div3A_24 = arith.divf %slice3A, %div3A : vector<512x64xf32>
    %get3A_25 = arith.constant 0 : index
    %get3A_26 = arith.constant 0 : index
    %get3A_27 = vector.load %arg3[%get3A_25, %get3A_26] : memref<512x64xf32, #tpu.memory_space<vmem>>, vector<512x64xf32>
    %get3A_28 = arith.constant 0 : index
    %get3A_29 = arith.constant 0 : index
    %get3A_30 = vector.load %arg4[%get3A_28, %get3A_29] : memref<64x64xf32, #tpu.memory_space<vmem>>, vector<64x64xf32>
    %dot_general3A = arith.constant dense<0.000000e+00> : vector<512x64xf32>
    %dot_general3A_31 = tpu.matmul %get3A_27, %get3A_30, %dot_general3A {dimension_numbers = #tpu.dot_dimension_numbers<[1], [0], [0], [1], [0, 0, 1, 1], [], []>, transpose_lhs_hint = false} : vector<512x64xf32>, vector<64x64xf32>, vector<512x64xf32> -> vector<512x64xf32>
    %add3A_32 = arith.addf %div3A_24, %dot_general3A_31 : vector<512x64xf32>
    %get3A_33 = arith.constant 0 : index
    %get3A_34 = arith.constant 0 : index
    %get3A_35 = vector.load %arg5[%get3A_33, %get3A_34] : memref<1x64xf32, #tpu.memory_space<vmem>>, vector<1x64xf32>
    %add3A_36 = vector.broadcast %get3A_35 : vector<1x64xf32> to vector<512x64xf32>
    %add3A_37 = arith.addf %add3A_32, %add3A_36 : vector<512x64xf32>
    %get3A_38 = arith.constant 0 : index
    %get3A_39 = arith.constant 0 : index
    %get3A_40 = vector.load %arg6[%get3A_38, %get3A_39] : memref<1x64xf32, #tpu.memory_space<vmem>>, vector<1x64xf32>
    %mul3A = vector.broadcast %get3A_40 : vector<1x64xf32> to vector<512x64xf32>
    %mul3A_41 = arith.mulf %add3A_37, %mul3A : vector<512x64xf32>
    %get3A_42 = arith.constant 0 : index
    %get3A_43 = arith.constant 0 : index
    %get3A_44 = vector.load %arg7[%get3A_42, %get3A_43] : memref<1x64xf32, #tpu.memory_space<vmem>>, vector<1x64xf32>
    %add3A_45 = vector.broadcast %get3A_44 : vector<1x64xf32> to vector<512x64xf32>
    %add3A_46 = arith.addf %mul3A_41, %add3A_45 : vector<512x64xf32>
    %logistic3A = arith.negf %add3A_46 : vector<512x64xf32>
    %logistic3A_47 = math.exp %logistic3A : vector<512x64xf32>
    %logistic3A_48 = arith.constant 1.000000e+00 : f32
    %logistic3A_49 = vector.broadcast %logistic3A_48 : f32 to vector<512x64xf32>
    %logistic3A_50 = arith.addf %logistic3A_49, %logistic3A_47 : vector<512x64xf32>
    %logistic3A_51 = arith.divf %logistic3A_49, %logistic3A_50 : vector<512x64xf32>
    %broadcast_in_dim3A = arith.constant 0.000000e+00 : f32
    %broadcast_in_dim3A_52 = vector.broadcast %broadcast_in_dim3A : f32 to vector<512x64xf32>
    %concatenate3A = tpu.concatenate %logistic3A_51, %broadcast_in_dim3A_52 in 1 : vector<512x64xf32>, vector<512x64xf32> -> vector<512x128xf32>
    %swap3A = arith.constant 0 : index
    %swap3A_53 = arith.constant 0 : index
    %swap3A_54 = vector.load %arg8[%swap3A, %swap3A_53] : memref<512x128xf32, #tpu.memory_space<vmem>>, vector<512x128xf32>
    tpu.vector_store %arg8[%swap3A, %swap3A_53], %concatenate3A {strides = array<i32>} : memref<512x128xf32, #tpu.memory_space<vmem>>, vector<512x128xf32>,
    return
  }
  func.func @transform_0(%arg0: i32) -> (i32, i32, i32) {
    %c0_i32 = arith.constant 0 : i32
    %c0_i32_0 = arith.constant 0 : i32
    %c0_i32_1 = arith.constant 0 : i32
    return %c0_i32, %arg0, %c0_i32_0 : i32, i32, i32
  }
  func.func @transform_1(%arg0: i32) -> (i32, i32, i32) {
    %c0_i32 = arith.constant 0 : i32
    %c0_i32_0 = arith.constant 0 : i32
    %c0_i32_1 = arith.constant 0 : i32
    return %c0_i32, %arg0, %c0_i32_0 : i32, i32, i32
  }
  func.func @transform_2(%arg0: i32) -> (i32, i32) {
    %c0_i32 = arith.constant 0 : i32
    %c0_i32_0 = arith.constant 0 : i32
    return %arg0, %c0_i32 : i32, i32
  }
  func.func @transform_3(%arg0: i32) -> (i32, i32) {
    %c0_i32 = arith.constant 0 : i32
    %c0_i32_0 = arith.constant 0 : i32
    %c0_i32_1 = arith.constant 0 : i32
    return %c0_i32, %c0_i32_0 : i32, i32
  }
  func.func @transform_4(%arg0: i32) -> (i32, i32) {
    %c0_i32 = arith.constant 0 : i32
    %c0_i32_0 = arith.constant 0 : i32
    %c0_i32_1 = arith.constant 0 : i32
    return %c0_i32, %c0_i32_0 : i32, i32
  }
  func.func @transform_5(%arg0: i32) -> (i32, i32) {
    %c0_i32 = arith.constant 0 : i32
    %c0_i32_0 = arith.constant 0 : i32
    %c0_i32_1 = arith.constant 0 : i32
    return %c0_i32, %c0_i32_0 : i32, i32
  }
  func.func @transform_6(%arg0: i32) -> (i32, i32) {
    %c0_i32 = arith.constant 0 : i32
    %c0_i32_0 = arith.constant 0 : i32
    %c0_i32_1 = arith.constant 0 : i32
    return %c0_i32, %c0_i32_0 : i32, i32
  }
  func.func @transform_7(%arg0: i32) -> (i32, i32) {
    %c0_i32 = arith.constant 0 : i32
    %c0_i32_0 = arith.constant 0 : i32
    return %arg0, %c0_i32 : i32, i32
  }
}

module attributes {stable_mosaic.version = 14 : i64} {
  func.func @_msg2_body(%arg0: i32, %arg1: memref<2x2048xf32, #tpu.memory_space<vmem>>, %arg2: memref<2048x128xf32, #tpu.memory_space<vmem>>, %arg3: memref<2x128xf32, #tpu.memory_space<vmem>>, %arg4: memref<2048x128xf32, #tpu.memory_space<vmem>>) attributes {dimension_semantics = [#tpu.dimension_semantics<arbitrary>], iteration_bounds = array<i64: 8>, scalar_prefetch = 0 : i64, scratch_operands = 0 : i64, tpu.core_type = #tpu.core_type<tc>, window_params = [{transform_indices = @transform_0, window_bounds = array<i64: 2, 2048>}, {transform_indices = @transform_1, window_bounds = array<i64: 2048, 128>}, {pipeline_mode = #tpu.pipeline_mode<synchronous>, transform_indices = @transform_2, window_bounds = array<i64: 2, 128>}, {transform_indices = @transform_3, window_bounds = array<i64: 2048, 128>}]} {
    %get3A = arith.constant 0 : index
    %get3A_0 = arith.constant 0 : index
    %get3A_1 = vector.load %arg1[%get3A, %get3A_0] : memref<2x2048xf32, #tpu.memory_space<vmem>>, vector<2x2048xf32>
    %transpose3A = tpu.transpose %get3A_1, [1, 0] : vector<2x2048xf32> -> vector<2048x2xf32>
    %get3A_2 = arith.constant 0 : index
    %get3A_3 = arith.constant 0 : index
    %get3A_4 = vector.load %arg3[%get3A_2, %get3A_3] : memref<2x128xf32, #tpu.memory_space<vmem>>, vector<2x128xf32>
    %dot_general3A = arith.constant dense<0.000000e+00> : vector<2048x128xf32>
    %dot_general3A_5 = tpu.matmul %transpose3A, %get3A_4, %dot_general3A {dimension_numbers = #tpu.dot_dimension_numbers<[1], [0], [0], [1], [0, 0, 1, 1], [], []>, transpose_lhs_hint = false} : vector<2048x2xf32>, vector<2x128xf32>, vector<2048x128xf32> -> vector<2048x128xf32>
    %max3A = arith.constant 0.000000e+00 : f32
    %max3A_6 = vector.broadcast %max3A : f32 to vector<2048x128xf32>
    %max3A_7 = arith.maximumf %dot_general3A_5, %max3A_6 : vector<2048x128xf32>
    %get3A_8 = arith.constant 0 : index
    %get3A_9 = arith.constant 0 : index
    %get3A_10 = vector.load %arg2[%get3A_8, %get3A_9] : memref<2048x128xf32, #tpu.memory_space<vmem>>, vector<2048x128xf32>
    %mul3A = arith.mulf %get3A_10, %max3A_7 : vector<2048x128xf32>
    %reduce_sum3A = arith.constant dense<0.000000e+00> : vector<2048xf32>
    %reduce_sum3A_11 = vector.multi_reduction <add>, %mul3A, %reduce_sum3A [1] : vector<2048x128xf32> to vector<2048xf32>
    %broadcast_in_dim3A = vector.shape_cast %reduce_sum3A_11 : vector<2048xf32> to vector<2048x1xf32>
    %broadcast_in_dim3A_12 = arith.constant 0.000000e+00 : f32
    %broadcast_in_dim3A_13 = vector.broadcast %broadcast_in_dim3A_12 : f32 to vector<2048x127xf32>
    %concatenate3A = tpu.concatenate %broadcast_in_dim3A, %broadcast_in_dim3A_13 in 1 : vector<2048x1xf32>, vector<2048x127xf32> -> vector<2048x128xf32>
    %swap3A = arith.constant 0 : index
    %swap3A_14 = arith.constant 0 : index
    %swap3A_15 = vector.load %arg4[%swap3A, %swap3A_14] : memref<2048x128xf32, #tpu.memory_space<vmem>>, vector<2048x128xf32>
    tpu.vector_store %arg4[%swap3A, %swap3A_14], %concatenate3A {strides = array<i32>} : memref<2048x128xf32, #tpu.memory_space<vmem>>, vector<2048x128xf32>,
    return
  }
  func.func @transform_0(%arg0: i32) -> (i32, i32) {
    %c0_i32 = arith.constant 0 : i32
    %c0_i32_0 = arith.constant 0 : i32
    return %c0_i32, %arg0 : i32, i32
  }
  func.func @transform_1(%arg0: i32) -> (i32, i32) {
    %c0_i32 = arith.constant 0 : i32
    %c0_i32_0 = arith.constant 0 : i32
    return %arg0, %c0_i32 : i32, i32
  }
  func.func @transform_2(%arg0: i32) -> (i32, i32) {
    %c0_i32 = arith.constant 0 : i32
    %c0_i32_0 = arith.constant 0 : i32
    %c0_i32_1 = arith.constant 0 : i32
    return %c0_i32, %c0_i32_0 : i32, i32
  }
  func.func @transform_3(%arg0: i32) -> (i32, i32) {
    %c0_i32 = arith.constant 0 : i32
    %c0_i32_0 = arith.constant 0 : i32
    return %arg0, %c0_i32 : i32, i32
  }
}

module attributes {stable_mosaic.version = 14 : i64} {
  func.func @_msg1_body(%arg0: i32, %arg1: memref<2x1024xf32, #tpu.memory_space<vmem>>, %arg2: memref<1024x128xf32, #tpu.memory_space<vmem>>, %arg3: memref<64x64x2xf32, #tpu.memory_space<vmem>>, %arg4: memref<1024x128xf32, #tpu.memory_space<vmem>>) attributes {dimension_semantics = [#tpu.dimension_semantics<arbitrary>], iteration_bounds = array<i64: 16>, scalar_prefetch = 0 : i64, scratch_operands = 0 : i64, tpu.core_type = #tpu.core_type<tc>, window_params = [{transform_indices = @transform_0, window_bounds = array<i64: 2, 1024>}, {transform_indices = @transform_1, window_bounds = array<i64: 1024, 128>}, {pipeline_mode = #tpu.pipeline_mode<synchronous>, transform_indices = @transform_2, window_bounds = array<i64: 64, 64, 2>}, {transform_indices = @transform_3, window_bounds = array<i64: 1024, 128>}]} {
    %get3A = arith.constant 0 : index
    %get3A_0 = arith.constant 0 : index
    %get3A_1 = vector.load %arg1[%get3A, %get3A_0] : memref<2x1024xf32, #tpu.memory_space<vmem>>, vector<2x1024xf32>
    %get3A_2 = arith.constant 0 : index
    %get3A_3 = arith.constant 0 : index
    %get3A_4 = vector.load %arg2[%get3A_2, %get3A_3] : memref<1024x128xf32, #tpu.memory_space<vmem>>, vector<1024x128xf32>
    %transpose3A = tpu.transpose %get3A_4, [1, 0] : vector<1024x128xf32> -> vector<128x1024xf32>
    %broadcast_in_dim3A = arith.constant 0.000000e+00 : f32
    %broadcast_in_dim3A_5 = vector.broadcast %broadcast_in_dim3A : f32 to vector<64x1024xf32>
    %get3A_6 = arith.constant 0 : index
    %get3A_7 = arith.constant 0 : index
    %get3A_8 = arith.constant 0 : index
    %get3A_9 = vector.load %arg3[%get3A_6, %get3A_7, %get3A_8] : memref<64x64x2xf32, #tpu.memory_space<vmem>>, vector<1x64x2xf32>
    %get3A_10 = vector.shape_cast %get3A_9 : vector<1x64x2xf32> to vector<64x2xf32>
    %dot_general3A = arith.constant dense<0.000000e+00> : vector<64x1024xf32>
    %dot_general3A_11 = tpu.matmul %get3A_10, %get3A_1, %dot_general3A {dimension_numbers = #tpu.dot_dimension_numbers<[1], [0], [0], [1], [0, 0, 1, 1], [], []>, transpose_lhs_hint = false} : vector<64x2xf32>, vector<2x1024xf32>, vector<64x1024xf32> -> vector<64x1024xf32>
    %slice3A = vector.extract_strided_slice %transpose3A {offsets = [0, 0], sizes = [1, 1024], strides = [1, 1]} : vector<128x1024xf32> to vector<1x1024xf32>
    %broadcast_in_dim3A_12 = vector.shape_cast %slice3A : vector<1x1024xf32> to vector<1x1024xf32>
    %broadcast_in_dim3A_13 = vector.broadcast %broadcast_in_dim3A_12 : vector<1x1024xf32> to vector<64x1024xf32>
    %max3A = arith.constant 0.000000e+00 : f32
    %max3A_14 = vector.broadcast %max3A : f32 to vector<64x1024xf32>
    %max3A_15 = arith.maximumf %dot_general3A_11, %max3A_14 : vector<64x1024xf32>
    %mul3A = arith.mulf %broadcast_in_dim3A_13, %max3A_15 : vector<64x1024xf32>
    %add3A = arith.addf %broadcast_in_dim3A_5, %mul3A : vector<64x1024xf32>
    %get3A_16 = arith.constant 1 : index
    %get3A_17 = arith.constant 0 : index
    %get3A_18 = arith.constant 0 : index
    %get3A_19 = vector.load %arg3[%get3A_16, %get3A_17, %get3A_18] : memref<64x64x2xf32, #tpu.memory_space<vmem>>, vector<1x64x2xf32>
    %get3A_20 = vector.shape_cast %get3A_19 : vector<1x64x2xf32> to vector<64x2xf32>
    %dot_general3A_21 = arith.constant dense<0.000000e+00> : vector<64x1024xf32>
    %dot_general3A_22 = tpu.matmul %get3A_20, %get3A_1, %dot_general3A_21 {dimension_numbers = #tpu.dot_dimension_numbers<[1], [0], [0], [1], [0, 0, 1, 1], [], []>, transpose_lhs_hint = false} : vector<64x2xf32>, vector<2x1024xf32>, vector<64x1024xf32> -> vector<64x1024xf32>
    %slice3A_23 = vector.extract_strided_slice %transpose3A {offsets = [1, 0], sizes = [1, 1024], strides = [1, 1]} : vector<128x1024xf32> to vector<1x1024xf32>
    %broadcast_in_dim3A_24 = vector.shape_cast %slice3A_23 : vector<1x1024xf32> to vector<1x1024xf32>
    %broadcast_in_dim3A_25 = vector.broadcast %broadcast_in_dim3A_24 : vector<1x1024xf32> to vector<64x1024xf32>
    %max3A_26 = arith.constant 0.000000e+00 : f32
    %max3A_27 = vector.broadcast %max3A_26 : f32 to vector<64x1024xf32>
    %max3A_28 = arith.maximumf %dot_general3A_22, %max3A_27 : vector<64x1024xf32>
    %mul3A_29 = arith.mulf %broadcast_in_dim3A_25, %max3A_28 : vector<64x1024xf32>
    %add3A_30 = arith.addf %add3A, %mul3A_29 : vector<64x1024xf32>
    %get3A_31 = arith.constant 2 : index
    %get3A_32 = arith.constant 0 : index
    %get3A_33 = arith.constant 0 : index
    %get3A_34 = vector.load %arg3[%get3A_31, %get3A_32, %get3A_33] : memref<64x64x2xf32, #tpu.memory_space<vmem>>, vector<1x64x2xf32>
    %get3A_35 = vector.shape_cast %get3A_34 : vector<1x64x2xf32> to vector<64x2xf32>
    %dot_general3A_36 = arith.constant dense<0.000000e+00> : vector<64x1024xf32>
    %dot_general3A_37 = tpu.matmul %get3A_35, %get3A_1, %dot_general3A_36 {dimension_numbers = #tpu.dot_dimension_numbers<[1], [0], [0], [1], [0, 0, 1, 1], [], []>, transpose_lhs_hint = false} : vector<64x2xf32>, vector<2x1024xf32>, vector<64x1024xf32> -> vector<64x1024xf32>
    %slice3A_38 = vector.extract_strided_slice %transpose3A {offsets = [2, 0], sizes = [1, 1024], strides = [1, 1]} : vector<128x1024xf32> to vector<1x1024xf32>
    %broadcast_in_dim3A_39 = vector.shape_cast %slice3A_38 : vector<1x1024xf32> to vector<1x1024xf32>
    %broadcast_in_dim3A_40 = vector.broadcast %broadcast_in_dim3A_39 : vector<1x1024xf32> to vector<64x1024xf32>
    %max3A_41 = arith.constant 0.000000e+00 : f32
    %max3A_42 = vector.broadcast %max3A_41 : f32 to vector<64x1024xf32>
    %max3A_43 = arith.maximumf %dot_general3A_37, %max3A_42 : vector<64x1024xf32>
    %mul3A_44 = arith.mulf %broadcast_in_dim3A_40, %max3A_43 : vector<64x1024xf32>
    %add3A_45 = arith.addf %add3A_30, %mul3A_44 : vector<64x1024xf32>
    %get3A_46 = arith.constant 3 : index
    %get3A_47 = arith.constant 0 : index
    %get3A_48 = arith.constant 0 : index
    %get3A_49 = vector.load %arg3[%get3A_46, %get3A_47, %get3A_48] : memref<64x64x2xf32, #tpu.memory_space<vmem>>, vector<1x64x2xf32>
    %get3A_50 = vector.shape_cast %get3A_49 : vector<1x64x2xf32> to vector<64x2xf32>
    %dot_general3A_51 = arith.constant dense<0.000000e+00> : vector<64x1024xf32>
    %dot_general3A_52 = tpu.matmul %get3A_50, %get3A_1, %dot_general3A_51 {dimension_numbers = #tpu.dot_dimension_numbers<[1], [0], [0], [1], [0, 0, 1, 1], [], []>, transpose_lhs_hint = false} : vector<64x2xf32>, vector<2x1024xf32>, vector<64x1024xf32> -> vector<64x1024xf32>
    %slice3A_53 = vector.extract_strided_slice %transpose3A {offsets = [3, 0], sizes = [1, 1024], strides = [1, 1]} : vector<128x1024xf32> to vector<1x1024xf32>
    %broadcast_in_dim3A_54 = vector.shape_cast %slice3A_53 : vector<1x1024xf32> to vector<1x1024xf32>
    %broadcast_in_dim3A_55 = vector.broadcast %broadcast_in_dim3A_54 : vector<1x1024xf32> to vector<64x1024xf32>
    %max3A_56 = arith.constant 0.000000e+00 : f32
    %max3A_57 = vector.broadcast %max3A_56 : f32 to vector<64x1024xf32>
    %max3A_58 = arith.maximumf %dot_general3A_52, %max3A_57 : vector<64x1024xf32>
    %mul3A_59 = arith.mulf %broadcast_in_dim3A_55, %max3A_58 : vector<64x1024xf32>
    %add3A_60 = arith.addf %add3A_45, %mul3A_59 : vector<64x1024xf32>
    %get3A_61 = arith.constant 4 : index
    %get3A_62 = arith.constant 0 : index
    %get3A_63 = arith.constant 0 : index
    %get3A_64 = vector.load %arg3[%get3A_61, %get3A_62, %get3A_63] : memref<64x64x2xf32, #tpu.memory_space<vmem>>, vector<1x64x2xf32>
    %get3A_65 = vector.shape_cast %get3A_64 : vector<1x64x2xf32> to vector<64x2xf32>
    %dot_general3A_66 = arith.constant dense<0.000000e+00> : vector<64x1024xf32>
    %dot_general3A_67 = tpu.matmul %get3A_65, %get3A_1, %dot_general3A_66 {dimension_numbers = #tpu.dot_dimension_numbers<[1], [0], [0], [1], [0, 0, 1, 1], [], []>, transpose_lhs_hint = false} : vector<64x2xf32>, vector<2x1024xf32>, vector<64x1024xf32> -> vector<64x1024xf32>
    %slice3A_68 = vector.extract_strided_slice %transpose3A {offsets = [4, 0], sizes = [1, 1024], strides = [1, 1]} : vector<128x1024xf32> to vector<1x1024xf32>
    %broadcast_in_dim3A_69 = vector.shape_cast %slice3A_68 : vector<1x1024xf32> to vector<1x1024xf32>
    %broadcast_in_dim3A_70 = vector.broadcast %broadcast_in_dim3A_69 : vector<1x1024xf32> to vector<64x1024xf32>
    %max3A_71 = arith.constant 0.000000e+00 : f32
    %max3A_72 = vector.broadcast %max3A_71 : f32 to vector<64x1024xf32>
    %max3A_73 = arith.maximumf %dot_general3A_67, %max3A_72 : vector<64x1024xf32>
    %mul3A_74 = arith.mulf %broadcast_in_dim3A_70, %max3A_73 : vector<64x1024xf32>
    %add3A_75 = arith.addf %add3A_60, %mul3A_74 : vector<64x1024xf32>
    %get3A_76 = arith.constant 5 : index
    %get3A_77 = arith.constant 0 : index
    %get3A_78 = arith.constant 0 : index
    %get3A_79 = vector.load %arg3[%get3A_76, %get3A_77, %get3A_78] : memref<64x64x2xf32, #tpu.memory_space<vmem>>, vector<1x64x2xf32>
    %get3A_80 = vector.shape_cast %get3A_79 : vector<1x64x2xf32> to vector<64x2xf32>
    %dot_general3A_81 = arith.constant dense<0.000000e+00> : vector<64x1024xf32>
    %dot_general3A_82 = tpu.matmul %get3A_80, %get3A_1, %dot_general3A_81 {dimension_numbers = #tpu.dot_dimension_numbers<[1], [0], [0], [1], [0, 0, 1, 1], [], []>, transpose_lhs_hint = false} : vector<64x2xf32>, vector<2x1024xf32>, vector<64x1024xf32> -> vector<64x1024xf32>
    %slice3A_83 = vector.extract_strided_slice %transpose3A {offsets = [5, 0], sizes = [1, 1024], strides = [1, 1]} : vector<128x1024xf32> to vector<1x1024xf32>
    %broadcast_in_dim3A_84 = vector.shape_cast %slice3A_83 : vector<1x1024xf32> to vector<1x1024xf32>
    %broadcast_in_dim3A_85 = vector.broadcast %broadcast_in_dim3A_84 : vector<1x1024xf32> to vector<64x1024xf32>
    %max3A_86 = arith.constant 0.000000e+00 : f32
    %max3A_87 = vector.broadcast %max3A_86 : f32 to vector<64x1024xf32>
    %max3A_88 = arith.maximumf %dot_general3A_82, %max3A_87 : vector<64x1024xf32>
    %mul3A_89 = arith.mulf %broadcast_in_dim3A_85, %max3A_88 : vector<64x1024xf32>
    %add3A_90 = arith.addf %add3A_75, %mul3A_89 : vector<64x1024xf32>
    %get3A_91 = arith.constant 6 : index
    %get3A_92 = arith.constant 0 : index
    %get3A_93 = arith.constant 0 : index
    %get3A_94 = vector.load %arg3[%get3A_91, %get3A_92, %get3A_93] : memref<64x64x2xf32, #tpu.memory_space<vmem>>, vector<1x64x2xf32>
    %get3A_95 = vector.shape_cast %get3A_94 : vector<1x64x2xf32> to vector<64x2xf32>
    %dot_general3A_96 = arith.constant dense<0.000000e+00> : vector<64x1024xf32>
    %dot_general3A_97 = tpu.matmul %get3A_95, %get3A_1, %dot_general3A_96 {dimension_numbers = #tpu.dot_dimension_numbers<[1], [0], [0], [1], [0, 0, 1, 1], [], []>, transpose_lhs_hint = false} : vector<64x2xf32>, vector<2x1024xf32>, vector<64x1024xf32> -> vector<64x1024xf32>
    %slice3A_98 = vector.extract_strided_slice %transpose3A {offsets = [6, 0], sizes = [1, 1024], strides = [1, 1]} : vector<128x1024xf32> to vector<1x1024xf32>
    %broadcast_in_dim3A_99 = vector.shape_cast %slice3A_98 : vector<1x1024xf32> to vector<1x1024xf32>
    %broadcast_in_dim3A_100 = vector.broadcast %broadcast_in_dim3A_99 : vector<1x1024xf32> to vector<64x1024xf32>
    %max3A_101 = arith.constant 0.000000e+00 : f32
    %max3A_102 = vector.broadcast %max3A_101 : f32 to vector<64x1024xf32>
    %max3A_103 = arith.maximumf %dot_general3A_97, %max3A_102 : vector<64x1024xf32>
    %mul3A_104 = arith.mulf %broadcast_in_dim3A_100, %max3A_103 : vector<64x1024xf32>
    %add3A_105 = arith.addf %add3A_90, %mul3A_104 : vector<64x1024xf32>
    %get3A_106 = arith.constant 7 : index
    %get3A_107 = arith.constant 0 : index
    %get3A_108 = arith.constant 0 : index
    %get3A_109 = vector.load %arg3[%get3A_106, %get3A_107, %get3A_108] : memref<64x64x2xf32, #tpu.memory_space<vmem>>, vector<1x64x2xf32>
    %get3A_110 = vector.shape_cast %get3A_109 : vector<1x64x2xf32> to vector<64x2xf32>
    %dot_general3A_111 = arith.constant dense<0.000000e+00> : vector<64x1024xf32>
    %dot_general3A_112 = tpu.matmul %get3A_110, %get3A_1, %dot_general3A_111 {dimension_numbers = #tpu.dot_dimension_numbers<[1], [0], [0], [1], [0, 0, 1, 1], [], []>, transpose_lhs_hint = false} : vector<64x2xf32>, vector<2x1024xf32>, vector<64x1024xf32> -> vector<64x1024xf32>
    %slice3A_113 = vector.extract_strided_slice %transpose3A {offsets = [7, 0], sizes = [1, 1024], strides = [1, 1]} : vector<128x1024xf32> to vector<1x1024xf32>
    %broadcast_in_dim3A_114 = vector.shape_cast %slice3A_113 : vector<1x1024xf32> to vector<1x1024xf32>
    %broadcast_in_dim3A_115 = vector.broadcast %broadcast_in_dim3A_114 : vector<1x1024xf32> to vector<64x1024xf32>
    %max3A_116 = arith.constant 0.000000e+00 : f32
    %max3A_117 = vector.broadcast %max3A_116 : f32 to vector<64x1024xf32>
    %max3A_118 = arith.maximumf %dot_general3A_112, %max3A_117 : vector<64x1024xf32>
    %mul3A_119 = arith.mulf %broadcast_in_dim3A_115, %max3A_118 : vector<64x1024xf32>
    %add3A_120 = arith.addf %add3A_105, %mul3A_119 : vector<64x1024xf32>
    %get3A_121 = arith.constant 8 : index
    %get3A_122 = arith.constant 0 : index
    %get3A_123 = arith.constant 0 : index
    %get3A_124 = vector.load %arg3[%get3A_121, %get3A_122, %get3A_123] : memref<64x64x2xf32, #tpu.memory_space<vmem>>, vector<1x64x2xf32>
    %get3A_125 = vector.shape_cast %get3A_124 : vector<1x64x2xf32> to vector<64x2xf32>
    %dot_general3A_126 = arith.constant dense<0.000000e+00> : vector<64x1024xf32>
    %dot_general3A_127 = tpu.matmul %get3A_125, %get3A_1, %dot_general3A_126 {dimension_numbers = #tpu.dot_dimension_numbers<[1], [0], [0], [1], [0, 0, 1, 1], [], []>, transpose_lhs_hint = false} : vector<64x2xf32>, vector<2x1024xf32>, vector<64x1024xf32> -> vector<64x1024xf32>
    %slice3A_128 = vector.extract_strided_slice %transpose3A {offsets = [8, 0], sizes = [1, 1024], strides = [1, 1]} : vector<128x1024xf32> to vector<1x1024xf32>
    %broadcast_in_dim3A_129 = vector.shape_cast %slice3A_128 : vector<1x1024xf32> to vector<1x1024xf32>
    %broadcast_in_dim3A_130 = vector.broadcast %broadcast_in_dim3A_129 : vector<1x1024xf32> to vector<64x1024xf32>
    %max3A_131 = arith.constant 0.000000e+00 : f32
    %max3A_132 = vector.broadcast %max3A_131 : f32 to vector<64x1024xf32>
    %max3A_133 = arith.maximumf %dot_general3A_127, %max3A_132 : vector<64x1024xf32>
    %mul3A_134 = arith.mulf %broadcast_in_dim3A_130, %max3A_133 : vector<64x1024xf32>
    %add3A_135 = arith.addf %add3A_120, %mul3A_134 : vector<64x1024xf32>
    %get3A_136 = arith.constant 9 : index
    %get3A_137 = arith.constant 0 : index
    %get3A_138 = arith.constant 0 : index
    %get3A_139 = vector.load %arg3[%get3A_136, %get3A_137, %get3A_138] : memref<64x64x2xf32, #tpu.memory_space<vmem>>, vector<1x64x2xf32>
    %get3A_140 = vector.shape_cast %get3A_139 : vector<1x64x2xf32> to vector<64x2xf32>
    %dot_general3A_141 = arith.constant dense<0.000000e+00> : vector<64x1024xf32>
    %dot_general3A_142 = tpu.matmul %get3A_140, %get3A_1, %dot_general3A_141 {dimension_numbers = #tpu.dot_dimension_numbers<[1], [0], [0], [1], [0, 0, 1, 1], [], []>, transpose_lhs_hint = false} : vector<64x2xf32>, vector<2x1024xf32>, vector<64x1024xf32> -> vector<64x1024xf32>
    %slice3A_143 = vector.extract_strided_slice %transpose3A {offsets = [9, 0], sizes = [1, 1024], strides = [1, 1]} : vector<128x1024xf32> to vector<1x1024xf32>
    %broadcast_in_dim3A_144 = vector.shape_cast %slice3A_143 : vector<1x1024xf32> to vector<1x1024xf32>
    %broadcast_in_dim3A_145 = vector.broadcast %broadcast_in_dim3A_144 : vector<1x1024xf32> to vector<64x1024xf32>
    %max3A_146 = arith.constant 0.000000e+00 : f32
    %max3A_147 = vector.broadcast %max3A_146 : f32 to vector<64x1024xf32>
    %max3A_148 = arith.maximumf %dot_general3A_142, %max3A_147 : vector<64x1024xf32>
    %mul3A_149 = arith.mulf %broadcast_in_dim3A_145, %max3A_148 : vector<64x1024xf32>
    %add3A_150 = arith.addf %add3A_135, %mul3A_149 : vector<64x1024xf32>
    %get3A_151 = arith.constant 10 : index
    %get3A_152 = arith.constant 0 : index
    %get3A_153 = arith.constant 0 : index
    %get3A_154 = vector.load %arg3[%get3A_151, %get3A_152, %get3A_153] : memref<64x64x2xf32, #tpu.memory_space<vmem>>, vector<1x64x2xf32>
    %get3A_155 = vector.shape_cast %get3A_154 : vector<1x64x2xf32> to vector<64x2xf32>
    %dot_general3A_156 = arith.constant dense<0.000000e+00> : vector<64x1024xf32>
    %dot_general3A_157 = tpu.matmul %get3A_155, %get3A_1, %dot_general3A_156 {dimension_numbers = #tpu.dot_dimension_numbers<[1], [0], [0], [1], [0, 0, 1, 1], [], []>, transpose_lhs_hint = false} : vector<64x2xf32>, vector<2x1024xf32>, vector<64x1024xf32> -> vector<64x1024xf32>
    %slice3A_158 = vector.extract_strided_slice %transpose3A {offsets = [10, 0], sizes = [1, 1024], strides = [1, 1]} : vector<128x1024xf32> to vector<1x1024xf32>
    %broadcast_in_dim3A_159 = vector.shape_cast %slice3A_158 : vector<1x1024xf32> to vector<1x1024xf32>
    %broadcast_in_dim3A_160 = vector.broadcast %broadcast_in_dim3A_159 : vector<1x1024xf32> to vector<64x1024xf32>
    %max3A_161 = arith.constant 0.000000e+00 : f32
    %max3A_162 = vector.broadcast %max3A_161 : f32 to vector<64x1024xf32>
    %max3A_163 = arith.maximumf %dot_general3A_157, %max3A_162 : vector<64x1024xf32>
    %mul3A_164 = arith.mulf %broadcast_in_dim3A_160, %max3A_163 : vector<64x1024xf32>
    %add3A_165 = arith.addf %add3A_150, %mul3A_164 : vector<64x1024xf32>
    %get3A_166 = arith.constant 11 : index
    %get3A_167 = arith.constant 0 : index
    %get3A_168 = arith.constant 0 : index
    %get3A_169 = vector.load %arg3[%get3A_166, %get3A_167, %get3A_168] : memref<64x64x2xf32, #tpu.memory_space<vmem>>, vector<1x64x2xf32>
    %get3A_170 = vector.shape_cast %get3A_169 : vector<1x64x2xf32> to vector<64x2xf32>
    %dot_general3A_171 = arith.constant dense<0.000000e+00> : vector<64x1024xf32>
    %dot_general3A_172 = tpu.matmul %get3A_170, %get3A_1, %dot_general3A_171 {dimension_numbers = #tpu.dot_dimension_numbers<[1], [0], [0], [1], [0, 0, 1, 1], [], []>, transpose_lhs_hint = false} : vector<64x2xf32>, vector<2x1024xf32>, vector<64x1024xf32> -> vector<64x1024xf32>
    %slice3A_173 = vector.extract_strided_slice %transpose3A {offsets = [11, 0], sizes = [1, 1024], strides = [1, 1]} : vector<128x1024xf32> to vector<1x1024xf32>
    %broadcast_in_dim3A_174 = vector.shape_cast %slice3A_173 : vector<1x1024xf32> to vector<1x1024xf32>
    %broadcast_in_dim3A_175 = vector.broadcast %broadcast_in_dim3A_174 : vector<1x1024xf32> to vector<64x1024xf32>
    %max3A_176 = arith.constant 0.000000e+00 : f32
    %max3A_177 = vector.broadcast %max3A_176 : f32 to vector<64x1024xf32>
    %max3A_178 = arith.maximumf %dot_general3A_172, %max3A_177 : vector<64x1024xf32>
    %mul3A_179 = arith.mulf %broadcast_in_dim3A_175, %max3A_178 : vector<64x1024xf32>
    %add3A_180 = arith.addf %add3A_165, %mul3A_179 : vector<64x1024xf32>
    %get3A_181 = arith.constant 12 : index
    %get3A_182 = arith.constant 0 : index
    %get3A_183 = arith.constant 0 : index
    %get3A_184 = vector.load %arg3[%get3A_181, %get3A_182, %get3A_183] : memref<64x64x2xf32, #tpu.memory_space<vmem>>, vector<1x64x2xf32>
    %get3A_185 = vector.shape_cast %get3A_184 : vector<1x64x2xf32> to vector<64x2xf32>
    %dot_general3A_186 = arith.constant dense<0.000000e+00> : vector<64x1024xf32>
    %dot_general3A_187 = tpu.matmul %get3A_185, %get3A_1, %dot_general3A_186 {dimension_numbers = #tpu.dot_dimension_numbers<[1], [0], [0], [1], [0, 0, 1, 1], [], []>, transpose_lhs_hint = false} : vector<64x2xf32>, vector<2x1024xf32>, vector<64x1024xf32> -> vector<64x1024xf32>
    %slice3A_188 = vector.extract_strided_slice %transpose3A {offsets = [12, 0], sizes = [1, 1024], strides = [1, 1]} : vector<128x1024xf32> to vector<1x1024xf32>
    %broadcast_in_dim3A_189 = vector.shape_cast %slice3A_188 : vector<1x1024xf32> to vector<1x1024xf32>
    %broadcast_in_dim3A_190 = vector.broadcast %broadcast_in_dim3A_189 : vector<1x1024xf32> to vector<64x1024xf32>
    %max3A_191 = arith.constant 0.000000e+00 : f32
    %max3A_192 = vector.broadcast %max3A_191 : f32 to vector<64x1024xf32>
    %max3A_193 = arith.maximumf %dot_general3A_187, %max3A_192 : vector<64x1024xf32>
    %mul3A_194 = arith.mulf %broadcast_in_dim3A_190, %max3A_193 : vector<64x1024xf32>
    %add3A_195 = arith.addf %add3A_180, %mul3A_194 : vector<64x1024xf32>
    %get3A_196 = arith.constant 13 : index
    %get3A_197 = arith.constant 0 : index
    %get3A_198 = arith.constant 0 : index
    %get3A_199 = vector.load %arg3[%get3A_196, %get3A_197, %get3A_198] : memref<64x64x2xf32, #tpu.memory_space<vmem>>, vector<1x64x2xf32>
    %get3A_200 = vector.shape_cast %get3A_199 : vector<1x64x2xf32> to vector<64x2xf32>
    %dot_general3A_201 = arith.constant dense<0.000000e+00> : vector<64x1024xf32>
    %dot_general3A_202 = tpu.matmul %get3A_200, %get3A_1, %dot_general3A_201 {dimension_numbers = #tpu.dot_dimension_numbers<[1], [0], [0], [1], [0, 0, 1, 1], [], []>, transpose_lhs_hint = false} : vector<64x2xf32>, vector<2x1024xf32>, vector<64x1024xf32> -> vector<64x1024xf32>
    %slice3A_203 = vector.extract_strided_slice %transpose3A {offsets = [13, 0], sizes = [1, 1024], strides = [1, 1]} : vector<128x1024xf32> to vector<1x1024xf32>
    %broadcast_in_dim3A_204 = vector.shape_cast %slice3A_203 : vector<1x1024xf32> to vector<1x1024xf32>
    %broadcast_in_dim3A_205 = vector.broadcast %broadcast_in_dim3A_204 : vector<1x1024xf32> to vector<64x1024xf32>
    %max3A_206 = arith.constant 0.000000e+00 : f32
    %max3A_207 = vector.broadcast %max3A_206 : f32 to vector<64x1024xf32>
    %max3A_208 = arith.maximumf %dot_general3A_202, %max3A_207 : vector<64x1024xf32>
    %mul3A_209 = arith.mulf %broadcast_in_dim3A_205, %max3A_208 : vector<64x1024xf32>
    %add3A_210 = arith.addf %add3A_195, %mul3A_209 : vector<64x1024xf32>
    %get3A_211 = arith.constant 14 : index
    %get3A_212 = arith.constant 0 : index
    %get3A_213 = arith.constant 0 : index
    %get3A_214 = vector.load %arg3[%get3A_211, %get3A_212, %get3A_213] : memref<64x64x2xf32, #tpu.memory_space<vmem>>, vector<1x64x2xf32>
    %get3A_215 = vector.shape_cast %get3A_214 : vector<1x64x2xf32> to vector<64x2xf32>
    %dot_general3A_216 = arith.constant dense<0.000000e+00> : vector<64x1024xf32>
    %dot_general3A_217 = tpu.matmul %get3A_215, %get3A_1, %dot_general3A_216 {dimension_numbers = #tpu.dot_dimension_numbers<[1], [0], [0], [1], [0, 0, 1, 1], [], []>, transpose_lhs_hint = false} : vector<64x2xf32>, vector<2x1024xf32>, vector<64x1024xf32> -> vector<64x1024xf32>
    %slice3A_218 = vector.extract_strided_slice %transpose3A {offsets = [14, 0], sizes = [1, 1024], strides = [1, 1]} : vector<128x1024xf32> to vector<1x1024xf32>
    %broadcast_in_dim3A_219 = vector.shape_cast %slice3A_218 : vector<1x1024xf32> to vector<1x1024xf32>
    %broadcast_in_dim3A_220 = vector.broadcast %broadcast_in_dim3A_219 : vector<1x1024xf32> to vector<64x1024xf32>
    %max3A_221 = arith.constant 0.000000e+00 : f32
    %max3A_222 = vector.broadcast %max3A_221 : f32 to vector<64x1024xf32>
    %max3A_223 = arith.maximumf %dot_general3A_217, %max3A_222 : vector<64x1024xf32>
    %mul3A_224 = arith.mulf %broadcast_in_dim3A_220, %max3A_223 : vector<64x1024xf32>
    %add3A_225 = arith.addf %add3A_210, %mul3A_224 : vector<64x1024xf32>
    %get3A_226 = arith.constant 15 : index
    %get3A_227 = arith.constant 0 : index
    %get3A_228 = arith.constant 0 : index
    %get3A_229 = vector.load %arg3[%get3A_226, %get3A_227, %get3A_228] : memref<64x64x2xf32, #tpu.memory_space<vmem>>, vector<1x64x2xf32>
    %get3A_230 = vector.shape_cast %get3A_229 : vector<1x64x2xf32> to vector<64x2xf32>
    %dot_general3A_231 = arith.constant dense<0.000000e+00> : vector<64x1024xf32>
    %dot_general3A_232 = tpu.matmul %get3A_230, %get3A_1, %dot_general3A_231 {dimension_numbers = #tpu.dot_dimension_numbers<[1], [0], [0], [1], [0, 0, 1, 1], [], []>, transpose_lhs_hint = false} : vector<64x2xf32>, vector<2x1024xf32>, vector<64x1024xf32> -> vector<64x1024xf32>
    %slice3A_233 = vector.extract_strided_slice %transpose3A {offsets = [15, 0], sizes = [1, 1024], strides = [1, 1]} : vector<128x1024xf32> to vector<1x1024xf32>
    %broadcast_in_dim3A_234 = vector.shape_cast %slice3A_233 : vector<1x1024xf32> to vector<1x1024xf32>
    %broadcast_in_dim3A_235 = vector.broadcast %broadcast_in_dim3A_234 : vector<1x1024xf32> to vector<64x1024xf32>
    %max3A_236 = arith.constant 0.000000e+00 : f32
    %max3A_237 = vector.broadcast %max3A_236 : f32 to vector<64x1024xf32>
    %max3A_238 = arith.maximumf %dot_general3A_232, %max3A_237 : vector<64x1024xf32>
    %mul3A_239 = arith.mulf %broadcast_in_dim3A_235, %max3A_238 : vector<64x1024xf32>
    %add3A_240 = arith.addf %add3A_225, %mul3A_239 : vector<64x1024xf32>
    %get3A_241 = arith.constant 16 : index
    %get3A_242 = arith.constant 0 : index
    %get3A_243 = arith.constant 0 : index
    %get3A_244 = vector.load %arg3[%get3A_241, %get3A_242, %get3A_243] : memref<64x64x2xf32, #tpu.memory_space<vmem>>, vector<1x64x2xf32>
    %get3A_245 = vector.shape_cast %get3A_244 : vector<1x64x2xf32> to vector<64x2xf32>
    %dot_general3A_246 = arith.constant dense<0.000000e+00> : vector<64x1024xf32>
    %dot_general3A_247 = tpu.matmul %get3A_245, %get3A_1, %dot_general3A_246 {dimension_numbers = #tpu.dot_dimension_numbers<[1], [0], [0], [1], [0, 0, 1, 1], [], []>, transpose_lhs_hint = false} : vector<64x2xf32>, vector<2x1024xf32>, vector<64x1024xf32> -> vector<64x1024xf32>
    %slice3A_248 = vector.extract_strided_slice %transpose3A {offsets = [16, 0], sizes = [1, 1024], strides = [1, 1]} : vector<128x1024xf32> to vector<1x1024xf32>
    %broadcast_in_dim3A_249 = vector.shape_cast %slice3A_248 : vector<1x1024xf32> to vector<1x1024xf32>
    %broadcast_in_dim3A_250 = vector.broadcast %broadcast_in_dim3A_249 : vector<1x1024xf32> to vector<64x1024xf32>
    %max3A_251 = arith.constant 0.000000e+00 : f32
    %max3A_252 = vector.broadcast %max3A_251 : f32 to vector<64x1024xf32>
    %max3A_253 = arith.maximumf %dot_general3A_247, %max3A_252 : vector<64x1024xf32>
    %mul3A_254 = arith.mulf %broadcast_in_dim3A_250, %max3A_253 : vector<64x1024xf32>
    %add3A_255 = arith.addf %add3A_240, %mul3A_254 : vector<64x1024xf32>
    %get3A_256 = arith.constant 17 : index
    %get3A_257 = arith.constant 0 : index
    %get3A_258 = arith.constant 0 : index
    %get3A_259 = vector.load %arg3[%get3A_256, %get3A_257, %get3A_258] : memref<64x64x2xf32, #tpu.memory_space<vmem>>, vector<1x64x2xf32>
    %get3A_260 = vector.shape_cast %get3A_259 : vector<1x64x2xf32> to vector<64x2xf32>
    %dot_general3A_261 = arith.constant dense<0.000000e+00> : vector<64x1024xf32>
    %dot_general3A_262 = tpu.matmul %get3A_260, %get3A_1, %dot_general3A_261 {dimension_numbers = #tpu.dot_dimension_numbers<[1], [0], [0], [1], [0, 0, 1, 1], [], []>, transpose_lhs_hint = false} : vector<64x2xf32>, vector<2x1024xf32>, vector<64x1024xf32> -> vector<64x1024xf32>
    %slice3A_263 = vector.extract_strided_slice %transpose3A {offsets = [17, 0], sizes = [1, 1024], strides = [1, 1]} : vector<128x1024xf32> to vector<1x1024xf32>
    %broadcast_in_dim3A_264 = vector.shape_cast %slice3A_263 : vector<1x1024xf32> to vector<1x1024xf32>
    %broadcast_in_dim3A_265 = vector.broadcast %broadcast_in_dim3A_264 : vector<1x1024xf32> to vector<64x1024xf32>
    %max3A_266 = arith.constant 0.000000e+00 : f32
    %max3A_267 = vector.broadcast %max3A_266 : f32 to vector<64x1024xf32>
    %max3A_268 = arith.maximumf %dot_general3A_262, %max3A_267 : vector<64x1024xf32>
    %mul3A_269 = arith.mulf %broadcast_in_dim3A_265, %max3A_268 : vector<64x1024xf32>
    %add3A_270 = arith.addf %add3A_255, %mul3A_269 : vector<64x1024xf32>
    %get3A_271 = arith.constant 18 : index
    %get3A_272 = arith.constant 0 : index
    %get3A_273 = arith.constant 0 : index
    %get3A_274 = vector.load %arg3[%get3A_271, %get3A_272, %get3A_273] : memref<64x64x2xf32, #tpu.memory_space<vmem>>, vector<1x64x2xf32>
    %get3A_275 = vector.shape_cast %get3A_274 : vector<1x64x2xf32> to vector<64x2xf32>
    %dot_general3A_276 = arith.constant dense<0.000000e+00> : vector<64x1024xf32>
    %dot_general3A_277 = tpu.matmul %get3A_275, %get3A_1, %dot_general3A_276 {dimension_numbers = #tpu.dot_dimension_numbers<[1], [0], [0], [1], [0, 0, 1, 1], [], []>, transpose_lhs_hint = false} : vector<64x2xf32>, vector<2x1024xf32>, vector<64x1024xf32> -> vector<64x1024xf32>
    %slice3A_278 = vector.extract_strided_slice %transpose3A {offsets = [18, 0], sizes = [1, 1024], strides = [1, 1]} : vector<128x1024xf32> to vector<1x1024xf32>
    %broadcast_in_dim3A_279 = vector.shape_cast %slice3A_278 : vector<1x1024xf32> to vector<1x1024xf32>
    %broadcast_in_dim3A_280 = vector.broadcast %broadcast_in_dim3A_279 : vector<1x1024xf32> to vector<64x1024xf32>
    %max3A_281 = arith.constant 0.000000e+00 : f32
    %max3A_282 = vector.broadcast %max3A_281 : f32 to vector<64x1024xf32>
    %max3A_283 = arith.maximumf %dot_general3A_277, %max3A_282 : vector<64x1024xf32>
    %mul3A_284 = arith.mulf %broadcast_in_dim3A_280, %max3A_283 : vector<64x1024xf32>
    %add3A_285 = arith.addf %add3A_270, %mul3A_284 : vector<64x1024xf32>
    %get3A_286 = arith.constant 19 : index
    %get3A_287 = arith.constant 0 : index
    %get3A_288 = arith.constant 0 : index
    %get3A_289 = vector.load %arg3[%get3A_286, %get3A_287, %get3A_288] : memref<64x64x2xf32, #tpu.memory_space<vmem>>, vector<1x64x2xf32>
    %get3A_290 = vector.shape_cast %get3A_289 : vector<1x64x2xf32> to vector<64x2xf32>
    %dot_general3A_291 = arith.constant dense<0.000000e+00> : vector<64x1024xf32>
    %dot_general3A_292 = tpu.matmul %get3A_290, %get3A_1, %dot_general3A_291 {dimension_numbers = #tpu.dot_dimension_numbers<[1], [0], [0], [1], [0, 0, 1, 1], [], []>, transpose_lhs_hint = false} : vector<64x2xf32>, vector<2x1024xf32>, vector<64x1024xf32> -> vector<64x1024xf32>
    %slice3A_293 = vector.extract_strided_slice %transpose3A {offsets = [19, 0], sizes = [1, 1024], strides = [1, 1]} : vector<128x1024xf32> to vector<1x1024xf32>
    %broadcast_in_dim3A_294 = vector.shape_cast %slice3A_293 : vector<1x1024xf32> to vector<1x1024xf32>
    %broadcast_in_dim3A_295 = vector.broadcast %broadcast_in_dim3A_294 : vector<1x1024xf32> to vector<64x1024xf32>
    %max3A_296 = arith.constant 0.000000e+00 : f32
    %max3A_297 = vector.broadcast %max3A_296 : f32 to vector<64x1024xf32>
    %max3A_298 = arith.maximumf %dot_general3A_292, %max3A_297 : vector<64x1024xf32>
    %mul3A_299 = arith.mulf %broadcast_in_dim3A_295, %max3A_298 : vector<64x1024xf32>
    %add3A_300 = arith.addf %add3A_285, %mul3A_299 : vector<64x1024xf32>
    %get3A_301 = arith.constant 20 : index
    %get3A_302 = arith.constant 0 : index
    %get3A_303 = arith.constant 0 : index
    %get3A_304 = vector.load %arg3[%get3A_301, %get3A_302, %get3A_303] : memref<64x64x2xf32, #tpu.memory_space<vmem>>, vector<1x64x2xf32>
    %get3A_305 = vector.shape_cast %get3A_304 : vector<1x64x2xf32> to vector<64x2xf32>
    %dot_general3A_306 = arith.constant dense<0.000000e+00> : vector<64x1024xf32>
    %dot_general3A_307 = tpu.matmul %get3A_305, %get3A_1, %dot_general3A_306 {dimension_numbers = #tpu.dot_dimension_numbers<[1], [0], [0], [1], [0, 0, 1, 1], [], []>, transpose_lhs_hint = false} : vector<64x2xf32>, vector<2x1024xf32>, vector<64x1024xf32> -> vector<64x1024xf32>
    %slice3A_308 = vector.extract_strided_slice %transpose3A {offsets = [20, 0], sizes = [1, 1024], strides = [1, 1]} : vector<128x1024xf32> to vector<1x1024xf32>
    %broadcast_in_dim3A_309 = vector.shape_cast %slice3A_308 : vector<1x1024xf32> to vector<1x1024xf32>
    %broadcast_in_dim3A_310 = vector.broadcast %broadcast_in_dim3A_309 : vector<1x1024xf32> to vector<64x1024xf32>
    %max3A_311 = arith.constant 0.000000e+00 : f32
    %max3A_312 = vector.broadcast %max3A_311 : f32 to vector<64x1024xf32>
    %max3A_313 = arith.maximumf %dot_general3A_307, %max3A_312 : vector<64x1024xf32>
    %mul3A_314 = arith.mulf %broadcast_in_dim3A_310, %max3A_313 : vector<64x1024xf32>
    %add3A_315 = arith.addf %add3A_300, %mul3A_314 : vector<64x1024xf32>
    %get3A_316 = arith.constant 21 : index
    %get3A_317 = arith.constant 0 : index
    %get3A_318 = arith.constant 0 : index
    %get3A_319 = vector.load %arg3[%get3A_316, %get3A_317, %get3A_318] : memref<64x64x2xf32, #tpu.memory_space<vmem>>, vector<1x64x2xf32>
    %get3A_320 = vector.shape_cast %get3A_319 : vector<1x64x2xf32> to vector<64x2xf32>
    %dot_general3A_321 = arith.constant dense<0.000000e+00> : vector<64x1024xf32>
    %dot_general3A_322 = tpu.matmul %get3A_320, %get3A_1, %dot_general3A_321 {dimension_numbers = #tpu.dot_dimension_numbers<[1], [0], [0], [1], [0, 0, 1, 1], [], []>, transpose_lhs_hint = false} : vector<64x2xf32>, vector<2x1024xf32>, vector<64x1024xf32> -> vector<64x1024xf32>
    %slice3A_323 = vector.extract_strided_slice %transpose3A {offsets = [21, 0], sizes = [1, 1024], strides = [1, 1]} : vector<128x1024xf32> to vector<1x1024xf32>
    %broadcast_in_dim3A_324 = vector.shape_cast %slice3A_323 : vector<1x1024xf32> to vector<1x1024xf32>
    %broadcast_in_dim3A_325 = vector.broadcast %broadcast_in_dim3A_324 : vector<1x1024xf32> to vector<64x1024xf32>
    %max3A_326 = arith.constant 0.000000e+00 : f32
    %max3A_327 = vector.broadcast %max3A_326 : f32 to vector<64x1024xf32>
    %max3A_328 = arith.maximumf %dot_general3A_322, %max3A_327 : vector<64x1024xf32>
    %mul3A_329 = arith.mulf %broadcast_in_dim3A_325, %max3A_328 : vector<64x1024xf32>
    %add3A_330 = arith.addf %add3A_315, %mul3A_329 : vector<64x1024xf32>
    %get3A_331 = arith.constant 22 : index
    %get3A_332 = arith.constant 0 : index
    %get3A_333 = arith.constant 0 : index
    %get3A_334 = vector.load %arg3[%get3A_331, %get3A_332, %get3A_333] : memref<64x64x2xf32, #tpu.memory_space<vmem>>, vector<1x64x2xf32>
    %get3A_335 = vector.shape_cast %get3A_334 : vector<1x64x2xf32> to vector<64x2xf32>
    %dot_general3A_336 = arith.constant dense<0.000000e+00> : vector<64x1024xf32>
    %dot_general3A_337 = tpu.matmul %get3A_335, %get3A_1, %dot_general3A_336 {dimension_numbers = #tpu.dot_dimension_numbers<[1], [0], [0], [1], [0, 0, 1, 1], [], []>, transpose_lhs_hint = false} : vector<64x2xf32>, vector<2x1024xf32>, vector<64x1024xf32> -> vector<64x1024xf32>
    %slice3A_338 = vector.extract_strided_slice %transpose3A {offsets = [22, 0], sizes = [1, 1024], strides = [1, 1]} : vector<128x1024xf32> to vector<1x1024xf32>
    %broadcast_in_dim3A_339 = vector.shape_cast %slice3A_338 : vector<1x1024xf32> to vector<1x1024xf32>
    %broadcast_in_dim3A_340 = vector.broadcast %broadcast_in_dim3A_339 : vector<1x1024xf32> to vector<64x1024xf32>
    %max3A_341 = arith.constant 0.000000e+00 : f32
    %max3A_342 = vector.broadcast %max3A_341 : f32 to vector<64x1024xf32>
    %max3A_343 = arith.maximumf %dot_general3A_337, %max3A_342 : vector<64x1024xf32>
    %mul3A_344 = arith.mulf %broadcast_in_dim3A_340, %max3A_343 : vector<64x1024xf32>
    %add3A_345 = arith.addf %add3A_330, %mul3A_344 : vector<64x1024xf32>
    %get3A_346 = arith.constant 23 : index
    %get3A_347 = arith.constant 0 : index
    %get3A_348 = arith.constant 0 : index
    %get3A_349 = vector.load %arg3[%get3A_346, %get3A_347, %get3A_348] : memref<64x64x2xf32, #tpu.memory_space<vmem>>, vector<1x64x2xf32>
    %get3A_350 = vector.shape_cast %get3A_349 : vector<1x64x2xf32> to vector<64x2xf32>
    %dot_general3A_351 = arith.constant dense<0.000000e+00> : vector<64x1024xf32>
    %dot_general3A_352 = tpu.matmul %get3A_350, %get3A_1, %dot_general3A_351 {dimension_numbers = #tpu.dot_dimension_numbers<[1], [0], [0], [1], [0, 0, 1, 1], [], []>, transpose_lhs_hint = false} : vector<64x2xf32>, vector<2x1024xf32>, vector<64x1024xf32> -> vector<64x1024xf32>
    %slice3A_353 = vector.extract_strided_slice %transpose3A {offsets = [23, 0], sizes = [1, 1024], strides = [1, 1]} : vector<128x1024xf32> to vector<1x1024xf32>
    %broadcast_in_dim3A_354 = vector.shape_cast %slice3A_353 : vector<1x1024xf32> to vector<1x1024xf32>
    %broadcast_in_dim3A_355 = vector.broadcast %broadcast_in_dim3A_354 : vector<1x1024xf32> to vector<64x1024xf32>
    %max3A_356 = arith.constant 0.000000e+00 : f32
    %max3A_357 = vector.broadcast %max3A_356 : f32 to vector<64x1024xf32>
    %max3A_358 = arith.maximumf %dot_general3A_352, %max3A_357 : vector<64x1024xf32>
    %mul3A_359 = arith.mulf %broadcast_in_dim3A_355, %max3A_358 : vector<64x1024xf32>
    %add3A_360 = arith.addf %add3A_345, %mul3A_359 : vector<64x1024xf32>
    %get3A_361 = arith.constant 24 : index
    %get3A_362 = arith.constant 0 : index
    %get3A_363 = arith.constant 0 : index
    %get3A_364 = vector.load %arg3[%get3A_361, %get3A_362, %get3A_363] : memref<64x64x2xf32, #tpu.memory_space<vmem>>, vector<1x64x2xf32>
    %get3A_365 = vector.shape_cast %get3A_364 : vector<1x64x2xf32> to vector<64x2xf32>
    %dot_general3A_366 = arith.constant dense<0.000000e+00> : vector<64x1024xf32>
    %dot_general3A_367 = tpu.matmul %get3A_365, %get3A_1, %dot_general3A_366 {dimension_numbers = #tpu.dot_dimension_numbers<[1], [0], [0], [1], [0, 0, 1, 1], [], []>, transpose_lhs_hint = false} : vector<64x2xf32>, vector<2x1024xf32>, vector<64x1024xf32> -> vector<64x1024xf32>
    %slice3A_368 = vector.extract_strided_slice %transpose3A {offsets = [24, 0], sizes = [1, 1024], strides = [1, 1]} : vector<128x1024xf32> to vector<1x1024xf32>
    %broadcast_in_dim3A_369 = vector.shape_cast %slice3A_368 : vector<1x1024xf32> to vector<1x1024xf32>
    %broadcast_in_dim3A_370 = vector.broadcast %broadcast_in_dim3A_369 : vector<1x1024xf32> to vector<64x1024xf32>
    %max3A_371 = arith.constant 0.000000e+00 : f32
    %max3A_372 = vector.broadcast %max3A_371 : f32 to vector<64x1024xf32>
    %max3A_373 = arith.maximumf %dot_general3A_367, %max3A_372 : vector<64x1024xf32>
    %mul3A_374 = arith.mulf %broadcast_in_dim3A_370, %max3A_373 : vector<64x1024xf32>
    %add3A_375 = arith.addf %add3A_360, %mul3A_374 : vector<64x1024xf32>
    %get3A_376 = arith.constant 25 : index
    %get3A_377 = arith.constant 0 : index
    %get3A_378 = arith.constant 0 : index
    %get3A_379 = vector.load %arg3[%get3A_376, %get3A_377, %get3A_378] : memref<64x64x2xf32, #tpu.memory_space<vmem>>, vector<1x64x2xf32>
    %get3A_380 = vector.shape_cast %get3A_379 : vector<1x64x2xf32> to vector<64x2xf32>
    %dot_general3A_381 = arith.constant dense<0.000000e+00> : vector<64x1024xf32>
    %dot_general3A_382 = tpu.matmul %get3A_380, %get3A_1, %dot_general3A_381 {dimension_numbers = #tpu.dot_dimension_numbers<[1], [0], [0], [1], [0, 0, 1, 1], [], []>, transpose_lhs_hint = false} : vector<64x2xf32>, vector<2x1024xf32>, vector<64x1024xf32> -> vector<64x1024xf32>
    %slice3A_383 = vector.extract_strided_slice %transpose3A {offsets = [25, 0], sizes = [1, 1024], strides = [1, 1]} : vector<128x1024xf32> to vector<1x1024xf32>
    %broadcast_in_dim3A_384 = vector.shape_cast %slice3A_383 : vector<1x1024xf32> to vector<1x1024xf32>
    %broadcast_in_dim3A_385 = vector.broadcast %broadcast_in_dim3A_384 : vector<1x1024xf32> to vector<64x1024xf32>
    %max3A_386 = arith.constant 0.000000e+00 : f32
    %max3A_387 = vector.broadcast %max3A_386 : f32 to vector<64x1024xf32>
    %max3A_388 = arith.maximumf %dot_general3A_382, %max3A_387 : vector<64x1024xf32>
    %mul3A_389 = arith.mulf %broadcast_in_dim3A_385, %max3A_388 : vector<64x1024xf32>
    %add3A_390 = arith.addf %add3A_375, %mul3A_389 : vector<64x1024xf32>
    %get3A_391 = arith.constant 26 : index
    %get3A_392 = arith.constant 0 : index
    %get3A_393 = arith.constant 0 : index
    %get3A_394 = vector.load %arg3[%get3A_391, %get3A_392, %get3A_393] : memref<64x64x2xf32, #tpu.memory_space<vmem>>, vector<1x64x2xf32>
    %get3A_395 = vector.shape_cast %get3A_394 : vector<1x64x2xf32> to vector<64x2xf32>
    %dot_general3A_396 = arith.constant dense<0.000000e+00> : vector<64x1024xf32>
    %dot_general3A_397 = tpu.matmul %get3A_395, %get3A_1, %dot_general3A_396 {dimension_numbers = #tpu.dot_dimension_numbers<[1], [0], [0], [1], [0, 0, 1, 1], [], []>, transpose_lhs_hint = false} : vector<64x2xf32>, vector<2x1024xf32>, vector<64x1024xf32> -> vector<64x1024xf32>
    %slice3A_398 = vector.extract_strided_slice %transpose3A {offsets = [26, 0], sizes = [1, 1024], strides = [1, 1]} : vector<128x1024xf32> to vector<1x1024xf32>
    %broadcast_in_dim3A_399 = vector.shape_cast %slice3A_398 : vector<1x1024xf32> to vector<1x1024xf32>
    %broadcast_in_dim3A_400 = vector.broadcast %broadcast_in_dim3A_399 : vector<1x1024xf32> to vector<64x1024xf32>
    %max3A_401 = arith.constant 0.000000e+00 : f32
    %max3A_402 = vector.broadcast %max3A_401 : f32 to vector<64x1024xf32>
    %max3A_403 = arith.maximumf %dot_general3A_397, %max3A_402 : vector<64x1024xf32>
    %mul3A_404 = arith.mulf %broadcast_in_dim3A_400, %max3A_403 : vector<64x1024xf32>
    %add3A_405 = arith.addf %add3A_390, %mul3A_404 : vector<64x1024xf32>
    %get3A_406 = arith.constant 27 : index
    %get3A_407 = arith.constant 0 : index
    %get3A_408 = arith.constant 0 : index
    %get3A_409 = vector.load %arg3[%get3A_406, %get3A_407, %get3A_408] : memref<64x64x2xf32, #tpu.memory_space<vmem>>, vector<1x64x2xf32>
    %get3A_410 = vector.shape_cast %get3A_409 : vector<1x64x2xf32> to vector<64x2xf32>
    %dot_general3A_411 = arith.constant dense<0.000000e+00> : vector<64x1024xf32>
    %dot_general3A_412 = tpu.matmul %get3A_410, %get3A_1, %dot_general3A_411 {dimension_numbers = #tpu.dot_dimension_numbers<[1], [0], [0], [1], [0, 0, 1, 1], [], []>, transpose_lhs_hint = false} : vector<64x2xf32>, vector<2x1024xf32>, vector<64x1024xf32> -> vector<64x1024xf32>
    %slice3A_413 = vector.extract_strided_slice %transpose3A {offsets = [27, 0], sizes = [1, 1024], strides = [1, 1]} : vector<128x1024xf32> to vector<1x1024xf32>
    %broadcast_in_dim3A_414 = vector.shape_cast %slice3A_413 : vector<1x1024xf32> to vector<1x1024xf32>
    %broadcast_in_dim3A_415 = vector.broadcast %broadcast_in_dim3A_414 : vector<1x1024xf32> to vector<64x1024xf32>
    %max3A_416 = arith.constant 0.000000e+00 : f32
    %max3A_417 = vector.broadcast %max3A_416 : f32 to vector<64x1024xf32>
    %max3A_418 = arith.maximumf %dot_general3A_412, %max3A_417 : vector<64x1024xf32>
    %mul3A_419 = arith.mulf %broadcast_in_dim3A_415, %max3A_418 : vector<64x1024xf32>
    %add3A_420 = arith.addf %add3A_405, %mul3A_419 : vector<64x1024xf32>
    %get3A_421 = arith.constant 28 : index
    %get3A_422 = arith.constant 0 : index
    %get3A_423 = arith.constant 0 : index
    %get3A_424 = vector.load %arg3[%get3A_421, %get3A_422, %get3A_423] : memref<64x64x2xf32, #tpu.memory_space<vmem>>, vector<1x64x2xf32>
    %get3A_425 = vector.shape_cast %get3A_424 : vector<1x64x2xf32> to vector<64x2xf32>
    %dot_general3A_426 = arith.constant dense<0.000000e+00> : vector<64x1024xf32>
    %dot_general3A_427 = tpu.matmul %get3A_425, %get3A_1, %dot_general3A_426 {dimension_numbers = #tpu.dot_dimension_numbers<[1], [0], [0], [1], [0, 0, 1, 1], [], []>, transpose_lhs_hint = false} : vector<64x2xf32>, vector<2x1024xf32>, vector<64x1024xf32> -> vector<64x1024xf32>
    %slice3A_428 = vector.extract_strided_slice %transpose3A {offsets = [28, 0], sizes = [1, 1024], strides = [1, 1]} : vector<128x1024xf32> to vector<1x1024xf32>
    %broadcast_in_dim3A_429 = vector.shape_cast %slice3A_428 : vector<1x1024xf32> to vector<1x1024xf32>
    %broadcast_in_dim3A_430 = vector.broadcast %broadcast_in_dim3A_429 : vector<1x1024xf32> to vector<64x1024xf32>
    %max3A_431 = arith.constant 0.000000e+00 : f32
    %max3A_432 = vector.broadcast %max3A_431 : f32 to vector<64x1024xf32>
    %max3A_433 = arith.maximumf %dot_general3A_427, %max3A_432 : vector<64x1024xf32>
    %mul3A_434 = arith.mulf %broadcast_in_dim3A_430, %max3A_433 : vector<64x1024xf32>
    %add3A_435 = arith.addf %add3A_420, %mul3A_434 : vector<64x1024xf32>
    %get3A_436 = arith.constant 29 : index
    %get3A_437 = arith.constant 0 : index
    %get3A_438 = arith.constant 0 : index
    %get3A_439 = vector.load %arg3[%get3A_436, %get3A_437, %get3A_438] : memref<64x64x2xf32, #tpu.memory_space<vmem>>, vector<1x64x2xf32>
    %get3A_440 = vector.shape_cast %get3A_439 : vector<1x64x2xf32> to vector<64x2xf32>
    %dot_general3A_441 = arith.constant dense<0.000000e+00> : vector<64x1024xf32>
    %dot_general3A_442 = tpu.matmul %get3A_440, %get3A_1, %dot_general3A_441 {dimension_numbers = #tpu.dot_dimension_numbers<[1], [0], [0], [1], [0, 0, 1, 1], [], []>, transpose_lhs_hint = false} : vector<64x2xf32>, vector<2x1024xf32>, vector<64x1024xf32> -> vector<64x1024xf32>
    %slice3A_443 = vector.extract_strided_slice %transpose3A {offsets = [29, 0], sizes = [1, 1024], strides = [1, 1]} : vector<128x1024xf32> to vector<1x1024xf32>
    %broadcast_in_dim3A_444 = vector.shape_cast %slice3A_443 : vector<1x1024xf32> to vector<1x1024xf32>
    %broadcast_in_dim3A_445 = vector.broadcast %broadcast_in_dim3A_444 : vector<1x1024xf32> to vector<64x1024xf32>
    %max3A_446 = arith.constant 0.000000e+00 : f32
    %max3A_447 = vector.broadcast %max3A_446 : f32 to vector<64x1024xf32>
    %max3A_448 = arith.maximumf %dot_general3A_442, %max3A_447 : vector<64x1024xf32>
    %mul3A_449 = arith.mulf %broadcast_in_dim3A_445, %max3A_448 : vector<64x1024xf32>
    %add3A_450 = arith.addf %add3A_435, %mul3A_449 : vector<64x1024xf32>
    %get3A_451 = arith.constant 30 : index
    %get3A_452 = arith.constant 0 : index
    %get3A_453 = arith.constant 0 : index
    %get3A_454 = vector.load %arg3[%get3A_451, %get3A_452, %get3A_453] : memref<64x64x2xf32, #tpu.memory_space<vmem>>, vector<1x64x2xf32>
    %get3A_455 = vector.shape_cast %get3A_454 : vector<1x64x2xf32> to vector<64x2xf32>
    %dot_general3A_456 = arith.constant dense<0.000000e+00> : vector<64x1024xf32>
    %dot_general3A_457 = tpu.matmul %get3A_455, %get3A_1, %dot_general3A_456 {dimension_numbers = #tpu.dot_dimension_numbers<[1], [0], [0], [1], [0, 0, 1, 1], [], []>, transpose_lhs_hint = false} : vector<64x2xf32>, vector<2x1024xf32>, vector<64x1024xf32> -> vector<64x1024xf32>
    %slice3A_458 = vector.extract_strided_slice %transpose3A {offsets = [30, 0], sizes = [1, 1024], strides = [1, 1]} : vector<128x1024xf32> to vector<1x1024xf32>
    %broadcast_in_dim3A_459 = vector.shape_cast %slice3A_458 : vector<1x1024xf32> to vector<1x1024xf32>
    %broadcast_in_dim3A_460 = vector.broadcast %broadcast_in_dim3A_459 : vector<1x1024xf32> to vector<64x1024xf32>
    %max3A_461 = arith.constant 0.000000e+00 : f32
    %max3A_462 = vector.broadcast %max3A_461 : f32 to vector<64x1024xf32>
    %max3A_463 = arith.maximumf %dot_general3A_457, %max3A_462 : vector<64x1024xf32>
    %mul3A_464 = arith.mulf %broadcast_in_dim3A_460, %max3A_463 : vector<64x1024xf32>
    %add3A_465 = arith.addf %add3A_450, %mul3A_464 : vector<64x1024xf32>
    %get3A_466 = arith.constant 31 : index
    %get3A_467 = arith.constant 0 : index
    %get3A_468 = arith.constant 0 : index
    %get3A_469 = vector.load %arg3[%get3A_466, %get3A_467, %get3A_468] : memref<64x64x2xf32, #tpu.memory_space<vmem>>, vector<1x64x2xf32>
    %get3A_470 = vector.shape_cast %get3A_469 : vector<1x64x2xf32> to vector<64x2xf32>
    %dot_general3A_471 = arith.constant dense<0.000000e+00> : vector<64x1024xf32>
    %dot_general3A_472 = tpu.matmul %get3A_470, %get3A_1, %dot_general3A_471 {dimension_numbers = #tpu.dot_dimension_numbers<[1], [0], [0], [1], [0, 0, 1, 1], [], []>, transpose_lhs_hint = false} : vector<64x2xf32>, vector<2x1024xf32>, vector<64x1024xf32> -> vector<64x1024xf32>
    %slice3A_473 = vector.extract_strided_slice %transpose3A {offsets = [31, 0], sizes = [1, 1024], strides = [1, 1]} : vector<128x1024xf32> to vector<1x1024xf32>
    %broadcast_in_dim3A_474 = vector.shape_cast %slice3A_473 : vector<1x1024xf32> to vector<1x1024xf32>
    %broadcast_in_dim3A_475 = vector.broadcast %broadcast_in_dim3A_474 : vector<1x1024xf32> to vector<64x1024xf32>
    %max3A_476 = arith.constant 0.000000e+00 : f32
    %max3A_477 = vector.broadcast %max3A_476 : f32 to vector<64x1024xf32>
    %max3A_478 = arith.maximumf %dot_general3A_472, %max3A_477 : vector<64x1024xf32>
    %mul3A_479 = arith.mulf %broadcast_in_dim3A_475, %max3A_478 : vector<64x1024xf32>
    %add3A_480 = arith.addf %add3A_465, %mul3A_479 : vector<64x1024xf32>
    %get3A_481 = arith.constant 32 : index
    %get3A_482 = arith.constant 0 : index
    %get3A_483 = arith.constant 0 : index
    %get3A_484 = vector.load %arg3[%get3A_481, %get3A_482, %get3A_483] : memref<64x64x2xf32, #tpu.memory_space<vmem>>, vector<1x64x2xf32>
    %get3A_485 = vector.shape_cast %get3A_484 : vector<1x64x2xf32> to vector<64x2xf32>
    %dot_general3A_486 = arith.constant dense<0.000000e+00> : vector<64x1024xf32>
    %dot_general3A_487 = tpu.matmul %get3A_485, %get3A_1, %dot_general3A_486 {dimension_numbers = #tpu.dot_dimension_numbers<[1], [0], [0], [1], [0, 0, 1, 1], [], []>, transpose_lhs_hint = false} : vector<64x2xf32>, vector<2x1024xf32>, vector<64x1024xf32> -> vector<64x1024xf32>
    %slice3A_488 = vector.extract_strided_slice %transpose3A {offsets = [32, 0], sizes = [1, 1024], strides = [1, 1]} : vector<128x1024xf32> to vector<1x1024xf32>
    %broadcast_in_dim3A_489 = vector.shape_cast %slice3A_488 : vector<1x1024xf32> to vector<1x1024xf32>
    %broadcast_in_dim3A_490 = vector.broadcast %broadcast_in_dim3A_489 : vector<1x1024xf32> to vector<64x1024xf32>
    %max3A_491 = arith.constant 0.000000e+00 : f32
    %max3A_492 = vector.broadcast %max3A_491 : f32 to vector<64x1024xf32>
    %max3A_493 = arith.maximumf %dot_general3A_487, %max3A_492 : vector<64x1024xf32>
    %mul3A_494 = arith.mulf %broadcast_in_dim3A_490, %max3A_493 : vector<64x1024xf32>
    %add3A_495 = arith.addf %add3A_480, %mul3A_494 : vector<64x1024xf32>
    %get3A_496 = arith.constant 33 : index
    %get3A_497 = arith.constant 0 : index
    %get3A_498 = arith.constant 0 : index
    %get3A_499 = vector.load %arg3[%get3A_496, %get3A_497, %get3A_498] : memref<64x64x2xf32, #tpu.memory_space<vmem>>, vector<1x64x2xf32>
    %get3A_500 = vector.shape_cast %get3A_499 : vector<1x64x2xf32> to vector<64x2xf32>
    %dot_general3A_501 = arith.constant dense<0.000000e+00> : vector<64x1024xf32>
    %dot_general3A_502 = tpu.matmul %get3A_500, %get3A_1, %dot_general3A_501 {dimension_numbers = #tpu.dot_dimension_numbers<[1], [0], [0], [1], [0, 0, 1, 1], [], []>, transpose_lhs_hint = false} : vector<64x2xf32>, vector<2x1024xf32>, vector<64x1024xf32> -> vector<64x1024xf32>
    %slice3A_503 = vector.extract_strided_slice %transpose3A {offsets = [33, 0], sizes = [1, 1024], strides = [1, 1]} : vector<128x1024xf32> to vector<1x1024xf32>
    %broadcast_in_dim3A_504 = vector.shape_cast %slice3A_503 : vector<1x1024xf32> to vector<1x1024xf32>
    %broadcast_in_dim3A_505 = vector.broadcast %broadcast_in_dim3A_504 : vector<1x1024xf32> to vector<64x1024xf32>
    %max3A_506 = arith.constant 0.000000e+00 : f32
    %max3A_507 = vector.broadcast %max3A_506 : f32 to vector<64x1024xf32>
    %max3A_508 = arith.maximumf %dot_general3A_502, %max3A_507 : vector<64x1024xf32>
    %mul3A_509 = arith.mulf %broadcast_in_dim3A_505, %max3A_508 : vector<64x1024xf32>
    %add3A_510 = arith.addf %add3A_495, %mul3A_509 : vector<64x1024xf32>
    %get3A_511 = arith.constant 34 : index
    %get3A_512 = arith.constant 0 : index
    %get3A_513 = arith.constant 0 : index
    %get3A_514 = vector.load %arg3[%get3A_511, %get3A_512, %get3A_513] : memref<64x64x2xf32, #tpu.memory_space<vmem>>, vector<1x64x2xf32>
    %get3A_515 = vector.shape_cast %get3A_514 : vector<1x64x2xf32> to vector<64x2xf32>
    %dot_general3A_516 = arith.constant dense<0.000000e+00> : vector<64x1024xf32>
    %dot_general3A_517 = tpu.matmul %get3A_515, %get3A_1, %dot_general3A_516 {dimension_numbers = #tpu.dot_dimension_numbers<[1], [0], [0], [1], [0, 0, 1, 1], [], []>, transpose_lhs_hint = false} : vector<64x2xf32>, vector<2x1024xf32>, vector<64x1024xf32> -> vector<64x1024xf32>
    %slice3A_518 = vector.extract_strided_slice %transpose3A {offsets = [34, 0], sizes = [1, 1024], strides = [1, 1]} : vector<128x1024xf32> to vector<1x1024xf32>
    %broadcast_in_dim3A_519 = vector.shape_cast %slice3A_518 : vector<1x1024xf32> to vector<1x1024xf32>
    %broadcast_in_dim3A_520 = vector.broadcast %broadcast_in_dim3A_519 : vector<1x1024xf32> to vector<64x1024xf32>
    %max3A_521 = arith.constant 0.000000e+00 : f32
    %max3A_522 = vector.broadcast %max3A_521 : f32 to vector<64x1024xf32>
    %max3A_523 = arith.maximumf %dot_general3A_517, %max3A_522 : vector<64x1024xf32>
    %mul3A_524 = arith.mulf %broadcast_in_dim3A_520, %max3A_523 : vector<64x1024xf32>
    %add3A_525 = arith.addf %add3A_510, %mul3A_524 : vector<64x1024xf32>
    %get3A_526 = arith.constant 35 : index
    %get3A_527 = arith.constant 0 : index
    %get3A_528 = arith.constant 0 : index
    %get3A_529 = vector.load %arg3[%get3A_526, %get3A_527, %get3A_528] : memref<64x64x2xf32, #tpu.memory_space<vmem>>, vector<1x64x2xf32>
    %get3A_530 = vector.shape_cast %get3A_529 : vector<1x64x2xf32> to vector<64x2xf32>
    %dot_general3A_531 = arith.constant dense<0.000000e+00> : vector<64x1024xf32>
    %dot_general3A_532 = tpu.matmul %get3A_530, %get3A_1, %dot_general3A_531 {dimension_numbers = #tpu.dot_dimension_numbers<[1], [0], [0], [1], [0, 0, 1, 1], [], []>, transpose_lhs_hint = false} : vector<64x2xf32>, vector<2x1024xf32>, vector<64x1024xf32> -> vector<64x1024xf32>
    %slice3A_533 = vector.extract_strided_slice %transpose3A {offsets = [35, 0], sizes = [1, 1024], strides = [1, 1]} : vector<128x1024xf32> to vector<1x1024xf32>
    %broadcast_in_dim3A_534 = vector.shape_cast %slice3A_533 : vector<1x1024xf32> to vector<1x1024xf32>
    %broadcast_in_dim3A_535 = vector.broadcast %broadcast_in_dim3A_534 : vector<1x1024xf32> to vector<64x1024xf32>
    %max3A_536 = arith.constant 0.000000e+00 : f32
    %max3A_537 = vector.broadcast %max3A_536 : f32 to vector<64x1024xf32>
    %max3A_538 = arith.maximumf %dot_general3A_532, %max3A_537 : vector<64x1024xf32>
    %mul3A_539 = arith.mulf %broadcast_in_dim3A_535, %max3A_538 : vector<64x1024xf32>
    %add3A_540 = arith.addf %add3A_525, %mul3A_539 : vector<64x1024xf32>
    %get3A_541 = arith.constant 36 : index
    %get3A_542 = arith.constant 0 : index
    %get3A_543 = arith.constant 0 : index
    %get3A_544 = vector.load %arg3[%get3A_541, %get3A_542, %get3A_543] : memref<64x64x2xf32, #tpu.memory_space<vmem>>, vector<1x64x2xf32>
    %get3A_545 = vector.shape_cast %get3A_544 : vector<1x64x2xf32> to vector<64x2xf32>
    %dot_general3A_546 = arith.constant dense<0.000000e+00> : vector<64x1024xf32>
    %dot_general3A_547 = tpu.matmul %get3A_545, %get3A_1, %dot_general3A_546 {dimension_numbers = #tpu.dot_dimension_numbers<[1], [0], [0], [1], [0, 0, 1, 1], [], []>, transpose_lhs_hint = false} : vector<64x2xf32>, vector<2x1024xf32>, vector<64x1024xf32> -> vector<64x1024xf32>
    %slice3A_548 = vector.extract_strided_slice %transpose3A {offsets = [36, 0], sizes = [1, 1024], strides = [1, 1]} : vector<128x1024xf32> to vector<1x1024xf32>
    %broadcast_in_dim3A_549 = vector.shape_cast %slice3A_548 : vector<1x1024xf32> to vector<1x1024xf32>
    %broadcast_in_dim3A_550 = vector.broadcast %broadcast_in_dim3A_549 : vector<1x1024xf32> to vector<64x1024xf32>
    %max3A_551 = arith.constant 0.000000e+00 : f32
    %max3A_552 = vector.broadcast %max3A_551 : f32 to vector<64x1024xf32>
    %max3A_553 = arith.maximumf %dot_general3A_547, %max3A_552 : vector<64x1024xf32>
    %mul3A_554 = arith.mulf %broadcast_in_dim3A_550, %max3A_553 : vector<64x1024xf32>
    %add3A_555 = arith.addf %add3A_540, %mul3A_554 : vector<64x1024xf32>
    %get3A_556 = arith.constant 37 : index
    %get3A_557 = arith.constant 0 : index
    %get3A_558 = arith.constant 0 : index
    %get3A_559 = vector.load %arg3[%get3A_556, %get3A_557, %get3A_558] : memref<64x64x2xf32, #tpu.memory_space<vmem>>, vector<1x64x2xf32>
    %get3A_560 = vector.shape_cast %get3A_559 : vector<1x64x2xf32> to vector<64x2xf32>
    %dot_general3A_561 = arith.constant dense<0.000000e+00> : vector<64x1024xf32>
    %dot_general3A_562 = tpu.matmul %get3A_560, %get3A_1, %dot_general3A_561 {dimension_numbers = #tpu.dot_dimension_numbers<[1], [0], [0], [1], [0, 0, 1, 1], [], []>, transpose_lhs_hint = false} : vector<64x2xf32>, vector<2x1024xf32>, vector<64x1024xf32> -> vector<64x1024xf32>
    %slice3A_563 = vector.extract_strided_slice %transpose3A {offsets = [37, 0], sizes = [1, 1024], strides = [1, 1]} : vector<128x1024xf32> to vector<1x1024xf32>
    %broadcast_in_dim3A_564 = vector.shape_cast %slice3A_563 : vector<1x1024xf32> to vector<1x1024xf32>
    %broadcast_in_dim3A_565 = vector.broadcast %broadcast_in_dim3A_564 : vector<1x1024xf32> to vector<64x1024xf32>
    %max3A_566 = arith.constant 0.000000e+00 : f32
    %max3A_567 = vector.broadcast %max3A_566 : f32 to vector<64x1024xf32>
    %max3A_568 = arith.maximumf %dot_general3A_562, %max3A_567 : vector<64x1024xf32>
    %mul3A_569 = arith.mulf %broadcast_in_dim3A_565, %max3A_568 : vector<64x1024xf32>
    %add3A_570 = arith.addf %add3A_555, %mul3A_569 : vector<64x1024xf32>
    %get3A_571 = arith.constant 38 : index
    %get3A_572 = arith.constant 0 : index
    %get3A_573 = arith.constant 0 : index
    %get3A_574 = vector.load %arg3[%get3A_571, %get3A_572, %get3A_573] : memref<64x64x2xf32, #tpu.memory_space<vmem>>, vector<1x64x2xf32>
    %get3A_575 = vector.shape_cast %get3A_574 : vector<1x64x2xf32> to vector<64x2xf32>
    %dot_general3A_576 = arith.constant dense<0.000000e+00> : vector<64x1024xf32>
    %dot_general3A_577 = tpu.matmul %get3A_575, %get3A_1, %dot_general3A_576 {dimension_numbers = #tpu.dot_dimension_numbers<[1], [0], [0], [1], [0, 0, 1, 1], [], []>, transpose_lhs_hint = false} : vector<64x2xf32>, vector<2x1024xf32>, vector<64x1024xf32> -> vector<64x1024xf32>
    %slice3A_578 = vector.extract_strided_slice %transpose3A {offsets = [38, 0], sizes = [1, 1024], strides = [1, 1]} : vector<128x1024xf32> to vector<1x1024xf32>
    %broadcast_in_dim3A_579 = vector.shape_cast %slice3A_578 : vector<1x1024xf32> to vector<1x1024xf32>
    %broadcast_in_dim3A_580 = vector.broadcast %broadcast_in_dim3A_579 : vector<1x1024xf32> to vector<64x1024xf32>
    %max3A_581 = arith.constant 0.000000e+00 : f32
    %max3A_582 = vector.broadcast %max3A_581 : f32 to vector<64x1024xf32>
    %max3A_583 = arith.maximumf %dot_general3A_577, %max3A_582 : vector<64x1024xf32>
    %mul3A_584 = arith.mulf %broadcast_in_dim3A_580, %max3A_583 : vector<64x1024xf32>
    %add3A_585 = arith.addf %add3A_570, %mul3A_584 : vector<64x1024xf32>
    %get3A_586 = arith.constant 39 : index
    %get3A_587 = arith.constant 0 : index
    %get3A_588 = arith.constant 0 : index
    %get3A_589 = vector.load %arg3[%get3A_586, %get3A_587, %get3A_588] : memref<64x64x2xf32, #tpu.memory_space<vmem>>, vector<1x64x2xf32>
    %get3A_590 = vector.shape_cast %get3A_589 : vector<1x64x2xf32> to vector<64x2xf32>
    %dot_general3A_591 = arith.constant dense<0.000000e+00> : vector<64x1024xf32>
    %dot_general3A_592 = tpu.matmul %get3A_590, %get3A_1, %dot_general3A_591 {dimension_numbers = #tpu.dot_dimension_numbers<[1], [0], [0], [1], [0, 0, 1, 1], [], []>, transpose_lhs_hint = false} : vector<64x2xf32>, vector<2x1024xf32>, vector<64x1024xf32> -> vector<64x1024xf32>
    %slice3A_593 = vector.extract_strided_slice %transpose3A {offsets = [39, 0], sizes = [1, 1024], strides = [1, 1]} : vector<128x1024xf32> to vector<1x1024xf32>
    %broadcast_in_dim3A_594 = vector.shape_cast %slice3A_593 : vector<1x1024xf32> to vector<1x1024xf32>
    %broadcast_in_dim3A_595 = vector.broadcast %broadcast_in_dim3A_594 : vector<1x1024xf32> to vector<64x1024xf32>
    %max3A_596 = arith.constant 0.000000e+00 : f32
    %max3A_597 = vector.broadcast %max3A_596 : f32 to vector<64x1024xf32>
    %max3A_598 = arith.maximumf %dot_general3A_592, %max3A_597 : vector<64x1024xf32>
    %mul3A_599 = arith.mulf %broadcast_in_dim3A_595, %max3A_598 : vector<64x1024xf32>
    %add3A_600 = arith.addf %add3A_585, %mul3A_599 : vector<64x1024xf32>
    %get3A_601 = arith.constant 40 : index
    %get3A_602 = arith.constant 0 : index
    %get3A_603 = arith.constant 0 : index
    %get3A_604 = vector.load %arg3[%get3A_601, %get3A_602, %get3A_603] : memref<64x64x2xf32, #tpu.memory_space<vmem>>, vector<1x64x2xf32>
    %get3A_605 = vector.shape_cast %get3A_604 : vector<1x64x2xf32> to vector<64x2xf32>
    %dot_general3A_606 = arith.constant dense<0.000000e+00> : vector<64x1024xf32>
    %dot_general3A_607 = tpu.matmul %get3A_605, %get3A_1, %dot_general3A_606 {dimension_numbers = #tpu.dot_dimension_numbers<[1], [0], [0], [1], [0, 0, 1, 1], [], []>, transpose_lhs_hint = false} : vector<64x2xf32>, vector<2x1024xf32>, vector<64x1024xf32> -> vector<64x1024xf32>
    %slice3A_608 = vector.extract_strided_slice %transpose3A {offsets = [40, 0], sizes = [1, 1024], strides = [1, 1]} : vector<128x1024xf32> to vector<1x1024xf32>
    %broadcast_in_dim3A_609 = vector.shape_cast %slice3A_608 : vector<1x1024xf32> to vector<1x1024xf32>
    %broadcast_in_dim3A_610 = vector.broadcast %broadcast_in_dim3A_609 : vector<1x1024xf32> to vector<64x1024xf32>
    %max3A_611 = arith.constant 0.000000e+00 : f32
    %max3A_612 = vector.broadcast %max3A_611 : f32 to vector<64x1024xf32>
    %max3A_613 = arith.maximumf %dot_general3A_607, %max3A_612 : vector<64x1024xf32>
    %mul3A_614 = arith.mulf %broadcast_in_dim3A_610, %max3A_613 : vector<64x1024xf32>
    %add3A_615 = arith.addf %add3A_600, %mul3A_614 : vector<64x1024xf32>
    %get3A_616 = arith.constant 41 : index
    %get3A_617 = arith.constant 0 : index
    %get3A_618 = arith.constant 0 : index
    %get3A_619 = vector.load %arg3[%get3A_616, %get3A_617, %get3A_618] : memref<64x64x2xf32, #tpu.memory_space<vmem>>, vector<1x64x2xf32>
    %get3A_620 = vector.shape_cast %get3A_619 : vector<1x64x2xf32> to vector<64x2xf32>
    %dot_general3A_621 = arith.constant dense<0.000000e+00> : vector<64x1024xf32>
    %dot_general3A_622 = tpu.matmul %get3A_620, %get3A_1, %dot_general3A_621 {dimension_numbers = #tpu.dot_dimension_numbers<[1], [0], [0], [1], [0, 0, 1, 1], [], []>, transpose_lhs_hint = false} : vector<64x2xf32>, vector<2x1024xf32>, vector<64x1024xf32> -> vector<64x1024xf32>
    %slice3A_623 = vector.extract_strided_slice %transpose3A {offsets = [41, 0], sizes = [1, 1024], strides = [1, 1]} : vector<128x1024xf32> to vector<1x1024xf32>
    %broadcast_in_dim3A_624 = vector.shape_cast %slice3A_623 : vector<1x1024xf32> to vector<1x1024xf32>
    %broadcast_in_dim3A_625 = vector.broadcast %broadcast_in_dim3A_624 : vector<1x1024xf32> to vector<64x1024xf32>
    %max3A_626 = arith.constant 0.000000e+00 : f32
    %max3A_627 = vector.broadcast %max3A_626 : f32 to vector<64x1024xf32>
    %max3A_628 = arith.maximumf %dot_general3A_622, %max3A_627 : vector<64x1024xf32>
    %mul3A_629 = arith.mulf %broadcast_in_dim3A_625, %max3A_628 : vector<64x1024xf32>
    %add3A_630 = arith.addf %add3A_615, %mul3A_629 : vector<64x1024xf32>
    %get3A_631 = arith.constant 42 : index
    %get3A_632 = arith.constant 0 : index
    %get3A_633 = arith.constant 0 : index
    %get3A_634 = vector.load %arg3[%get3A_631, %get3A_632, %get3A_633] : memref<64x64x2xf32, #tpu.memory_space<vmem>>, vector<1x64x2xf32>
    %get3A_635 = vector.shape_cast %get3A_634 : vector<1x64x2xf32> to vector<64x2xf32>
    %dot_general3A_636 = arith.constant dense<0.000000e+00> : vector<64x1024xf32>
    %dot_general3A_637 = tpu.matmul %get3A_635, %get3A_1, %dot_general3A_636 {dimension_numbers = #tpu.dot_dimension_numbers<[1], [0], [0], [1], [0, 0, 1, 1], [], []>, transpose_lhs_hint = false} : vector<64x2xf32>, vector<2x1024xf32>, vector<64x1024xf32> -> vector<64x1024xf32>
    %slice3A_638 = vector.extract_strided_slice %transpose3A {offsets = [42, 0], sizes = [1, 1024], strides = [1, 1]} : vector<128x1024xf32> to vector<1x1024xf32>
    %broadcast_in_dim3A_639 = vector.shape_cast %slice3A_638 : vector<1x1024xf32> to vector<1x1024xf32>
    %broadcast_in_dim3A_640 = vector.broadcast %broadcast_in_dim3A_639 : vector<1x1024xf32> to vector<64x1024xf32>
    %max3A_641 = arith.constant 0.000000e+00 : f32
    %max3A_642 = vector.broadcast %max3A_641 : f32 to vector<64x1024xf32>
    %max3A_643 = arith.maximumf %dot_general3A_637, %max3A_642 : vector<64x1024xf32>
    %mul3A_644 = arith.mulf %broadcast_in_dim3A_640, %max3A_643 : vector<64x1024xf32>
    %add3A_645 = arith.addf %add3A_630, %mul3A_644 : vector<64x1024xf32>
    %get3A_646 = arith.constant 43 : index
    %get3A_647 = arith.constant 0 : index
    %get3A_648 = arith.constant 0 : index
    %get3A_649 = vector.load %arg3[%get3A_646, %get3A_647, %get3A_648] : memref<64x64x2xf32, #tpu.memory_space<vmem>>, vector<1x64x2xf32>
    %get3A_650 = vector.shape_cast %get3A_649 : vector<1x64x2xf32> to vector<64x2xf32>
    %dot_general3A_651 = arith.constant dense<0.000000e+00> : vector<64x1024xf32>
    %dot_general3A_652 = tpu.matmul %get3A_650, %get3A_1, %dot_general3A_651 {dimension_numbers = #tpu.dot_dimension_numbers<[1], [0], [0], [1], [0, 0, 1, 1], [], []>, transpose_lhs_hint = false} : vector<64x2xf32>, vector<2x1024xf32>, vector<64x1024xf32> -> vector<64x1024xf32>
    %slice3A_653 = vector.extract_strided_slice %transpose3A {offsets = [43, 0], sizes = [1, 1024], strides = [1, 1]} : vector<128x1024xf32> to vector<1x1024xf32>
    %broadcast_in_dim3A_654 = vector.shape_cast %slice3A_653 : vector<1x1024xf32> to vector<1x1024xf32>
    %broadcast_in_dim3A_655 = vector.broadcast %broadcast_in_dim3A_654 : vector<1x1024xf32> to vector<64x1024xf32>
    %max3A_656 = arith.constant 0.000000e+00 : f32
    %max3A_657 = vector.broadcast %max3A_656 : f32 to vector<64x1024xf32>
    %max3A_658 = arith.maximumf %dot_general3A_652, %max3A_657 : vector<64x1024xf32>
    %mul3A_659 = arith.mulf %broadcast_in_dim3A_655, %max3A_658 : vector<64x1024xf32>
    %add3A_660 = arith.addf %add3A_645, %mul3A_659 : vector<64x1024xf32>
    %get3A_661 = arith.constant 44 : index
    %get3A_662 = arith.constant 0 : index
    %get3A_663 = arith.constant 0 : index
    %get3A_664 = vector.load %arg3[%get3A_661, %get3A_662, %get3A_663] : memref<64x64x2xf32, #tpu.memory_space<vmem>>, vector<1x64x2xf32>
    %get3A_665 = vector.shape_cast %get3A_664 : vector<1x64x2xf32> to vector<64x2xf32>
    %dot_general3A_666 = arith.constant dense<0.000000e+00> : vector<64x1024xf32>
    %dot_general3A_667 = tpu.matmul %get3A_665, %get3A_1, %dot_general3A_666 {dimension_numbers = #tpu.dot_dimension_numbers<[1], [0], [0], [1], [0, 0, 1, 1], [], []>, transpose_lhs_hint = false} : vector<64x2xf32>, vector<2x1024xf32>, vector<64x1024xf32> -> vector<64x1024xf32>
    %slice3A_668 = vector.extract_strided_slice %transpose3A {offsets = [44, 0], sizes = [1, 1024], strides = [1, 1]} : vector<128x1024xf32> to vector<1x1024xf32>
    %broadcast_in_dim3A_669 = vector.shape_cast %slice3A_668 : vector<1x1024xf32> to vector<1x1024xf32>
    %broadcast_in_dim3A_670 = vector.broadcast %broadcast_in_dim3A_669 : vector<1x1024xf32> to vector<64x1024xf32>
    %max3A_671 = arith.constant 0.000000e+00 : f32
    %max3A_672 = vector.broadcast %max3A_671 : f32 to vector<64x1024xf32>
    %max3A_673 = arith.maximumf %dot_general3A_667, %max3A_672 : vector<64x1024xf32>
    %mul3A_674 = arith.mulf %broadcast_in_dim3A_670, %max3A_673 : vector<64x1024xf32>
    %add3A_675 = arith.addf %add3A_660, %mul3A_674 : vector<64x1024xf32>
    %get3A_676 = arith.constant 45 : index
    %get3A_677 = arith.constant 0 : index
    %get3A_678 = arith.constant 0 : index
    %get3A_679 = vector.load %arg3[%get3A_676, %get3A_677, %get3A_678] : memref<64x64x2xf32, #tpu.memory_space<vmem>>, vector<1x64x2xf32>
    %get3A_680 = vector.shape_cast %get3A_679 : vector<1x64x2xf32> to vector<64x2xf32>
    %dot_general3A_681 = arith.constant dense<0.000000e+00> : vector<64x1024xf32>
    %dot_general3A_682 = tpu.matmul %get3A_680, %get3A_1, %dot_general3A_681 {dimension_numbers = #tpu.dot_dimension_numbers<[1], [0], [0], [1], [0, 0, 1, 1], [], []>, transpose_lhs_hint = false} : vector<64x2xf32>, vector<2x1024xf32>, vector<64x1024xf32> -> vector<64x1024xf32>
    %slice3A_683 = vector.extract_strided_slice %transpose3A {offsets = [45, 0], sizes = [1, 1024], strides = [1, 1]} : vector<128x1024xf32> to vector<1x1024xf32>
    %broadcast_in_dim3A_684 = vector.shape_cast %slice3A_683 : vector<1x1024xf32> to vector<1x1024xf32>
    %broadcast_in_dim3A_685 = vector.broadcast %broadcast_in_dim3A_684 : vector<1x1024xf32> to vector<64x1024xf32>
    %max3A_686 = arith.constant 0.000000e+00 : f32
    %max3A_687 = vector.broadcast %max3A_686 : f32 to vector<64x1024xf32>
    %max3A_688 = arith.maximumf %dot_general3A_682, %max3A_687 : vector<64x1024xf32>
    %mul3A_689 = arith.mulf %broadcast_in_dim3A_685, %max3A_688 : vector<64x1024xf32>
    %add3A_690 = arith.addf %add3A_675, %mul3A_689 : vector<64x1024xf32>
    %get3A_691 = arith.constant 46 : index
    %get3A_692 = arith.constant 0 : index
    %get3A_693 = arith.constant 0 : index
    %get3A_694 = vector.load %arg3[%get3A_691, %get3A_692, %get3A_693] : memref<64x64x2xf32, #tpu.memory_space<vmem>>, vector<1x64x2xf32>
    %get3A_695 = vector.shape_cast %get3A_694 : vector<1x64x2xf32> to vector<64x2xf32>
    %dot_general3A_696 = arith.constant dense<0.000000e+00> : vector<64x1024xf32>
    %dot_general3A_697 = tpu.matmul %get3A_695, %get3A_1, %dot_general3A_696 {dimension_numbers = #tpu.dot_dimension_numbers<[1], [0], [0], [1], [0, 0, 1, 1], [], []>, transpose_lhs_hint = false} : vector<64x2xf32>, vector<2x1024xf32>, vector<64x1024xf32> -> vector<64x1024xf32>
    %slice3A_698 = vector.extract_strided_slice %transpose3A {offsets = [46, 0], sizes = [1, 1024], strides = [1, 1]} : vector<128x1024xf32> to vector<1x1024xf32>
    %broadcast_in_dim3A_699 = vector.shape_cast %slice3A_698 : vector<1x1024xf32> to vector<1x1024xf32>
    %broadcast_in_dim3A_700 = vector.broadcast %broadcast_in_dim3A_699 : vector<1x1024xf32> to vector<64x1024xf32>
    %max3A_701 = arith.constant 0.000000e+00 : f32
    %max3A_702 = vector.broadcast %max3A_701 : f32 to vector<64x1024xf32>
    %max3A_703 = arith.maximumf %dot_general3A_697, %max3A_702 : vector<64x1024xf32>
    %mul3A_704 = arith.mulf %broadcast_in_dim3A_700, %max3A_703 : vector<64x1024xf32>
    %add3A_705 = arith.addf %add3A_690, %mul3A_704 : vector<64x1024xf32>
    %get3A_706 = arith.constant 47 : index
    %get3A_707 = arith.constant 0 : index
    %get3A_708 = arith.constant 0 : index
    %get3A_709 = vector.load %arg3[%get3A_706, %get3A_707, %get3A_708] : memref<64x64x2xf32, #tpu.memory_space<vmem>>, vector<1x64x2xf32>
    %get3A_710 = vector.shape_cast %get3A_709 : vector<1x64x2xf32> to vector<64x2xf32>
    %dot_general3A_711 = arith.constant dense<0.000000e+00> : vector<64x1024xf32>
    %dot_general3A_712 = tpu.matmul %get3A_710, %get3A_1, %dot_general3A_711 {dimension_numbers = #tpu.dot_dimension_numbers<[1], [0], [0], [1], [0, 0, 1, 1], [], []>, transpose_lhs_hint = false} : vector<64x2xf32>, vector<2x1024xf32>, vector<64x1024xf32> -> vector<64x1024xf32>
    %slice3A_713 = vector.extract_strided_slice %transpose3A {offsets = [47, 0], sizes = [1, 1024], strides = [1, 1]} : vector<128x1024xf32> to vector<1x1024xf32>
    %broadcast_in_dim3A_714 = vector.shape_cast %slice3A_713 : vector<1x1024xf32> to vector<1x1024xf32>
    %broadcast_in_dim3A_715 = vector.broadcast %broadcast_in_dim3A_714 : vector<1x1024xf32> to vector<64x1024xf32>
    %max3A_716 = arith.constant 0.000000e+00 : f32
    %max3A_717 = vector.broadcast %max3A_716 : f32 to vector<64x1024xf32>
    %max3A_718 = arith.maximumf %dot_general3A_712, %max3A_717 : vector<64x1024xf32>
    %mul3A_719 = arith.mulf %broadcast_in_dim3A_715, %max3A_718 : vector<64x1024xf32>
    %add3A_720 = arith.addf %add3A_705, %mul3A_719 : vector<64x1024xf32>
    %get3A_721 = arith.constant 48 : index
    %get3A_722 = arith.constant 0 : index
    %get3A_723 = arith.constant 0 : index
    %get3A_724 = vector.load %arg3[%get3A_721, %get3A_722, %get3A_723] : memref<64x64x2xf32, #tpu.memory_space<vmem>>, vector<1x64x2xf32>
    %get3A_725 = vector.shape_cast %get3A_724 : vector<1x64x2xf32> to vector<64x2xf32>
    %dot_general3A_726 = arith.constant dense<0.000000e+00> : vector<64x1024xf32>
    %dot_general3A_727 = tpu.matmul %get3A_725, %get3A_1, %dot_general3A_726 {dimension_numbers = #tpu.dot_dimension_numbers<[1], [0], [0], [1], [0, 0, 1, 1], [], []>, transpose_lhs_hint = false} : vector<64x2xf32>, vector<2x1024xf32>, vector<64x1024xf32> -> vector<64x1024xf32>
    %slice3A_728 = vector.extract_strided_slice %transpose3A {offsets = [48, 0], sizes = [1, 1024], strides = [1, 1]} : vector<128x1024xf32> to vector<1x1024xf32>
    %broadcast_in_dim3A_729 = vector.shape_cast %slice3A_728 : vector<1x1024xf32> to vector<1x1024xf32>
    %broadcast_in_dim3A_730 = vector.broadcast %broadcast_in_dim3A_729 : vector<1x1024xf32> to vector<64x1024xf32>
    %max3A_731 = arith.constant 0.000000e+00 : f32
    %max3A_732 = vector.broadcast %max3A_731 : f32 to vector<64x1024xf32>
    %max3A_733 = arith.maximumf %dot_general3A_727, %max3A_732 : vector<64x1024xf32>
    %mul3A_734 = arith.mulf %broadcast_in_dim3A_730, %max3A_733 : vector<64x1024xf32>
    %add3A_735 = arith.addf %add3A_720, %mul3A_734 : vector<64x1024xf32>
    %get3A_736 = arith.constant 49 : index
    %get3A_737 = arith.constant 0 : index
    %get3A_738 = arith.constant 0 : index
    %get3A_739 = vector.load %arg3[%get3A_736, %get3A_737, %get3A_738] : memref<64x64x2xf32, #tpu.memory_space<vmem>>, vector<1x64x2xf32>
    %get3A_740 = vector.shape_cast %get3A_739 : vector<1x64x2xf32> to vector<64x2xf32>
    %dot_general3A_741 = arith.constant dense<0.000000e+00> : vector<64x1024xf32>
    %dot_general3A_742 = tpu.matmul %get3A_740, %get3A_1, %dot_general3A_741 {dimension_numbers = #tpu.dot_dimension_numbers<[1], [0], [0], [1], [0, 0, 1, 1], [], []>, transpose_lhs_hint = false} : vector<64x2xf32>, vector<2x1024xf32>, vector<64x1024xf32> -> vector<64x1024xf32>
    %slice3A_743 = vector.extract_strided_slice %transpose3A {offsets = [49, 0], sizes = [1, 1024], strides = [1, 1]} : vector<128x1024xf32> to vector<1x1024xf32>
    %broadcast_in_dim3A_744 = vector.shape_cast %slice3A_743 : vector<1x1024xf32> to vector<1x1024xf32>
    %broadcast_in_dim3A_745 = vector.broadcast %broadcast_in_dim3A_744 : vector<1x1024xf32> to vector<64x1024xf32>
    %max3A_746 = arith.constant 0.000000e+00 : f32
    %max3A_747 = vector.broadcast %max3A_746 : f32 to vector<64x1024xf32>
    %max3A_748 = arith.maximumf %dot_general3A_742, %max3A_747 : vector<64x1024xf32>
    %mul3A_749 = arith.mulf %broadcast_in_dim3A_745, %max3A_748 : vector<64x1024xf32>
    %add3A_750 = arith.addf %add3A_735, %mul3A_749 : vector<64x1024xf32>
    %get3A_751 = arith.constant 50 : index
    %get3A_752 = arith.constant 0 : index
    %get3A_753 = arith.constant 0 : index
    %get3A_754 = vector.load %arg3[%get3A_751, %get3A_752, %get3A_753] : memref<64x64x2xf32, #tpu.memory_space<vmem>>, vector<1x64x2xf32>
    %get3A_755 = vector.shape_cast %get3A_754 : vector<1x64x2xf32> to vector<64x2xf32>
    %dot_general3A_756 = arith.constant dense<0.000000e+00> : vector<64x1024xf32>
    %dot_general3A_757 = tpu.matmul %get3A_755, %get3A_1, %dot_general3A_756 {dimension_numbers = #tpu.dot_dimension_numbers<[1], [0], [0], [1], [0, 0, 1, 1], [], []>, transpose_lhs_hint = false} : vector<64x2xf32>, vector<2x1024xf32>, vector<64x1024xf32> -> vector<64x1024xf32>
    %slice3A_758 = vector.extract_strided_slice %transpose3A {offsets = [50, 0], sizes = [1, 1024], strides = [1, 1]} : vector<128x1024xf32> to vector<1x1024xf32>
    %broadcast_in_dim3A_759 = vector.shape_cast %slice3A_758 : vector<1x1024xf32> to vector<1x1024xf32>
    %broadcast_in_dim3A_760 = vector.broadcast %broadcast_in_dim3A_759 : vector<1x1024xf32> to vector<64x1024xf32>
    %max3A_761 = arith.constant 0.000000e+00 : f32
    %max3A_762 = vector.broadcast %max3A_761 : f32 to vector<64x1024xf32>
    %max3A_763 = arith.maximumf %dot_general3A_757, %max3A_762 : vector<64x1024xf32>
    %mul3A_764 = arith.mulf %broadcast_in_dim3A_760, %max3A_763 : vector<64x1024xf32>
    %add3A_765 = arith.addf %add3A_750, %mul3A_764 : vector<64x1024xf32>
    %get3A_766 = arith.constant 51 : index
    %get3A_767 = arith.constant 0 : index
    %get3A_768 = arith.constant 0 : index
    %get3A_769 = vector.load %arg3[%get3A_766, %get3A_767, %get3A_768] : memref<64x64x2xf32, #tpu.memory_space<vmem>>, vector<1x64x2xf32>
    %get3A_770 = vector.shape_cast %get3A_769 : vector<1x64x2xf32> to vector<64x2xf32>
    %dot_general3A_771 = arith.constant dense<0.000000e+00> : vector<64x1024xf32>
    %dot_general3A_772 = tpu.matmul %get3A_770, %get3A_1, %dot_general3A_771 {dimension_numbers = #tpu.dot_dimension_numbers<[1], [0], [0], [1], [0, 0, 1, 1], [], []>, transpose_lhs_hint = false} : vector<64x2xf32>, vector<2x1024xf32>, vector<64x1024xf32> -> vector<64x1024xf32>
    %slice3A_773 = vector.extract_strided_slice %transpose3A {offsets = [51, 0], sizes = [1, 1024], strides = [1, 1]} : vector<128x1024xf32> to vector<1x1024xf32>
    %broadcast_in_dim3A_774 = vector.shape_cast %slice3A_773 : vector<1x1024xf32> to vector<1x1024xf32>
    %broadcast_in_dim3A_775 = vector.broadcast %broadcast_in_dim3A_774 : vector<1x1024xf32> to vector<64x1024xf32>
    %max3A_776 = arith.constant 0.000000e+00 : f32
    %max3A_777 = vector.broadcast %max3A_776 : f32 to vector<64x1024xf32>
    %max3A_778 = arith.maximumf %dot_general3A_772, %max3A_777 : vector<64x1024xf32>
    %mul3A_779 = arith.mulf %broadcast_in_dim3A_775, %max3A_778 : vector<64x1024xf32>
    %add3A_780 = arith.addf %add3A_765, %mul3A_779 : vector<64x1024xf32>
    %get3A_781 = arith.constant 52 : index
    %get3A_782 = arith.constant 0 : index
    %get3A_783 = arith.constant 0 : index
    %get3A_784 = vector.load %arg3[%get3A_781, %get3A_782, %get3A_783] : memref<64x64x2xf32, #tpu.memory_space<vmem>>, vector<1x64x2xf32>
    %get3A_785 = vector.shape_cast %get3A_784 : vector<1x64x2xf32> to vector<64x2xf32>
    %dot_general3A_786 = arith.constant dense<0.000000e+00> : vector<64x1024xf32>
    %dot_general3A_787 = tpu.matmul %get3A_785, %get3A_1, %dot_general3A_786 {dimension_numbers = #tpu.dot_dimension_numbers<[1], [0], [0], [1], [0, 0, 1, 1], [], []>, transpose_lhs_hint = false} : vector<64x2xf32>, vector<2x1024xf32>, vector<64x1024xf32> -> vector<64x1024xf32>
    %slice3A_788 = vector.extract_strided_slice %transpose3A {offsets = [52, 0], sizes = [1, 1024], strides = [1, 1]} : vector<128x1024xf32> to vector<1x1024xf32>
    %broadcast_in_dim3A_789 = vector.shape_cast %slice3A_788 : vector<1x1024xf32> to vector<1x1024xf32>
    %broadcast_in_dim3A_790 = vector.broadcast %broadcast_in_dim3A_789 : vector<1x1024xf32> to vector<64x1024xf32>
    %max3A_791 = arith.constant 0.000000e+00 : f32
    %max3A_792 = vector.broadcast %max3A_791 : f32 to vector<64x1024xf32>
    %max3A_793 = arith.maximumf %dot_general3A_787, %max3A_792 : vector<64x1024xf32>
    %mul3A_794 = arith.mulf %broadcast_in_dim3A_790, %max3A_793 : vector<64x1024xf32>
    %add3A_795 = arith.addf %add3A_780, %mul3A_794 : vector<64x1024xf32>
    %get3A_796 = arith.constant 53 : index
    %get3A_797 = arith.constant 0 : index
    %get3A_798 = arith.constant 0 : index
    %get3A_799 = vector.load %arg3[%get3A_796, %get3A_797, %get3A_798] : memref<64x64x2xf32, #tpu.memory_space<vmem>>, vector<1x64x2xf32>
    %get3A_800 = vector.shape_cast %get3A_799 : vector<1x64x2xf32> to vector<64x2xf32>
    %dot_general3A_801 = arith.constant dense<0.000000e+00> : vector<64x1024xf32>
    %dot_general3A_802 = tpu.matmul %get3A_800, %get3A_1, %dot_general3A_801 {dimension_numbers = #tpu.dot_dimension_numbers<[1], [0], [0], [1], [0, 0, 1, 1], [], []>, transpose_lhs_hint = false} : vector<64x2xf32>, vector<2x1024xf32>, vector<64x1024xf32> -> vector<64x1024xf32>
    %slice3A_803 = vector.extract_strided_slice %transpose3A {offsets = [53, 0], sizes = [1, 1024], strides = [1, 1]} : vector<128x1024xf32> to vector<1x1024xf32>
    %broadcast_in_dim3A_804 = vector.shape_cast %slice3A_803 : vector<1x1024xf32> to vector<1x1024xf32>
    %broadcast_in_dim3A_805 = vector.broadcast %broadcast_in_dim3A_804 : vector<1x1024xf32> to vector<64x1024xf32>
    %max3A_806 = arith.constant 0.000000e+00 : f32
    %max3A_807 = vector.broadcast %max3A_806 : f32 to vector<64x1024xf32>
    %max3A_808 = arith.maximumf %dot_general3A_802, %max3A_807 : vector<64x1024xf32>
    %mul3A_809 = arith.mulf %broadcast_in_dim3A_805, %max3A_808 : vector<64x1024xf32>
    %add3A_810 = arith.addf %add3A_795, %mul3A_809 : vector<64x1024xf32>
    %get3A_811 = arith.constant 54 : index
    %get3A_812 = arith.constant 0 : index
    %get3A_813 = arith.constant 0 : index
    %get3A_814 = vector.load %arg3[%get3A_811, %get3A_812, %get3A_813] : memref<64x64x2xf32, #tpu.memory_space<vmem>>, vector<1x64x2xf32>
    %get3A_815 = vector.shape_cast %get3A_814 : vector<1x64x2xf32> to vector<64x2xf32>
    %dot_general3A_816 = arith.constant dense<0.000000e+00> : vector<64x1024xf32>
    %dot_general3A_817 = tpu.matmul %get3A_815, %get3A_1, %dot_general3A_816 {dimension_numbers = #tpu.dot_dimension_numbers<[1], [0], [0], [1], [0, 0, 1, 1], [], []>, transpose_lhs_hint = false} : vector<64x2xf32>, vector<2x1024xf32>, vector<64x1024xf32> -> vector<64x1024xf32>
    %slice3A_818 = vector.extract_strided_slice %transpose3A {offsets = [54, 0], sizes = [1, 1024], strides = [1, 1]} : vector<128x1024xf32> to vector<1x1024xf32>
    %broadcast_in_dim3A_819 = vector.shape_cast %slice3A_818 : vector<1x1024xf32> to vector<1x1024xf32>
    %broadcast_in_dim3A_820 = vector.broadcast %broadcast_in_dim3A_819 : vector<1x1024xf32> to vector<64x1024xf32>
    %max3A_821 = arith.constant 0.000000e+00 : f32
    %max3A_822 = vector.broadcast %max3A_821 : f32 to vector<64x1024xf32>
    %max3A_823 = arith.maximumf %dot_general3A_817, %max3A_822 : vector<64x1024xf32>
    %mul3A_824 = arith.mulf %broadcast_in_dim3A_820, %max3A_823 : vector<64x1024xf32>
    %add3A_825 = arith.addf %add3A_810, %mul3A_824 : vector<64x1024xf32>
    %get3A_826 = arith.constant 55 : index
    %get3A_827 = arith.constant 0 : index
    %get3A_828 = arith.constant 0 : index
    %get3A_829 = vector.load %arg3[%get3A_826, %get3A_827, %get3A_828] : memref<64x64x2xf32, #tpu.memory_space<vmem>>, vector<1x64x2xf32>
    %get3A_830 = vector.shape_cast %get3A_829 : vector<1x64x2xf32> to vector<64x2xf32>
    %dot_general3A_831 = arith.constant dense<0.000000e+00> : vector<64x1024xf32>
    %dot_general3A_832 = tpu.matmul %get3A_830, %get3A_1, %dot_general3A_831 {dimension_numbers = #tpu.dot_dimension_numbers<[1], [0], [0], [1], [0, 0, 1, 1], [], []>, transpose_lhs_hint = false} : vector<64x2xf32>, vector<2x1024xf32>, vector<64x1024xf32> -> vector<64x1024xf32>
    %slice3A_833 = vector.extract_strided_slice %transpose3A {offsets = [55, 0], sizes = [1, 1024], strides = [1, 1]} : vector<128x1024xf32> to vector<1x1024xf32>
    %broadcast_in_dim3A_834 = vector.shape_cast %slice3A_833 : vector<1x1024xf32> to vector<1x1024xf32>
    %broadcast_in_dim3A_835 = vector.broadcast %broadcast_in_dim3A_834 : vector<1x1024xf32> to vector<64x1024xf32>
    %max3A_836 = arith.constant 0.000000e+00 : f32
    %max3A_837 = vector.broadcast %max3A_836 : f32 to vector<64x1024xf32>
    %max3A_838 = arith.maximumf %dot_general3A_832, %max3A_837 : vector<64x1024xf32>
    %mul3A_839 = arith.mulf %broadcast_in_dim3A_835, %max3A_838 : vector<64x1024xf32>
    %add3A_840 = arith.addf %add3A_825, %mul3A_839 : vector<64x1024xf32>
    %get3A_841 = arith.constant 56 : index
    %get3A_842 = arith.constant 0 : index
    %get3A_843 = arith.constant 0 : index
    %get3A_844 = vector.load %arg3[%get3A_841, %get3A_842, %get3A_843] : memref<64x64x2xf32, #tpu.memory_space<vmem>>, vector<1x64x2xf32>
    %get3A_845 = vector.shape_cast %get3A_844 : vector<1x64x2xf32> to vector<64x2xf32>
    %dot_general3A_846 = arith.constant dense<0.000000e+00> : vector<64x1024xf32>
    %dot_general3A_847 = tpu.matmul %get3A_845, %get3A_1, %dot_general3A_846 {dimension_numbers = #tpu.dot_dimension_numbers<[1], [0], [0], [1], [0, 0, 1, 1], [], []>, transpose_lhs_hint = false} : vector<64x2xf32>, vector<2x1024xf32>, vector<64x1024xf32> -> vector<64x1024xf32>
    %slice3A_848 = vector.extract_strided_slice %transpose3A {offsets = [56, 0], sizes = [1, 1024], strides = [1, 1]} : vector<128x1024xf32> to vector<1x1024xf32>
    %broadcast_in_dim3A_849 = vector.shape_cast %slice3A_848 : vector<1x1024xf32> to vector<1x1024xf32>
    %broadcast_in_dim3A_850 = vector.broadcast %broadcast_in_dim3A_849 : vector<1x1024xf32> to vector<64x1024xf32>
    %max3A_851 = arith.constant 0.000000e+00 : f32
    %max3A_852 = vector.broadcast %max3A_851 : f32 to vector<64x1024xf32>
    %max3A_853 = arith.maximumf %dot_general3A_847, %max3A_852 : vector<64x1024xf32>
    %mul3A_854 = arith.mulf %broadcast_in_dim3A_850, %max3A_853 : vector<64x1024xf32>
    %add3A_855 = arith.addf %add3A_840, %mul3A_854 : vector<64x1024xf32>
    %get3A_856 = arith.constant 57 : index
    %get3A_857 = arith.constant 0 : index
    %get3A_858 = arith.constant 0 : index
    %get3A_859 = vector.load %arg3[%get3A_856, %get3A_857, %get3A_858] : memref<64x64x2xf32, #tpu.memory_space<vmem>>, vector<1x64x2xf32>
    %get3A_860 = vector.shape_cast %get3A_859 : vector<1x64x2xf32> to vector<64x2xf32>
    %dot_general3A_861 = arith.constant dense<0.000000e+00> : vector<64x1024xf32>
    %dot_general3A_862 = tpu.matmul %get3A_860, %get3A_1, %dot_general3A_861 {dimension_numbers = #tpu.dot_dimension_numbers<[1], [0], [0], [1], [0, 0, 1, 1], [], []>, transpose_lhs_hint = false} : vector<64x2xf32>, vector<2x1024xf32>, vector<64x1024xf32> -> vector<64x1024xf32>
    %slice3A_863 = vector.extract_strided_slice %transpose3A {offsets = [57, 0], sizes = [1, 1024], strides = [1, 1]} : vector<128x1024xf32> to vector<1x1024xf32>
    %broadcast_in_dim3A_864 = vector.shape_cast %slice3A_863 : vector<1x1024xf32> to vector<1x1024xf32>
    %broadcast_in_dim3A_865 = vector.broadcast %broadcast_in_dim3A_864 : vector<1x1024xf32> to vector<64x1024xf32>
    %max3A_866 = arith.constant 0.000000e+00 : f32
    %max3A_867 = vector.broadcast %max3A_866 : f32 to vector<64x1024xf32>
    %max3A_868 = arith.maximumf %dot_general3A_862, %max3A_867 : vector<64x1024xf32>
    %mul3A_869 = arith.mulf %broadcast_in_dim3A_865, %max3A_868 : vector<64x1024xf32>
    %add3A_870 = arith.addf %add3A_855, %mul3A_869 : vector<64x1024xf32>
    %get3A_871 = arith.constant 58 : index
    %get3A_872 = arith.constant 0 : index
    %get3A_873 = arith.constant 0 : index
    %get3A_874 = vector.load %arg3[%get3A_871, %get3A_872, %get3A_873] : memref<64x64x2xf32, #tpu.memory_space<vmem>>, vector<1x64x2xf32>
    %get3A_875 = vector.shape_cast %get3A_874 : vector<1x64x2xf32> to vector<64x2xf32>
    %dot_general3A_876 = arith.constant dense<0.000000e+00> : vector<64x1024xf32>
    %dot_general3A_877 = tpu.matmul %get3A_875, %get3A_1, %dot_general3A_876 {dimension_numbers = #tpu.dot_dimension_numbers<[1], [0], [0], [1], [0, 0, 1, 1], [], []>, transpose_lhs_hint = false} : vector<64x2xf32>, vector<2x1024xf32>, vector<64x1024xf32> -> vector<64x1024xf32>
    %slice3A_878 = vector.extract_strided_slice %transpose3A {offsets = [58, 0], sizes = [1, 1024], strides = [1, 1]} : vector<128x1024xf32> to vector<1x1024xf32>
    %broadcast_in_dim3A_879 = vector.shape_cast %slice3A_878 : vector<1x1024xf32> to vector<1x1024xf32>
    %broadcast_in_dim3A_880 = vector.broadcast %broadcast_in_dim3A_879 : vector<1x1024xf32> to vector<64x1024xf32>
    %max3A_881 = arith.constant 0.000000e+00 : f32
    %max3A_882 = vector.broadcast %max3A_881 : f32 to vector<64x1024xf32>
    %max3A_883 = arith.maximumf %dot_general3A_877, %max3A_882 : vector<64x1024xf32>
    %mul3A_884 = arith.mulf %broadcast_in_dim3A_880, %max3A_883 : vector<64x1024xf32>
    %add3A_885 = arith.addf %add3A_870, %mul3A_884 : vector<64x1024xf32>
    %get3A_886 = arith.constant 59 : index
    %get3A_887 = arith.constant 0 : index
    %get3A_888 = arith.constant 0 : index
    %get3A_889 = vector.load %arg3[%get3A_886, %get3A_887, %get3A_888] : memref<64x64x2xf32, #tpu.memory_space<vmem>>, vector<1x64x2xf32>
    %get3A_890 = vector.shape_cast %get3A_889 : vector<1x64x2xf32> to vector<64x2xf32>
    %dot_general3A_891 = arith.constant dense<0.000000e+00> : vector<64x1024xf32>
    %dot_general3A_892 = tpu.matmul %get3A_890, %get3A_1, %dot_general3A_891 {dimension_numbers = #tpu.dot_dimension_numbers<[1], [0], [0], [1], [0, 0, 1, 1], [], []>, transpose_lhs_hint = false} : vector<64x2xf32>, vector<2x1024xf32>, vector<64x1024xf32> -> vector<64x1024xf32>
    %slice3A_893 = vector.extract_strided_slice %transpose3A {offsets = [59, 0], sizes = [1, 1024], strides = [1, 1]} : vector<128x1024xf32> to vector<1x1024xf32>
    %broadcast_in_dim3A_894 = vector.shape_cast %slice3A_893 : vector<1x1024xf32> to vector<1x1024xf32>
    %broadcast_in_dim3A_895 = vector.broadcast %broadcast_in_dim3A_894 : vector<1x1024xf32> to vector<64x1024xf32>
    %max3A_896 = arith.constant 0.000000e+00 : f32
    %max3A_897 = vector.broadcast %max3A_896 : f32 to vector<64x1024xf32>
    %max3A_898 = arith.maximumf %dot_general3A_892, %max3A_897 : vector<64x1024xf32>
    %mul3A_899 = arith.mulf %broadcast_in_dim3A_895, %max3A_898 : vector<64x1024xf32>
    %add3A_900 = arith.addf %add3A_885, %mul3A_899 : vector<64x1024xf32>
    %get3A_901 = arith.constant 60 : index
    %get3A_902 = arith.constant 0 : index
    %get3A_903 = arith.constant 0 : index
    %get3A_904 = vector.load %arg3[%get3A_901, %get3A_902, %get3A_903] : memref<64x64x2xf32, #tpu.memory_space<vmem>>, vector<1x64x2xf32>
    %get3A_905 = vector.shape_cast %get3A_904 : vector<1x64x2xf32> to vector<64x2xf32>
    %dot_general3A_906 = arith.constant dense<0.000000e+00> : vector<64x1024xf32>
    %dot_general3A_907 = tpu.matmul %get3A_905, %get3A_1, %dot_general3A_906 {dimension_numbers = #tpu.dot_dimension_numbers<[1], [0], [0], [1], [0, 0, 1, 1], [], []>, transpose_lhs_hint = false} : vector<64x2xf32>, vector<2x1024xf32>, vector<64x1024xf32> -> vector<64x1024xf32>
    %slice3A_908 = vector.extract_strided_slice %transpose3A {offsets = [60, 0], sizes = [1, 1024], strides = [1, 1]} : vector<128x1024xf32> to vector<1x1024xf32>
    %broadcast_in_dim3A_909 = vector.shape_cast %slice3A_908 : vector<1x1024xf32> to vector<1x1024xf32>
    %broadcast_in_dim3A_910 = vector.broadcast %broadcast_in_dim3A_909 : vector<1x1024xf32> to vector<64x1024xf32>
    %max3A_911 = arith.constant 0.000000e+00 : f32
    %max3A_912 = vector.broadcast %max3A_911 : f32 to vector<64x1024xf32>
    %max3A_913 = arith.maximumf %dot_general3A_907, %max3A_912 : vector<64x1024xf32>
    %mul3A_914 = arith.mulf %broadcast_in_dim3A_910, %max3A_913 : vector<64x1024xf32>
    %add3A_915 = arith.addf %add3A_900, %mul3A_914 : vector<64x1024xf32>
    %get3A_916 = arith.constant 61 : index
    %get3A_917 = arith.constant 0 : index
    %get3A_918 = arith.constant 0 : index
    %get3A_919 = vector.load %arg3[%get3A_916, %get3A_917, %get3A_918] : memref<64x64x2xf32, #tpu.memory_space<vmem>>, vector<1x64x2xf32>
    %get3A_920 = vector.shape_cast %get3A_919 : vector<1x64x2xf32> to vector<64x2xf32>
    %dot_general3A_921 = arith.constant dense<0.000000e+00> : vector<64x1024xf32>
    %dot_general3A_922 = tpu.matmul %get3A_920, %get3A_1, %dot_general3A_921 {dimension_numbers = #tpu.dot_dimension_numbers<[1], [0], [0], [1], [0, 0, 1, 1], [], []>, transpose_lhs_hint = false} : vector<64x2xf32>, vector<2x1024xf32>, vector<64x1024xf32> -> vector<64x1024xf32>
    %slice3A_923 = vector.extract_strided_slice %transpose3A {offsets = [61, 0], sizes = [1, 1024], strides = [1, 1]} : vector<128x1024xf32> to vector<1x1024xf32>
    %broadcast_in_dim3A_924 = vector.shape_cast %slice3A_923 : vector<1x1024xf32> to vector<1x1024xf32>
    %broadcast_in_dim3A_925 = vector.broadcast %broadcast_in_dim3A_924 : vector<1x1024xf32> to vector<64x1024xf32>
    %max3A_926 = arith.constant 0.000000e+00 : f32
    %max3A_927 = vector.broadcast %max3A_926 : f32 to vector<64x1024xf32>
    %max3A_928 = arith.maximumf %dot_general3A_922, %max3A_927 : vector<64x1024xf32>
    %mul3A_929 = arith.mulf %broadcast_in_dim3A_925, %max3A_928 : vector<64x1024xf32>
    %add3A_930 = arith.addf %add3A_915, %mul3A_929 : vector<64x1024xf32>
    %get3A_931 = arith.constant 62 : index
    %get3A_932 = arith.constant 0 : index
    %get3A_933 = arith.constant 0 : index
    %get3A_934 = vector.load %arg3[%get3A_931, %get3A_932, %get3A_933] : memref<64x64x2xf32, #tpu.memory_space<vmem>>, vector<1x64x2xf32>
    %get3A_935 = vector.shape_cast %get3A_934 : vector<1x64x2xf32> to vector<64x2xf32>
    %dot_general3A_936 = arith.constant dense<0.000000e+00> : vector<64x1024xf32>
    %dot_general3A_937 = tpu.matmul %get3A_935, %get3A_1, %dot_general3A_936 {dimension_numbers = #tpu.dot_dimension_numbers<[1], [0], [0], [1], [0, 0, 1, 1], [], []>, transpose_lhs_hint = false} : vector<64x2xf32>, vector<2x1024xf32>, vector<64x1024xf32> -> vector<64x1024xf32>
    %slice3A_938 = vector.extract_strided_slice %transpose3A {offsets = [62, 0], sizes = [1, 1024], strides = [1, 1]} : vector<128x1024xf32> to vector<1x1024xf32>
    %broadcast_in_dim3A_939 = vector.shape_cast %slice3A_938 : vector<1x1024xf32> to vector<1x1024xf32>
    %broadcast_in_dim3A_940 = vector.broadcast %broadcast_in_dim3A_939 : vector<1x1024xf32> to vector<64x1024xf32>
    %max3A_941 = arith.constant 0.000000e+00 : f32
    %max3A_942 = vector.broadcast %max3A_941 : f32 to vector<64x1024xf32>
    %max3A_943 = arith.maximumf %dot_general3A_937, %max3A_942 : vector<64x1024xf32>
    %mul3A_944 = arith.mulf %broadcast_in_dim3A_940, %max3A_943 : vector<64x1024xf32>
    %add3A_945 = arith.addf %add3A_930, %mul3A_944 : vector<64x1024xf32>
    %get3A_946 = arith.constant 63 : index
    %get3A_947 = arith.constant 0 : index
    %get3A_948 = arith.constant 0 : index
    %get3A_949 = vector.load %arg3[%get3A_946, %get3A_947, %get3A_948] : memref<64x64x2xf32, #tpu.memory_space<vmem>>, vector<1x64x2xf32>
    %get3A_950 = vector.shape_cast %get3A_949 : vector<1x64x2xf32> to vector<64x2xf32>
    %dot_general3A_951 = arith.constant dense<0.000000e+00> : vector<64x1024xf32>
    %dot_general3A_952 = tpu.matmul %get3A_950, %get3A_1, %dot_general3A_951 {dimension_numbers = #tpu.dot_dimension_numbers<[1], [0], [0], [1], [0, 0, 1, 1], [], []>, transpose_lhs_hint = false} : vector<64x2xf32>, vector<2x1024xf32>, vector<64x1024xf32> -> vector<64x1024xf32>
    %slice3A_953 = vector.extract_strided_slice %transpose3A {offsets = [63, 0], sizes = [1, 1024], strides = [1, 1]} : vector<128x1024xf32> to vector<1x1024xf32>
    %broadcast_in_dim3A_954 = vector.shape_cast %slice3A_953 : vector<1x1024xf32> to vector<1x1024xf32>
    %broadcast_in_dim3A_955 = vector.broadcast %broadcast_in_dim3A_954 : vector<1x1024xf32> to vector<64x1024xf32>
    %max3A_956 = arith.constant 0.000000e+00 : f32
    %max3A_957 = vector.broadcast %max3A_956 : f32 to vector<64x1024xf32>
    %max3A_958 = arith.maximumf %dot_general3A_952, %max3A_957 : vector<64x1024xf32>
    %mul3A_959 = arith.mulf %broadcast_in_dim3A_955, %max3A_958 : vector<64x1024xf32>
    %add3A_960 = arith.addf %add3A_945, %mul3A_959 : vector<64x1024xf32>
    %transpose3A_961 = tpu.transpose %add3A_960, [1, 0] : vector<64x1024xf32> -> vector<1024x64xf32>
    %broadcast_in_dim3A_962 = arith.constant 0.000000e+00 : f32
    %broadcast_in_dim3A_963 = vector.broadcast %broadcast_in_dim3A_962 : f32 to vector<1024x64xf32>
    %concatenate3A = tpu.concatenate %transpose3A_961, %broadcast_in_dim3A_963 in 1 : vector<1024x64xf32>, vector<1024x64xf32> -> vector<1024x128xf32>
    %swap3A = arith.constant 0 : index
    %swap3A_964 = arith.constant 0 : index
    %swap3A_965 = vector.load %arg4[%swap3A, %swap3A_964] : memref<1024x128xf32, #tpu.memory_space<vmem>>, vector<1024x128xf32>
    tpu.vector_store %arg4[%swap3A, %swap3A_964], %concatenate3A {strides = array<i32>} : memref<1024x128xf32, #tpu.memory_space<vmem>>, vector<1024x128xf32>,
    return
  }
  func.func @transform_0(%arg0: i32) -> (i32, i32) {
    %c0_i32 = arith.constant 0 : i32
    %c0_i32_0 = arith.constant 0 : i32
    return %c0_i32, %arg0 : i32, i32
  }
  func.func @transform_1(%arg0: i32) -> (i32, i32) {
    %c0_i32 = arith.constant 0 : i32
    %c0_i32_0 = arith.constant 0 : i32
    return %arg0, %c0_i32 : i32, i32
  }
  func.func @transform_2(%arg0: i32) -> (i32, i32, i32) {
    %c0_i32 = arith.constant 0 : i32
    %c0_i32_0 = arith.constant 0 : i32
    %c0_i32_1 = arith.constant 0 : i32
    %c0_i32_2 = arith.constant 0 : i32
    return %c0_i32, %c0_i32_0, %c0_i32_1 : i32, i32, i32
  }
  func.func @transform_3(%arg0: i32) -> (i32, i32) {
    %c0_i32 = arith.constant 0 : i32
    %c0_i32_0 = arith.constant 0 : i32
    return %arg0, %c0_i32 : i32, i32
  }
}

module attributes {stable_mosaic.version = 14 : i64} {
  func.func @_fin2_body(%arg0: i32, %arg1: memref<2x512x128xf32, #tpu.memory_space<vmem>>, %arg2: memref<2x512x128xf32, #tpu.memory_space<vmem>>, %arg3: memref<512x128xf32, #tpu.memory_space<vmem>>, %arg4: memref<1x128xf32, #tpu.memory_space<vmem>>, %arg5: memref<1x128xf32, #tpu.memory_space<vmem>>, %arg6: memref<1x128xf32, #tpu.memory_space<vmem>>, %arg7: memref<1x128xf32, #tpu.memory_space<vmem>>, %arg8: memref<512x128xf32, #tpu.memory_space<vmem>>) attributes {dimension_semantics = [#tpu.dimension_semantics<arbitrary>], iteration_bounds = array<i64: 4>, scalar_prefetch = 0 : i64, scratch_operands = 0 : i64, tpu.core_type = #tpu.core_type<tc>, window_params = [{transform_indices = @transform_0, window_bounds = array<i64: 2, 512, 128>}, {transform_indices = @transform_1, window_bounds = array<i64: 2, 512, 128>}, {transform_indices = @transform_2, window_bounds = array<i64: 512, 128>}, {pipeline_mode = #tpu.pipeline_mode<synchronous>, transform_indices = @transform_3, window_bounds = array<i64: 1, 128>}, {pipeline_mode = #tpu.pipeline_mode<synchronous>, transform_indices = @transform_4, window_bounds = array<i64: 1, 128>}, {pipeline_mode = #tpu.pipeline_mode<synchronous>, transform_indices = @transform_5, window_bounds = array<i64: 1, 128>}, {pipeline_mode = #tpu.pipeline_mode<synchronous>, transform_indices = @transform_6, window_bounds = array<i64: 1, 128>}, {transform_indices = @transform_7, window_bounds = array<i64: 512, 128>}]} {
    %get3A = arith.constant 0 : index
    %get3A_0 = arith.constant 0 : index
    %get3A_1 = arith.constant 0 : index
    %get3A_2 = vector.load %arg1[%get3A, %get3A_0, %get3A_1] : memref<2x512x128xf32, #tpu.memory_space<vmem>>, vector<1x512x128xf32>
    %get3A_3 = vector.shape_cast %get3A_2 : vector<1x512x128xf32> to vector<512x128xf32>
    %slice3A = vector.extract_strided_slice %get3A_3 {offsets = [0, 0], sizes = [512, 1], strides = [1, 1]} : vector<512x128xf32> to vector<512x1xf32>
    %get3A_4 = arith.constant 1 : index
    %get3A_5 = arith.constant 0 : index
    %get3A_6 = arith.constant 0 : index
    %get3A_7 = vector.load %arg1[%get3A_4, %get3A_5, %get3A_6] : memref<2x512x128xf32, #tpu.memory_space<vmem>>, vector<1x512x128xf32>
    %get3A_8 = vector.shape_cast %get3A_7 : vector<1x512x128xf32> to vector<512x128xf32>
    %slice3A_9 = vector.extract_strided_slice %get3A_8 {offsets = [0, 0], sizes = [512, 1], strides = [1, 1]} : vector<512x128xf32> to vector<512x1xf32>
    %add3A = arith.addf %slice3A, %slice3A_9 : vector<512x1xf32>
    %get3A_10 = arith.constant 0 : index
    %get3A_11 = arith.constant 0 : index
    %get3A_12 = arith.constant 0 : index
    %get3A_13 = vector.load %arg2[%get3A_10, %get3A_11, %get3A_12] : memref<2x512x128xf32, #tpu.memory_space<vmem>>, vector<1x512x128xf32>
    %get3A_14 = vector.shape_cast %get3A_13 : vector<1x512x128xf32> to vector<512x128xf32>
    %slice3A_15 = vector.extract_strided_slice %get3A_14 {offsets = [0, 0], sizes = [512, 1], strides = [1, 1]} : vector<512x128xf32> to vector<512x1xf32>
    %get3A_16 = arith.constant 1 : index
    %get3A_17 = arith.constant 0 : index
    %get3A_18 = arith.constant 0 : index
    %get3A_19 = vector.load %arg2[%get3A_16, %get3A_17, %get3A_18] : memref<2x512x128xf32, #tpu.memory_space<vmem>>, vector<1x512x128xf32>
    %get3A_20 = vector.shape_cast %get3A_19 : vector<1x512x128xf32> to vector<512x128xf32>
    %slice3A_21 = vector.extract_strided_slice %get3A_20 {offsets = [0, 0], sizes = [512, 1], strides = [1, 1]} : vector<512x128xf32> to vector<512x1xf32>
    %add3A_22 = arith.addf %slice3A_15, %slice3A_21 : vector<512x1xf32>
    %max3A = arith.constant 1.000000e+00 : f32
    %max3A_23 = vector.broadcast %max3A : f32 to vector<512x1xf32>
    %max3A_24 = arith.maximumf %add3A_22, %max3A_23 : vector<512x1xf32>
    %div3A = arith.divf %add3A, %max3A_24 : vector<512x1xf32>
    %get3A_25 = arith.constant 0 : index
    %get3A_26 = arith.constant 0 : index
    %get3A_27 = vector.load %arg3[%get3A_25, %get3A_26] : memref<512x128xf32, #tpu.memory_space<vmem>>, vector<512x128xf32>
    %get3A_28 = arith.constant 0 : index
    %get3A_29 = arith.constant 0 : index
    %get3A_30 = vector.load %arg4[%get3A_28, %get3A_29] : memref<1x128xf32, #tpu.memory_space<vmem>>, vector<1x128xf32>
    %mul3A = vector.broadcast %get3A_30 : vector<1x128xf32> to vector<512x128xf32>
    %mul3A_31 = arith.mulf %get3A_27, %mul3A : vector<512x128xf32>
    %reduce_sum3A = arith.constant dense<0.000000e+00> : vector<512xf32>
    %reduce_sum3A_32 = vector.multi_reduction <add>, %mul3A_31, %reduce_sum3A [1] : vector<512x128xf32> to vector<512xf32>
    %broadcast_in_dim3A = vector.shape_cast %reduce_sum3A_32 : vector<512xf32> to vector<512x1xf32>
    %add3A_33 = arith.addf %div3A, %broadcast_in_dim3A : vector<512x1xf32>
    %broadcast_in_dim3A_34 = vector.shape_cast %add3A_33 : vector<512x1xf32> to vector<512x1xf32>
    %broadcast_in_dim3A_35 = vector.broadcast %broadcast_in_dim3A_34 : vector<512x1xf32> to vector<512x128xf32>
    %get3A_36 = arith.constant 0 : index
    %get3A_37 = arith.constant 0 : index
    %get3A_38 = vector.load %arg5[%get3A_36, %get3A_37] : memref<1x128xf32, #tpu.memory_space<vmem>>, vector<1x128xf32>
    %add3A_39 = vector.broadcast %get3A_38 : vector<1x128xf32> to vector<512x128xf32>
    %add3A_40 = arith.addf %broadcast_in_dim3A_35, %add3A_39 : vector<512x128xf32>
    %get3A_41 = arith.constant 0 : index
    %get3A_42 = arith.constant 0 : index
    %get3A_43 = vector.load %arg6[%get3A_41, %get3A_42] : memref<1x128xf32, #tpu.memory_space<vmem>>, vector<1x128xf32>
    %mul3A_44 = vector.broadcast %get3A_43 : vector<1x128xf32> to vector<512x128xf32>
    %mul3A_45 = arith.mulf %add3A_40, %mul3A_44 : vector<512x128xf32>
    %get3A_46 = arith.constant 0 : index
    %get3A_47 = arith.constant 0 : index
    %get3A_48 = vector.load %arg7[%get3A_46, %get3A_47] : memref<1x128xf32, #tpu.memory_space<vmem>>, vector<1x128xf32>
    %add3A_49 = vector.broadcast %get3A_48 : vector<1x128xf32> to vector<512x128xf32>
    %add3A_50 = arith.addf %mul3A_45, %add3A_49 : vector<512x128xf32>
    %logistic3A = arith.negf %add3A_50 : vector<512x128xf32>
    %logistic3A_51 = math.exp %logistic3A : vector<512x128xf32>
    %logistic3A_52 = arith.constant 1.000000e+00 : f32
    %logistic3A_53 = vector.broadcast %logistic3A_52 : f32 to vector<512x128xf32>
    %logistic3A_54 = arith.addf %logistic3A_53, %logistic3A_51 : vector<512x128xf32>
    %logistic3A_55 = arith.divf %logistic3A_53, %logistic3A_54 : vector<512x128xf32>
    %swap3A = arith.constant 0 : index
    %swap3A_56 = arith.constant 0 : index
    %swap3A_57 = vector.load %arg8[%swap3A, %swap3A_56] : memref<512x128xf32, #tpu.memory_space<vmem>>, vector<512x128xf32>
    tpu.vector_store %arg8[%swap3A, %swap3A_56], %logistic3A_55 {strides = array<i32>} : memref<512x128xf32, #tpu.memory_space<vmem>>, vector<512x128xf32>,
    return
  }
  func.func @transform_0(%arg0: i32) -> (i32, i32, i32) {
    %c0_i32 = arith.constant 0 : i32
    %c0_i32_0 = arith.constant 0 : i32
    %c0_i32_1 = arith.constant 0 : i32
    return %c0_i32, %arg0, %c0_i32_0 : i32, i32, i32
  }
  func.func @transform_1(%arg0: i32) -> (i32, i32, i32) {
    %c0_i32 = arith.constant 0 : i32
    %c0_i32_0 = arith.constant 0 : i32
    %c0_i32_1 = arith.constant 0 : i32
    return %c0_i32, %arg0, %c0_i32_0 : i32, i32, i32
  }
  func.func @transform_2(%arg0: i32) -> (i32, i32) {
    %c0_i32 = arith.constant 0 : i32
    %c0_i32_0 = arith.constant 0 : i32
    return %arg0, %c0_i32 : i32, i32
  }
  func.func @transform_3(%arg0: i32) -> (i32, i32) {
    %c0_i32 = arith.constant 0 : i32
    %c0_i32_0 = arith.constant 0 : i32
    %c0_i32_1 = arith.constant 0 : i32
    return %c0_i32, %c0_i32_0 : i32, i32
  }
  func.func @transform_4(%arg0: i32) -> (i32, i32) {
    %c0_i32 = arith.constant 0 : i32
    %c0_i32_0 = arith.constant 0 : i32
    %c0_i32_1 = arith.constant 0 : i32
    return %c0_i32, %c0_i32_0 : i32, i32
  }
  func.func @transform_5(%arg0: i32) -> (i32, i32) {
    %c0_i32 = arith.constant 0 : i32
    %c0_i32_0 = arith.constant 0 : i32
    %c0_i32_1 = arith.constant 0 : i32
    return %c0_i32, %c0_i32_0 : i32, i32
  }
  func.func @transform_6(%arg0: i32) -> (i32, i32) {
    %c0_i32 = arith.constant 0 : i32
    %c0_i32_0 = arith.constant 0 : i32
    %c0_i32_1 = arith.constant 0 : i32
    return %c0_i32, %c0_i32_0 : i32, i32
  }
  func.func @transform_7(%arg0: i32) -> (i32, i32) {
    %c0_i32 = arith.constant 0 : i32
    %c0_i32_0 = arith.constant 0 : i32
    return %arg0, %c0_i32 : i32, i32
  }
}

module attributes {stable_mosaic.version = 14 : i64} {
  func.func @_msg3_body(%arg0: i32, %arg1: memref<2x2048xf32, #tpu.memory_space<vmem>>, %arg2: memref<2048x128xf32, #tpu.memory_space<vmem>>, %arg3: memref<2x128xf32, #tpu.memory_space<vmem>>, %arg4: memref<2048x128xf32, #tpu.memory_space<vmem>>) attributes {dimension_semantics = [#tpu.dimension_semantics<arbitrary>], iteration_bounds = array<i64: 8>, scalar_prefetch = 0 : i64, scratch_operands = 0 : i64, tpu.core_type = #tpu.core_type<tc>, window_params = [{transform_indices = @transform_0, window_bounds = array<i64: 2, 2048>}, {transform_indices = @transform_1, window_bounds = array<i64: 2048, 128>}, {pipeline_mode = #tpu.pipeline_mode<synchronous>, transform_indices = @transform_2, window_bounds = array<i64: 2, 128>}, {transform_indices = @transform_3, window_bounds = array<i64: 2048, 128>}]} {
    %get3A = arith.constant 0 : index
    %get3A_0 = arith.constant 0 : index
    %get3A_1 = vector.load %arg1[%get3A, %get3A_0] : memref<2x2048xf32, #tpu.memory_space<vmem>>, vector<2x2048xf32>
    %transpose3A = tpu.transpose %get3A_1, [1, 0] : vector<2x2048xf32> -> vector<2048x2xf32>
    %get3A_2 = arith.constant 0 : index
    %get3A_3 = arith.constant 0 : index
    %get3A_4 = vector.load %arg3[%get3A_2, %get3A_3] : memref<2x128xf32, #tpu.memory_space<vmem>>, vector<2x128xf32>
    %dot_general3A = arith.constant dense<0.000000e+00> : vector<2048x128xf32>
    %dot_general3A_5 = tpu.matmul %transpose3A, %get3A_4, %dot_general3A {dimension_numbers = #tpu.dot_dimension_numbers<[1], [0], [0], [1], [0, 0, 1, 1], [], []>, transpose_lhs_hint = false} : vector<2048x2xf32>, vector<2x128xf32>, vector<2048x128xf32> -> vector<2048x128xf32>
    %get3A_6 = arith.constant 0 : index
    %get3A_7 = arith.constant 0 : index
    %get3A_8 = vector.load %arg2[%get3A_6, %get3A_7] : memref<2048x128xf32, #tpu.memory_space<vmem>>, vector<2048x128xf32>
    %max3A = arith.constant 0.000000e+00 : f32
    %max3A_9 = vector.broadcast %max3A : f32 to vector<2048x128xf32>
    %max3A_10 = arith.maximumf %dot_general3A_5, %max3A_9 : vector<2048x128xf32>
    %mul3A = arith.mulf %get3A_8, %max3A_10 : vector<2048x128xf32>
    %swap3A = arith.constant 0 : index
    %swap3A_11 = arith.constant 0 : index
    %swap3A_12 = vector.load %arg4[%swap3A, %swap3A_11] : memref<2048x128xf32, #tpu.memory_space<vmem>>, vector<2048x128xf32>
    tpu.vector_store %arg4[%swap3A, %swap3A_11], %mul3A {strides = array<i32>} : memref<2048x128xf32, #tpu.memory_space<vmem>>, vector<2048x128xf32>,
    return
  }
  func.func @transform_0(%arg0: i32) -> (i32, i32) {
    %c0_i32 = arith.constant 0 : i32
    %c0_i32_0 = arith.constant 0 : i32
    return %c0_i32, %arg0 : i32, i32
  }
  func.func @transform_1(%arg0: i32) -> (i32, i32) {
    %c0_i32 = arith.constant 0 : i32
    %c0_i32_0 = arith.constant 0 : i32
    return %arg0, %c0_i32 : i32, i32
  }
  func.func @transform_2(%arg0: i32) -> (i32, i32) {
    %c0_i32 = arith.constant 0 : i32
    %c0_i32_0 = arith.constant 0 : i32
    %c0_i32_1 = arith.constant 0 : i32
    return %c0_i32, %c0_i32_0 : i32, i32
  }
  func.func @transform_3(%arg0: i32) -> (i32, i32) {
    %c0_i32 = arith.constant 0 : i32
    %c0_i32_0 = arith.constant 0 : i32
    return %arg0, %c0_i32 : i32, i32
  }
}

module attributes {stable_mosaic.version = 14 : i64} {
  func.func @_fin3_body(%arg0: i32, %arg1: memref<2x512x128xf32, #tpu.memory_space<vmem>>, %arg2: memref<2x512x128xf32, #tpu.memory_space<vmem>>, %arg3: memref<512x128xf32, #tpu.memory_space<vmem>>, %arg4: memref<512x128xf32, #tpu.memory_space<vmem>>, %arg5: memref<1x64xf32, #tpu.memory_space<vmem>>, %arg6: memref<1x64xf32, #tpu.memory_space<vmem>>, %arg7: memref<1x64xf32, #tpu.memory_space<vmem>>, %arg8: memref<1x64xf32, #tpu.memory_space<vmem>>, %arg9: memref<512x64xf32, #tpu.memory_space<vmem>>) attributes {dimension_semantics = [#tpu.dimension_semantics<arbitrary>], iteration_bounds = array<i64: 4>, scalar_prefetch = 0 : i64, scratch_operands = 0 : i64, tpu.core_type = #tpu.core_type<tc>, window_params = [{transform_indices = @transform_0, window_bounds = array<i64: 2, 512, 128>}, {transform_indices = @transform_1, window_bounds = array<i64: 2, 512, 128>}, {transform_indices = @transform_2, window_bounds = array<i64: 512, 128>}, {transform_indices = @transform_3, window_bounds = array<i64: 512, 128>}, {pipeline_mode = #tpu.pipeline_mode<synchronous>, transform_indices = @transform_4, window_bounds = array<i64: 1, 64>}, {pipeline_mode = #tpu.pipeline_mode<synchronous>, transform_indices = @transform_5, window_bounds = array<i64: 1, 64>}, {pipeline_mode = #tpu.pipeline_mode<synchronous>, transform_indices = @transform_6, window_bounds = array<i64: 1, 64>}, {pipeline_mode = #tpu.pipeline_mode<synchronous>, transform_indices = @transform_7, window_bounds = array<i64: 1, 64>}, {transform_indices = @transform_8, window_bounds = array<i64: 512, 64>}]} {
    %get3A = arith.constant 0 : index
    %get3A_0 = arith.constant 0 : index
    %get3A_1 = arith.constant 0 : index
    %get3A_2 = vector.load %arg1[%get3A, %get3A_0, %get3A_1] : memref<2x512x128xf32, #tpu.memory_space<vmem>>, vector<1x512x128xf32>
    %get3A_3 = vector.shape_cast %get3A_2 : vector<1x512x128xf32> to vector<512x128xf32>
    %get3A_4 = arith.constant 1 : index
    %get3A_5 = arith.constant 0 : index
    %get3A_6 = arith.constant 0 : index
    %get3A_7 = vector.load %arg1[%get3A_4, %get3A_5, %get3A_6] : memref<2x512x128xf32, #tpu.memory_space<vmem>>, vector<1x512x128xf32>
    %get3A_8 = vector.shape_cast %get3A_7 : vector<1x512x128xf32> to vector<512x128xf32>
    %add3A = arith.addf %get3A_3, %get3A_8 : vector<512x128xf32>
    %slice3A = vector.extract_strided_slice %add3A {offsets = [0, 0], sizes = [512, 64], strides = [1, 1]} : vector<512x128xf32> to vector<512x64xf32>
    %get3A_9 = arith.constant 0 : index
    %get3A_10 = arith.constant 0 : index
    %get3A_11 = arith.constant 0 : index
    %get3A_12 = vector.load %arg2[%get3A_9, %get3A_10, %get3A_11] : memref<2x512x128xf32, #tpu.memory_space<vmem>>, vector<1x512x128xf32>
    %get3A_13 = vector.shape_cast %get3A_12 : vector<1x512x128xf32> to vector<512x128xf32>
    %slice3A_14 = vector.extract_strided_slice %get3A_13 {offsets = [0, 0], sizes = [512, 1], strides = [1, 1]} : vector<512x128xf32> to vector<512x1xf32>
    %get3A_15 = arith.constant 1 : index
    %get3A_16 = arith.constant 0 : index
    %get3A_17 = arith.constant 0 : index
    %get3A_18 = vector.load %arg2[%get3A_15, %get3A_16, %get3A_17] : memref<2x512x128xf32, #tpu.memory_space<vmem>>, vector<1x512x128xf32>
    %get3A_19 = vector.shape_cast %get3A_18 : vector<1x512x128xf32> to vector<512x128xf32>
    %slice3A_20 = vector.extract_strided_slice %get3A_19 {offsets = [0, 0], sizes = [512, 1], strides = [1, 1]} : vector<512x128xf32> to vector<512x1xf32>
    %add3A_21 = arith.addf %slice3A_14, %slice3A_20 : vector<512x1xf32>
    %max3A = arith.constant 1.000000e+00 : f32
    %max3A_22 = vector.broadcast %max3A : f32 to vector<512x1xf32>
    %max3A_23 = arith.maximumf %add3A_21, %max3A_22 : vector<512x1xf32>
    %div3A = vector.broadcast %max3A_23 : vector<512x1xf32> to vector<512x64xf32>
    %div3A_24 = arith.divf %slice3A, %div3A : vector<512x64xf32>
    %get3A_25 = arith.constant 0 : index
    %get3A_26 = arith.constant 0 : index
    %get3A_27 = vector.load %arg3[%get3A_25, %get3A_26] : memref<512x128xf32, #tpu.memory_space<vmem>>, vector<512x128xf32>
    %slice3A_28 = vector.extract_strided_slice %get3A_27 {offsets = [0, 0], sizes = [512, 1], strides = [1, 1]} : vector<512x128xf32> to vector<512x1xf32>
    %get3A_29 = arith.constant 0 : index
    %get3A_30 = arith.constant 0 : index
    %get3A_31 = vector.load %arg5[%get3A_29, %get3A_30] : memref<1x64xf32, #tpu.memory_space<vmem>>, vector<1x64xf32>
    %mul3A = vector.broadcast %slice3A_28 : vector<512x1xf32> to vector<512x64xf32>
    %mul3A_32 = vector.broadcast %get3A_31 : vector<1x64xf32> to vector<512x64xf32>
    %mul3A_33 = arith.mulf %mul3A, %mul3A_32 : vector<512x64xf32>
    %add3A_34 = arith.addf %div3A_24, %mul3A_33 : vector<512x64xf32>
    %get3A_35 = arith.constant 0 : index
    %get3A_36 = arith.constant 0 : index
    %get3A_37 = vector.load %arg6[%get3A_35, %get3A_36] : memref<1x64xf32, #tpu.memory_space<vmem>>, vector<1x64xf32>
    %add3A_38 = vector.broadcast %get3A_37 : vector<1x64xf32> to vector<512x64xf32>
    %add3A_39 = arith.addf %add3A_34, %add3A_38 : vector<512x64xf32>
    %get3A_40 = arith.constant 0 : index
    %get3A_41 = arith.constant 0 : index
    %get3A_42 = vector.load %arg7[%get3A_40, %get3A_41] : memref<1x64xf32, #tpu.memory_space<vmem>>, vector<1x64xf32>
    %mul3A_43 = vector.broadcast %get3A_42 : vector<1x64xf32> to vector<512x64xf32>
    %mul3A_44 = arith.mulf %add3A_39, %mul3A_43 : vector<512x64xf32>
    %get3A_45 = arith.constant 0 : index
    %get3A_46 = arith.constant 0 : index
    %get3A_47 = vector.load %arg8[%get3A_45, %get3A_46] : memref<1x64xf32, #tpu.memory_space<vmem>>, vector<1x64xf32>
    %add3A_48 = vector.broadcast %get3A_47 : vector<1x64xf32> to vector<512x64xf32>
    %add3A_49 = arith.addf %mul3A_44, %add3A_48 : vector<512x64xf32>
    %logistic3A = arith.negf %add3A_49 : vector<512x64xf32>
    %logistic3A_50 = math.exp %logistic3A : vector<512x64xf32>
    %logistic3A_51 = arith.constant 1.000000e+00 : f32
    %logistic3A_52 = vector.broadcast %logistic3A_51 : f32 to vector<512x64xf32>
    %logistic3A_53 = arith.addf %logistic3A_52, %logistic3A_50 : vector<512x64xf32>
    %logistic3A_54 = arith.divf %logistic3A_52, %logistic3A_53 : vector<512x64xf32>
    %get3A_55 = arith.constant 0 : index
    %get3A_56 = arith.constant 0 : index
    %get3A_57 = vector.load %arg4[%get3A_55, %get3A_56] : memref<512x128xf32, #tpu.memory_space<vmem>>, vector<512x128xf32>
    %slice3A_58 = vector.extract_strided_slice %get3A_57 {offsets = [0, 0], sizes = [512, 64], strides = [1, 1]} : vector<512x128xf32> to vector<512x64xf32>
    %add3A_59 = arith.addf %logistic3A_54, %slice3A_58 : vector<512x64xf32>
    %mul3A_60 = arith.constant 5.000000e-01 : f32
    %mul3A_61 = vector.broadcast %mul3A_60 : f32 to vector<512x64xf32>
    %mul3A_62 = arith.mulf %add3A_59, %mul3A_61 : vector<512x64xf32>
    %swap3A = arith.constant 0 : index
    %swap3A_63 = arith.constant 0 : index
    %swap3A_64 = vector.load %arg9[%swap3A, %swap3A_63] : memref<512x64xf32, #tpu.memory_space<vmem>>, vector<512x64xf32>
    tpu.vector_store %arg9[%swap3A, %swap3A_63], %mul3A_62 {strides = array<i32>} : memref<512x64xf32, #tpu.memory_space<vmem>>, vector<512x64xf32>,
    return
  }
  func.func @transform_0(%arg0: i32) -> (i32, i32, i32) {
    %c0_i32 = arith.constant 0 : i32
    %c0_i32_0 = arith.constant 0 : i32
    %c0_i32_1 = arith.constant 0 : i32
    return %c0_i32, %arg0, %c0_i32_0 : i32, i32, i32
  }
  func.func @transform_1(%arg0: i32) -> (i32, i32, i32) {
    %c0_i32 = arith.constant 0 : i32
    %c0_i32_0 = arith.constant 0 : i32
    %c0_i32_1 = arith.constant 0 : i32
    return %c0_i32, %arg0, %c0_i32_0 : i32, i32, i32
  }
  func.func @transform_2(%arg0: i32) -> (i32, i32) {
    %c0_i32 = arith.constant 0 : i32
    %c0_i32_0 = arith.constant 0 : i32
    return %arg0, %c0_i32 : i32, i32
  }
  func.func @transform_3(%arg0: i32) -> (i32, i32) {
    %c0_i32 = arith.constant 0 : i32
    %c0_i32_0 = arith.constant 0 : i32
    return %arg0, %c0_i32 : i32, i32
  }
  func.func @transform_4(%arg0: i32) -> (i32, i32) {
    %c0_i32 = arith.constant 0 : i32
    %c0_i32_0 = arith.constant 0 : i32
    %c0_i32_1 = arith.constant 0 : i32
    return %c0_i32, %c0_i32_0 : i32, i32
  }
  func.func @transform_5(%arg0: i32) -> (i32, i32) {
    %c0_i32 = arith.constant 0 : i32
    %c0_i32_0 = arith.constant 0 : i32
    %c0_i32_1 = arith.constant 0 : i32
    return %c0_i32, %c0_i32_0 : i32, i32
  }
  func.func @transform_6(%arg0: i32) -> (i32, i32) {
    %c0_i32 = arith.constant 0 : i32
    %c0_i32_0 = arith.constant 0 : i32
    %c0_i32_1 = arith.constant 0 : i32
    return %c0_i32, %c0_i32_0 : i32, i32
  }
  func.func @transform_7(%arg0: i32) -> (i32, i32) {
    %c0_i32 = arith.constant 0 : i32
    %c0_i32_0 = arith.constant 0 : i32
    %c0_i32_1 = arith.constant 0 : i32
    return %c0_i32, %c0_i32_0 : i32, i32
  }
  func.func @transform_8(%arg0: i32) -> (i32, i32) {
    %c0_i32 = arith.constant 0 : i32
    %c0_i32_0 = arith.constant 0 : i32
    return %arg0, %c0_i32 : i32, i32
  }
}

</mosaic_0001>

<sc_bundles>
// kernel: kernel.15.cloned.1.call-start
scs
__scs_entry_jumppad:
0x0: {  	(pc) =	sbr.rel $0x88, $3  }
0x1: {  	(tag) =	ssettag $0x0;
	lr =	simm.s32 $0x1  }
0x2: {  	[smem:$0x3F8C] =	sst lr;
	_ =	strace $0xD0000000  }
0x3: {  	_ = 	snop  }
0x4: {  	_ = 	snop  }
0x5: {  	_ = 	snop  }
0x6: {  	_ = 	snop  }
0x7: {  	_ = 	snop  }
__scs_overlays_trampoline_lowered:
0x8: {  	[smem:$0x3F9B] =	sst s0  }
0x9: {  	[smem:$0x3F9C] =	sst s1  }
0xa: {  	[smem:$0x3F9D] =	sst s2  }
0xb: {  	[smem:$0x3F9E] =	sst s3  }
0xc: {  	[smem:$0x3F9F] =	sst s4  }
0xd: {  	[smem:$0x3FA0] =	sst s5  }
0xe: {  	[smem:$0x3FA1] =	sst s6  }
0xf: {  	[smem:$0x3FA2] =	sst s7  }
0x10: {  	[smem:$0x3FA3] =	sst s8  }
0x11: {  	[smem:$0x3FA4] =	sst s9;
	s0 =	simm.s32 @!p0 $0x0  }
0x12: {  	s1 =	sld [smem:$0x3F8A];
	s0 =	simm.s32 @p0 $0x1  }
0x13: {  	[smem:$0x3FA5] =	sst s0;
	s0 =	simm.s32 @!p1 $0x0  }
0x14: {  	s2 =	sld [smem:$0x3F89];
	s0 =	simm.s32 @p1 $0x1  }
0x15: {  	[smem:$0x3FA6] =	sst s0;
	s0 =	simm.s32 @!p2 $0x0  }
0x16: {  	s3 =	sld [smem:$0x3FDB];
	s0 =	simm.s32 @p2 $0x1  }
0x17: {  	s4 =	simm.s32 $0x1BF5;
	[smem:$0x3FA8] =	sst s0  }
0x18: {  	s0 =	sld [smem:$0x3F8B];
	_ =	swait.ge [sflag:s4], $0x0  }
0x19: {  	s7 =	sld [smem:$0x3F8C]  }
0x1a: {  	s8 =	sadd.s32 $0xFFFFE003, lr  }
0x1b: {  	s9 =	sadd.s32 $0xFFFFFEF7, lr;
	s5 =	simm.s32 $0xFFFFFFFF;
	p2 =	slt.u32 s8, $0xFFFFF086  }
0x1c: {  	p1 =	slt.u32 s9, $0xF7A;
	s5 =	simm.s32 @!p2 $0x0  }
0x1d: {  	s5 =	simm.s32 @p1 $0x1;
	p0 =	seq.s32 s7, s2  }
0x1e: {  	s7 =	smul.u32 @!p0 $0xF7A, s2;
	p2 =	seq.s32 @!p0 s5, $0x0  }
0x1f: {  	s9 =	smul.u32 $0xF7A, s1;
	s8 =	simm.s32 @!p0 $0x1BF5;
	p2 =	por !p2, p0  }
0x20: {  	[sflag:s8] =	ssyncset.s32 @!p0 $0xFFFFF086;
	s6 =	sadd.s32 @!p0 s3, s7;
	s7 =	simm.s32 @!p0 $0x108  }
0x21: {  	s3 =	sadd.s32 s3, s9;
	s6 =	sadd.s32 @!p0 $0x88, s6;
	s7 =	simm.s32 @p2 $0x1082  }
0x22: {  	[simem:s7], [sflag:s8] =	dma.local @!p0 [hbm:s6], $0xF7A  }
0x23: {  	s9 =	sor.u32 $0xD0000000, s2;
	s6 =	simm.s32 $0x108;
	_ =	swait.ge @!p0 [sflag:s8], $0x0  }
0x24: {  	s3 =	sadd.s32 $0x88, s3;
	s6 =	simm.s32 @!p1 $0x1082;
	[sflag:s4] =	ssyncset.s32 $0xFFFFF086  }
0x25: {  	[simem:s6], [sflag:s4] =	dma.local [hbm:s3], $0xF7A  }
0x26: {  	[smem:$0x3F8C] =	sst s1;
	(tag) =	ssettag s2;
	_ =	strace s9  }
0x27: {  	s1 =	sld [smem:$0x3F9C]  }
0x28: {  	s2 =	sld [smem:$0x3F9D]  }
0x29: {  	s4 =	sld [smem:$0x3F9F]  }
0x2a: {  	p0 =	seq.s32 s5, $0x0;
	s5 =	sld [smem:$0x3FA0]  }
0x2b: {  	s6 =	sld [smem:$0x3FA1]  }
0x2c: {  	s7 =	sld [smem:$0x3FA2]  }
0x2d: {  	s3 =	simm.s32 $0x108;
	s8 =	sld [smem:$0x3FA3]  }
0x2e: {  	s3 =	simm.s32 @!p0 $0x1082;
	s9 =	sld [smem:$0x3FA4]  }
0x2f: {  	lr =	sadd.s32 s0, s3;
	s0 =	sld [smem:$0x3F9B]  }
0x30: {  	s3 =	sld [smem:$0x3F9E]  }
0x31: {  	[smem:$0x3FA7] =	sst s10  }
0x32: {  	s10 =	sld [smem:$0x3FA5];
	_ =	sdelay $0x3  }
0x33: {  	p0 =	seq.s32 s10, $0x1;
	s10 =	sld [smem:$0x3FA7];
	_ =	sdelay $0x3  }
0x34: {  	[smem:$0x3FA7] =	sst s10  }
0x35: {  	s10 =	sld [smem:$0x3FA6];
	_ =	sdelay $0x3  }
0x36: {  	p1 =	seq.s32 s10, $0x1;
	s10 =	sld [smem:$0x3FA7];
	_ =	sdelay $0x3  }
0x37: {  	[smem:$0x3FA7] =	sst s10  }
0x38: {  	s10 =	sld [smem:$0x3FA8]  }
0x39: {  	_ = 	snop;
	(pc) =	sbr.ind lr, $3  }
0x3a: {  	_ = 	snop  }
0x3b: {  	_ = 	snop  }
0x3c: {  	p2 =	seq.s32 s10, $0x1;
	s10 =	sld [smem:$0x3FA7]  }
0x3d: {  	_ =	shalt  }
0x3e: {  	_ =	shalt  }
0x3f: {  	_ =	shalt  }
0x40: {  	_ =	shalt  }
0x41: {  	_ =	shalt  }
0x42: {  	_ =	shalt  }
0x43: {  	_ =	shalt  }
0x44: {  	_ =	shalt  }
0x45: {  	_ =	shalt  }
0x46: {  	_ =	shalt  }
0x47: {  	_ =	shalt  }
0x48: {  	_ =	shalt  }
0x49: {  	_ =	shalt  }
0x4a: {  	_ =	shalt  }
0x4b: {  	_ =	shalt  }
0x4c: {  	_ =	shalt  }
0x4d: {  	_ =	shalt  }
0x4e: {  	_ =	shalt  }
0x4f: {  	_ =	shalt  }
0x50: {  	_ =	shalt  }
0x51: {  	_ =	shalt  }
0x52: {  	_ =	shalt  }
0x53: {  	_ =	shalt  }
0x54: {  	_ =	shalt  }
0x55: {  	_ =	shalt  }
0x56: {  	_ =	shalt  }
0x57: {  	_ =	shalt  }
0x58: {  	_ =	shalt  }
0x59: {  	_ =	shalt  }
0x5a: {  	_ =	shalt  }
0x5b: {  	_ =	shalt  }
0x5c: {  	_ =	shalt  }
0x5d: {  	_ =	shalt  }
0x5e: {  	_ =	shalt  }
0x5f: {  	_ =	shalt  }
0x60: {  	_ =	shalt  }
0x61: {  	_ =	shalt  }
0x62: {  	_ =	shalt  }
0x63: {  	_ =	shalt  }
0x64: {  	_ =	shalt  }
0x65: {  	_ =	shalt  }
0x66: {  	_ =	shalt  }
0x67: {  	_ =	shalt  }
0x68: {  	_ =	shalt  }
0x69: {  	_ =	shalt  }
0x6a: {  	_ =	shalt  }
0x6b: {  	_ =	shalt  }
0x6c: {  	_ =	shalt  }
0x6d: {  	_ =	shalt  }
0x6e: {  	_ =	shalt  }
0x6f: {  	_ =	shalt  }
0x70: {  	_ =	shalt  }
0x71: {  	_ =	shalt  }
0x72: {  	_ =	shalt  }
0x73: {  	_ =	shalt  }
0x74: {  	_ =	shalt  }
0x75: {  	_ =	shalt  }
0x76: {  	_ =	shalt  }
0x77: {  	_ =	shalt  }
0x78: {  	_ =	shalt  }
0x79: {  	_ =	shalt  }
0x7a: {  	_ =	shalt  }
0x7b: {  	_ =	shalt  }
0x7c: {  	_ =	shalt  }
0x7d: {  	_ =	shalt  }
0x7e: {  	_ =	shalt  }
0x7f: {  	_ =	shalt  }
0x80: {  	_ =	shalt  }
0x81: {  	_ =	shalt  }
0x82: {  	_ =	shalt  }
0x83: {  	_ =	shalt  }
0x84: {  	_ =	shalt  }
0x85: {  	_ =	shalt  }
0x86: {  	_ =	shalt  }
0x87: {  	_ =	shalt  }
.Lfunc_end0:
.L_simem_size_0:
called_computation_lowered:
.L_overlay_start_0:
0x88: {  	s2 =	sld [smem:$0x3FD9]  }
0x89: {  	s3 =	sld [smem:$0x3FFE];
	_ =	sdelay $0x1  }
0x8a: {  	s1 =	srdreg.scid  }
0x8b: {  	s0 =	sand.u32 $0x1, s1  }
0x8c: {  	s17 =	sshll.u32 s0, $0xA;
	s2 =	sadd.s32 s3, s2  }
0x8d: {  	s2 =	sadd.s32 s2, s17  }
0x8e: {  	[smem:$0x3FB3] =	sst s2  }
0x8f: {  	_ = 	snop  }
0x90: {  	s18 =	sld [smem:$0x3FD0];
	(tm) =	ssettm $0x1  }
0x91: {  	s19 =	sld [smem:$0x3FFB];
	_ =	sdelay $0x3  }
0x92: {  	_ =	strace s19  }
0x93: {  	s2 =	sld [smem:$0x3FFC];
	_ =	sdelay $0x3  }
0x94: {  	_ =	strace s2  }
0x95: {  	s2 =	sld [smem:$0x3FFD];
	_ =	sdelay $0x3  }
0x96: {  	_ =	strace s2  }
0x97: {  	_ =	strace $0x8FFFFFFF  }
0x98: {  	s20 =	sld [smem:$0x3FDB];
	_ =	sdelay $0x1  }
0x99: {  	s4 =	simm.s32 $_scs_section_size  }
0x9a: {  	s5 =	simm.s32 $_size__tile_overlayer_lowered;
	s6 =	simm.s32 $_tile_overlayer_lowered  }
0x9b: {  	s7 =	simm.s32 $0x1BFF;
	s21 =	sshll.u32 s6, $0x1;
	s4 =	sadd.s32 s4, s20  }
0x9c: {  	s22 =	simm.s32 $0x0;
	s5 =	sshll.u32 s5, $0x1;
	s6 =	sadd.s32 s21, s4  }
0x9d: {  	[timem:s22], [sflag:s7] =	dma.local [hbm:s6], s5  }
0x9e: {  	_ =	swait.ge [sflag:s7], s5  }
0x9f: {  	s5 =	ssub.s32 $0x0, s5;
	[sflag:s7] =	ssyncset.done $0x0  }
0xa0: {  	[sflag:s7] =	ssyncadd.s32 s5;
	_ =	sdelay $0x1  }
0xa1: {  	s23 =	simm.s32 $0x1B8B  }
0xa2: {  	_ =	swait.ge [sflag:s23], $0x1  }
0xa3: {  	[sflag:s23] =	ssyncset.done $0x0  }
0xa4: {  	[sflag:s23] =	ssyncadd.s32 $0xFFFFFFFF  }
0xa5: {  	s5 =	sld [smem:$0x0]  }
0xa6: {  	s6 =	sand.u32 $0xFFFFFFFE, s1  }
0xa7: {  	p0 =	sne.s32 s1, s6  }
0xa8: {  	s6 =	sshll.u32 @p0 s6, $0xE  }
0xa9: {  	s6 =	sadd.s32 @p0 $0x11B8D, s6;
	s7 =	sshll.u32 @p0 s5, $0x11  }
0xaa: {  	s6 =	sor.u32 @p0 s7, s6  }
0xab: {  	[sflag:s6] =	ssyncadd.remote.s32 @p0 $0x1;
	_ =	sdelay $0x1  }
0xac: {  	s6 =	simm.s32 @p0 $0x1B8D  }
0xad: {  	_ =	swait.eq @p0 [sflag:s6], $0x1  }
0xae: {  	[sflag:s6] =	ssyncadd.s32 @p0 $0xFFFFFFFF  }
0xaf: {  	s7 =	sshll.u32 @!p0 s1, $0xE  }
0xb0: {  	s7 =	sor.u32 @!p0 $0x4000, s7;
	s6 =	simm.s32 @!p0 $0x1B8D  }
0xb1: {  	s5 =	sshll.u32 @!p0 s5, $0x11;
	s7 =	sadd.s32 @!p0 $0x11B8D, s7;
	_ =	swait.eq @!p0 [sflag:s6], $0x1  }
0xb2: {  	s5 =	sor.u32 @!p0 s5, s7;
	[sflag:s6] =	ssyncadd.s32 @!p0 $0xFFFFFFFF  }
0xb3: {  	s25 =	simm.s32 $0x1B8E;
	s24 =	sld [smem:$0x3FFE];
	[sflag:s5] =	ssyncadd.remote.s32 @!p0 $0x1  }
0xb4: {  	s26 =	simm.s32 $execute0_lowered;
	[smem:$0x3FD2] =	sst s25  }
0xb5: {  	s6 =	sshll.u32 s26, $0x1;
	_ =	strace $0x80000049;
	[dreg:$0x1] =	wrdreg $0xFFFFFFFF  }
0xb6: {  	s28 =	simm.s32 $_size_execute0_lowered;
	s4 =	sadd.s32 s4, s6;
	[dreg:$0x0] =	wrdreg $0x0  }
0xb7: {  	s6 =	sshll.u32 s28, $0x1;
	[dreg:$0x2] =	wrdreg s4  }
0xb8: {  	[dreg:$0x3] =	wrdreg s6  }
0xb9: {  	[dreg:$0x4] =	wrdreg $0xC0  }
0xba: {  	_ =	task [dreg:s22], $0x5FFFF  }
0xbb: {  	[dreg:$0x1] =	wrdreg $0xFFFFFFFF  }
0xbc: {  	[dreg:$0x0] =	wrdreg $0x60  }
0xbd: {  	[dreg:$0x2] =	wrdreg s18  }
0xbe: {  	[dreg:$0x3] =	wrdreg s24  }
0xbf: {  	[dreg:$0x4] =	wrdreg $0x42000  }
0xc0: {  	[dreg:$0x5] =	wrdreg $0x9  }
0xc1: {  	_ =	task.clear_ibuf [dreg:s22], $0x6FFFF;
	_ =	strace $0x90000049  }
0xc2: {  	s29 =	simm.s32 $0x9;
	_ =	strace $0x8000004B  }
0xc3: {  	_ =	swait.ge [sflag:s29], $0x1  }
0xc4: {  	[sflag:s29] =	ssyncadd.s32 $0xFFFFFFFF  }
0xc5: {  	_ =	strace $0x9000004B  }
0xc6: {  	_ =	sfence  }
0xc7: {  	s30 =	sld [smem:$0x0];
	_ =	sdelay $0x2  }
0xc8: {  	s31 =	sshll.u32 s1, $0xD;
	s1 =	sshrl.u32 s1, $0x2  }
0xc9: {  	s4 =	sand.u32 $0x4000, s31;
	s1 =	sadd.s32 s1, s30  }
0xca: {  	s0 =	sor.u32 s4, s0;
	s1 =	sshll.u32 s1, $0x11  }
0xcb: {  	s0 =	sor.u32 s1, s0  }
0xcc: {  	s0 =	sadd.s32 $0x8F2B, s0  }
0xcd: {  	[sflag:s0] =	ssyncadd.remote.s32 $0x1  }
0xce: {  	_ =	sfence.sel $0xFFFF  }
0xcf: {  	[dreg:$0x0] =	wrdreg $0xFFFFFFFF;
	(pc) =	sbr.abs _section_cstart, $3  }
0xd0: {  	[dreg:$0x1] =	wrdreg $0xFFFFFFFF  }
0xd1: {  	_ =	task.clear_ibuf [dreg:s22], $0x2FFFF;
	_ =	strace $0x9FFFFFFF  }
0xd2: {  	(tm) =	ssettm $0x7FFFFFFF  }
0xd3: {  	_ =	shalt  }
tec
execute0_lowered:
.L_overlay_start_1:
0x0: {  	(tag) =	ssettag $0x1  }
0x1: {  	s4 =	rddreg [dreg:$0x0]  }
0x2: {  	s8 =	rddreg [dreg:$0x1]  }
0x3: {  	s2 =	rddreg [dreg:$0x2];
	s1 =	srdreg.scid  }
0x4: {  	s0 =	rddreg [dreg:$0x3];
	s14 =	sand.u32 $0x1, s1  }
0x5: {  	s3 =	simm.s32 $0x0;
	s1 =	stileid.u32;
	s5 =	sshll.u32 s14, $0x6  }
0x6: {  	[smem:$0x7FF] =	sst s3;
	s6 =	sshll.u32 s1, $0x7;
	s4 =	sadd.s32 s4, s5  }
0x7: {  	_ =	strace $0x8000004A;
	s5 =	sadd.s32 s6, s4;
	s4 =	simm.s32 $0x1  }
0x8: {  	[tilespmem:s3], [sflag:$0x1] =	stream.linear.gather [hbm4b:s5+s3], $0x200, $0x38;
	[tilespmem:$0x8200] =	vst v63  }
0x9: {  	_ =	swait.ge [sflag:s4], $0x200  }
0xa: {  	s7 =	simm.s32 $0x200;
	s9 =	sshll.u32 s1, $0xB;
	[sflag:s4] =	ssyncset.done $0x0  }
0xb: {  	s10 =	sshll.u32 s1, $0xE;
	s6 =	sadd.s32 $0x56000, s8;
	[sflag:s4] =	ssyncadd.s32 $0xFFFFFE00  }
0xc: {  	[tilespmem:s7], [sflag:$0x1] =	stream.linear.gather [hbm4b:s6+s3], $0x4000, $0x38;
	[tilespmem:$0x8200] =	vst v63  }
0xd: {  	s30 =	sshll.u32 s1, $0x6;
	s15 =	sadd.s32 s9, s8;
	_ =	swait.ge [sflag:s4], $0x4000  }
0xe: {  	s10 =	sadd.s32 s10, s2;
	s9 =	sor.u32 $0x1C01, s30;
	[sflag:s4] =	ssyncset.done $0x0  }
0xf: {  	s8 =	sadd.s32 $0x4E000, s15;
	s10 =	sshrl.u32 s10, $0x3;
	[sflag:s4] =	ssyncadd.s32 $0xFFFFC000  }
0x10: {  	[spmem:s10], [sflag:s9] =	dma.local [hbm:s8], $0x800  }
0x11: {  	_ =	swait.ge [sflag:s4], $0x800  }
0x12: {  	[sflag:s4] =	ssyncset.done $0x0  }
0x13: {  	[sflag:s4] =	ssyncadd.s32 $0xFFFFF800  }
0x14: {  	s11 =	simm.s32 $0x80;
	[bflag:$0x0] =	sbarrier.arrive $0xFFFF  }
0x15: {  	[spmem:s2] =	stream.indirect.scatter.add.f32 [tilespmem:s7], [sflag:$0x1], $0x80, s3, s11, $0xb8;
	[tilespmem:$0x8200] =	vst v63  }
0x16: {  	_ =	swait.ge [sflag:s4], $0x4000  }
0x17: {  	[sflag:s4] =	ssyncset.done $0x0  }
0x18: {  	[sflag:s4] =	ssyncadd.s32 $0xFFFFC000  }
0x19: {  	[spmem:s2] =	stream.indirect.scatter.add.f32 [tilespmem:s7], [sflag:$0x1], $0x80, s11, s11, $0xb8;
	[tilespmem:$0x8200] =	vst v63  }
0x1a: {  	_ =	swait.ge [sflag:s4], $0x4000  }
0x1b: {  	[sflag:s4] =	ssyncset.done $0x0  }
0x1c: {  	s12 =	simm.s32 $0x100;
	[sflag:s4] =	ssyncadd.s32 $0xFFFFC000  }
0x1d: {  	[spmem:s2] =	stream.indirect.scatter.add.f32 [tilespmem:s7], [sflag:$0x1], $0x80, s12, s11, $0xb8;
	[tilespmem:$0x8200] =	vst v63  }
0x1e: {  	s16 =	ssub.s32 $0x2, s14;
	_ =	swait.ge [sflag:s4], $0x4000  }
0x1f: {  	s17 =	sshrl.u32 s16, $0x1;
	[sflag:s4] =	ssyncset.done $0x0  }
0x20: {  	s13 =	simm.s32 $0x180;
	s16 =	ssub.s32 s16, s17;
	[sflag:s4] =	ssyncadd.s32 $0xFFFFC000  }
0x21: {  	[spmem:s2] =	stream.indirect.scatter.add.f32 [tilespmem:s7], [sflag:$0x1], $0x80, s13, s11, $0xb8;
	[tilespmem:$0x8200] =	vst v63  }
0x22: {  	s31 =	smax.u32 s16, $0x1;
	_ =	swait.ge [sflag:s4], $0x4000  }
0x23: {  	s14 =	sshll.u32 s14, $0xF;
	p0 =	sne.s32 s31, $0x1;
	[sflag:s4] =	ssyncset.done $0x0  }
.Ltmp0:
0x24: {  	s14 =	sadd.s32 s14, s15;
	[sflag:s4] =	ssyncadd.s32 $0xFFFFC000;
	(pc) =	sbr.rel @!p0 .LBB2_2-.Ltmp0, $4  }
0x25: {  	s14 =	sadd.s32 $0x56800, s14;
	[bflag:$0x0] =	sbarrier.arrive $0xFFFF  }
0x26: {  	[hbm:s14], [sflag:s9] =	dma.local [spmem:s10], $0x800  }
0x27: {  	_ =	swait.ge [sflag:s4], $0x800  }
0x28: {  	s15 =	sadd.s32 $0xFFFFFFFF, s31;
	[sflag:s4] =	ssyncset.done $0x0  }
.LBB2_1:
0x29: {  	p0 =	sne.s32 s15, $0x1;
	s15 =	sadd.s32 $0xFFFFFFFF, s15;
	[sflag:s4] =	ssyncadd.s32 $0xFFFFF800  }
0x2a: {  	[tilespmem:s3], [sflag:$0x1] =	stream.linear.gather [hbm4b:s5+s3], $0x200, $0x38;
	[tilespmem:$0x8200] =	vst v63  }
0x2b: {  	_ =	swait.ge [sflag:s4], $0x200  }
0x2c: {  	[sflag:s4] =	ssyncset.done $0x0  }
0x2d: {  	[sflag:s4] =	ssyncadd.s32 $0xFFFFFE00  }
0x2e: {  	[tilespmem:s7], [sflag:$0x1] =	stream.linear.gather [hbm4b:s6+s3], $0x4000, $0x38;
	[tilespmem:$0x8200] =	vst v63  }
0x2f: {  	_ =	swait.ge [sflag:s4], $0x4000  }
0x30: {  	[sflag:s4] =	ssyncset.done $0x0  }
0x31: {  	[sflag:s4] =	ssyncadd.s32 $0xFFFFC000  }
0x32: {  	[spmem:s10], [sflag:s9] =	dma.local [hbm:s8], $0x800  }
0x33: {  	_ =	swait.ge [sflag:s4], $0x800  }
0x34: {  	[sflag:s4] =	ssyncset.done $0x0  }
0x35: {  	[sflag:s4] =	ssyncadd.s32 $0xFFFFF800  }
0x36: {  	[bflag:$0x0] =	sbarrier.arrive $0xFFFF  }
0x37: {  	[spmem:s2] =	stream.indirect.scatter.add.f32 [tilespmem:s7], [sflag:$0x1], $0x80, s3, s11, $0xb8;
	[tilespmem:$0x8200] =	vst v63  }
0x38: {  	_ =	swait.ge [sflag:s4], $0x4000  }
0x39: {  	[sflag:s4] =	ssyncset.done $0x0  }
0x3a: {  	[sflag:s4] =	ssyncadd.s32 $0xFFFFC000  }
0x3b: {  	[spmem:s2] =	stream.indirect.scatter.add.f32 [tilespmem:s7], [sflag:$0x1], $0x80, s11, s11, $0xb8;
	[tilespmem:$0x8200] =	vst v63  }
0x3c: {  	_ =	swait.ge [sflag:s4], $0x4000  }
0x3d: {  	[sflag:s4] =	ssyncset.done $0x0  }
0x3e: {  	[sflag:s4] =	ssyncadd.s32 $0xFFFFC000  }
0x3f: {  	[spmem:s2] =	stream.indirect.scatter.add.f32 [tilespmem:s7], [sflag:$0x1], $0x80, s12, s11, $0xb8;
	[tilespmem:$0x8200] =	vst v63  }
0x40: {  	_ =	swait.ge [sflag:s4], $0x4000  }
0x41: {  	[sflag:s4] =	ssyncset.done $0x0  }
0x42: {  	[sflag:s4] =	ssyncadd.s32 $0xFFFFC000  }
0x43: {  	[spmem:s2] =	stream.indirect.scatter.add.f32 [tilespmem:s7], [sflag:$0x1], $0x80, s13, s11, $0xb8;
	[tilespmem:$0x8200] =	vst v63  }
0x44: {  	_ =	swait.ge [sflag:s4], $0x4000  }
0x45: {  	[sflag:s4] =	ssyncset.done $0x0  }
.Ltmp1:
0x46: {  	[sflag:s4] =	ssyncadd.s32 $0xFFFFC000;
	(pc) =	sbr.rel @p0 .LBB2_1-.Ltmp1, $4  }
0x47: {  	[bflag:$0x0] =	sbarrier.arrive $0xFFFF  }
0x48: {  	[hbm:s14], [sflag:s9] =	dma.local [spmem:s10], $0x800  }
0x49: {  	_ =	swait.ge [sflag:s4], $0x800  }
0x4a: {  	[sflag:s4] =	ssyncset.done $0x0  }
.LBB2_2:
0x4b: {  	[sflag:s4] =	ssyncadd.s32 $0xFFFFF800  }
0x4c: {  	_ =	sfence.sel $0x180000  }
0x4d: {  	[bflag:$0x0] =	sbarrier.arrive $0xFFFF  }
0x4e: {  	p0 =	sne.s32 s1, $0x0;
	_ =	strace $0x9000004A  }
0x4f: {  	s0 =	sadd.s32 @!p0 $0x100000, s0;
	[bflag:$0x2] =	sbarrier.arrive $0xFFFF  }
0x50: {  	[sflag:s0] =	ssyncadd.tile.s32 @!p0 $0x1;
	_ =	shalt  }
.Lfunc_end2:
_tile_overlayer_lowered:
.L_overlay_start_2:
0x51: {  	(tag) =	ssettag $0x2  }
0x52: {  	s0 =	rddreg [dreg:$0x0];
	s2 =	stileid.u32  }
0x53: {  	s1 =	rddreg [dreg:$0x1];
	p0 =	sne.s32 s2, $0x0  }
0x54: {  	s3 =	rddreg [dreg:$0x2];
	[bflag:$0x3] =	sbarrier.arrive $0xFFFF;
	s2 =	simm.s32 @!p0 $0x1C01  }
0x55: {  	[timem:s3], [sflag:s2] =	dma.local @!p0 [hbm:s0], s1  }
0x56: {  	s0 =	simm.s32 @!p0 $0x1  }
0x57: {  	_ =	swait.ge @!p0 [sflag:s0], s1  }
0x58: {  	s1 =	ssub.s32 @!p0 $0x0, s1;
	[sflag:s0] =	ssyncset.done @!p0 $0x0  }
0x59: {  	[sflag:s0] =	ssyncadd.s32 @!p0 s1  }
0x5a: {  	[bflag:$0x3] =	sbarrier.arrive $0xFFFF  }
0x5b: {  	_ =	shalt  }

// kernel: kernel.18.cloned.1.call-start
scs
__scs_entry_jumppad:
0x0: {  	(pc) =	sbr.rel $0x88, $3  }
0x1: {  	(tag) =	ssettag $0x0;
	lr =	simm.s32 $0x1  }
0x2: {  	[smem:$0x3F8C] =	sst lr;
	_ =	strace $0xD0000000  }
0x3: {  	_ = 	snop  }
0x4: {  	_ = 	snop  }
0x5: {  	_ = 	snop  }
0x6: {  	_ = 	snop  }
0x7: {  	_ = 	snop  }
__scs_overlays_trampoline_lowered:
0x8: {  	[smem:$0x3F9B] =	sst s0  }
0x9: {  	[smem:$0x3F9C] =	sst s1  }
0xa: {  	[smem:$0x3F9D] =	sst s2  }
0xb: {  	[smem:$0x3F9E] =	sst s3  }
0xc: {  	[smem:$0x3F9F] =	sst s4  }
0xd: {  	[smem:$0x3FA0] =	sst s5  }
0xe: {  	[smem:$0x3FA1] =	sst s6  }
0xf: {  	[smem:$0x3FA2] =	sst s7  }
0x10: {  	[smem:$0x3FA3] =	sst s8  }
0x11: {  	[smem:$0x3FA4] =	sst s9;
	s0 =	simm.s32 @!p0 $0x0  }
0x12: {  	s1 =	sld [smem:$0x3F8A];
	s0 =	simm.s32 @p0 $0x1  }
0x13: {  	[smem:$0x3FA5] =	sst s0;
	s0 =	simm.s32 @!p1 $0x0  }
0x14: {  	s2 =	sld [smem:$0x3F89];
	s0 =	simm.s32 @p1 $0x1  }
0x15: {  	[smem:$0x3FA6] =	sst s0;
	s0 =	simm.s32 @!p2 $0x0  }
0x16: {  	s3 =	sld [smem:$0x3FDB];
	s0 =	simm.s32 @p2 $0x1  }
0x17: {  	s4 =	simm.s32 $0x1BF5;
	[smem:$0x3FA8] =	sst s0  }
0x18: {  	s0 =	sld [smem:$0x3F8B];
	_ =	swait.ge [sflag:s4], $0x0  }
0x19: {  	s7 =	sld [smem:$0x3F8C]  }
0x1a: {  	s8 =	sadd.s32 $0xFFFFE003, lr  }
0x1b: {  	s9 =	sadd.s32 $0xFFFFFEF7, lr;
	s5 =	simm.s32 $0xFFFFFFFF;
	p2 =	slt.u32 s8, $0xFFFFF086  }
0x1c: {  	p1 =	slt.u32 s9, $0xF7A;
	s5 =	simm.s32 @!p2 $0x0  }
0x1d: {  	s5 =	simm.s32 @p1 $0x1;
	p0 =	seq.s32 s7, s2  }
0x1e: {  	s7 =	smul.u32 @!p0 $0xF7A, s2;
	p2 =	seq.s32 @!p0 s5, $0x0  }
0x1f: {  	s9 =	smul.u32 $0xF7A, s1;
	s8 =	simm.s32 @!p0 $0x1BF5;
	p2 =	por !p2, p0  }
0x20: {  	[sflag:s8] =	ssyncset.s32 @!p0 $0xFFFFF086;
	s6 =	sadd.s32 @!p0 s3, s7;
	s7 =	simm.s32 @!p0 $0x108  }
0x21: {  	s3 =	sadd.s32 s3, s9;
	s6 =	sadd.s32 @!p0 $0x88, s6;
	s7 =	simm.s32 @p2 $0x1082  }
0x22: {  	[simem:s7], [sflag:s8] =	dma.local @!p0 [hbm:s6], $0xF7A  }
0x23: {  	s9 =	sor.u32 $0xD0000000, s2;
	s6 =	simm.s32 $0x108;
	_ =	swait.ge @!p0 [sflag:s8], $0x0  }
0x24: {  	s3 =	sadd.s32 $0x88, s3;
	s6 =	simm.s32 @!p1 $0x1082;
	[sflag:s4] =	ssyncset.s32 $0xFFFFF086  }
0x25: {  	[simem:s6], [sflag:s4] =	dma.local [hbm:s3], $0xF7A  }
0x26: {  	[smem:$0x3F8C] =	sst s1;
	(tag) =	ssettag s2;
	_ =	strace s9  }
0x27: {  	s1 =	sld [smem:$0x3F9C]  }
0x28: {  	s2 =	sld [smem:$0x3F9D]  }
0x29: {  	s4 =	sld [smem:$0x3F9F]  }
0x2a: {  	p0 =	seq.s32 s5, $0x0;
	s5 =	sld [smem:$0x3FA0]  }
0x2b: {  	s6 =	sld [smem:$0x3FA1]  }
0x2c: {  	s7 =	sld [smem:$0x3FA2]  }
0x2d: {  	s3 =	simm.s32 $0x108;
	s8 =	sld [smem:$0x3FA3]  }
0x2e: {  	s3 =	simm.s32 @!p0 $0x1082;
	s9 =	sld [smem:$0x3FA4]  }
0x2f: {  	lr =	sadd.s32 s0, s3;
	s0 =	sld [smem:$0x3F9B]  }
0x30: {  	s3 =	sld [smem:$0x3F9E]  }
0x31: {  	[smem:$0x3FA7] =	sst s10  }
0x32: {  	s10 =	sld [smem:$0x3FA5];
	_ =	sdelay $0x3  }
0x33: {  	p0 =	seq.s32 s10, $0x1;
	s10 =	sld [smem:$0x3FA7];
	_ =	sdelay $0x3  }
0x34: {  	[smem:$0x3FA7] =	sst s10  }
0x35: {  	s10 =	sld [smem:$0x3FA6];
	_ =	sdelay $0x3  }
0x36: {  	p1 =	seq.s32 s10, $0x1;
	s10 =	sld [smem:$0x3FA7];
	_ =	sdelay $0x3  }
0x37: {  	[smem:$0x3FA7] =	sst s10  }
0x38: {  	s10 =	sld [smem:$0x3FA8]  }
0x39: {  	_ = 	snop;
	(pc) =	sbr.ind lr, $3  }
0x3a: {  	_ = 	snop  }
0x3b: {  	_ = 	snop  }
0x3c: {  	p2 =	seq.s32 s10, $0x1;
	s10 =	sld [smem:$0x3FA7]  }
0x3d: {  	_ =	shalt  }
0x3e: {  	_ =	shalt  }
0x3f: {  	_ =	shalt  }
0x40: {  	_ =	shalt  }
0x41: {  	_ =	shalt  }
0x42: {  	_ =	shalt  }
0x43: {  	_ =	shalt  }
0x44: {  	_ =	shalt  }
0x45: {  	_ =	shalt  }
0x46: {  	_ =	shalt  }
0x47: {  	_ =	shalt  }
0x48: {  	_ =	shalt  }
0x49: {  	_ =	shalt  }
0x4a: {  	_ =	shalt  }
0x4b: {  	_ =	shalt  }
0x4c: {  	_ =	shalt  }
0x4d: {  	_ =	shalt  }
0x4e: {  	_ =	shalt  }
0x4f: {  	_ =	shalt  }
0x50: {  	_ =	shalt  }
0x51: {  	_ =	shalt  }
0x52: {  	_ =	shalt  }
0x53: {  	_ =	shalt  }
0x54: {  	_ =	shalt  }
0x55: {  	_ =	shalt  }
0x56: {  	_ =	shalt  }
0x57: {  	_ =	shalt  }
0x58: {  	_ =	shalt  }
0x59: {  	_ =	shalt  }
0x5a: {  	_ =	shalt  }
0x5b: {  	_ =	shalt  }
0x5c: {  	_ =	shalt  }
0x5d: {  	_ =	shalt  }
0x5e: {  	_ =	shalt  }
0x5f: {  	_ =	shalt  }
0x60: {  	_ =	shalt  }
0x61: {  	_ =	shalt  }
0x62: {  	_ =	shalt  }
0x63: {  	_ =	shalt  }
0x64: {  	_ =	shalt  }
0x65: {  	_ =	shalt  }
0x66: {  	_ =	shalt  }
0x67: {  	_ =	shalt  }
0x68: {  	_ =	shalt  }
0x69: {  	_ =	shalt  }
0x6a: {  	_ =	shalt  }
0x6b: {  	_ =	shalt  }
0x6c: {  	_ =	shalt  }
0x6d: {  	_ =	shalt  }
0x6e: {  	_ =	shalt  }
0x6f: {  	_ =	shalt  }
0x70: {  	_ =	shalt  }
0x71: {  	_ =	shalt  }
0x72: {  	_ =	shalt  }
0x73: {  	_ =	shalt  }
0x74: {  	_ =	shalt  }
0x75: {  	_ =	shalt  }
0x76: {  	_ =	shalt  }
0x77: {  	_ =	shalt  }
0x78: {  	_ =	shalt  }
0x79: {  	_ =	shalt  }
0x7a: {  	_ =	shalt  }
0x7b: {  	_ =	shalt  }
0x7c: {  	_ =	shalt  }
0x7d: {  	_ =	shalt  }
0x7e: {  	_ =	shalt  }
0x7f: {  	_ =	shalt  }
0x80: {  	_ =	shalt  }
0x81: {  	_ =	shalt  }
0x82: {  	_ =	shalt  }
0x83: {  	_ =	shalt  }
0x84: {  	_ =	shalt  }
0x85: {  	_ =	shalt  }
0x86: {  	_ =	shalt  }
0x87: {  	_ =	shalt  }
.Lfunc_end0:
.L_simem_size_0:
called_computation.1_lowered:
.L_overlay_start_0:
0x88: {  	s2 =	sld [smem:$0x3FD9]  }
0x89: {  	s3 =	sld [smem:$0x3FFE];
	_ =	sdelay $0x1  }
0x8a: {  	s1 =	srdreg.scid  }
0x8b: {  	s0 =	sand.u32 $0x1, s1  }
0x8c: {  	s16 =	sshll.u32 s0, $0xA;
	s2 =	sadd.s32 s3, s2  }
0x8d: {  	s2 =	sadd.s32 s2, s16  }
0x8e: {  	[smem:$0x3FB3] =	sst s2  }
0x8f: {  	_ = 	snop  }
0x90: {  	(tm) =	ssettm $0x1  }
0x91: {  	s17 =	sld [smem:$0x3FFB];
	_ =	sdelay $0x3  }
0x92: {  	_ =	strace s17  }
0x93: {  	s2 =	sld [smem:$0x3FFC];
	_ =	sdelay $0x3  }
0x94: {  	_ =	strace s2  }
0x95: {  	s2 =	sld [smem:$0x3FFD];
	_ =	sdelay $0x3  }
0x96: {  	_ =	strace s2  }
0x97: {  	_ =	strace $0x8FFFFFFF  }
0x98: {  	s18 =	sld [smem:$0x3FDB];
	_ =	sdelay $0x1  }
0x99: {  	s19 =	simm.s32 $_scs_section_size  }
0x9a: {  	s4 =	simm.s32 $_size__tile_overlayer_lowered;
	s5 =	simm.s32 $_tile_overlayer_lowered  }
0x9b: {  	s22 =	simm.s32 $0x1BFF;
	s21 =	sshll.u32 s5, $0x1;
	s2 =	sadd.s32 s19, s18  }
0x9c: {  	s6 =	simm.s32 $0x0;
	s20 =	sshll.u32 s4, $0x1;
	s4 =	sadd.s32 s21, s2  }
0x9d: {  	[timem:s6], [sflag:s22] =	dma.local [hbm:s4], s20  }
0x9e: {  	_ =	swait.ge [sflag:s22], s20  }
0x9f: {  	s3 =	ssub.s32 $0x0, s20;
	[sflag:s22] =	ssyncset.done $0x0  }
0xa0: {  	[sflag:s22] =	ssyncadd.s32 s3;
	_ =	sdelay $0x1  }
0xa1: {  	s23 =	simm.s32 $0x1B8B  }
0xa2: {  	_ =	swait.ge [sflag:s23], $0x1  }
0xa3: {  	[sflag:s23] =	ssyncset.done $0x0  }
0xa4: {  	s25 =	simm.s32 $0x1B8E;
	s24 =	sld [smem:$0x3FFE];
	[sflag:s23] =	ssyncadd.s32 $0xFFFFFFFF  }
0xa5: {  	s26 =	simm.s32 $execute0_lowered;
	[smem:$0x3FD2] =	sst s25  }
0xa6: {  	s4 =	sshll.u32 s26, $0x1;
	_ =	strace $0x80000046;
	[dreg:$0x1] =	wrdreg $0xFFFFFFFF  }
0xa7: {  	s28 =	simm.s32 $_size_execute0_lowered;
	s2 =	sadd.s32 s2, s4;
	[dreg:$0x0] =	wrdreg $0x0  }
0xa8: {  	s4 =	sshll.u32 s28, $0x1;
	[dreg:$0x2] =	wrdreg s2  }
0xa9: {  	[dreg:$0x3] =	wrdreg s4  }
0xaa: {  	[dreg:$0x4] =	wrdreg $0xC0  }
0xab: {  	_ =	task [dreg:s6], $0x5FFFF  }
0xac: {  	[dreg:$0x1] =	wrdreg $0xFFFFFFFF  }
0xad: {  	[dreg:$0x0] =	wrdreg $0x60  }
0xae: {  	[dreg:$0x2] =	wrdreg s24  }
0xaf: {  	[dreg:$0x3] =	wrdreg $0xA  }
0xb0: {  	_ =	task.clear_ibuf [dreg:s6], $0x4FFFF;
	_ =	strace $0x90000046  }
0xb1: {  	s29 =	simm.s32 $0xA;
	_ =	strace $0x80000048  }
0xb2: {  	_ =	swait.ge [sflag:s29], $0x1  }
0xb3: {  	[sflag:s29] =	ssyncadd.s32 $0xFFFFFFFF  }
0xb4: {  	_ =	strace $0x90000048  }
0xb5: {  	_ =	sfence  }
0xb6: {  	s30 =	sld [smem:$0x0];
	_ =	sdelay $0x2  }
0xb7: {  	s31 =	sshll.u32 s1, $0xD;
	s1 =	sshrl.u32 s1, $0x2  }
0xb8: {  	s3 =	sand.u32 $0x4000, s31;
	s1 =	sadd.s32 s1, s30  }
0xb9: {  	s0 =	sor.u32 s3, s0;
	s1 =	sshll.u32 s1, $0x11  }
0xba: {  	s0 =	sor.u32 s1, s0  }
0xbb: {  	s0 =	sadd.s32 $0x8F2B, s0  }
0xbc: {  	[sflag:s0] =	ssyncadd.remote.s32 $0x1  }
0xbd: {  	_ =	sfence.sel $0xFFFF  }
0xbe: {  	[dreg:$0x0] =	wrdreg $0xFFFFFFFF;
	(pc) =	sbr.abs _section_cstart, $3  }
0xbf: {  	[dreg:$0x1] =	wrdreg $0xFFFFFFFF  }
0xc0: {  	_ =	task.clear_ibuf [dreg:s6], $0x2FFFF;
	_ =	strace $0x9FFFFFFF  }
0xc1: {  	(tm) =	ssettm $0x7FFFFFFF  }
tec
execute0_lowered:
.L_overlay_start_1:
0x0: {  	(tag) =	ssettag $0x1  }
0x1: {  	s1 =	srdreg.scid  }
0x2: {  	s0 =	stileid.u32;
	s17 =	sand.u32 $0x1, s1  }
0x3: {  	s30 =	sshll.u32 s0, $0xA;
	s2 =	sshll.u32 s17, $0x9  }
0x4: {  	s14 =	rddreg [dreg:$0x0];
	s15 =	sor.u32 s2, s30  }
0x5: {  	s1 =	rddreg [dreg:$0x1];
	s2 =	simm.s32 $0x0;
	s3 =	sshrl.u32 s15, $0x3  }
0x6: {  	[smem:$0x7FF] =	sst s2;
	s3 =	sadd.s32 s3, s14  }
0x7: {  	_ =	strace $0x80000047;
	s4 =	sadd.s32 $0x5800, s3;
	s3 =	simm.s32 $0x2  }
0x8: {  	[tilespmem:s2], [sflag:$0x2] =	stream.linear.gather [hbm4b:s4+s2], $0x200, $0x38;
	[tilespmem:$0x10200] =	vst v63  }
0x9: {  	_ =	swait.ge [sflag:s3], $0x200  }
0xa: {  	s6 =	simm.s32 $0x80;
	[sflag:s3] =	ssyncset.done $0x0  }
0xb: {  	s7 =	simm.s32 $0x200;
	s5 =	sadd.s32 $0x6000, s14;
	[sflag:s3] =	ssyncadd.s32 $0xFFFFFE00  }
0xc: {  	[tilespmem:s7], [sflag:$0x1] =	stream.indirect.gather [hbm4b:s5+s6], $0x80, s2, s6, $0xb8;
	[tilespmem:$0x10200] =	vst v63  }
0xd: {  	s8 =	simm.s32 $0x4200  }
0xe: {  	[tilespmem:s8], [sflag:$0x1] =	stream.indirect.gather [hbm4b:s5+s6], $0x80, s6, s6, $0xb8;
	[tilespmem:$0x10200] =	vst v63  }
0xf: {  	s9 =	simm.s32 $0x100;
	s10 =	simm.s32 $0x8200  }
0x10: {  	[tilespmem:s10], [sflag:$0x1] =	stream.indirect.gather [hbm4b:s5+s6], $0x80, s9, s6, $0xb8;
	[tilespmem:$0x10200] =	vst v63  }
0x11: {  	s11 =	simm.s32 $0x180;
	s12 =	simm.s32 $0xC200;
	s13 =	simm.s32 $0x1  }
0x12: {  	[tilespmem:s12], [sflag:$0x1] =	stream.indirect.gather [hbm4b:s5+s6], $0x80, s11, s6, $0xb8;
	[tilespmem:$0x10200] =	vst v63  }
0x13: {  	s15 =	sshll.u32 s15, $0x4;
	_ =	swait.ge [sflag:s13], $0x4000  }
0x14: {  	s18 =	sadd.s32 s15, s14;
	[sflag:s13] =	ssyncset.done $0x0  }
0x15: {  	s14 =	sadd.s32 $0xE000, s18;
	[sflag:s13] =	ssyncadd.s32 $0xFFFFC000  }
0x16: {  	[hbm4b:s14+s2] =	stream.linear.scatter [tilespmem:s7], [sflag:$0x2], $0x4000, $0x38;
	[tilespmem:$0x10200] =	vst v63  }
0x17: {  	_ =	swait.ge [sflag:s3], $0x4000  }
0x18: {  	[sflag:s3] =	ssyncset.done $0x0  }
0x19: {  	[sflag:s3] =	ssyncadd.s32 $0xFFFFC000  }
0x1a: {  	_ =	swait.ge [sflag:s13], $0x4000  }
0x1b: {  	[sflag:s13] =	ssyncset.done $0x0  }
0x1c: {  	s15 =	sadd.s32 $0xE800, s18;
	[sflag:s13] =	ssyncadd.s32 $0xFFFFC000  }
0x1d: {  	[hbm4b:s15+s2] =	stream.linear.scatter [tilespmem:s8], [sflag:$0x2], $0x4000, $0x38;
	[tilespmem:$0x10200] =	vst v63  }
0x1e: {  	_ =	swait.ge [sflag:s3], $0x4000  }
0x1f: {  	[sflag:s3] =	ssyncset.done $0x0  }
0x20: {  	[sflag:s3] =	ssyncadd.s32 $0xFFFFC000  }
0x21: {  	_ =	swait.ge [sflag:s13], $0x4000  }
0x22: {  	[sflag:s13] =	ssyncset.done $0x0  }
0x23: {  	s17 =	ssub.s32 $0x2, s17;
	s16 =	sadd.s32 $0xF000, s18;
	[sflag:s13] =	ssyncadd.s32 $0xFFFFC000  }
0x24: {  	[hbm4b:s16+s2] =	stream.linear.scatter [tilespmem:s10], [sflag:$0x2], $0x4000, $0x38;
	[tilespmem:$0x10200] =	vst v63  }
0x25: {  	s19 =	sshrl.u32 s17, $0x1;
	_ =	swait.ge [sflag:s3], $0x4000  }
0x26: {  	s19 =	ssub.s32 s17, s19;
	[sflag:s3] =	ssyncset.done $0x0  }
0x27: {  	s31 =	smax.u32 s19, $0x1;
	[sflag:s3] =	ssyncadd.s32 $0xFFFFC000  }
0x28: {  	p0 =	sne.s32 s31, $0x1;
	_ =	swait.ge [sflag:s13], $0x4000  }
.Ltmp0:
0x29: {  	[sflag:s13] =	ssyncset.done $0x0;
	(pc) =	sbr.rel @!p0 .LBB2_2-.Ltmp0, $4  }
0x2a: {  	s17 =	sadd.s32 $0xF800, s18;
	[sflag:s13] =	ssyncadd.s32 $0xFFFFC000  }
0x2b: {  	[hbm4b:s17+s2] =	stream.linear.scatter [tilespmem:s12], [sflag:$0x2], $0x4000, $0x38;
	[tilespmem:$0x10200] =	vst v63  }
0x2c: {  	_ =	swait.ge [sflag:s3], $0x4000  }
0x2d: {  	s18 =	sadd.s32 $0xFFFFFFFF, s31;
	[sflag:s3] =	ssyncset.done $0x0  }
.LBB2_1:
0x2e: {  	p0 =	sne.s32 s18, $0x1;
	s18 =	sadd.s32 $0xFFFFFFFF, s18;
	[sflag:s3] =	ssyncadd.s32 $0xFFFFC000  }
0x2f: {  	[tilespmem:s2], [sflag:$0x2] =	stream.linear.gather [hbm4b:s4+s2], $0x200, $0x38;
	[tilespmem:$0x10200] =	vst v63  }
0x30: {  	_ =	swait.ge [sflag:s3], $0x200  }
0x31: {  	[sflag:s3] =	ssyncset.done $0x0  }
0x32: {  	[sflag:s3] =	ssyncadd.s32 $0xFFFFFE00  }
0x33: {  	[tilespmem:s7], [sflag:$0x1] =	stream.indirect.gather [hbm4b:s5+s6], $0x80, s2, s6, $0xb8;
	[tilespmem:$0x10200] =	vst v63  }
0x34: {  	_ = 	snop  }
0x35: {  	[tilespmem:s8], [sflag:$0x1] =	stream.indirect.gather [hbm4b:s5+s6], $0x80, s6, s6, $0xb8;
	[tilespmem:$0x10200] =	vst v63  }
0x36: {  	_ = 	snop  }
0x37: {  	[tilespmem:s10], [sflag:$0x1] =	stream.indirect.gather [hbm4b:s5+s6], $0x80, s9, s6, $0xb8;
	[tilespmem:$0x10200] =	vst v63  }
0x38: {  	_ = 	snop  }
0x39: {  	[tilespmem:s12], [sflag:$0x1] =	stream.indirect.gather [hbm4b:s5+s6], $0x80, s11, s6, $0xb8;
	[tilespmem:$0x10200] =	vst v63  }
0x3a: {  	_ =	swait.ge [sflag:s13], $0x4000  }
0x3b: {  	[sflag:s13] =	ssyncset.done $0x0  }
0x3c: {  	[sflag:s13] =	ssyncadd.s32 $0xFFFFC000  }
0x3d: {  	[hbm4b:s14+s2] =	stream.linear.scatter [tilespmem:s7], [sflag:$0x2], $0x4000, $0x38;
	[tilespmem:$0x10200] =	vst v63  }
0x3e: {  	_ =	swait.ge [sflag:s3], $0x4000  }
0x3f: {  	[sflag:s3] =	ssyncset.done $0x0  }
0x40: {  	[sflag:s3] =	ssyncadd.s32 $0xFFFFC000  }
0x41: {  	_ =	swait.ge [sflag:s13], $0x4000  }
0x42: {  	[sflag:s13] =	ssyncset.done $0x0  }
0x43: {  	[sflag:s13] =	ssyncadd.s32 $0xFFFFC000  }
0x44: {  	[hbm4b:s15+s2] =	stream.linear.scatter [tilespmem:s8], [sflag:$0x2], $0x4000, $0x38;
	[tilespmem:$0x10200] =	vst v63  }
0x45: {  	_ =	swait.ge [sflag:s3], $0x4000  }
0x46: {  	[sflag:s3] =	ssyncset.done $0x0  }
0x47: {  	[sflag:s3] =	ssyncadd.s32 $0xFFFFC000  }
0x48: {  	_ =	swait.ge [sflag:s13], $0x4000  }
0x49: {  	[sflag:s13] =	ssyncset.done $0x0  }
0x4a: {  	[sflag:s13] =	ssyncadd.s32 $0xFFFFC000  }
0x4b: {  	[hbm4b:s16+s2] =	stream.linear.scatter [tilespmem:s10], [sflag:$0x2], $0x4000, $0x38;
	[tilespmem:$0x10200] =	vst v63  }
0x4c: {  	_ =	swait.ge [sflag:s3], $0x4000  }
0x4d: {  	[sflag:s3] =	ssyncset.done $0x0  }
0x4e: {  	[sflag:s3] =	ssyncadd.s32 $0xFFFFC000  }
0x4f: {  	_ =	swait.ge [sflag:s13], $0x4000  }
.Ltmp1:
0x50: {  	[sflag:s13] =	ssyncset.done $0x0;
	(pc) =	sbr.rel @p0 .LBB2_1-.Ltmp1, $4  }
0x51: {  	[sflag:s13] =	ssyncadd.s32 $0xFFFFC000  }
0x52: {  	[hbm4b:s17+s2] =	stream.linear.scatter [tilespmem:s12], [sflag:$0x2], $0x4000, $0x38;
	[tilespmem:$0x10200] =	vst v63  }
0x53: {  	_ =	swait.ge [sflag:s3], $0x4000  }
0x54: {  	[sflag:s3] =	ssyncset.done $0x0  }
.LBB2_2:
0x55: {  	[sflag:s3] =	ssyncadd.s32 $0xFFFFC000  }
0x56: {  	_ =	sfence.sel $0x180000  }
0x57: {  	[bflag:$0x0] =	sbarrier.arrive $0xFFFF  }
0x58: {  	p0 =	sne.s32 s0, $0x0;
	_ =	strace $0x90000047  }
0x59: {  	s0 =	sadd.s32 @!p0 $0x100000, s1;
	[bflag:$0x2] =	sbarrier.arrive $0xFFFF  }
0x5a: {  	[sflag:s0] =	ssyncadd.tile.s32 @!p0 $0x1;
	_ =	shalt  }
.Lfunc_end2:
_tile_overlayer_lowered:
.L_overlay_start_2:
0x5b: {  	(tag) =	ssettag $0x2  }
0x5c: {  	s0 =	rddreg [dreg:$0x0];
	s2 =	stileid.u32  }
0x5d: {  	s1 =	rddreg [dreg:$0x1];
	p0 =	sne.s32 s2, $0x0  }
0x5e: {  	s3 =	rddreg [dreg:$0x2];
	[bflag:$0x3] =	sbarrier.arrive $0xFFFF;
	s2 =	simm.s32 @!p0 $0x1C02  }
0x5f: {  	[timem:s3], [sflag:s2] =	dma.local @!p0 [hbm:s0], s1  }
0x60: {  	s0 =	simm.s32 @!p0 $0x2  }
0x61: {  	_ =	swait.ge @!p0 [sflag:s0], s1  }
0x62: {  	s1 =	ssub.s32 @!p0 $0x0, s1;
	[sflag:s0] =	ssyncset.done @!p0 $0x0  }
0x63: {  	[sflag:s0] =	ssyncadd.s32 @!p0 s1  }
0x64: {  	[bflag:$0x3] =	sbarrier.arrive $0xFFFF  }
0x65: {  	_ =	shalt  }

// kernel: kernel.21.cloned.1.call-start
scs
__scs_entry_jumppad:
0x0: {  	(pc) =	sbr.rel $0x88, $3  }
0x1: {  	(tag) =	ssettag $0x0;
	lr =	simm.s32 $0x1  }
0x2: {  	[smem:$0x3F8C] =	sst lr;
	_ =	strace $0xD0000000  }
0x3: {  	_ = 	snop  }
0x4: {  	_ = 	snop  }
0x5: {  	_ = 	snop  }
0x6: {  	_ = 	snop  }
0x7: {  	_ = 	snop  }
__scs_overlays_trampoline_lowered:
0x8: {  	[smem:$0x3F9B] =	sst s0  }
0x9: {  	[smem:$0x3F9C] =	sst s1  }
0xa: {  	[smem:$0x3F9D] =	sst s2  }
0xb: {  	[smem:$0x3F9E] =	sst s3  }
0xc: {  	[smem:$0x3F9F] =	sst s4  }
0xd: {  	[smem:$0x3FA0] =	sst s5  }
0xe: {  	[smem:$0x3FA1] =	sst s6  }
0xf: {  	[smem:$0x3FA2] =	sst s7  }
0x10: {  	[smem:$0x3FA3] =	sst s8  }
0x11: {  	[smem:$0x3FA4] =	sst s9;
	s0 =	simm.s32 @!p0 $0x0  }
0x12: {  	s1 =	sld [smem:$0x3F8A];
	s0 =	simm.s32 @p0 $0x1  }
0x13: {  	[smem:$0x3FA5] =	sst s0;
	s0 =	simm.s32 @!p1 $0x0  }
0x14: {  	s2 =	sld [smem:$0x3F89];
	s0 =	simm.s32 @p1 $0x1  }
0x15: {  	[smem:$0x3FA6] =	sst s0;
	s0 =	simm.s32 @!p2 $0x0  }
0x16: {  	s3 =	sld [smem:$0x3FDB];
	s0 =	simm.s32 @p2 $0x1  }
0x17: {  	s4 =	simm.s32 $0x1BF5;
	[smem:$0x3FA8] =	sst s0  }
0x18: {  	s0 =	sld [smem:$0x3F8B];
	_ =	swait.ge [sflag:s4], $0x0  }
0x19: {  	s7 =	sld [smem:$0x3F8C]  }
0x1a: {  	s8 =	sadd.s32 $0xFFFFE003, lr  }
0x1b: {  	s9 =	sadd.s32 $0xFFFFFEF7, lr;
	s5 =	simm.s32 $0xFFFFFFFF;
	p2 =	slt.u32 s8, $0xFFFFF086  }
0x1c: {  	p1 =	slt.u32 s9, $0xF7A;
	s5 =	simm.s32 @!p2 $0x0  }
0x1d: {  	s5 =	simm.s32 @p1 $0x1;
	p0 =	seq.s32 s7, s2  }
0x1e: {  	s7 =	smul.u32 @!p0 $0xF7A, s2;
	p2 =	seq.s32 @!p0 s5, $0x0  }
0x1f: {  	s9 =	smul.u32 $0xF7A, s1;
	s8 =	simm.s32 @!p0 $0x1BF5;
	p2 =	por !p2, p0  }
0x20: {  	[sflag:s8] =	ssyncset.s32 @!p0 $0xFFFFF086;
	s6 =	sadd.s32 @!p0 s3, s7;
	s7 =	simm.s32 @!p0 $0x108  }
0x21: {  	s3 =	sadd.s32 s3, s9;
	s6 =	sadd.s32 @!p0 $0x88, s6;
	s7 =	simm.s32 @p2 $0x1082  }
0x22: {  	[simem:s7], [sflag:s8] =	dma.local @!p0 [hbm:s6], $0xF7A  }
0x23: {  	s9 =	sor.u32 $0xD0000000, s2;
	s6 =	simm.s32 $0x108;
	_ =	swait.ge @!p0 [sflag:s8], $0x0  }
0x24: {  	s3 =	sadd.s32 $0x88, s3;
	s6 =	simm.s32 @!p1 $0x1082;
	[sflag:s4] =	ssyncset.s32 $0xFFFFF086  }
0x25: {  	[simem:s6], [sflag:s4] =	dma.local [hbm:s3], $0xF7A  }
0x26: {  	[smem:$0x3F8C] =	sst s1;
	(tag) =	ssettag s2;
	_ =	strace s9  }
0x27: {  	s1 =	sld [smem:$0x3F9C]  }
0x28: {  	s2 =	sld [smem:$0x3F9D]  }
0x29: {  	s4 =	sld [smem:$0x3F9F]  }
0x2a: {  	p0 =	seq.s32 s5, $0x0;
	s5 =	sld [smem:$0x3FA0]  }
0x2b: {  	s6 =	sld [smem:$0x3FA1]  }
0x2c: {  	s7 =	sld [smem:$0x3FA2]  }
0x2d: {  	s3 =	simm.s32 $0x108;
	s8 =	sld [smem:$0x3FA3]  }
0x2e: {  	s3 =	simm.s32 @!p0 $0x1082;
	s9 =	sld [smem:$0x3FA4]  }
0x2f: {  	lr =	sadd.s32 s0, s3;
	s0 =	sld [smem:$0x3F9B]  }
0x30: {  	s3 =	sld [smem:$0x3F9E]  }
0x31: {  	[smem:$0x3FA7] =	sst s10  }
0x32: {  	s10 =	sld [smem:$0x3FA5];
	_ =	sdelay $0x3  }
0x33: {  	p0 =	seq.s32 s10, $0x1;
	s10 =	sld [smem:$0x3FA7];
	_ =	sdelay $0x3  }
0x34: {  	[smem:$0x3FA7] =	sst s10  }
0x35: {  	s10 =	sld [smem:$0x3FA6];
	_ =	sdelay $0x3  }
0x36: {  	p1 =	seq.s32 s10, $0x1;
	s10 =	sld [smem:$0x3FA7];
	_ =	sdelay $0x3  }
0x37: {  	[smem:$0x3FA7] =	sst s10  }
0x38: {  	s10 =	sld [smem:$0x3FA8]  }
0x39: {  	_ = 	snop;
	(pc) =	sbr.ind lr, $3  }
0x3a: {  	_ = 	snop  }
0x3b: {  	_ = 	snop  }
0x3c: {  	p2 =	seq.s32 s10, $0x1;
	s10 =	sld [smem:$0x3FA7]  }
0x3d: {  	_ =	shalt  }
0x3e: {  	_ =	shalt  }
0x3f: {  	_ =	shalt  }
0x40: {  	_ =	shalt  }
0x41: {  	_ =	shalt  }
0x42: {  	_ =	shalt  }
0x43: {  	_ =	shalt  }
0x44: {  	_ =	shalt  }
0x45: {  	_ =	shalt  }
0x46: {  	_ =	shalt  }
0x47: {  	_ =	shalt  }
0x48: {  	_ =	shalt  }
0x49: {  	_ =	shalt  }
0x4a: {  	_ =	shalt  }
0x4b: {  	_ =	shalt  }
0x4c: {  	_ =	shalt  }
0x4d: {  	_ =	shalt  }
0x4e: {  	_ =	shalt  }
0x4f: {  	_ =	shalt  }
0x50: {  	_ =	shalt  }
0x51: {  	_ =	shalt  }
0x52: {  	_ =	shalt  }
0x53: {  	_ =	shalt  }
0x54: {  	_ =	shalt  }
0x55: {  	_ =	shalt  }
0x56: {  	_ =	shalt  }
0x57: {  	_ =	shalt  }
0x58: {  	_ =	shalt  }
0x59: {  	_ =	shalt  }
0x5a: {  	_ =	shalt  }
0x5b: {  	_ =	shalt  }
0x5c: {  	_ =	shalt  }
0x5d: {  	_ =	shalt  }
0x5e: {  	_ =	shalt  }
0x5f: {  	_ =	shalt  }
0x60: {  	_ =	shalt  }
0x61: {  	_ =	shalt  }
0x62: {  	_ =	shalt  }
0x63: {  	_ =	shalt  }
0x64: {  	_ =	shalt  }
0x65: {  	_ =	shalt  }
0x66: {  	_ =	shalt  }
0x67: {  	_ =	shalt  }
0x68: {  	_ =	shalt  }
0x69: {  	_ =	shalt  }
0x6a: {  	_ =	shalt  }
0x6b: {  	_ =	shalt  }
0x6c: {  	_ =	shalt  }
0x6d: {  	_ =	shalt  }
0x6e: {  	_ =	shalt  }
0x6f: {  	_ =	shalt  }
0x70: {  	_ =	shalt  }
0x71: {  	_ =	shalt  }
0x72: {  	_ =	shalt  }
0x73: {  	_ =	shalt  }
0x74: {  	_ =	shalt  }
0x75: {  	_ =	shalt  }
0x76: {  	_ =	shalt  }
0x77: {  	_ =	shalt  }
0x78: {  	_ =	shalt  }
0x79: {  	_ =	shalt  }
0x7a: {  	_ =	shalt  }
0x7b: {  	_ =	shalt  }
0x7c: {  	_ =	shalt  }
0x7d: {  	_ =	shalt  }
0x7e: {  	_ =	shalt  }
0x7f: {  	_ =	shalt  }
0x80: {  	_ =	shalt  }
0x81: {  	_ =	shalt  }
0x82: {  	_ =	shalt  }
0x83: {  	_ =	shalt  }
0x84: {  	_ =	shalt  }
0x85: {  	_ =	shalt  }
0x86: {  	_ =	shalt  }
0x87: {  	_ =	shalt  }
.Lfunc_end0:
.L_simem_size_0:
called_computation.2_lowered:
.L_overlay_start_0:
0x88: {  	s2 =	sld [smem:$0x3FD9]  }
0x89: {  	s3 =	sld [smem:$0x3FFE];
	_ =	sdelay $0x1  }
0x8a: {  	s1 =	srdreg.scid  }
0x8b: {  	s0 =	sand.u32 $0x1, s1  }
0x8c: {  	s17 =	sshll.u32 s0, $0xA;
	s2 =	sadd.s32 s3, s2  }
0x8d: {  	s2 =	sadd.s32 s2, s17  }
0x8e: {  	[smem:$0x3FB3] =	sst s2  }
0x8f: {  	_ = 	snop  }
0x90: {  	s18 =	sld [smem:$0x3FD0];
	(tm) =	ssettm $0x1  }
0x91: {  	s19 =	sld [smem:$0x3FFB];
	_ =	sdelay $0x3  }
0x92: {  	_ =	strace s19  }
0x93: {  	s2 =	sld [smem:$0x3FFC];
	_ =	sdelay $0x3  }
0x94: {  	_ =	strace s2  }
0x95: {  	s2 =	sld [smem:$0x3FFD];
	_ =	sdelay $0x3  }
0x96: {  	_ =	strace s2  }
0x97: {  	_ =	strace $0x8FFFFFFF  }
0x98: {  	s20 =	sld [smem:$0x3FDB];
	_ =	sdelay $0x1  }
0x99: {  	s4 =	simm.s32 $_scs_section_size  }
0x9a: {  	s5 =	simm.s32 $_size__tile_overlayer_lowered;
	s6 =	simm.s32 $_tile_overlayer_lowered  }
0x9b: {  	s7 =	simm.s32 $0x1BFF;
	s21 =	sshll.u32 s6, $0x1;
	s4 =	sadd.s32 s4, s20  }
0x9c: {  	s22 =	simm.s32 $0x0;
	s5 =	sshll.u32 s5, $0x1;
	s6 =	sadd.s32 s21, s4  }
0x9d: {  	[timem:s22], [sflag:s7] =	dma.local [hbm:s6], s5  }
0x9e: {  	_ =	swait.ge [sflag:s7], s5  }
0x9f: {  	s5 =	ssub.s32 $0x0, s5;
	[sflag:s7] =	ssyncset.done $0x0  }
0xa0: {  	[sflag:s7] =	ssyncadd.s32 s5;
	_ =	sdelay $0x1  }
0xa1: {  	s23 =	simm.s32 $0x1B8B  }
0xa2: {  	_ =	swait.ge [sflag:s23], $0x1  }
0xa3: {  	[sflag:s23] =	ssyncset.done $0x0  }
0xa4: {  	[sflag:s23] =	ssyncadd.s32 $0xFFFFFFFF  }
0xa5: {  	s5 =	sld [smem:$0x0]  }
0xa6: {  	s6 =	sand.u32 $0xFFFFFFFE, s1  }
0xa7: {  	p0 =	sne.s32 s1, s6  }
0xa8: {  	s6 =	sshll.u32 @p0 s6, $0xE  }
0xa9: {  	s6 =	sadd.s32 @p0 $0x11B8D, s6;
	s7 =	sshll.u32 @p0 s5, $0x11  }
0xaa: {  	s6 =	sor.u32 @p0 s7, s6  }
0xab: {  	[sflag:s6] =	ssyncadd.remote.s32 @p0 $0x1;
	_ =	sdelay $0x1  }
0xac: {  	s6 =	simm.s32 @p0 $0x1B8D  }
0xad: {  	_ =	swait.eq @p0 [sflag:s6], $0x1  }
0xae: {  	[sflag:s6] =	ssyncadd.s32 @p0 $0xFFFFFFFF  }
0xaf: {  	s7 =	sshll.u32 @!p0 s1, $0xE  }
0xb0: {  	s7 =	sor.u32 @!p0 $0x4000, s7;
	s6 =	simm.s32 @!p0 $0x1B8D  }
0xb1: {  	s5 =	sshll.u32 @!p0 s5, $0x11;
	s7 =	sadd.s32 @!p0 $0x11B8D, s7;
	_ =	swait.eq @!p0 [sflag:s6], $0x1  }
0xb2: {  	s5 =	sor.u32 @!p0 s5, s7;
	[sflag:s6] =	ssyncadd.s32 @!p0 $0xFFFFFFFF  }
0xb3: {  	s25 =	simm.s32 $0x1B8E;
	s24 =	sld [smem:$0x3FFE];
	[sflag:s5] =	ssyncadd.remote.s32 @!p0 $0x1  }
0xb4: {  	s26 =	simm.s32 $execute0_lowered;
	[smem:$0x3FD2] =	sst s25  }
0xb5: {  	s6 =	sshll.u32 s26, $0x1;
	_ =	strace $0x8000004C;
	[dreg:$0x1] =	wrdreg $0xFFFFFFFF  }
0xb6: {  	s28 =	simm.s32 $_size_execute0_lowered;
	s4 =	sadd.s32 s4, s6;
	[dreg:$0x0] =	wrdreg $0x0  }
0xb7: {  	s6 =	sshll.u32 s28, $0x1;
	[dreg:$0x2] =	wrdreg s4  }
0xb8: {  	[dreg:$0x3] =	wrdreg s6  }
0xb9: {  	[dreg:$0x4] =	wrdreg $0xC0  }
0xba: {  	_ =	task [dreg:s22], $0x5FFFF  }
0xbb: {  	[dreg:$0x1] =	wrdreg $0xFFFFFFFF  }
0xbc: {  	[dreg:$0x0] =	wrdreg $0x60  }
0xbd: {  	[dreg:$0x2] =	wrdreg s24  }
0xbe: {  	[dreg:$0x3] =	wrdreg s18  }
0xbf: {  	[dreg:$0x4] =	wrdreg $0x102000  }
0xc0: {  	[dreg:$0x5] =	wrdreg $0xA  }
0xc1: {  	_ =	task.clear_ibuf [dreg:s22], $0x6FFFF;
	_ =	strace $0x9000004C  }
0xc2: {  	s29 =	simm.s32 $0xA;
	_ =	strace $0x8000004E  }
0xc3: {  	_ =	swait.ge [sflag:s29], $0x1  }
0xc4: {  	[sflag:s29] =	ssyncadd.s32 $0xFFFFFFFF  }
0xc5: {  	_ =	strace $0x9000004E  }
0xc6: {  	_ =	sfence  }
0xc7: {  	s30 =	sld [smem:$0x0];
	_ =	sdelay $0x2  }
0xc8: {  	s31 =	sshll.u32 s1, $0xD;
	s1 =	sshrl.u32 s1, $0x2  }
0xc9: {  	s4 =	sand.u32 $0x4000, s31;
	s1 =	sadd.s32 s1, s30  }
0xca: {  	s0 =	sor.u32 s4, s0;
	s1 =	sshll.u32 s1, $0x11  }
0xcb: {  	s0 =	sor.u32 s1, s0  }
0xcc: {  	s0 =	sadd.s32 $0x8F2B, s0  }
0xcd: {  	[sflag:s0] =	ssyncadd.remote.s32 $0x1  }
0xce: {  	_ =	sfence.sel $0xFFFF  }
0xcf: {  	[dreg:$0x0] =	wrdreg $0xFFFFFFFF;
	(pc) =	sbr.abs _section_cstart, $3  }
0xd0: {  	[dreg:$0x1] =	wrdreg $0xFFFFFFFF  }
0xd1: {  	_ =	task.clear_ibuf [dreg:s22], $0x2FFFF;
	_ =	strace $0x9FFFFFFF  }
0xd2: {  	(tm) =	ssettm $0x7FFFFFFF  }
0xd3: {  	_ =	shalt  }
tec
execute0_lowered:
.L_overlay_start_1:
0x0: {  	(tag) =	ssettag $0x1  }
0x1: {  	s6 =	rddreg [dreg:$0x0];
	s1 =	srdreg.scid  }
0x2: {  	s4 =	rddreg [dreg:$0x1];
	s0 =	stileid.u32  }
0x3: {  	s2 =	rddreg [dreg:$0x2];
	s3 =	simm.s32 $0x0;
	s21 =	sand.u32 $0x1, s1  }
0x4: {  	s9 =	simm.s32 $0x200;
	s5 =	sshll.u32 s0, $0xA;
	s7 =	sshll.u32 s21, $0x9  }
0x5: {  	s13 =	simm.s32 $0x8200;
	s1 =	rddreg [dreg:$0x3];
	s5 =	sor.u32 s7, s5  }
0x6: {  	[smem:$0x7FF] =	sst s3;
	s7 =	sshll.u32 s5, $0x4;
	s5 =	sshrl.u32 s5, $0x3  }
0x7: {  	_ =	strace $0x8000004D;
	s5 =	sadd.s32 s4, s5;
	s4 =	simm.s32 $0x2  }
0x8: {  	[tilespmem:s3], [sflag:$0x2] =	stream.linear.gather [hbm4b:s5+s3], $0x200, $0x38;
	[tilespmem:$0x14200] =	vst v63  }
0x9: {  	s30 =	sshll.u32 s0, $0xB;
	s11 =	sshll.u32 s0, $0xE;
	_ =	swait.ge [sflag:s4], $0x200  }
0xa: {  	s15 =	sshll.u32 s0, $0x6;
	s10 =	sadd.s32 s7, s6;
	[sflag:s4] =	ssyncset.done $0x0  }
0xb: {  	s22 =	sadd.s32 s30, s6;
	s6 =	sadd.s32 $0x6000, s10;
	[sflag:s4] =	ssyncadd.s32 $0xFFFFFE00  }
0xc: {  	[tilespmem:s9], [sflag:$0x1] =	stream.linear.gather [hbm4b:s6+s3], $0x4000, $0x38;
	[tilespmem:$0x14200] =	vst v63  }
0xd: {  	s16 =	sadd.s32 s11, s2;
	s11 =	simm.s32 $0x4200;
	s7 =	sadd.s32 $0x6800, s10  }
0xe: {  	[tilespmem:s11], [sflag:$0x1] =	stream.linear.gather [hbm4b:s7+s3], $0x4000, $0x38;
	[tilespmem:$0x14200] =	vst v63  }
0xf: {  	s14 =	simm.s32 $0xC200;
	s15 =	sor.u32 $0x1C02, s15;
	s8 =	sadd.s32 $0x7000, s10  }
0x10: {  	[tilespmem:s13], [sflag:$0x1] =	stream.linear.gather [hbm4b:s8+s3], $0x4000, $0x38;
	[tilespmem:$0x14200] =	vst v63  }
0x11: {  	s12 =	sadd.s32 $0x4E000, s22;
	s16 =	sshrl.u32 s16, $0x3;
	s10 =	sadd.s32 $0x7800, s10  }
0x12: {  	[tilespmem:s14], [sflag:$0x1] =	stream.linear.gather [hbm4b:s10+s3], $0x4000, $0x38;
	[tilespmem:$0x14200] =	vst v63  }
0x13: {  	[spmem:s16], [sflag:s15] =	dma.local [hbm:s12], $0x800  }
0x14: {  	_ =	swait.ge [sflag:s4], $0x800  }
0x15: {  	[sflag:s4] =	ssyncset.done $0x0  }
0x16: {  	[sflag:s4] =	ssyncadd.s32 $0xFFFFF800  }
0x17: {  	s17 =	simm.s32 $0x1;
	[bflag:$0x0] =	sbarrier.arrive $0xFFFF  }
0x18: {  	_ =	swait.ge [sflag:s17], $0x4000  }
0x19: {  	[sflag:s17] =	ssyncset.done $0x0  }
0x1a: {  	s18 =	simm.s32 $0x80;
	[sflag:s17] =	ssyncadd.s32 $0xFFFFC000  }
0x1b: {  	[spmem:s2] =	stream.indirect.scatter.add.f32 [tilespmem:s9], [sflag:$0x2], $0x80, s3, s18, $0xb8;
	[tilespmem:$0x14200] =	vst v63  }
0x1c: {  	_ =	swait.ge [sflag:s4], $0x4000  }
0x1d: {  	[sflag:s4] =	ssyncset.done $0x0  }
0x1e: {  	[sflag:s4] =	ssyncadd.s32 $0xFFFFC000  }
0x1f: {  	_ =	swait.ge [sflag:s17], $0x4000  }
0x20: {  	[sflag:s17] =	ssyncset.done $0x0  }
0x21: {  	[sflag:s17] =	ssyncadd.s32 $0xFFFFC000  }
0x22: {  	[spmem:s2] =	stream.indirect.scatter.add.f32 [tilespmem:s11], [sflag:$0x2], $0x80, s18, s18, $0xb8;
	[tilespmem:$0x14200] =	vst v63  }
0x23: {  	_ =	swait.ge [sflag:s4], $0x4000  }
0x24: {  	[sflag:s4] =	ssyncset.done $0x0  }
0x25: {  	[sflag:s4] =	ssyncadd.s32 $0xFFFFC000  }
0x26: {  	_ =	swait.ge [sflag:s17], $0x4000  }
0x27: {  	[sflag:s17] =	ssyncset.done $0x0  }
0x28: {  	s19 =	simm.s32 $0x100;
	[sflag:s17] =	ssyncadd.s32 $0xFFFFC000  }
0x29: {  	[spmem:s2] =	stream.indirect.scatter.add.f32 [tilespmem:s13], [sflag:$0x2], $0x80, s19, s18, $0xb8;
	[tilespmem:$0x14200] =	vst v63  }
0x2a: {  	_ =	swait.ge [sflag:s4], $0x4000  }
0x2b: {  	[sflag:s4] =	ssyncset.done $0x0  }
0x2c: {  	[sflag:s4] =	ssyncadd.s32 $0xFFFFC000  }
0x2d: {  	s23 =	ssub.s32 $0x2, s21;
	_ =	swait.ge [sflag:s17], $0x4000  }
0x2e: {  	s24 =	sshrl.u32 s23, $0x1;
	[sflag:s17] =	ssyncset.done $0x0  }
0x2f: {  	s20 =	simm.s32 $0x180;
	s23 =	ssub.s32 s23, s24;
	[sflag:s17] =	ssyncadd.s32 $0xFFFFC000  }
0x30: {  	[spmem:s2] =	stream.indirect.scatter.add.f32 [tilespmem:s14], [sflag:$0x2], $0x80, s20, s18, $0xb8;
	[tilespmem:$0x14200] =	vst v63  }
0x31: {  	s31 =	smax.u32 s23, $0x1;
	_ =	swait.ge [sflag:s4], $0x4000  }
0x32: {  	s21 =	sshll.u32 s21, $0xF;
	p0 =	sne.s32 s31, $0x1;
	[sflag:s4] =	ssyncset.done $0x0  }
.Ltmp0:
0x33: {  	s21 =	sadd.s32 s21, s22;
	[sflag:s4] =	ssyncadd.s32 $0xFFFFC000;
	(pc) =	sbr.rel @!p0 .LBB2_2-.Ltmp0, $4  }
0x34: {  	s21 =	sadd.s32 $0x66800, s21;
	[bflag:$0x0] =	sbarrier.arrive $0xFFFF  }
0x35: {  	[hbm:s21], [sflag:s15] =	dma.local [spmem:s16], $0x800  }
0x36: {  	_ =	swait.ge [sflag:s4], $0x800  }
0x37: {  	s22 =	sadd.s32 $0xFFFFFFFF, s31;
	[sflag:s4] =	ssyncset.done $0x0  }
.LBB2_1:
0x38: {  	p0 =	sne.s32 s22, $0x1;
	s22 =	sadd.s32 $0xFFFFFFFF, s22;
	[sflag:s4] =	ssyncadd.s32 $0xFFFFF800  }
0x39: {  	[tilespmem:s3], [sflag:$0x2] =	stream.linear.gather [hbm4b:s5+s3], $0x200, $0x38;
	[tilespmem:$0x14200] =	vst v63  }
0x3a: {  	_ =	swait.ge [sflag:s4], $0x200  }
0x3b: {  	[sflag:s4] =	ssyncset.done $0x0  }
0x3c: {  	[sflag:s4] =	ssyncadd.s32 $0xFFFFFE00  }
0x3d: {  	[tilespmem:s9], [sflag:$0x1] =	stream.linear.gather [hbm4b:s6+s3], $0x4000, $0x38;
	[tilespmem:$0x14200] =	vst v63  }
0x3e: {  	_ = 	snop  }
0x3f: {  	[tilespmem:s11], [sflag:$0x1] =	stream.linear.gather [hbm4b:s7+s3], $0x4000, $0x38;
	[tilespmem:$0x14200] =	vst v63  }
0x40: {  	_ = 	snop  }
0x41: {  	[tilespmem:s13], [sflag:$0x1] =	stream.linear.gather [hbm4b:s8+s3], $0x4000, $0x38;
	[tilespmem:$0x14200] =	vst v63  }
0x42: {  	_ = 	snop  }
0x43: {  	[tilespmem:s14], [sflag:$0x1] =	stream.linear.gather [hbm4b:s10+s3], $0x4000, $0x38;
	[tilespmem:$0x14200] =	vst v63  }
0x44: {  	[spmem:s16], [sflag:s15] =	dma.local [hbm:s12], $0x800  }
0x45: {  	_ =	swait.ge [sflag:s4], $0x800  }
0x46: {  	[sflag:s4] =	ssyncset.done $0x0  }
0x47: {  	[sflag:s4] =	ssyncadd.s32 $0xFFFFF800  }
0x48: {  	[bflag:$0x0] =	sbarrier.arrive $0xFFFF  }
0x49: {  	_ =	swait.ge [sflag:s17], $0x4000  }
0x4a: {  	[sflag:s17] =	ssyncset.done $0x0  }
0x4b: {  	[sflag:s17] =	ssyncadd.s32 $0xFFFFC000  }
0x4c: {  	[spmem:s2] =	stream.indirect.scatter.add.f32 [tilespmem:s9], [sflag:$0x2], $0x80, s3, s18, $0xb8;
	[tilespmem:$0x14200] =	vst v63  }
0x4d: {  	_ =	swait.ge [sflag:s4], $0x4000  }
0x4e: {  	[sflag:s4] =	ssyncset.done $0x0  }
0x4f: {  	[sflag:s4] =	ssyncadd.s32 $0xFFFFC000  }
0x50: {  	_ =	swait.ge [sflag:s17], $0x4000  }
0x51: {  	[sflag:s17] =	ssyncset.done $0x0  }
0x52: {  	[sflag:s17] =	ssyncadd.s32 $0xFFFFC000  }
0x53: {  	[spmem:s2] =	stream.indirect.scatter.add.f32 [tilespmem:s11], [sflag:$0x2], $0x80, s18, s18, $0xb8;
	[tilespmem:$0x14200] =	vst v63  }
0x54: {  	_ =	swait.ge [sflag:s4], $0x4000  }
0x55: {  	[sflag:s4] =	ssyncset.done $0x0  }
0x56: {  	[sflag:s4] =	ssyncadd.s32 $0xFFFFC000  }
0x57: {  	_ =	swait.ge [sflag:s17], $0x4000  }
0x58: {  	[sflag:s17] =	ssyncset.done $0x0  }
0x59: {  	[sflag:s17] =	ssyncadd.s32 $0xFFFFC000  }
0x5a: {  	[spmem:s2] =	stream.indirect.scatter.add.f32 [tilespmem:s13], [sflag:$0x2], $0x80, s19, s18, $0xb8;
	[tilespmem:$0x14200] =	vst v63  }
0x5b: {  	_ =	swait.ge [sflag:s4], $0x4000  }
0x5c: {  	[sflag:s4] =	ssyncset.done $0x0  }
0x5d: {  	[sflag:s4] =	ssyncadd.s32 $0xFFFFC000  }
0x5e: {  	_ =	swait.ge [sflag:s17], $0x4000  }
0x5f: {  	[sflag:s17] =	ssyncset.done $0x0  }
0x60: {  	[sflag:s17] =	ssyncadd.s32 $0xFFFFC000  }
0x61: {  	[spmem:s2] =	stream.indirect.scatter.add.f32 [tilespmem:s14], [sflag:$0x2], $0x80, s20, s18, $0xb8;
	[tilespmem:$0x14200] =	vst v63  }
0x62: {  	_ =	swait.ge [sflag:s4], $0x4000  }
0x63: {  	[sflag:s4] =	ssyncset.done $0x0  }
.Ltmp1:
0x64: {  	[sflag:s4] =	ssyncadd.s32 $0xFFFFC000;
	(pc) =	sbr.rel @p0 .LBB2_1-.Ltmp1, $4  }
0x65: {  	[bflag:$0x0] =	sbarrier.arrive $0xFFFF  }
0x66: {  	[hbm:s21], [sflag:s15] =	dma.local [spmem:s16], $0x800  }
0x67: {  	_ =	swait.ge [sflag:s4], $0x800  }
0x68: {  	[sflag:s4] =	ssyncset.done $0x0  }
.LBB2_2:
0x69: {  	[sflag:s4] =	ssyncadd.s32 $0xFFFFF800  }
0x6a: {  	_ =	sfence.sel $0x180000  }
0x6b: {  	[bflag:$0x0] =	sbarrier.arrive $0xFFFF  }
0x6c: {  	p0 =	sne.s32 s0, $0x0;
	_ =	strace $0x9000004D  }
0x6d: {  	s0 =	sadd.s32 @!p0 $0x100000, s1;
	[bflag:$0x2] =	sbarrier.arrive $0xFFFF  }
0x6e: {  	[sflag:s0] =	ssyncadd.tile.s32 @!p0 $0x1;
	_ =	shalt  }
.Lfunc_end2:
_tile_overlayer_lowered:
.L_overlay_start_2:
0x6f: {  	(tag) =	ssettag $0x2  }
0x70: {  	s0 =	rddreg [dreg:$0x0];
	s2 =	stileid.u32  }
0x71: {  	s1 =	rddreg [dreg:$0x1];
	p0 =	sne.s32 s2, $0x0  }
0x72: {  	s3 =	rddreg [dreg:$0x2];
	[bflag:$0x3] =	sbarrier.arrive $0xFFFF;
	s2 =	simm.s32 @!p0 $0x1C02  }
0x73: {  	[timem:s3], [sflag:s2] =	dma.local @!p0 [hbm:s0], s1  }
0x74: {  	s0 =	simm.s32 @!p0 $0x2  }
0x75: {  	_ =	swait.ge @!p0 [sflag:s0], s1  }
0x76: {  	s1 =	ssub.s32 @!p0 $0x0, s1;
	[sflag:s0] =	ssyncset.done @!p0 $0x0  }
0x77: {  	[sflag:s0] =	ssyncadd.s32 @!p0 s1  }
0x78: {  	[bflag:$0x3] =	sbarrier.arrive $0xFFFF  }
0x79: {  	_ =	shalt  }

// kernel: kernel.24.cloned.1.call-start
scs
__scs_entry_jumppad:
0x0: {  	(pc) =	sbr.rel $0x88, $3  }
0x1: {  	(tag) =	ssettag $0x0;
	lr =	simm.s32 $0x1  }
0x2: {  	[smem:$0x3F8C] =	sst lr;
	_ =	strace $0xD0000000  }
0x3: {  	_ = 	snop  }
0x4: {  	_ = 	snop  }
0x5: {  	_ = 	snop  }
0x6: {  	_ = 	snop  }
0x7: {  	_ = 	snop  }
__scs_overlays_trampoline_lowered:
0x8: {  	[smem:$0x3F9B] =	sst s0  }
0x9: {  	[smem:$0x3F9C] =	sst s1  }
0xa: {  	[smem:$0x3F9D] =	sst s2  }
0xb: {  	[smem:$0x3F9E] =	sst s3  }
0xc: {  	[smem:$0x3F9F] =	sst s4  }
0xd: {  	[smem:$0x3FA0] =	sst s5  }
0xe: {  	[smem:$0x3FA1] =	sst s6  }
0xf: {  	[smem:$0x3FA2] =	sst s7  }
0x10: {  	[smem:$0x3FA3] =	sst s8  }
0x11: {  	[smem:$0x3FA4] =	sst s9;
	s0 =	simm.s32 @!p0 $0x0  }
0x12: {  	s1 =	sld [smem:$0x3F8A];
	s0 =	simm.s32 @p0 $0x1  }
0x13: {  	[smem:$0x3FA5] =	sst s0;
	s0 =	simm.s32 @!p1 $0x0  }
0x14: {  	s2 =	sld [smem:$0x3F89];
	s0 =	simm.s32 @p1 $0x1  }
0x15: {  	[smem:$0x3FA6] =	sst s0;
	s0 =	simm.s32 @!p2 $0x0  }
0x16: {  	s3 =	sld [smem:$0x3FDB];
	s0 =	simm.s32 @p2 $0x1  }
0x17: {  	s4 =	simm.s32 $0x1BF5;
	[smem:$0x3FA8] =	sst s0  }
0x18: {  	s0 =	sld [smem:$0x3F8B];
	_ =	swait.ge [sflag:s4], $0x0  }
0x19: {  	s7 =	sld [smem:$0x3F8C]  }
0x1a: {  	s8 =	sadd.s32 $0xFFFFE003, lr  }
0x1b: {  	s9 =	sadd.s32 $0xFFFFFEF7, lr;
	s5 =	simm.s32 $0xFFFFFFFF;
	p2 =	slt.u32 s8, $0xFFFFF086  }
0x1c: {  	p1 =	slt.u32 s9, $0xF7A;
	s5 =	simm.s32 @!p2 $0x0  }
0x1d: {  	s5 =	simm.s32 @p1 $0x1;
	p0 =	seq.s32 s7, s2  }
0x1e: {  	s7 =	smul.u32 @!p0 $0xF7A, s2;
	p2 =	seq.s32 @!p0 s5, $0x0  }
0x1f: {  	s9 =	smul.u32 $0xF7A, s1;
	s8 =	simm.s32 @!p0 $0x1BF5;
	p2 =	por !p2, p0  }
0x20: {  	[sflag:s8] =	ssyncset.s32 @!p0 $0xFFFFF086;
	s6 =	sadd.s32 @!p0 s3, s7;
	s7 =	simm.s32 @!p0 $0x108  }
0x21: {  	s3 =	sadd.s32 s3, s9;
	s6 =	sadd.s32 @!p0 $0x88, s6;
	s7 =	simm.s32 @p2 $0x1082  }
0x22: {  	[simem:s7], [sflag:s8] =	dma.local @!p0 [hbm:s6], $0xF7A  }
0x23: {  	s9 =	sor.u32 $0xD0000000, s2;
	s6 =	simm.s32 $0x108;
	_ =	swait.ge @!p0 [sflag:s8], $0x0  }
0x24: {  	s3 =	sadd.s32 $0x88, s3;
	s6 =	simm.s32 @!p1 $0x1082;
	[sflag:s4] =	ssyncset.s32 $0xFFFFF086  }
0x25: {  	[simem:s6], [sflag:s4] =	dma.local [hbm:s3], $0xF7A  }
0x26: {  	[smem:$0x3F8C] =	sst s1;
	(tag) =	ssettag s2;
	_ =	strace s9  }
0x27: {  	s1 =	sld [smem:$0x3F9C]  }
0x28: {  	s2 =	sld [smem:$0x3F9D]  }
0x29: {  	s4 =	sld [smem:$0x3F9F]  }
0x2a: {  	p0 =	seq.s32 s5, $0x0;
	s5 =	sld [smem:$0x3FA0]  }
0x2b: {  	s6 =	sld [smem:$0x3FA1]  }
0x2c: {  	s7 =	sld [smem:$0x3FA2]  }
0x2d: {  	s3 =	simm.s32 $0x108;
	s8 =	sld [smem:$0x3FA3]  }
0x2e: {  	s3 =	simm.s32 @!p0 $0x1082;
	s9 =	sld [smem:$0x3FA4]  }
0x2f: {  	lr =	sadd.s32 s0, s3;
	s0 =	sld [smem:$0x3F9B]  }
0x30: {  	s3 =	sld [smem:$0x3F9E]  }
0x31: {  	[smem:$0x3FA7] =	sst s10  }
0x32: {  	s10 =	sld [smem:$0x3FA5];
	_ =	sdelay $0x3  }
0x33: {  	p0 =	seq.s32 s10, $0x1;
	s10 =	sld [smem:$0x3FA7];
	_ =	sdelay $0x3  }
0x34: {  	[smem:$0x3FA7] =	sst s10  }
0x35: {  	s10 =	sld [smem:$0x3FA6];
	_ =	sdelay $0x3  }
0x36: {  	p1 =	seq.s32 s10, $0x1;
	s10 =	sld [smem:$0x3FA7];
	_ =	sdelay $0x3  }
0x37: {  	[smem:$0x3FA7] =	sst s10  }
0x38: {  	s10 =	sld [smem:$0x3FA8]  }
0x39: {  	_ = 	snop;
	(pc) =	sbr.ind lr, $3  }
0x3a: {  	_ = 	snop  }
0x3b: {  	_ = 	snop  }
0x3c: {  	p2 =	seq.s32 s10, $0x1;
	s10 =	sld [smem:$0x3FA7]  }
0x3d: {  	_ =	shalt  }
0x3e: {  	_ =	shalt  }
0x3f: {  	_ =	shalt  }
0x40: {  	_ =	shalt  }
0x41: {  	_ =	shalt  }
0x42: {  	_ =	shalt  }
0x43: {  	_ =	shalt  }
0x44: {  	_ =	shalt  }
0x45: {  	_ =	shalt  }
0x46: {  	_ =	shalt  }
0x47: {  	_ =	shalt  }
0x48: {  	_ =	shalt  }
0x49: {  	_ =	shalt  }
0x4a: {  	_ =	shalt  }
0x4b: {  	_ =	shalt  }
0x4c: {  	_ =	shalt  }
0x4d: {  	_ =	shalt  }
0x4e: {  	_ =	shalt  }
0x4f: {  	_ =	shalt  }
0x50: {  	_ =	shalt  }
0x51: {  	_ =	shalt  }
0x52: {  	_ =	shalt  }
0x53: {  	_ =	shalt  }
0x54: {  	_ =	shalt  }
0x55: {  	_ =	shalt  }
0x56: {  	_ =	shalt  }
0x57: {  	_ =	shalt  }
0x58: {  	_ =	shalt  }
0x59: {  	_ =	shalt  }
0x5a: {  	_ =	shalt  }
0x5b: {  	_ =	shalt  }
0x5c: {  	_ =	shalt  }
0x5d: {  	_ =	shalt  }
0x5e: {  	_ =	shalt  }
0x5f: {  	_ =	shalt  }
0x60: {  	_ =	shalt  }
0x61: {  	_ =	shalt  }
0x62: {  	_ =	shalt  }
0x63: {  	_ =	shalt  }
0x64: {  	_ =	shalt  }
0x65: {  	_ =	shalt  }
0x66: {  	_ =	shalt  }
0x67: {  	_ =	shalt  }
0x68: {  	_ =	shalt  }
0x69: {  	_ =	shalt  }
0x6a: {  	_ =	shalt  }
0x6b: {  	_ =	shalt  }
0x6c: {  	_ =	shalt  }
0x6d: {  	_ =	shalt  }
0x6e: {  	_ =	shalt  }
0x6f: {  	_ =	shalt  }
0x70: {  	_ =	shalt  }
0x71: {  	_ =	shalt  }
0x72: {  	_ =	shalt  }
0x73: {  	_ =	shalt  }
0x74: {  	_ =	shalt  }
0x75: {  	_ =	shalt  }
0x76: {  	_ =	shalt  }
0x77: {  	_ =	shalt  }
0x78: {  	_ =	shalt  }
0x79: {  	_ =	shalt  }
0x7a: {  	_ =	shalt  }
0x7b: {  	_ =	shalt  }
0x7c: {  	_ =	shalt  }
0x7d: {  	_ =	shalt  }
0x7e: {  	_ =	shalt  }
0x7f: {  	_ =	shalt  }
0x80: {  	_ =	shalt  }
0x81: {  	_ =	shalt  }
0x82: {  	_ =	shalt  }
0x83: {  	_ =	shalt  }
0x84: {  	_ =	shalt  }
0x85: {  	_ =	shalt  }
0x86: {  	_ =	shalt  }
0x87: {  	_ =	shalt  }
.Lfunc_end0:
.L_simem_size_0:
called_computation.3_lowered:
.L_overlay_start_0:
0x88: {  	s2 =	sld [smem:$0x3FD9]  }
0x89: {  	s3 =	sld [smem:$0x3FFE];
	_ =	sdelay $0x1  }
0x8a: {  	s1 =	srdreg.scid  }
0x8b: {  	s0 =	sand.u32 $0x1, s1  }
0x8c: {  	s16 =	sshll.u32 s0, $0xA;
	s2 =	sadd.s32 s3, s2  }
0x8d: {  	s2 =	sadd.s32 s2, s16  }
0x8e: {  	[smem:$0x3FB3] =	sst s2  }
0x8f: {  	_ = 	snop  }
0x90: {  	(tm) =	ssettm $0x1  }
0x91: {  	s17 =	sld [smem:$0x3FFB];
	_ =	sdelay $0x3  }
0x92: {  	_ =	strace s17  }
0x93: {  	s2 =	sld [smem:$0x3FFC];
	_ =	sdelay $0x3  }
0x94: {  	_ =	strace s2  }
0x95: {  	s2 =	sld [smem:$0x3FFD];
	_ =	sdelay $0x3  }
0x96: {  	_ =	strace s2  }
0x97: {  	_ =	strace $0x8FFFFFFF  }
0x98: {  	s18 =	sld [smem:$0x3FDB];
	_ =	sdelay $0x1  }
0x99: {  	s19 =	simm.s32 $_scs_section_size  }
0x9a: {  	s4 =	simm.s32 $_size__tile_overlayer_lowered;
	s5 =	simm.s32 $_tile_overlayer_lowered  }
0x9b: {  	s22 =	simm.s32 $0x1BFF;
	s21 =	sshll.u32 s5, $0x1;
	s2 =	sadd.s32 s19, s18  }
0x9c: {  	s6 =	simm.s32 $0x0;
	s20 =	sshll.u32 s4, $0x1;
	s4 =	sadd.s32 s21, s2  }
0x9d: {  	[timem:s6], [sflag:s22] =	dma.local [hbm:s4], s20  }
0x9e: {  	_ =	swait.ge [sflag:s22], s20  }
0x9f: {  	s3 =	ssub.s32 $0x0, s20;
	[sflag:s22] =	ssyncset.done $0x0  }
0xa0: {  	[sflag:s22] =	ssyncadd.s32 s3;
	_ =	sdelay $0x1  }
0xa1: {  	s23 =	simm.s32 $0x1B8B  }
0xa2: {  	_ =	swait.ge [sflag:s23], $0x1  }
0xa3: {  	[sflag:s23] =	ssyncset.done $0x0  }
0xa4: {  	s25 =	simm.s32 $0x1B8E;
	s24 =	sld [smem:$0x3FFE];
	[sflag:s23] =	ssyncadd.s32 $0xFFFFFFFF  }
0xa5: {  	s26 =	simm.s32 $execute0_lowered;
	[smem:$0x3FD2] =	sst s25  }
0xa6: {  	s4 =	sshll.u32 s26, $0x1;
	_ =	strace $0x8000004F;
	[dreg:$0x1] =	wrdreg $0xFFFFFFFF  }
0xa7: {  	s28 =	simm.s32 $_size_execute0_lowered;
	s2 =	sadd.s32 s2, s4;
	[dreg:$0x0] =	wrdreg $0x0  }
0xa8: {  	s4 =	sshll.u32 s28, $0x1;
	[dreg:$0x2] =	wrdreg s2  }
0xa9: {  	[dreg:$0x3] =	wrdreg s4  }
0xaa: {  	[dreg:$0x4] =	wrdreg $0xC0  }
0xab: {  	_ =	task [dreg:s6], $0x5FFFF  }
0xac: {  	[dreg:$0x1] =	wrdreg $0xFFFFFFFF  }
0xad: {  	[dreg:$0x0] =	wrdreg $0x60  }
0xae: {  	[dreg:$0x2] =	wrdreg s24  }
0xaf: {  	[dreg:$0x3] =	wrdreg $0x9  }
0xb0: {  	_ =	task.clear_ibuf [dreg:s6], $0x4FFFF;
	_ =	strace $0x9000004F  }
0xb1: {  	s29 =	simm.s32 $0x9;
	_ =	strace $0x80000051  }
0xb2: {  	_ =	swait.ge [sflag:s29], $0x1  }
0xb3: {  	[sflag:s29] =	ssyncadd.s32 $0xFFFFFFFF  }
0xb4: {  	_ =	strace $0x90000051  }
0xb5: {  	_ =	sfence  }
0xb6: {  	s30 =	sld [smem:$0x0];
	_ =	sdelay $0x2  }
0xb7: {  	s31 =	sshll.u32 s1, $0xD;
	s1 =	sshrl.u32 s1, $0x2  }
0xb8: {  	s3 =	sand.u32 $0x4000, s31;
	s1 =	sadd.s32 s1, s30  }
0xb9: {  	s0 =	sor.u32 s3, s0;
	s1 =	sshll.u32 s1, $0x11  }
0xba: {  	s0 =	sor.u32 s1, s0  }
0xbb: {  	s0 =	sadd.s32 $0x8F2B, s0  }
0xbc: {  	[sflag:s0] =	ssyncadd.remote.s32 $0x1  }
0xbd: {  	_ =	sfence.sel $0xFFFF  }
0xbe: {  	[dreg:$0x0] =	wrdreg $0xFFFFFFFF;
	(pc) =	sbr.abs _section_cstart, $3  }
0xbf: {  	[dreg:$0x1] =	wrdreg $0xFFFFFFFF  }
0xc0: {  	_ =	task.clear_ibuf [dreg:s6], $0x2FFFF;
	_ =	strace $0x9FFFFFFF  }
0xc1: {  	(tm) =	ssettm $0x7FFFFFFF  }
tec
execute0_lowered:
.L_overlay_start_1:
0x0: {  	(tag) =	ssettag $0x1  }
0x1: {  	s1 =	srdreg.scid  }
0x2: {  	s0 =	stileid.u32;
	s17 =	sand.u32 $0x1, s1  }
0x3: {  	s30 =	sshll.u32 s0, $0xA;
	s2 =	sshll.u32 s17, $0x9  }
0x4: {  	s14 =	rddreg [dreg:$0x0];
	s15 =	sor.u32 s2, s30  }
0x5: {  	s1 =	rddreg [dreg:$0x1];
	s2 =	simm.s32 $0x0;
	s3 =	sshrl.u32 s15, $0x3  }
0x6: {  	[smem:$0x7FF] =	sst s2;
	s3 =	sadd.s32 s3, s14  }
0x7: {  	_ =	strace $0x80000050;
	s4 =	sadd.s32 $0x5800, s3;
	s3 =	simm.s32 $0x2  }
0x8: {  	[tilespmem:s2], [sflag:$0x2] =	stream.linear.gather [hbm4b:s4+s2], $0x200, $0x38;
	[tilespmem:$0x10200] =	vst v63  }
0x9: {  	_ =	swait.ge [sflag:s3], $0x200  }
0xa: {  	s6 =	simm.s32 $0x80;
	[sflag:s3] =	ssyncset.done $0x0  }
0xb: {  	s7 =	simm.s32 $0x200;
	s5 =	sadd.s32 $0x6000, s14;
	[sflag:s3] =	ssyncadd.s32 $0xFFFFFE00  }
0xc: {  	[tilespmem:s7], [sflag:$0x1] =	stream.indirect.gather [hbm4b:s5+s6], $0x80, s2, s6, $0xb8;
	[tilespmem:$0x10200] =	vst v63  }
0xd: {  	s8 =	simm.s32 $0x4200  }
0xe: {  	[tilespmem:s8], [sflag:$0x1] =	stream.indirect.gather [hbm4b:s5+s6], $0x80, s6, s6, $0xb8;
	[tilespmem:$0x10200] =	vst v63  }
0xf: {  	s9 =	simm.s32 $0x100;
	s10 =	simm.s32 $0x8200  }
0x10: {  	[tilespmem:s10], [sflag:$0x1] =	stream.indirect.gather [hbm4b:s5+s6], $0x80, s9, s6, $0xb8;
	[tilespmem:$0x10200] =	vst v63  }
0x11: {  	s11 =	simm.s32 $0x180;
	s12 =	simm.s32 $0xC200;
	s13 =	simm.s32 $0x1  }
0x12: {  	[tilespmem:s12], [sflag:$0x1] =	stream.indirect.gather [hbm4b:s5+s6], $0x80, s11, s6, $0xb8;
	[tilespmem:$0x10200] =	vst v63  }
0x13: {  	s15 =	sshll.u32 s15, $0x4;
	_ =	swait.ge [sflag:s13], $0x4000  }
0x14: {  	s18 =	sadd.s32 s15, s14;
	[sflag:s13] =	ssyncset.done $0x0  }
0x15: {  	s14 =	sadd.s32 $0xE000, s18;
	[sflag:s13] =	ssyncadd.s32 $0xFFFFC000  }
0x16: {  	[hbm4b:s14+s2] =	stream.linear.scatter [tilespmem:s7], [sflag:$0x2], $0x4000, $0x38;
	[tilespmem:$0x10200] =	vst v63  }
0x17: {  	_ =	swait.ge [sflag:s3], $0x4000  }
0x18: {  	[sflag:s3] =	ssyncset.done $0x0  }
0x19: {  	[sflag:s3] =	ssyncadd.s32 $0xFFFFC000  }
0x1a: {  	_ =	swait.ge [sflag:s13], $0x4000  }
0x1b: {  	[sflag:s13] =	ssyncset.done $0x0  }
0x1c: {  	s15 =	sadd.s32 $0xE800, s18;
	[sflag:s13] =	ssyncadd.s32 $0xFFFFC000  }
0x1d: {  	[hbm4b:s15+s2] =	stream.linear.scatter [tilespmem:s8], [sflag:$0x2], $0x4000, $0x38;
	[tilespmem:$0x10200] =	vst v63  }
0x1e: {  	_ =	swait.ge [sflag:s3], $0x4000  }
0x1f: {  	[sflag:s3] =	ssyncset.done $0x0  }
0x20: {  	[sflag:s3] =	ssyncadd.s32 $0xFFFFC000  }
0x21: {  	_ =	swait.ge [sflag:s13], $0x4000  }
0x22: {  	[sflag:s13] =	ssyncset.done $0x0  }
0x23: {  	s17 =	ssub.s32 $0x2, s17;
	s16 =	sadd.s32 $0xF000, s18;
	[sflag:s13] =	ssyncadd.s32 $0xFFFFC000  }
0x24: {  	[hbm4b:s16+s2] =	stream.linear.scatter [tilespmem:s10], [sflag:$0x2], $0x4000, $0x38;
	[tilespmem:$0x10200] =	vst v63  }
0x25: {  	s19 =	sshrl.u32 s17, $0x1;
	_ =	swait.ge [sflag:s3], $0x4000  }
0x26: {  	s19 =	ssub.s32 s17, s19;
	[sflag:s3] =	ssyncset.done $0x0  }
0x27: {  	s31 =	smax.u32 s19, $0x1;
	[sflag:s3] =	ssyncadd.s32 $0xFFFFC000  }
0x28: {  	p0 =	sne.s32 s31, $0x1;
	_ =	swait.ge [sflag:s13], $0x4000  }
.Ltmp0:
0x29: {  	[sflag:s13] =	ssyncset.done $0x0;
	(pc) =	sbr.rel @!p0 .LBB2_2-.Ltmp0, $4  }
0x2a: {  	s17 =	sadd.s32 $0xF800, s18;
	[sflag:s13] =	ssyncadd.s32 $0xFFFFC000  }
0x2b: {  	[hbm4b:s17+s2] =	stream.linear.scatter [tilespmem:s12], [sflag:$0x2], $0x4000, $0x38;
	[tilespmem:$0x10200] =	vst v63  }
0x2c: {  	_ =	swait.ge [sflag:s3], $0x4000  }
0x2d: {  	s18 =	sadd.s32 $0xFFFFFFFF, s31;
	[sflag:s3] =	ssyncset.done $0x0  }
.LBB2_1:
0x2e: {  	p0 =	sne.s32 s18, $0x1;
	s18 =	sadd.s32 $0xFFFFFFFF, s18;
	[sflag:s3] =	ssyncadd.s32 $0xFFFFC000  }
0x2f: {  	[tilespmem:s2], [sflag:$0x2] =	stream.linear.gather [hbm4b:s4+s2], $0x200, $0x38;
	[tilespmem:$0x10200] =	vst v63  }
0x30: {  	_ =	swait.ge [sflag:s3], $0x200  }
0x31: {  	[sflag:s3] =	ssyncset.done $0x0  }
0x32: {  	[sflag:s3] =	ssyncadd.s32 $0xFFFFFE00  }
0x33: {  	[tilespmem:s7], [sflag:$0x1] =	stream.indirect.gather [hbm4b:s5+s6], $0x80, s2, s6, $0xb8;
	[tilespmem:$0x10200] =	vst v63  }
0x34: {  	_ = 	snop  }
0x35: {  	[tilespmem:s8], [sflag:$0x1] =	stream.indirect.gather [hbm4b:s5+s6], $0x80, s6, s6, $0xb8;
	[tilespmem:$0x10200] =	vst v63  }
0x36: {  	_ = 	snop  }
0x37: {  	[tilespmem:s10], [sflag:$0x1] =	stream.indirect.gather [hbm4b:s5+s6], $0x80, s9, s6, $0xb8;
	[tilespmem:$0x10200] =	vst v63  }
0x38: {  	_ = 	snop  }
0x39: {  	[tilespmem:s12], [sflag:$0x1] =	stream.indirect.gather [hbm4b:s5+s6], $0x80, s11, s6, $0xb8;
	[tilespmem:$0x10200] =	vst v63  }
0x3a: {  	_ =	swait.ge [sflag:s13], $0x4000  }
0x3b: {  	[sflag:s13] =	ssyncset.done $0x0  }
0x3c: {  	[sflag:s13] =	ssyncadd.s32 $0xFFFFC000  }
0x3d: {  	[hbm4b:s14+s2] =	stream.linear.scatter [tilespmem:s7], [sflag:$0x2], $0x4000, $0x38;
	[tilespmem:$0x10200] =	vst v63  }
0x3e: {  	_ =	swait.ge [sflag:s3], $0x4000  }
0x3f: {  	[sflag:s3] =	ssyncset.done $0x0  }
0x40: {  	[sflag:s3] =	ssyncadd.s32 $0xFFFFC000  }
0x41: {  	_ =	swait.ge [sflag:s13], $0x4000  }
0x42: {  	[sflag:s13] =	ssyncset.done $0x0  }
0x43: {  	[sflag:s13] =	ssyncadd.s32 $0xFFFFC000  }
0x44: {  	[hbm4b:s15+s2] =	stream.linear.scatter [tilespmem:s8], [sflag:$0x2], $0x4000, $0x38;
	[tilespmem:$0x10200] =	vst v63  }
0x45: {  	_ =	swait.ge [sflag:s3], $0x4000  }
0x46: {  	[sflag:s3] =	ssyncset.done $0x0  }
0x47: {  	[sflag:s3] =	ssyncadd.s32 $0xFFFFC000  }
0x48: {  	_ =	swait.ge [sflag:s13], $0x4000  }
0x49: {  	[sflag:s13] =	ssyncset.done $0x0  }
0x4a: {  	[sflag:s13] =	ssyncadd.s32 $0xFFFFC000  }
0x4b: {  	[hbm4b:s16+s2] =	stream.linear.scatter [tilespmem:s10], [sflag:$0x2], $0x4000, $0x38;
	[tilespmem:$0x10200] =	vst v63  }
0x4c: {  	_ =	swait.ge [sflag:s3], $0x4000  }
0x4d: {  	[sflag:s3] =	ssyncset.done $0x0  }
0x4e: {  	[sflag:s3] =	ssyncadd.s32 $0xFFFFC000  }
0x4f: {  	_ =	swait.ge [sflag:s13], $0x4000  }
.Ltmp1:
0x50: {  	[sflag:s13] =	ssyncset.done $0x0;
	(pc) =	sbr.rel @p0 .LBB2_1-.Ltmp1, $4  }
0x51: {  	[sflag:s13] =	ssyncadd.s32 $0xFFFFC000  }
0x52: {  	[hbm4b:s17+s2] =	stream.linear.scatter [tilespmem:s12], [sflag:$0x2], $0x4000, $0x38;
	[tilespmem:$0x10200] =	vst v63  }
0x53: {  	_ =	swait.ge [sflag:s3], $0x4000  }
0x54: {  	[sflag:s3] =	ssyncset.done $0x0  }
.LBB2_2:
0x55: {  	[sflag:s3] =	ssyncadd.s32 $0xFFFFC000  }
0x56: {  	_ =	sfence.sel $0x180000  }
0x57: {  	[bflag:$0x0] =	sbarrier.arrive $0xFFFF  }
0x58: {  	p0 =	sne.s32 s0, $0x0;
	_ =	strace $0x90000050  }
0x59: {  	s0 =	sadd.s32 @!p0 $0x100000, s1;
	[bflag:$0x2] =	sbarrier.arrive $0xFFFF  }
0x5a: {  	[sflag:s0] =	ssyncadd.tile.s32 @!p0 $0x1;
	_ =	shalt  }
.Lfunc_end2:
_tile_overlayer_lowered:
.L_overlay_start_2:
0x5b: {  	(tag) =	ssettag $0x2  }
0x5c: {  	s0 =	rddreg [dreg:$0x0];
	s2 =	stileid.u32  }
0x5d: {  	s1 =	rddreg [dreg:$0x1];
	p0 =	sne.s32 s2, $0x0  }
0x5e: {  	s3 =	rddreg [dreg:$0x2];
	[bflag:$0x3] =	sbarrier.arrive $0xFFFF;
	s2 =	simm.s32 @!p0 $0x1C02  }
0x5f: {  	[timem:s3], [sflag:s2] =	dma.local @!p0 [hbm:s0], s1  }
0x60: {  	s0 =	simm.s32 @!p0 $0x2  }
0x61: {  	_ =	swait.ge @!p0 [sflag:s0], s1  }
0x62: {  	s1 =	ssub.s32 @!p0 $0x0, s1;
	[sflag:s0] =	ssyncset.done @!p0 $0x0  }
0x63: {  	[sflag:s0] =	ssyncadd.s32 @!p0 s1  }
0x64: {  	[bflag:$0x3] =	sbarrier.arrive $0xFFFF  }
0x65: {  	_ =	shalt  }

// kernel: kernel.27.cloned.1.call-start
scs
__scs_entry_jumppad:
0x0: {  	(pc) =	sbr.rel $0x88, $3  }
0x1: {  	(tag) =	ssettag $0x0;
	lr =	simm.s32 $0x1  }
0x2: {  	[smem:$0x3F8C] =	sst lr;
	_ =	strace $0xD0000000  }
0x3: {  	_ = 	snop  }
0x4: {  	_ = 	snop  }
0x5: {  	_ = 	snop  }
0x6: {  	_ = 	snop  }
0x7: {  	_ = 	snop  }
__scs_overlays_trampoline_lowered:
0x8: {  	[smem:$0x3F9B] =	sst s0  }
0x9: {  	[smem:$0x3F9C] =	sst s1  }
0xa: {  	[smem:$0x3F9D] =	sst s2  }
0xb: {  	[smem:$0x3F9E] =	sst s3  }
0xc: {  	[smem:$0x3F9F] =	sst s4  }
0xd: {  	[smem:$0x3FA0] =	sst s5  }
0xe: {  	[smem:$0x3FA1] =	sst s6  }
0xf: {  	[smem:$0x3FA2] =	sst s7  }
0x10: {  	[smem:$0x3FA3] =	sst s8  }
0x11: {  	[smem:$0x3FA4] =	sst s9;
	s0 =	simm.s32 @!p0 $0x0  }
0x12: {  	s1 =	sld [smem:$0x3F8A];
	s0 =	simm.s32 @p0 $0x1  }
0x13: {  	[smem:$0x3FA5] =	sst s0;
	s0 =	simm.s32 @!p1 $0x0  }
0x14: {  	s2 =	sld [smem:$0x3F89];
	s0 =	simm.s32 @p1 $0x1  }
0x15: {  	[smem:$0x3FA6] =	sst s0;
	s0 =	simm.s32 @!p2 $0x0  }
0x16: {  	s3 =	sld [smem:$0x3FDB];
	s0 =	simm.s32 @p2 $0x1  }
0x17: {  	s4 =	simm.s32 $0x1BF5;
	[smem:$0x3FA8] =	sst s0  }
0x18: {  	s0 =	sld [smem:$0x3F8B];
	_ =	swait.ge [sflag:s4], $0x0  }
0x19: {  	s7 =	sld [smem:$0x3F8C]  }
0x1a: {  	s8 =	sadd.s32 $0xFFFFE003, lr  }
0x1b: {  	s9 =	sadd.s32 $0xFFFFFEF7, lr;
	s5 =	simm.s32 $0xFFFFFFFF;
	p2 =	slt.u32 s8, $0xFFFFF086  }
0x1c: {  	p1 =	slt.u32 s9, $0xF7A;
	s5 =	simm.s32 @!p2 $0x0  }
0x1d: {  	s5 =	simm.s32 @p1 $0x1;
	p0 =	seq.s32 s7, s2  }
0x1e: {  	s7 =	smul.u32 @!p0 $0xF7A, s2;
	p2 =	seq.s32 @!p0 s5, $0x0  }
0x1f: {  	s9 =	smul.u32 $0xF7A, s1;
	s8 =	simm.s32 @!p0 $0x1BF5;
	p2 =	por !p2, p0  }
0x20: {  	[sflag:s8] =	ssyncset.s32 @!p0 $0xFFFFF086;
	s6 =	sadd.s32 @!p0 s3, s7;
	s7 =	simm.s32 @!p0 $0x108  }
0x21: {  	s3 =	sadd.s32 s3, s9;
	s6 =	sadd.s32 @!p0 $0x88, s6;
	s7 =	simm.s32 @p2 $0x1082  }
0x22: {  	[simem:s7], [sflag:s8] =	dma.local @!p0 [hbm:s6], $0xF7A  }
0x23: {  	s9 =	sor.u32 $0xD0000000, s2;
	s6 =	simm.s32 $0x108;
	_ =	swait.ge @!p0 [sflag:s8], $0x0  }
0x24: {  	s3 =	sadd.s32 $0x88, s3;
	s6 =	simm.s32 @!p1 $0x1082;
	[sflag:s4] =	ssyncset.s32 $0xFFFFF086  }
0x25: {  	[simem:s6], [sflag:s4] =	dma.local [hbm:s3], $0xF7A  }
0x26: {  	[smem:$0x3F8C] =	sst s1;
	(tag) =	ssettag s2;
	_ =	strace s9  }
0x27: {  	s1 =	sld [smem:$0x3F9C]  }
0x28: {  	s2 =	sld [smem:$0x3F9D]  }
0x29: {  	s4 =	sld [smem:$0x3F9F]  }
0x2a: {  	p0 =	seq.s32 s5, $0x0;
	s5 =	sld [smem:$0x3FA0]  }
0x2b: {  	s6 =	sld [smem:$0x3FA1]  }
0x2c: {  	s7 =	sld [smem:$0x3FA2]  }
0x2d: {  	s3 =	simm.s32 $0x108;
	s8 =	sld [smem:$0x3FA3]  }
0x2e: {  	s3 =	simm.s32 @!p0 $0x1082;
	s9 =	sld [smem:$0x3FA4]  }
0x2f: {  	lr =	sadd.s32 s0, s3;
	s0 =	sld [smem:$0x3F9B]  }
0x30: {  	s3 =	sld [smem:$0x3F9E]  }
0x31: {  	[smem:$0x3FA7] =	sst s10  }
0x32: {  	s10 =	sld [smem:$0x3FA5];
	_ =	sdelay $0x3  }
0x33: {  	p0 =	seq.s32 s10, $0x1;
	s10 =	sld [smem:$0x3FA7];
	_ =	sdelay $0x3  }
0x34: {  	[smem:$0x3FA7] =	sst s10  }
0x35: {  	s10 =	sld [smem:$0x3FA6];
	_ =	sdelay $0x3  }
0x36: {  	p1 =	seq.s32 s10, $0x1;
	s10 =	sld [smem:$0x3FA7];
	_ =	sdelay $0x3  }
0x37: {  	[smem:$0x3FA7] =	sst s10  }
0x38: {  	s10 =	sld [smem:$0x3FA8]  }
0x39: {  	_ = 	snop;
	(pc) =	sbr.ind lr, $3  }
0x3a: {  	_ = 	snop  }
0x3b: {  	_ = 	snop  }
0x3c: {  	p2 =	seq.s32 s10, $0x1;
	s10 =	sld [smem:$0x3FA7]  }
0x3d: {  	_ =	shalt  }
0x3e: {  	_ =	shalt  }
0x3f: {  	_ =	shalt  }
0x40: {  	_ =	shalt  }
0x41: {  	_ =	shalt  }
0x42: {  	_ =	shalt  }
0x43: {  	_ =	shalt  }
0x44: {  	_ =	shalt  }
0x45: {  	_ =	shalt  }
0x46: {  	_ =	shalt  }
0x47: {  	_ =	shalt  }
0x48: {  	_ =	shalt  }
0x49: {  	_ =	shalt  }
0x4a: {  	_ =	shalt  }
0x4b: {  	_ =	shalt  }
0x4c: {  	_ =	shalt  }
0x4d: {  	_ =	shalt  }
0x4e: {  	_ =	shalt  }
0x4f: {  	_ =	shalt  }
0x50: {  	_ =	shalt  }
0x51: {  	_ =	shalt  }
0x52: {  	_ =	shalt  }
0x53: {  	_ =	shalt  }
0x54: {  	_ =	shalt  }
0x55: {  	_ =	shalt  }
0x56: {  	_ =	shalt  }
0x57: {  	_ =	shalt  }
0x58: {  	_ =	shalt  }
0x59: {  	_ =	shalt  }
0x5a: {  	_ =	shalt  }
0x5b: {  	_ =	shalt  }
0x5c: {  	_ =	shalt  }
0x5d: {  	_ =	shalt  }
0x5e: {  	_ =	shalt  }
0x5f: {  	_ =	shalt  }
0x60: {  	_ =	shalt  }
0x61: {  	_ =	shalt  }
0x62: {  	_ =	shalt  }
0x63: {  	_ =	shalt  }
0x64: {  	_ =	shalt  }
0x65: {  	_ =	shalt  }
0x66: {  	_ =	shalt  }
0x67: {  	_ =	shalt  }
0x68: {  	_ =	shalt  }
0x69: {  	_ =	shalt  }
0x6a: {  	_ =	shalt  }
0x6b: {  	_ =	shalt  }
0x6c: {  	_ =	shalt  }
0x6d: {  	_ =	shalt  }
0x6e: {  	_ =	shalt  }
0x6f: {  	_ =	shalt  }
0x70: {  	_ =	shalt  }
0x71: {  	_ =	shalt  }
0x72: {  	_ =	shalt  }
0x73: {  	_ =	shalt  }
0x74: {  	_ =	shalt  }
0x75: {  	_ =	shalt  }
0x76: {  	_ =	shalt  }
0x77: {  	_ =	shalt  }
0x78: {  	_ =	shalt  }
0x79: {  	_ =	shalt  }
0x7a: {  	_ =	shalt  }
0x7b: {  	_ =	shalt  }
0x7c: {  	_ =	shalt  }
0x7d: {  	_ =	shalt  }
0x7e: {  	_ =	shalt  }
0x7f: {  	_ =	shalt  }
0x80: {  	_ =	shalt  }
0x81: {  	_ =	shalt  }
0x82: {  	_ =	shalt  }
0x83: {  	_ =	shalt  }
0x84: {  	_ =	shalt  }
0x85: {  	_ =	shalt  }
0x86: {  	_ =	shalt  }
0x87: {  	_ =	shalt  }
.Lfunc_end0:
.L_simem_size_0:
called_computation.4_lowered:
.L_overlay_start_0:
0x88: {  	s2 =	sld [smem:$0x3FD9]  }
0x89: {  	s3 =	sld [smem:$0x3FFE];
	_ =	sdelay $0x1  }
0x8a: {  	s1 =	srdreg.scid  }
0x8b: {  	s0 =	sand.u32 $0x1, s1  }
0x8c: {  	s17 =	sshll.u32 s0, $0xA;
	s2 =	sadd.s32 s3, s2  }
0x8d: {  	s2 =	sadd.s32 s2, s17  }
0x8e: {  	[smem:$0x3FB3] =	sst s2  }
0x8f: {  	_ = 	snop  }
0x90: {  	s2 =	sld [smem:$0x3FD0];
	(tm) =	ssettm $0x1  }
0x91: {  	s18 =	sld [smem:$0x3FFB];
	_ =	sdelay $0x3  }
0x92: {  	_ =	strace s18  }
0x93: {  	s3 =	sld [smem:$0x3FFC];
	_ =	sdelay $0x3  }
0x94: {  	_ =	strace s3  }
0x95: {  	s3 =	sld [smem:$0x3FFD];
	_ =	sdelay $0x3  }
0x96: {  	_ =	strace s3  }
0x97: {  	_ =	strace $0x8FFFFFFF  }
0x98: {  	s19 =	sld [smem:$0x3FDB];
	_ =	sdelay $0x1  }
0x99: {  	s4 =	simm.s32 $_scs_section_size  }
0x9a: {  	s5 =	simm.s32 $_size__tile_overlayer_lowered;
	s6 =	simm.s32 $_tile_overlayer_lowered  }
0x9b: {  	s22 =	simm.s32 $0x1BFF;
	s21 =	sshll.u32 s6, $0x1;
	s3 =	sadd.s32 s4, s19  }
0x9c: {  	s7 =	simm.s32 $0x0;
	s20 =	sshll.u32 s5, $0x1;
	s5 =	sadd.s32 s21, s3  }
0x9d: {  	[timem:s7], [sflag:s22] =	dma.local [hbm:s5], s20  }
0x9e: {  	_ =	swait.ge [sflag:s22], s20  }
0x9f: {  	s4 =	ssub.s32 $0x0, s20;
	[sflag:s22] =	ssyncset.done $0x0  }
0xa0: {  	[sflag:s22] =	ssyncadd.s32 s4;
	_ =	sdelay $0x1  }
0xa1: {  	s23 =	simm.s32 $0x1B8B  }
0xa2: {  	_ =	swait.ge [sflag:s23], $0x1  }
0xa3: {  	[sflag:s23] =	ssyncset.done $0x0  }
0xa4: {  	s25 =	simm.s32 $0x1B8E;
	s24 =	sld [smem:$0x3FFE];
	[sflag:s23] =	ssyncadd.s32 $0xFFFFFFFF  }
0xa5: {  	s26 =	simm.s32 $execute0_lowered;
	[smem:$0x3FD2] =	sst s25  }
0xa6: {  	s5 =	sshll.u32 s26, $0x1;
	_ =	strace $0x80000052;
	[dreg:$0x1] =	wrdreg $0xFFFFFFFF  }
0xa7: {  	s28 =	simm.s32 $_size_execute0_lowered;
	s3 =	sadd.s32 s3, s5;
	[dreg:$0x0] =	wrdreg $0x0  }
0xa8: {  	s5 =	sshll.u32 s28, $0x1;
	[dreg:$0x2] =	wrdreg s3  }
0xa9: {  	[dreg:$0x3] =	wrdreg s5  }
0xaa: {  	[dreg:$0x4] =	wrdreg $0xC0  }
0xab: {  	_ =	task [dreg:s7], $0x5FFFF  }
0xac: {  	[dreg:$0x1] =	wrdreg $0xFFFFFFFF  }
0xad: {  	[dreg:$0x0] =	wrdreg $0x60  }
0xae: {  	[dreg:$0x2] =	wrdreg s24  }
0xaf: {  	[dreg:$0x3] =	wrdreg s2  }
0xb0: {  	[dreg:$0x4] =	wrdreg $0x102000  }
0xb1: {  	[dreg:$0x5] =	wrdreg $0x9  }
0xb2: {  	_ =	task.clear_ibuf [dreg:s7], $0x6FFFF;
	_ =	strace $0x90000052  }
0xb3: {  	s29 =	simm.s32 $0x9;
	_ =	strace $0x80000054  }
0xb4: {  	_ =	swait.ge [sflag:s29], $0x1  }
0xb5: {  	[sflag:s29] =	ssyncadd.s32 $0xFFFFFFFF  }
0xb6: {  	_ =	strace $0x90000054  }
0xb7: {  	_ =	sfence  }
0xb8: {  	s30 =	sld [smem:$0x0];
	_ =	sdelay $0x2  }
0xb9: {  	s31 =	sshll.u32 s1, $0xD;
	s1 =	sshrl.u32 s1, $0x2  }
0xba: {  	s3 =	sand.u32 $0x4000, s31;
	s1 =	sadd.s32 s1, s30  }
0xbb: {  	s0 =	sor.u32 s3, s0;
	s1 =	sshll.u32 s1, $0x11  }
0xbc: {  	s0 =	sor.u32 s1, s0  }
0xbd: {  	s0 =	sadd.s32 $0x8F2B, s0  }
0xbe: {  	[sflag:s0] =	ssyncadd.remote.s32 $0x1  }
0xbf: {  	_ =	sfence.sel $0xFFFF  }
0xc0: {  	[dreg:$0x0] =	wrdreg $0xFFFFFFFF;
	(pc) =	sbr.abs _section_cstart, $3  }
0xc1: {  	[dreg:$0x1] =	wrdreg $0xFFFFFFFF  }
0xc2: {  	_ =	task.clear_ibuf [dreg:s7], $0x2FFFF;
	_ =	strace $0x9FFFFFFF  }
0xc3: {  	(tm) =	ssettm $0x7FFFFFFF  }
tec
execute0_lowered:
.L_overlay_start_1:
0x0: {  	(tag) =	ssettag $0x1  }
0x1: {  	s6 =	rddreg [dreg:$0x0];
	s1 =	srdreg.scid  }
0x2: {  	s4 =	rddreg [dreg:$0x1];
	s0 =	stileid.u32  }
0x3: {  	s2 =	rddreg [dreg:$0x2];
	s3 =	simm.s32 $0x0;
	s21 =	sand.u32 $0x1, s1  }
0x4: {  	s9 =	simm.s32 $0x200;
	s5 =	sshll.u32 s0, $0xA;
	s7 =	sshll.u32 s21, $0x9  }
0x5: {  	s13 =	simm.s32 $0x8200;
	s1 =	rddreg [dreg:$0x3];
	s5 =	sor.u32 s7, s5  }
0x6: {  	[smem:$0x7FF] =	sst s3;
	s7 =	sshll.u32 s5, $0x4;
	s5 =	sshrl.u32 s5, $0x3  }
0x7: {  	_ =	strace $0x80000053;
	s5 =	sadd.s32 s4, s5;
	s4 =	simm.s32 $0x2  }
0x8: {  	[tilespmem:s3], [sflag:$0x2] =	stream.linear.gather [hbm4b:s5+s3], $0x200, $0x38;
	[tilespmem:$0x14200] =	vst v63  }
0x9: {  	s30 =	sshll.u32 s0, $0xB;
	s11 =	sshll.u32 s0, $0xE;
	_ =	swait.ge [sflag:s4], $0x200  }
0xa: {  	s15 =	sshll.u32 s0, $0x6;
	s10 =	sadd.s32 s7, s6;
	[sflag:s4] =	ssyncset.done $0x0  }
0xb: {  	s22 =	sadd.s32 s30, s6;
	s6 =	sadd.s32 $0xE000, s10;
	[sflag:s4] =	ssyncadd.s32 $0xFFFFFE00  }
0xc: {  	[tilespmem:s9], [sflag:$0x1] =	stream.linear.gather [hbm4b:s6+s3], $0x4000, $0x38;
	[tilespmem:$0x14200] =	vst v63  }
0xd: {  	s16 =	sadd.s32 s11, s2;
	s11 =	simm.s32 $0x4200;
	s7 =	sadd.s32 $0xE800, s10  }
0xe: {  	[tilespmem:s11], [sflag:$0x1] =	stream.linear.gather [hbm4b:s7+s3], $0x4000, $0x38;
	[tilespmem:$0x14200] =	vst v63  }
0xf: {  	s14 =	simm.s32 $0xC200;
	s15 =	sor.u32 $0x1C02, s15;
	s8 =	sadd.s32 $0xF000, s10  }
0x10: {  	[tilespmem:s13], [sflag:$0x1] =	stream.linear.gather [hbm4b:s8+s3], $0x4000, $0x38;
	[tilespmem:$0x14200] =	vst v63  }
0x11: {  	s12 =	sadd.s32 $0x4E000, s22;
	s16 =	sshrl.u32 s16, $0x3;
	s10 =	sadd.s32 $0xF800, s10  }
0x12: {  	[tilespmem:s14], [sflag:$0x1] =	stream.linear.gather [hbm4b:s10+s3], $0x4000, $0x38;
	[tilespmem:$0x14200] =	vst v63  }
0x13: {  	[spmem:s16], [sflag:s15] =	dma.local [hbm:s12], $0x800  }
0x14: {  	_ =	swait.ge [sflag:s4], $0x800  }
0x15: {  	[sflag:s4] =	ssyncset.done $0x0  }
0x16: {  	[sflag:s4] =	ssyncadd.s32 $0xFFFFF800  }
0x17: {  	s17 =	simm.s32 $0x1;
	[bflag:$0x0] =	sbarrier.arrive $0xFFFF  }
0x18: {  	_ =	swait.ge [sflag:s17], $0x4000  }
0x19: {  	[sflag:s17] =	ssyncset.done $0x0  }
0x1a: {  	s18 =	simm.s32 $0x80;
	[sflag:s17] =	ssyncadd.s32 $0xFFFFC000  }
0x1b: {  	[spmem:s2] =	stream.indirect.scatter.add.f32 [tilespmem:s9], [sflag:$0x2], $0x80, s3, s18, $0xb8;
	[tilespmem:$0x14200] =	vst v63  }
0x1c: {  	_ =	swait.ge [sflag:s4], $0x4000  }
0x1d: {  	[sflag:s4] =	ssyncset.done $0x0  }
0x1e: {  	[sflag:s4] =	ssyncadd.s32 $0xFFFFC000  }
0x1f: {  	_ =	swait.ge [sflag:s17], $0x4000  }
0x20: {  	[sflag:s17] =	ssyncset.done $0x0  }
0x21: {  	[sflag:s17] =	ssyncadd.s32 $0xFFFFC000  }
0x22: {  	[spmem:s2] =	stream.indirect.scatter.add.f32 [tilespmem:s11], [sflag:$0x2], $0x80, s18, s18, $0xb8;
	[tilespmem:$0x14200] =	vst v63  }
0x23: {  	_ =	swait.ge [sflag:s4], $0x4000  }
0x24: {  	[sflag:s4] =	ssyncset.done $0x0  }
0x25: {  	[sflag:s4] =	ssyncadd.s32 $0xFFFFC000  }
0x26: {  	_ =	swait.ge [sflag:s17], $0x4000  }
0x27: {  	[sflag:s17] =	ssyncset.done $0x0  }
0x28: {  	s19 =	simm.s32 $0x100;
	[sflag:s17] =	ssyncadd.s32 $0xFFFFC000  }
0x29: {  	[spmem:s2] =	stream.indirect.scatter.add.f32 [tilespmem:s13], [sflag:$0x2], $0x80, s19, s18, $0xb8;
	[tilespmem:$0x14200] =	vst v63  }
0x2a: {  	_ =	swait.ge [sflag:s4], $0x4000  }
0x2b: {  	[sflag:s4] =	ssyncset.done $0x0  }
0x2c: {  	[sflag:s4] =	ssyncadd.s32 $0xFFFFC000  }
0x2d: {  	s23 =	ssub.s32 $0x2, s21;
	_ =	swait.ge [sflag:s17], $0x4000  }
0x2e: {  	s24 =	sshrl.u32 s23, $0x1;
	[sflag:s17] =	ssyncset.done $0x0  }
0x2f: {  	s20 =	simm.s32 $0x180;
	s23 =	ssub.s32 s23, s24;
	[sflag:s17] =	ssyncadd.s32 $0xFFFFC000  }
0x30: {  	[spmem:s2] =	stream.indirect.scatter.add.f32 [tilespmem:s14], [sflag:$0x2], $0x80, s20, s18, $0xb8;
	[tilespmem:$0x14200] =	vst v63  }
0x31: {  	s31 =	smax.u32 s23, $0x1;
	_ =	swait.ge [sflag:s4], $0x4000  }
0x32: {  	s21 =	sshll.u32 s21, $0xF;
	p0 =	sne.s32 s31, $0x1;
	[sflag:s4] =	ssyncset.done $0x0  }
.Ltmp0:
0x33: {  	s21 =	sadd.s32 s21, s22;
	[sflag:s4] =	ssyncadd.s32 $0xFFFFC000;
	(pc) =	sbr.rel @!p0 .LBB2_2-.Ltmp0, $4  }
0x34: {  	s21 =	sadd.s32 $0x66800, s21;
	[bflag:$0x0] =	sbarrier.arrive $0xFFFF  }
0x35: {  	[hbm:s21], [sflag:s15] =	dma.local [spmem:s16], $0x800  }
0x36: {  	_ =	swait.ge [sflag:s4], $0x800  }
0x37: {  	s22 =	sadd.s32 $0xFFFFFFFF, s31;
	[sflag:s4] =	ssyncset.done $0x0  }
.LBB2_1:
0x38: {  	p0 =	sne.s32 s22, $0x1;
	s22 =	sadd.s32 $0xFFFFFFFF, s22;
	[sflag:s4] =	ssyncadd.s32 $0xFFFFF800  }
0x39: {  	[tilespmem:s3], [sflag:$0x2] =	stream.linear.gather [hbm4b:s5+s3], $0x200, $0x38;
	[tilespmem:$0x14200] =	vst v63  }
0x3a: {  	_ =	swait.ge [sflag:s4], $0x200  }
0x3b: {  	[sflag:s4] =	ssyncset.done $0x0  }
0x3c: {  	[sflag:s4] =	ssyncadd.s32 $0xFFFFFE00  }
0x3d: {  	[tilespmem:s9], [sflag:$0x1] =	stream.linear.gather [hbm4b:s6+s3], $0x4000, $0x38;
	[tilespmem:$0x14200] =	vst v63  }
0x3e: {  	_ = 	snop  }
0x3f: {  	[tilespmem:s11], [sflag:$0x1] =	stream.linear.gather [hbm4b:s7+s3], $0x4000, $0x38;
	[tilespmem:$0x14200] =	vst v63  }
0x40: {  	_ = 	snop  }
0x41: {  	[tilespmem:s13], [sflag:$0x1] =	stream.linear.gather [hbm4b:s8+s3], $0x4000, $0x38;
	[tilespmem:$0x14200] =	vst v63  }
0x42: {  	_ = 	snop  }
0x43: {  	[tilespmem:s14], [sflag:$0x1] =	stream.linear.gather [hbm4b:s10+s3], $0x4000, $0x38;
	[tilespmem:$0x14200] =	vst v63  }
0x44: {  	[spmem:s16], [sflag:s15] =	dma.local [hbm:s12], $0x800  }
0x45: {  	_ =	swait.ge [sflag:s4], $0x800  }
0x46: {  	[sflag:s4] =	ssyncset.done $0x0  }
0x47: {  	[sflag:s4] =	ssyncadd.s32 $0xFFFFF800  }
0x48: {  	[bflag:$0x0] =	sbarrier.arrive $0xFFFF  }
0x49: {  	_ =	swait.ge [sflag:s17], $0x4000  }
0x4a: {  	[sflag:s17] =	ssyncset.done $0x0  }
0x4b: {  	[sflag:s17] =	ssyncadd.s32 $0xFFFFC000  }
0x4c: {  	[spmem:s2] =	stream.indirect.scatter.add.f32 [tilespmem:s9], [sflag:$0x2], $0x80, s3, s18, $0xb8;
	[tilespmem:$0x14200] =	vst v63  }
0x4d: {  	_ =	swait.ge [sflag:s4], $0x4000  }
0x4e: {  	[sflag:s4] =	ssyncset.done $0x0  }
0x4f: {  	[sflag:s4] =	ssyncadd.s32 $0xFFFFC000  }
0x50: {  	_ =	swait.ge [sflag:s17], $0x4000  }
0x51: {  	[sflag:s17] =	ssyncset.done $0x0  }
0x52: {  	[sflag:s17] =	ssyncadd.s32 $0xFFFFC000  }
0x53: {  	[spmem:s2] =	stream.indirect.scatter.add.f32 [tilespmem:s11], [sflag:$0x2], $0x80, s18, s18, $0xb8;
	[tilespmem:$0x14200] =	vst v63  }
0x54: {  	_ =	swait.ge [sflag:s4], $0x4000  }
0x55: {  	[sflag:s4] =	ssyncset.done $0x0  }
0x56: {  	[sflag:s4] =	ssyncadd.s32 $0xFFFFC000  }
0x57: {  	_ =	swait.ge [sflag:s17], $0x4000  }
0x58: {  	[sflag:s17] =	ssyncset.done $0x0  }
0x59: {  	[sflag:s17] =	ssyncadd.s32 $0xFFFFC000  }
0x5a: {  	[spmem:s2] =	stream.indirect.scatter.add.f32 [tilespmem:s13], [sflag:$0x2], $0x80, s19, s18, $0xb8;
	[tilespmem:$0x14200] =	vst v63  }
0x5b: {  	_ =	swait.ge [sflag:s4], $0x4000  }
0x5c: {  	[sflag:s4] =	ssyncset.done $0x0  }
0x5d: {  	[sflag:s4] =	ssyncadd.s32 $0xFFFFC000  }
0x5e: {  	_ =	swait.ge [sflag:s17], $0x4000  }
0x5f: {  	[sflag:s17] =	ssyncset.done $0x0  }
0x60: {  	[sflag:s17] =	ssyncadd.s32 $0xFFFFC000  }
0x61: {  	[spmem:s2] =	stream.indirect.scatter.add.f32 [tilespmem:s14], [sflag:$0x2], $0x80, s20, s18, $0xb8;
	[tilespmem:$0x14200] =	vst v63  }
0x62: {  	_ =	swait.ge [sflag:s4], $0x4000  }
0x63: {  	[sflag:s4] =	ssyncset.done $0x0  }
.Ltmp1:
0x64: {  	[sflag:s4] =	ssyncadd.s32 $0xFFFFC000;
	(pc) =	sbr.rel @p0 .LBB2_1-.Ltmp1, $4  }
0x65: {  	[bflag:$0x0] =	sbarrier.arrive $0xFFFF  }
0x66: {  	[hbm:s21], [sflag:s15] =	dma.local [spmem:s16], $0x800  }
0x67: {  	_ =	swait.ge [sflag:s4], $0x800  }
0x68: {  	[sflag:s4] =	ssyncset.done $0x0  }
.LBB2_2:
0x69: {  	[sflag:s4] =	ssyncadd.s32 $0xFFFFF800  }
0x6a: {  	_ =	sfence.sel $0x180000  }
0x6b: {  	[bflag:$0x0] =	sbarrier.arrive $0xFFFF  }
0x6c: {  	p0 =	sne.s32 s0, $0x0;
	_ =	strace $0x90000053  }
0x6d: {  	s0 =	sadd.s32 @!p0 $0x100000, s1;
	[bflag:$0x2] =	sbarrier.arrive $0xFFFF  }
0x6e: {  	[sflag:s0] =	ssyncadd.tile.s32 @!p0 $0x1;
	_ =	shalt  }
.Lfunc_end2:
_tile_overlayer_lowered:
.L_overlay_start_2:
0x6f: {  	(tag) =	ssettag $0x2  }
0x70: {  	s0 =	rddreg [dreg:$0x0];
	s2 =	stileid.u32  }
0x71: {  	s1 =	rddreg [dreg:$0x1];
	p0 =	sne.s32 s2, $0x0  }
0x72: {  	s3 =	rddreg [dreg:$0x2];
	[bflag:$0x3] =	sbarrier.arrive $0xFFFF;
	s2 =	simm.s32 @!p0 $0x1C02  }
0x73: {  	[timem:s3], [sflag:s2] =	dma.local @!p0 [hbm:s0], s1  }
0x74: {  	s0 =	simm.s32 @!p0 $0x2  }
0x75: {  	_ =	swait.ge @!p0 [sflag:s0], s1  }
0x76: {  	s1 =	ssub.s32 @!p0 $0x0, s1;
	[sflag:s0] =	ssyncset.done @!p0 $0x0  }
0x77: {  	[sflag:s0] =	ssyncadd.s32 @!p0 s1  }
0x78: {  	[bflag:$0x3] =	sbarrier.arrive $0xFFFF  }
0x79: {  	_ =	shalt  }

// kernel: kernel.30.cloned.1.call-start
scs
__scs_entry_jumppad:
0x0: {  	(pc) =	sbr.rel $0x88, $3  }
0x1: {  	(tag) =	ssettag $0x0;
	lr =	simm.s32 $0x1  }
0x2: {  	[smem:$0x3F8C] =	sst lr;
	_ =	strace $0xD0000000  }
0x3: {  	_ = 	snop  }
0x4: {  	_ = 	snop  }
0x5: {  	_ = 	snop  }
0x6: {  	_ = 	snop  }
0x7: {  	_ = 	snop  }
__scs_overlays_trampoline_lowered:
0x8: {  	[smem:$0x3F9B] =	sst s0  }
0x9: {  	[smem:$0x3F9C] =	sst s1  }
0xa: {  	[smem:$0x3F9D] =	sst s2  }
0xb: {  	[smem:$0x3F9E] =	sst s3  }
0xc: {  	[smem:$0x3F9F] =	sst s4  }
0xd: {  	[smem:$0x3FA0] =	sst s5  }
0xe: {  	[smem:$0x3FA1] =	sst s6  }
0xf: {  	[smem:$0x3FA2] =	sst s7  }
0x10: {  	[smem:$0x3FA3] =	sst s8  }
0x11: {  	[smem:$0x3FA4] =	sst s9;
	s0 =	simm.s32 @!p0 $0x0  }
0x12: {  	s1 =	sld [smem:$0x3F8A];
	s0 =	simm.s32 @p0 $0x1  }
0x13: {  	[smem:$0x3FA5] =	sst s0;
	s0 =	simm.s32 @!p1 $0x0  }
0x14: {  	s2 =	sld [smem:$0x3F89];
	s0 =	simm.s32 @p1 $0x1  }
0x15: {  	[smem:$0x3FA6] =	sst s0;
	s0 =	simm.s32 @!p2 $0x0  }
0x16: {  	s3 =	sld [smem:$0x3FDB];
	s0 =	simm.s32 @p2 $0x1  }
0x17: {  	s4 =	simm.s32 $0x1BF5;
	[smem:$0x3FA8] =	sst s0  }
0x18: {  	s0 =	sld [smem:$0x3F8B];
	_ =	swait.ge [sflag:s4], $0x0  }
0x19: {  	s7 =	sld [smem:$0x3F8C]  }
0x1a: {  	s8 =	sadd.s32 $0xFFFFE003, lr  }
0x1b: {  	s9 =	sadd.s32 $0xFFFFFEF7, lr;
	s5 =	simm.s32 $0xFFFFFFFF;
	p2 =	slt.u32 s8, $0xFFFFF086  }
0x1c: {  	p1 =	slt.u32 s9, $0xF7A;
	s5 =	simm.s32 @!p2 $0x0  }
0x1d: {  	s5 =	simm.s32 @p1 $0x1;
	p0 =	seq.s32 s7, s2  }
0x1e: {  	s7 =	smul.u32 @!p0 $0xF7A, s2;
	p2 =	seq.s32 @!p0 s5, $0x0  }
0x1f: {  	s9 =	smul.u32 $0xF7A, s1;
	s8 =	simm.s32 @!p0 $0x1BF5;
	p2 =	por !p2, p0  }
0x20: {  	[sflag:s8] =	ssyncset.s32 @!p0 $0xFFFFF086;
	s6 =	sadd.s32 @!p0 s3, s7;
	s7 =	simm.s32 @!p0 $0x108  }
0x21: {  	s3 =	sadd.s32 s3, s9;
	s6 =	sadd.s32 @!p0 $0x88, s6;
	s7 =	simm.s32 @p2 $0x1082  }
0x22: {  	[simem:s7], [sflag:s8] =	dma.local @!p0 [hbm:s6], $0xF7A  }
0x23: {  	s9 =	sor.u32 $0xD0000000, s2;
	s6 =	simm.s32 $0x108;
	_ =	swait.ge @!p0 [sflag:s8], $0x0  }
0x24: {  	s3 =	sadd.s32 $0x88, s3;
	s6 =	simm.s32 @!p1 $0x1082;
	[sflag:s4] =	ssyncset.s32 $0xFFFFF086  }
0x25: {  	[simem:s6], [sflag:s4] =	dma.local [hbm:s3], $0xF7A  }
0x26: {  	[smem:$0x3F8C] =	sst s1;
	(tag) =	ssettag s2;
	_ =	strace s9  }
0x27: {  	s1 =	sld [smem:$0x3F9C]  }
0x28: {  	s2 =	sld [smem:$0x3F9D]  }
0x29: {  	s4 =	sld [smem:$0x3F9F]  }
0x2a: {  	p0 =	seq.s32 s5, $0x0;
	s5 =	sld [smem:$0x3FA0]  }
0x2b: {  	s6 =	sld [smem:$0x3FA1]  }
0x2c: {  	s7 =	sld [smem:$0x3FA2]  }
0x2d: {  	s3 =	simm.s32 $0x108;
	s8 =	sld [smem:$0x3FA3]  }
0x2e: {  	s3 =	simm.s32 @!p0 $0x1082;
	s9 =	sld [smem:$0x3FA4]  }
0x2f: {  	lr =	sadd.s32 s0, s3;
	s0 =	sld [smem:$0x3F9B]  }
0x30: {  	s3 =	sld [smem:$0x3F9E]  }
0x31: {  	[smem:$0x3FA7] =	sst s10  }
0x32: {  	s10 =	sld [smem:$0x3FA5];
	_ =	sdelay $0x3  }
0x33: {  	p0 =	seq.s32 s10, $0x1;
	s10 =	sld [smem:$0x3FA7];
	_ =	sdelay $0x3  }
0x34: {  	[smem:$0x3FA7] =	sst s10  }
0x35: {  	s10 =	sld [smem:$0x3FA6];
	_ =	sdelay $0x3  }
0x36: {  	p1 =	seq.s32 s10, $0x1;
	s10 =	sld [smem:$0x3FA7];
	_ =	sdelay $0x3  }
0x37: {  	[smem:$0x3FA7] =	sst s10  }
0x38: {  	s10 =	sld [smem:$0x3FA8]  }
0x39: {  	_ = 	snop;
	(pc) =	sbr.ind lr, $3  }
0x3a: {  	_ = 	snop  }
0x3b: {  	_ = 	snop  }
0x3c: {  	p2 =	seq.s32 s10, $0x1;
	s10 =	sld [smem:$0x3FA7]  }
0x3d: {  	_ =	shalt  }
0x3e: {  	_ =	shalt  }
0x3f: {  	_ =	shalt  }
0x40: {  	_ =	shalt  }
0x41: {  	_ =	shalt  }
0x42: {  	_ =	shalt  }
0x43: {  	_ =	shalt  }
0x44: {  	_ =	shalt  }
0x45: {  	_ =	shalt  }
0x46: {  	_ =	shalt  }
0x47: {  	_ =	shalt  }
0x48: {  	_ =	shalt  }
0x49: {  	_ =	shalt  }
0x4a: {  	_ =	shalt  }
0x4b: {  	_ =	shalt  }
0x4c: {  	_ =	shalt  }
0x4d: {  	_ =	shalt  }
0x4e: {  	_ =	shalt  }
0x4f: {  	_ =	shalt  }
0x50: {  	_ =	shalt  }
0x51: {  	_ =	shalt  }
0x52: {  	_ =	shalt  }
0x53: {  	_ =	shalt  }
0x54: {  	_ =	shalt  }
0x55: {  	_ =	shalt  }
0x56: {  	_ =	shalt  }
0x57: {  	_ =	shalt  }
0x58: {  	_ =	shalt  }
0x59: {  	_ =	shalt  }
0x5a: {  	_ =	shalt  }
0x5b: {  	_ =	shalt  }
0x5c: {  	_ =	shalt  }
0x5d: {  	_ =	shalt  }
0x5e: {  	_ =	shalt  }
0x5f: {  	_ =	shalt  }
0x60: {  	_ =	shalt  }
0x61: {  	_ =	shalt  }
0x62: {  	_ =	shalt  }
0x63: {  	_ =	shalt  }
0x64: {  	_ =	shalt  }
0x65: {  	_ =	shalt  }
0x66: {  	_ =	shalt  }
0x67: {  	_ =	shalt  }
0x68: {  	_ =	shalt  }
0x69: {  	_ =	shalt  }
0x6a: {  	_ =	shalt  }
0x6b: {  	_ =	shalt  }
0x6c: {  	_ =	shalt  }
0x6d: {  	_ =	shalt  }
0x6e: {  	_ =	shalt  }
0x6f: {  	_ =	shalt  }
0x70: {  	_ =	shalt  }
0x71: {  	_ =	shalt  }
0x72: {  	_ =	shalt  }
0x73: {  	_ =	shalt  }
0x74: {  	_ =	shalt  }
0x75: {  	_ =	shalt  }
0x76: {  	_ =	shalt  }
0x77: {  	_ =	shalt  }
0x78: {  	_ =	shalt  }
0x79: {  	_ =	shalt  }
0x7a: {  	_ =	shalt  }
0x7b: {  	_ =	shalt  }
0x7c: {  	_ =	shalt  }
0x7d: {  	_ =	shalt  }
0x7e: {  	_ =	shalt  }
0x7f: {  	_ =	shalt  }
0x80: {  	_ =	shalt  }
0x81: {  	_ =	shalt  }
0x82: {  	_ =	shalt  }
0x83: {  	_ =	shalt  }
0x84: {  	_ =	shalt  }
0x85: {  	_ =	shalt  }
0x86: {  	_ =	shalt  }
0x87: {  	_ =	shalt  }
.Lfunc_end0:
.L_simem_size_0:
called_computation.5_lowered:
.L_overlay_start_0:
0x88: {  	s2 =	sld [smem:$0x3FD9]  }
0x89: {  	s3 =	sld [smem:$0x3FFE];
	_ =	sdelay $0x1  }
0x8a: {  	s1 =	srdreg.scid  }
0x8b: {  	s0 =	sand.u32 $0x1, s1  }
0x8c: {  	s16 =	sshll.u32 s0, $0xA;
	s2 =	sadd.s32 s3, s2  }
0x8d: {  	s2 =	sadd.s32 s2, s16  }
0x8e: {  	[smem:$0x3FB3] =	sst s2  }
0x8f: {  	_ = 	snop  }
0x90: {  	(tm) =	ssettm $0x1  }
0x91: {  	s17 =	sld [smem:$0x3FFB];
	_ =	sdelay $0x3  }
0x92: {  	_ =	strace s17  }
0x93: {  	s2 =	sld [smem:$0x3FFC];
	_ =	sdelay $0x3  }
0x94: {  	_ =	strace s2  }
0x95: {  	s2 =	sld [smem:$0x3FFD];
	_ =	sdelay $0x3  }
0x96: {  	_ =	strace s2  }
0x97: {  	_ =	strace $0x8FFFFFFF  }
0x98: {  	s18 =	sld [smem:$0x3FDB];
	_ =	sdelay $0x1  }
0x99: {  	s19 =	simm.s32 $_scs_section_size  }
0x9a: {  	s4 =	simm.s32 $_size__tile_overlayer_lowered;
	s5 =	simm.s32 $_tile_overlayer_lowered  }
0x9b: {  	s22 =	simm.s32 $0x1BFF;
	s21 =	sshll.u32 s5, $0x1;
	s2 =	sadd.s32 s19, s18  }
0x9c: {  	s6 =	simm.s32 $0x0;
	s20 =	sshll.u32 s4, $0x1;
	s4 =	sadd.s32 s21, s2  }
0x9d: {  	[timem:s6], [sflag:s22] =	dma.local [hbm:s4], s20  }
0x9e: {  	_ =	swait.ge [sflag:s22], s20  }
0x9f: {  	s3 =	ssub.s32 $0x0, s20;
	[sflag:s22] =	ssyncset.done $0x0  }
0xa0: {  	[sflag:s22] =	ssyncadd.s32 s3;
	_ =	sdelay $0x1  }
0xa1: {  	s23 =	simm.s32 $0x1B8B  }
0xa2: {  	_ =	swait.ge [sflag:s23], $0x1  }
0xa3: {  	[sflag:s23] =	ssyncset.done $0x0  }
0xa4: {  	s25 =	simm.s32 $0x1B8E;
	s24 =	sld [smem:$0x3FFE];
	[sflag:s23] =	ssyncadd.s32 $0xFFFFFFFF  }
0xa5: {  	s26 =	simm.s32 $execute0_lowered;
	[smem:$0x3FD2] =	sst s25  }
0xa6: {  	s4 =	sshll.u32 s26, $0x1;
	_ =	strace $0x80000055;
	[dreg:$0x1] =	wrdreg $0xFFFFFFFF  }
0xa7: {  	s28 =	simm.s32 $_size_execute0_lowered;
	s2 =	sadd.s32 s2, s4;
	[dreg:$0x0] =	wrdreg $0x0  }
0xa8: {  	s4 =	sshll.u32 s28, $0x1;
	[dreg:$0x2] =	wrdreg s2  }
0xa9: {  	[dreg:$0x3] =	wrdreg s4  }
0xaa: {  	[dreg:$0x4] =	wrdreg $0xC0  }
0xab: {  	_ =	task [dreg:s6], $0x5FFFF  }
0xac: {  	[dreg:$0x1] =	wrdreg $0xFFFFFFFF  }
0xad: {  	[dreg:$0x0] =	wrdreg $0x60  }
0xae: {  	[dreg:$0x2] =	wrdreg s24  }
0xaf: {  	[dreg:$0x3] =	wrdreg $0x9  }
0xb0: {  	_ =	task.clear_ibuf [dreg:s6], $0x4FFFF;
	_ =	strace $0x90000055  }
0xb1: {  	s29 =	simm.s32 $0x9;
	_ =	strace $0x80000057  }
0xb2: {  	_ =	swait.ge [sflag:s29], $0x1  }
0xb3: {  	[sflag:s29] =	ssyncadd.s32 $0xFFFFFFFF  }
0xb4: {  	_ =	strace $0x90000057  }
0xb5: {  	_ =	sfence  }
0xb6: {  	s30 =	sld [smem:$0x0];
	_ =	sdelay $0x2  }
0xb7: {  	s31 =	sshll.u32 s1, $0xD;
	s1 =	sshrl.u32 s1, $0x2  }
0xb8: {  	s3 =	sand.u32 $0x4000, s31;
	s1 =	sadd.s32 s1, s30  }
0xb9: {  	s0 =	sor.u32 s3, s0;
	s1 =	sshll.u32 s1, $0x11  }
0xba: {  	s0 =	sor.u32 s1, s0  }
0xbb: {  	s0 =	sadd.s32 $0x8F2B, s0  }
0xbc: {  	[sflag:s0] =	ssyncadd.remote.s32 $0x1  }
0xbd: {  	_ =	sfence.sel $0xFFFF  }
0xbe: {  	[dreg:$0x0] =	wrdreg $0xFFFFFFFF;
	(pc) =	sbr.abs _section_cstart, $3  }
0xbf: {  	[dreg:$0x1] =	wrdreg $0xFFFFFFFF  }
0xc0: {  	_ =	task.clear_ibuf [dreg:s6], $0x2FFFF;
	_ =	strace $0x9FFFFFFF  }
0xc1: {  	(tm) =	ssettm $0x7FFFFFFF  }
tec
execute0_lowered:
.L_overlay_start_1:
0x0: {  	(tag) =	ssettag $0x1  }
0x1: {  	s1 =	srdreg.scid  }
0x2: {  	s0 =	stileid.u32;
	s17 =	sand.u32 $0x1, s1  }
0x3: {  	s30 =	sshll.u32 s0, $0xA;
	s2 =	sshll.u32 s17, $0x9  }
0x4: {  	s14 =	rddreg [dreg:$0x0];
	s15 =	sor.u32 s2, s30  }
0x5: {  	s1 =	rddreg [dreg:$0x1];
	s2 =	simm.s32 $0x0;
	s3 =	sshrl.u32 s15, $0x3  }
0x6: {  	[smem:$0x7FF] =	sst s2;
	s3 =	sadd.s32 s3, s14  }
0x7: {  	_ =	strace $0x80000056;
	s4 =	sadd.s32 $0x5800, s3;
	s3 =	simm.s32 $0x2  }
0x8: {  	[tilespmem:s2], [sflag:$0x2] =	stream.linear.gather [hbm4b:s4+s2], $0x200, $0x38;
	[tilespmem:$0x10200] =	vst v63  }
0x9: {  	_ =	swait.ge [sflag:s3], $0x200  }
0xa: {  	s6 =	simm.s32 $0x80;
	[sflag:s3] =	ssyncset.done $0x0  }
0xb: {  	s7 =	simm.s32 $0x200;
	s5 =	sadd.s32 $0x6000, s14;
	[sflag:s3] =	ssyncadd.s32 $0xFFFFFE00  }
0xc: {  	[tilespmem:s7], [sflag:$0x1] =	stream.indirect.gather [hbm4b:s5+s6], $0x80, s2, s6, $0xb8;
	[tilespmem:$0x10200] =	vst v63  }
0xd: {  	s8 =	simm.s32 $0x4200  }
0xe: {  	[tilespmem:s8], [sflag:$0x1] =	stream.indirect.gather [hbm4b:s5+s6], $0x80, s6, s6, $0xb8;
	[tilespmem:$0x10200] =	vst v63  }
0xf: {  	s9 =	simm.s32 $0x100;
	s10 =	simm.s32 $0x8200  }
0x10: {  	[tilespmem:s10], [sflag:$0x1] =	stream.indirect.gather [hbm4b:s5+s6], $0x80, s9, s6, $0xb8;
	[tilespmem:$0x10200] =	vst v63  }
0x11: {  	s11 =	simm.s32 $0x180;
	s12 =	simm.s32 $0xC200;
	s13 =	simm.s32 $0x1  }
0x12: {  	[tilespmem:s12], [sflag:$0x1] =	stream.indirect.gather [hbm4b:s5+s6], $0x80, s11, s6, $0xb8;
	[tilespmem:$0x10200] =	vst v63  }
0x13: {  	s15 =	sshll.u32 s15, $0x4;
	_ =	swait.ge [sflag:s13], $0x4000  }
0x14: {  	s18 =	sadd.s32 s15, s14;
	[sflag:s13] =	ssyncset.done $0x0  }
0x15: {  	s14 =	sadd.s32 $0xE000, s18;
	[sflag:s13] =	ssyncadd.s32 $0xFFFFC000  }
0x16: {  	[hbm4b:s14+s2] =	stream.linear.scatter [tilespmem:s7], [sflag:$0x2], $0x4000, $0x38;
	[tilespmem:$0x10200] =	vst v63  }
0x17: {  	_ =	swait.ge [sflag:s3], $0x4000  }
0x18: {  	[sflag:s3] =	ssyncset.done $0x0  }
0x19: {  	[sflag:s3] =	ssyncadd.s32 $0xFFFFC000  }
0x1a: {  	_ =	swait.ge [sflag:s13], $0x4000  }
0x1b: {  	[sflag:s13] =	ssyncset.done $0x0  }
0x1c: {  	s15 =	sadd.s32 $0xE800, s18;
	[sflag:s13] =	ssyncadd.s32 $0xFFFFC000  }
0x1d: {  	[hbm4b:s15+s2] =	stream.linear.scatter [tilespmem:s8], [sflag:$0x2], $0x4000, $0x38;
	[tilespmem:$0x10200] =	vst v63  }
0x1e: {  	_ =	swait.ge [sflag:s3], $0x4000  }
0x1f: {  	[sflag:s3] =	ssyncset.done $0x0  }
0x20: {  	[sflag:s3] =	ssyncadd.s32 $0xFFFFC000  }
0x21: {  	_ =	swait.ge [sflag:s13], $0x4000  }
0x22: {  	[sflag:s13] =	ssyncset.done $0x0  }
0x23: {  	s17 =	ssub.s32 $0x2, s17;
	s16 =	sadd.s32 $0xF000, s18;
	[sflag:s13] =	ssyncadd.s32 $0xFFFFC000  }
0x24: {  	[hbm4b:s16+s2] =	stream.linear.scatter [tilespmem:s10], [sflag:$0x2], $0x4000, $0x38;
	[tilespmem:$0x10200] =	vst v63  }
0x25: {  	s19 =	sshrl.u32 s17, $0x1;
	_ =	swait.ge [sflag:s3], $0x4000  }
0x26: {  	s19 =	ssub.s32 s17, s19;
	[sflag:s3] =	ssyncset.done $0x0  }
0x27: {  	s31 =	smax.u32 s19, $0x1;
	[sflag:s3] =	ssyncadd.s32 $0xFFFFC000  }
0x28: {  	p0 =	sne.s32 s31, $0x1;
	_ =	swait.ge [sflag:s13], $0x4000  }
.Ltmp0:
0x29: {  	[sflag:s13] =	ssyncset.done $0x0;
	(pc) =	sbr.rel @!p0 .LBB2_2-.Ltmp0, $4  }
0x2a: {  	s17 =	sadd.s32 $0xF800, s18;
	[sflag:s13] =	ssyncadd.s32 $0xFFFFC000  }
0x2b: {  	[hbm4b:s17+s2] =	stream.linear.scatter [tilespmem:s12], [sflag:$0x2], $0x4000, $0x38;
	[tilespmem:$0x10200] =	vst v63  }
0x2c: {  	_ =	swait.ge [sflag:s3], $0x4000  }
0x2d: {  	s18 =	sadd.s32 $0xFFFFFFFF, s31;
	[sflag:s3] =	ssyncset.done $0x0  }
.LBB2_1:
0x2e: {  	p0 =	sne.s32 s18, $0x1;
	s18 =	sadd.s32 $0xFFFFFFFF, s18;
	[sflag:s3] =	ssyncadd.s32 $0xFFFFC000  }
0x2f: {  	[tilespmem:s2], [sflag:$0x2] =	stream.linear.gather [hbm4b:s4+s2], $0x200, $0x38;
	[tilespmem:$0x10200] =	vst v63  }
0x30: {  	_ =	swait.ge [sflag:s3], $0x200  }
0x31: {  	[sflag:s3] =	ssyncset.done $0x0  }
0x32: {  	[sflag:s3] =	ssyncadd.s32 $0xFFFFFE00  }
0x33: {  	[tilespmem:s7], [sflag:$0x1] =	stream.indirect.gather [hbm4b:s5+s6], $0x80, s2, s6, $0xb8;
	[tilespmem:$0x10200] =	vst v63  }
0x34: {  	_ = 	snop  }
0x35: {  	[tilespmem:s8], [sflag:$0x1] =	stream.indirect.gather [hbm4b:s5+s6], $0x80, s6, s6, $0xb8;
	[tilespmem:$0x10200] =	vst v63  }
0x36: {  	_ = 	snop  }
0x37: {  	[tilespmem:s10], [sflag:$0x1] =	stream.indirect.gather [hbm4b:s5+s6], $0x80, s9, s6, $0xb8;
	[tilespmem:$0x10200] =	vst v63  }
0x38: {  	_ = 	snop  }
0x39: {  	[tilespmem:s12], [sflag:$0x1] =	stream.indirect.gather [hbm4b:s5+s6], $0x80, s11, s6, $0xb8;
	[tilespmem:$0x10200] =	vst v63  }
0x3a: {  	_ =	swait.ge [sflag:s13], $0x4000  }
0x3b: {  	[sflag:s13] =	ssyncset.done $0x0  }
0x3c: {  	[sflag:s13] =	ssyncadd.s32 $0xFFFFC000  }
0x3d: {  	[hbm4b:s14+s2] =	stream.linear.scatter [tilespmem:s7], [sflag:$0x2], $0x4000, $0x38;
	[tilespmem:$0x10200] =	vst v63  }
0x3e: {  	_ =	swait.ge [sflag:s3], $0x4000  }
0x3f: {  	[sflag:s3] =	ssyncset.done $0x0  }
0x40: {  	[sflag:s3] =	ssyncadd.s32 $0xFFFFC000  }
0x41: {  	_ =	swait.ge [sflag:s13], $0x4000  }
0x42: {  	[sflag:s13] =	ssyncset.done $0x0  }
0x43: {  	[sflag:s13] =	ssyncadd.s32 $0xFFFFC000  }
0x44: {  	[hbm4b:s15+s2] =	stream.linear.scatter [tilespmem:s8], [sflag:$0x2], $0x4000, $0x38;
	[tilespmem:$0x10200] =	vst v63  }
0x45: {  	_ =	swait.ge [sflag:s3], $0x4000  }
0x46: {  	[sflag:s3] =	ssyncset.done $0x0  }
0x47: {  	[sflag:s3] =	ssyncadd.s32 $0xFFFFC000  }
0x48: {  	_ =	swait.ge [sflag:s13], $0x4000  }
0x49: {  	[sflag:s13] =	ssyncset.done $0x0  }
0x4a: {  	[sflag:s13] =	ssyncadd.s32 $0xFFFFC000  }
0x4b: {  	[hbm4b:s16+s2] =	stream.linear.scatter [tilespmem:s10], [sflag:$0x2], $0x4000, $0x38;
	[tilespmem:$0x10200] =	vst v63  }
0x4c: {  	_ =	swait.ge [sflag:s3], $0x4000  }
0x4d: {  	[sflag:s3] =	ssyncset.done $0x0  }
0x4e: {  	[sflag:s3] =	ssyncadd.s32 $0xFFFFC000  }
0x4f: {  	_ =	swait.ge [sflag:s13], $0x4000  }
.Ltmp1:
0x50: {  	[sflag:s13] =	ssyncset.done $0x0;
	(pc) =	sbr.rel @p0 .LBB2_1-.Ltmp1, $4  }
0x51: {  	[sflag:s13] =	ssyncadd.s32 $0xFFFFC000  }
0x52: {  	[hbm4b:s17+s2] =	stream.linear.scatter [tilespmem:s12], [sflag:$0x2], $0x4000, $0x38;
	[tilespmem:$0x10200] =	vst v63  }
0x53: {  	_ =	swait.ge [sflag:s3], $0x4000  }
0x54: {  	[sflag:s3] =	ssyncset.done $0x0  }
.LBB2_2:
0x55: {  	[sflag:s3] =	ssyncadd.s32 $0xFFFFC000  }
0x56: {  	_ =	sfence.sel $0x180000  }
0x57: {  	[bflag:$0x0] =	sbarrier.arrive $0xFFFF  }
0x58: {  	p0 =	sne.s32 s0, $0x0;
	_ =	strace $0x90000056  }
0x59: {  	s0 =	sadd.s32 @!p0 $0x100000, s1;
	[bflag:$0x2] =	sbarrier.arrive $0xFFFF  }
0x5a: {  	[sflag:s0] =	ssyncadd.tile.s32 @!p0 $0x1;
	_ =	shalt  }
.Lfunc_end2:
_tile_overlayer_lowered:
.L_overlay_start_2:
0x5b: {  	(tag) =	ssettag $0x2  }
0x5c: {  	s0 =	rddreg [dreg:$0x0];
	s2 =	stileid.u32  }
0x5d: {  	s1 =	rddreg [dreg:$0x1];
	p0 =	sne.s32 s2, $0x0  }
0x5e: {  	s3 =	rddreg [dreg:$0x2];
	[bflag:$0x3] =	sbarrier.arrive $0xFFFF;
	s2 =	simm.s32 @!p0 $0x1C02  }
0x5f: {  	[timem:s3], [sflag:s2] =	dma.local @!p0 [hbm:s0], s1  }
0x60: {  	s0 =	simm.s32 @!p0 $0x2  }
0x61: {  	_ =	swait.ge @!p0 [sflag:s0], s1  }
0x62: {  	s1 =	ssub.s32 @!p0 $0x0, s1;
	[sflag:s0] =	ssyncset.done @!p0 $0x0  }
0x63: {  	[sflag:s0] =	ssyncadd.s32 @!p0 s1  }
0x64: {  	[bflag:$0x3] =	sbarrier.arrive $0xFFFF  }
0x65: {  	_ =	shalt  }

// kernel: kernel.33.cloned.1.call-start
scs
__scs_entry_jumppad:
0x0: {  	(pc) =	sbr.rel $0x88, $3  }
0x1: {  	(tag) =	ssettag $0x0;
	lr =	simm.s32 $0x1  }
0x2: {  	[smem:$0x3F8C] =	sst lr;
	_ =	strace $0xD0000000  }
0x3: {  	_ = 	snop  }
0x4: {  	_ = 	snop  }
0x5: {  	_ = 	snop  }
0x6: {  	_ = 	snop  }
0x7: {  	_ = 	snop  }
__scs_overlays_trampoline_lowered:
0x8: {  	[smem:$0x3F9B] =	sst s0  }
0x9: {  	[smem:$0x3F9C] =	sst s1  }
0xa: {  	[smem:$0x3F9D] =	sst s2  }
0xb: {  	[smem:$0x3F9E] =	sst s3  }
0xc: {  	[smem:$0x3F9F] =	sst s4  }
0xd: {  	[smem:$0x3FA0] =	sst s5  }
0xe: {  	[smem:$0x3FA1] =	sst s6  }
0xf: {  	[smem:$0x3FA2] =	sst s7  }
0x10: {  	[smem:$0x3FA3] =	sst s8  }
0x11: {  	[smem:$0x3FA4] =	sst s9;
	s0 =	simm.s32 @!p0 $0x0  }
0x12: {  	s1 =	sld [smem:$0x3F8A];
	s0 =	simm.s32 @p0 $0x1  }
0x13: {  	[smem:$0x3FA5] =	sst s0;
	s0 =	simm.s32 @!p1 $0x0  }
0x14: {  	s2 =	sld [smem:$0x3F89];
	s0 =	simm.s32 @p1 $0x1  }
0x15: {  	[smem:$0x3FA6] =	sst s0;
	s0 =	simm.s32 @!p2 $0x0  }
0x16: {  	s3 =	sld [smem:$0x3FDB];
	s0 =	simm.s32 @p2 $0x1  }
0x17: {  	s4 =	simm.s32 $0x1BF5;
	[smem:$0x3FA8] =	sst s0  }
0x18: {  	s0 =	sld [smem:$0x3F8B];
	_ =	swait.ge [sflag:s4], $0x0  }
0x19: {  	s7 =	sld [smem:$0x3F8C]  }
0x1a: {  	s8 =	sadd.s32 $0xFFFFE003, lr  }
0x1b: {  	s9 =	sadd.s32 $0xFFFFFEF7, lr;
	s5 =	simm.s32 $0xFFFFFFFF;
	p2 =	slt.u32 s8, $0xFFFFF086  }
0x1c: {  	p1 =	slt.u32 s9, $0xF7A;
	s5 =	simm.s32 @!p2 $0x0  }
0x1d: {  	s5 =	simm.s32 @p1 $0x1;
	p0 =	seq.s32 s7, s2  }
0x1e: {  	s7 =	smul.u32 @!p0 $0xF7A, s2;
	p2 =	seq.s32 @!p0 s5, $0x0  }
0x1f: {  	s9 =	smul.u32 $0xF7A, s1;
	s8 =	simm.s32 @!p0 $0x1BF5;
	p2 =	por !p2, p0  }
0x20: {  	[sflag:s8] =	ssyncset.s32 @!p0 $0xFFFFF086;
	s6 =	sadd.s32 @!p0 s3, s7;
	s7 =	simm.s32 @!p0 $0x108  }
0x21: {  	s3 =	sadd.s32 s3, s9;
	s6 =	sadd.s32 @!p0 $0x88, s6;
	s7 =	simm.s32 @p2 $0x1082  }
0x22: {  	[simem:s7], [sflag:s8] =	dma.local @!p0 [hbm:s6], $0xF7A  }
0x23: {  	s9 =	sor.u32 $0xD0000000, s2;
	s6 =	simm.s32 $0x108;
	_ =	swait.ge @!p0 [sflag:s8], $0x0  }
0x24: {  	s3 =	sadd.s32 $0x88, s3;
	s6 =	simm.s32 @!p1 $0x1082;
	[sflag:s4] =	ssyncset.s32 $0xFFFFF086  }
0x25: {  	[simem:s6], [sflag:s4] =	dma.local [hbm:s3], $0xF7A  }
0x26: {  	[smem:$0x3F8C] =	sst s1;
	(tag) =	ssettag s2;
	_ =	strace s9  }
0x27: {  	s1 =	sld [smem:$0x3F9C]  }
0x28: {  	s2 =	sld [smem:$0x3F9D]  }
0x29: {  	s4 =	sld [smem:$0x3F9F]  }
0x2a: {  	p0 =	seq.s32 s5, $0x0;
	s5 =	sld [smem:$0x3FA0]  }
0x2b: {  	s6 =	sld [smem:$0x3FA1]  }
0x2c: {  	s7 =	sld [smem:$0x3FA2]  }
0x2d: {  	s3 =	simm.s32 $0x108;
	s8 =	sld [smem:$0x3FA3]  }
0x2e: {  	s3 =	simm.s32 @!p0 $0x1082;
	s9 =	sld [smem:$0x3FA4]  }
0x2f: {  	lr =	sadd.s32 s0, s3;
	s0 =	sld [smem:$0x3F9B]  }
0x30: {  	s3 =	sld [smem:$0x3F9E]  }
0x31: {  	[smem:$0x3FA7] =	sst s10  }
0x32: {  	s10 =	sld [smem:$0x3FA5];
	_ =	sdelay $0x3  }
0x33: {  	p0 =	seq.s32 s10, $0x1;
	s10 =	sld [smem:$0x3FA7];
	_ =	sdelay $0x3  }
0x34: {  	[smem:$0x3FA7] =	sst s10  }
0x35: {  	s10 =	sld [smem:$0x3FA6];
	_ =	sdelay $0x3  }
0x36: {  	p1 =	seq.s32 s10, $0x1;
	s10 =	sld [smem:$0x3FA7];
	_ =	sdelay $0x3  }
0x37: {  	[smem:$0x3FA7] =	sst s10  }
0x38: {  	s10 =	sld [smem:$0x3FA8]  }
0x39: {  	_ = 	snop;
	(pc) =	sbr.ind lr, $3  }
0x3a: {  	_ = 	snop  }
0x3b: {  	_ = 	snop  }
0x3c: {  	p2 =	seq.s32 s10, $0x1;
	s10 =	sld [smem:$0x3FA7]  }
0x3d: {  	_ =	shalt  }
0x3e: {  	_ =	shalt  }
0x3f: {  	_ =	shalt  }
0x40: {  	_ =	shalt  }
0x41: {  	_ =	shalt  }
0x42: {  	_ =	shalt  }
0x43: {  	_ =	shalt  }
0x44: {  	_ =	shalt  }
0x45: {  	_ =	shalt  }
0x46: {  	_ =	shalt  }
0x47: {  	_ =	shalt  }
0x48: {  	_ =	shalt  }
0x49: {  	_ =	shalt  }
0x4a: {  	_ =	shalt  }
0x4b: {  	_ =	shalt  }
0x4c: {  	_ =	shalt  }
0x4d: {  	_ =	shalt  }
0x4e: {  	_ =	shalt  }
0x4f: {  	_ =	shalt  }
0x50: {  	_ =	shalt  }
0x51: {  	_ =	shalt  }
0x52: {  	_ =	shalt  }
0x53: {  	_ =	shalt  }
0x54: {  	_ =	shalt  }
0x55: {  	_ =	shalt  }
0x56: {  	_ =	shalt  }
0x57: {  	_ =	shalt  }
0x58: {  	_ =	shalt  }
0x59: {  	_ =	shalt  }
0x5a: {  	_ =	shalt  }
0x5b: {  	_ =	shalt  }
0x5c: {  	_ =	shalt  }
0x5d: {  	_ =	shalt  }
0x5e: {  	_ =	shalt  }
0x5f: {  	_ =	shalt  }
0x60: {  	_ =	shalt  }
0x61: {  	_ =	shalt  }
0x62: {  	_ =	shalt  }
0x63: {  	_ =	shalt  }
0x64: {  	_ =	shalt  }
0x65: {  	_ =	shalt  }
0x66: {  	_ =	shalt  }
0x67: {  	_ =	shalt  }
0x68: {  	_ =	shalt  }
0x69: {  	_ =	shalt  }
0x6a: {  	_ =	shalt  }
0x6b: {  	_ =	shalt  }
0x6c: {  	_ =	shalt  }
0x6d: {  	_ =	shalt  }
0x6e: {  	_ =	shalt  }
0x6f: {  	_ =	shalt  }
0x70: {  	_ =	shalt  }
0x71: {  	_ =	shalt  }
0x72: {  	_ =	shalt  }
0x73: {  	_ =	shalt  }
0x74: {  	_ =	shalt  }
0x75: {  	_ =	shalt  }
0x76: {  	_ =	shalt  }
0x77: {  	_ =	shalt  }
0x78: {  	_ =	shalt  }
0x79: {  	_ =	shalt  }
0x7a: {  	_ =	shalt  }
0x7b: {  	_ =	shalt  }
0x7c: {  	_ =	shalt  }
0x7d: {  	_ =	shalt  }
0x7e: {  	_ =	shalt  }
0x7f: {  	_ =	shalt  }
0x80: {  	_ =	shalt  }
0x81: {  	_ =	shalt  }
0x82: {  	_ =	shalt  }
0x83: {  	_ =	shalt  }
0x84: {  	_ =	shalt  }
0x85: {  	_ =	shalt  }
0x86: {  	_ =	shalt  }
0x87: {  	_ =	shalt  }
.Lfunc_end0:
.L_simem_size_0:
called_computation.6_lowered:
.L_overlay_start_0:
0x88: {  	s2 =	sld [smem:$0x3FD9]  }
0x89: {  	s3 =	sld [smem:$0x3FFE];
	_ =	sdelay $0x1  }
0x8a: {  	s1 =	srdreg.scid  }
0x8b: {  	s0 =	sand.u32 $0x1, s1  }
0x8c: {  	s17 =	sshll.u32 s0, $0xA;
	s2 =	sadd.s32 s3, s2  }
0x8d: {  	s2 =	sadd.s32 s2, s17  }
0x8e: {  	[smem:$0x3FB3] =	sst s2  }
0x8f: {  	_ = 	snop  }
0x90: {  	s2 =	sld [smem:$0x3FD0];
	(tm) =	ssettm $0x1  }
0x91: {  	s18 =	sld [smem:$0x3FFB];
	_ =	sdelay $0x3  }
0x92: {  	_ =	strace s18  }
0x93: {  	s3 =	sld [smem:$0x3FFC];
	_ =	sdelay $0x3  }
0x94: {  	_ =	strace s3  }
0x95: {  	s3 =	sld [smem:$0x3FFD];
	_ =	sdelay $0x3  }
0x96: {  	_ =	strace s3  }
0x97: {  	_ =	strace $0x8FFFFFFF  }
0x98: {  	s19 =	sld [smem:$0x3FDB];
	_ =	sdelay $0x1  }
0x99: {  	s4 =	simm.s32 $_scs_section_size  }
0x9a: {  	s5 =	simm.s32 $_size__tile_overlayer_lowered;
	s6 =	simm.s32 $_tile_overlayer_lowered  }
0x9b: {  	s22 =	simm.s32 $0x1BFF;
	s21 =	sshll.u32 s6, $0x1;
	s3 =	sadd.s32 s4, s19  }
0x9c: {  	s7 =	simm.s32 $0x0;
	s20 =	sshll.u32 s5, $0x1;
	s5 =	sadd.s32 s21, s3  }
0x9d: {  	[timem:s7], [sflag:s22] =	dma.local [hbm:s5], s20  }
0x9e: {  	_ =	swait.ge [sflag:s22], s20  }
0x9f: {  	s4 =	ssub.s32 $0x0, s20;
	[sflag:s22] =	ssyncset.done $0x0  }
0xa0: {  	[sflag:s22] =	ssyncadd.s32 s4;
	_ =	sdelay $0x1  }
0xa1: {  	s23 =	simm.s32 $0x1B8B  }
0xa2: {  	_ =	swait.ge [sflag:s23], $0x1  }
0xa3: {  	[sflag:s23] =	ssyncset.done $0x0  }
0xa4: {  	s25 =	simm.s32 $0x1B8E;
	s24 =	sld [smem:$0x3FFE];
	[sflag:s23] =	ssyncadd.s32 $0xFFFFFFFF  }
0xa5: {  	s26 =	simm.s32 $execute0_lowered;
	[smem:$0x3FD2] =	sst s25  }
0xa6: {  	s5 =	sshll.u32 s26, $0x1;
	_ =	strace $0x80000058;
	[dreg:$0x1] =	wrdreg $0xFFFFFFFF  }
0xa7: {  	s28 =	simm.s32 $_size_execute0_lowered;
	s3 =	sadd.s32 s3, s5;
	[dreg:$0x0] =	wrdreg $0x0  }
0xa8: {  	s5 =	sshll.u32 s28, $0x1;
	[dreg:$0x2] =	wrdreg s3  }
0xa9: {  	[dreg:$0x3] =	wrdreg s5  }
0xaa: {  	[dreg:$0x4] =	wrdreg $0xC0  }
0xab: {  	_ =	task [dreg:s7], $0x5FFFF  }
0xac: {  	[dreg:$0x1] =	wrdreg $0xFFFFFFFF  }
0xad: {  	[dreg:$0x0] =	wrdreg $0x60  }
0xae: {  	[dreg:$0x2] =	wrdreg s24  }
0xaf: {  	[dreg:$0x3] =	wrdreg s2  }
0xb0: {  	[dreg:$0x4] =	wrdreg $0x102000  }
0xb1: {  	[dreg:$0x5] =	wrdreg $0x9  }
0xb2: {  	_ =	task.clear_ibuf [dreg:s7], $0x6FFFF;
	_ =	strace $0x90000058  }
0xb3: {  	s29 =	simm.s32 $0x9;
	_ =	strace $0x8000005A  }
0xb4: {  	_ =	swait.ge [sflag:s29], $0x1  }
0xb5: {  	[sflag:s29] =	ssyncadd.s32 $0xFFFFFFFF  }
0xb6: {  	_ =	strace $0x9000005A  }
0xb7: {  	_ =	sfence  }
0xb8: {  	s30 =	sld [smem:$0x0];
	_ =	sdelay $0x2  }
0xb9: {  	s31 =	sshll.u32 s1, $0xD;
	s1 =	sshrl.u32 s1, $0x2  }
0xba: {  	s3 =	sand.u32 $0x4000, s31;
	s1 =	sadd.s32 s1, s30  }
0xbb: {  	s0 =	sor.u32 s3, s0;
	s1 =	sshll.u32 s1, $0x11  }
0xbc: {  	s0 =	sor.u32 s1, s0  }
0xbd: {  	s0 =	sadd.s32 $0x8F2B, s0  }
0xbe: {  	[sflag:s0] =	ssyncadd.remote.s32 $0x1  }
0xbf: {  	_ =	sfence.sel $0xFFFF  }
0xc0: {  	[dreg:$0x0] =	wrdreg $0xFFFFFFFF;
	(pc) =	sbr.abs _section_cstart, $3  }
0xc1: {  	[dreg:$0x1] =	wrdreg $0xFFFFFFFF  }
0xc2: {  	_ =	task.clear_ibuf [dreg:s7], $0x2FFFF;
	_ =	strace $0x9FFFFFFF  }
0xc3: {  	(tm) =	ssettm $0x7FFFFFFF  }
tec
execute0_lowered:
.L_overlay_start_1:
0x0: {  	(tag) =	ssettag $0x1  }
0x1: {  	s6 =	rddreg [dreg:$0x0];
	s1 =	srdreg.scid  }
0x2: {  	s4 =	rddreg [dreg:$0x1];
	s0 =	stileid.u32  }
0x3: {  	s2 =	rddreg [dreg:$0x2];
	s3 =	simm.s32 $0x0;
	s21 =	sand.u32 $0x1, s1  }
0x4: {  	s9 =	simm.s32 $0x200;
	s5 =	sshll.u32 s0, $0xA;
	s7 =	sshll.u32 s21, $0x9  }
0x5: {  	s13 =	simm.s32 $0x8200;
	s1 =	rddreg [dreg:$0x3];
	s5 =	sor.u32 s7, s5  }
0x6: {  	[smem:$0x7FF] =	sst s3;
	s7 =	sshll.u32 s5, $0x4;
	s5 =	sshrl.u32 s5, $0x3  }
0x7: {  	_ =	strace $0x80000059;
	s5 =	sadd.s32 s4, s5;
	s4 =	simm.s32 $0x2  }
0x8: {  	[tilespmem:s3], [sflag:$0x2] =	stream.linear.gather [hbm4b:s5+s3], $0x200, $0x38;
	[tilespmem:$0x14200] =	vst v63  }
0x9: {  	s30 =	sshll.u32 s0, $0xB;
	s11 =	sshll.u32 s0, $0xE;
	_ =	swait.ge [sflag:s4], $0x200  }
0xa: {  	s15 =	sshll.u32 s0, $0x6;
	s10 =	sadd.s32 s7, s6;
	[sflag:s4] =	ssyncset.done $0x0  }
0xb: {  	s22 =	sadd.s32 s30, s6;
	s6 =	sadd.s32 $0xE000, s10;
	[sflag:s4] =	ssyncadd.s32 $0xFFFFFE00  }
0xc: {  	[tilespmem:s9], [sflag:$0x1] =	stream.linear.gather [hbm4b:s6+s3], $0x4000, $0x38;
	[tilespmem:$0x14200] =	vst v63  }
0xd: {  	s16 =	sadd.s32 s11, s2;
	s11 =	simm.s32 $0x4200;
	s7 =	sadd.s32 $0xE800, s10  }
0xe: {  	[tilespmem:s11], [sflag:$0x1] =	stream.linear.gather [hbm4b:s7+s3], $0x4000, $0x38;
	[tilespmem:$0x14200] =	vst v63  }
0xf: {  	s14 =	simm.s32 $0xC200;
	s15 =	sor.u32 $0x1C02, s15;
	s8 =	sadd.s32 $0xF000, s10  }
0x10: {  	[tilespmem:s13], [sflag:$0x1] =	stream.linear.gather [hbm4b:s8+s3], $0x4000, $0x38;
	[tilespmem:$0x14200] =	vst v63  }
0x11: {  	s12 =	sadd.s32 $0x4E000, s22;
	s16 =	sshrl.u32 s16, $0x3;
	s10 =	sadd.s32 $0xF800, s10  }
0x12: {  	[tilespmem:s14], [sflag:$0x1] =	stream.linear.gather [hbm4b:s10+s3], $0x4000, $0x38;
	[tilespmem:$0x14200] =	vst v63  }
0x13: {  	[spmem:s16], [sflag:s15] =	dma.local [hbm:s12], $0x800  }
0x14: {  	_ =	swait.ge [sflag:s4], $0x800  }
0x15: {  	[sflag:s4] =	ssyncset.done $0x0  }
0x16: {  	[sflag:s4] =	ssyncadd.s32 $0xFFFFF800  }
0x17: {  	s17 =	simm.s32 $0x1;
	[bflag:$0x0] =	sbarrier.arrive $0xFFFF  }
0x18: {  	_ =	swait.ge [sflag:s17], $0x4000  }
0x19: {  	[sflag:s17] =	ssyncset.done $0x0  }
0x1a: {  	s18 =	simm.s32 $0x80;
	[sflag:s17] =	ssyncadd.s32 $0xFFFFC000  }
0x1b: {  	[spmem:s2] =	stream.indirect.scatter.add.f32 [tilespmem:s9], [sflag:$0x2], $0x80, s3, s18, $0xb8;
	[tilespmem:$0x14200] =	vst v63  }
0x1c: {  	_ =	swait.ge [sflag:s4], $0x4000  }
0x1d: {  	[sflag:s4] =	ssyncset.done $0x0  }
0x1e: {  	[sflag:s4] =	ssyncadd.s32 $0xFFFFC000  }
0x1f: {  	_ =	swait.ge [sflag:s17], $0x4000  }
0x20: {  	[sflag:s17] =	ssyncset.done $0x0  }
0x21: {  	[sflag:s17] =	ssyncadd.s32 $0xFFFFC000  }
0x22: {  	[spmem:s2] =	stream.indirect.scatter.add.f32 [tilespmem:s11], [sflag:$0x2], $0x80, s18, s18, $0xb8;
	[tilespmem:$0x14200] =	vst v63  }
0x23: {  	_ =	swait.ge [sflag:s4], $0x4000  }
0x24: {  	[sflag:s4] =	ssyncset.done $0x0  }
0x25: {  	[sflag:s4] =	ssyncadd.s32 $0xFFFFC000  }
0x26: {  	_ =	swait.ge [sflag:s17], $0x4000  }
0x27: {  	[sflag:s17] =	ssyncset.done $0x0  }
0x28: {  	s19 =	simm.s32 $0x100;
	[sflag:s17] =	ssyncadd.s32 $0xFFFFC000  }
0x29: {  	[spmem:s2] =	stream.indirect.scatter.add.f32 [tilespmem:s13], [sflag:$0x2], $0x80, s19, s18, $0xb8;
	[tilespmem:$0x14200] =	vst v63  }
0x2a: {  	_ =	swait.ge [sflag:s4], $0x4000  }
0x2b: {  	[sflag:s4] =	ssyncset.done $0x0  }
0x2c: {  	[sflag:s4] =	ssyncadd.s32 $0xFFFFC000  }
0x2d: {  	s23 =	ssub.s32 $0x2, s21;
	_ =	swait.ge [sflag:s17], $0x4000  }
0x2e: {  	s24 =	sshrl.u32 s23, $0x1;
	[sflag:s17] =	ssyncset.done $0x0  }
0x2f: {  	s20 =	simm.s32 $0x180;
	s23 =	ssub.s32 s23, s24;
	[sflag:s17] =	ssyncadd.s32 $0xFFFFC000  }
0x30: {  	[spmem:s2] =	stream.indirect.scatter.add.f32 [tilespmem:s14], [sflag:$0x2], $0x80, s20, s18, $0xb8;
	[tilespmem:$0x14200] =	vst v63  }
0x31: {  	s31 =	smax.u32 s23, $0x1;
	_ =	swait.ge [sflag:s4], $0x4000  }
0x32: {  	s21 =	sshll.u32 s21, $0xF;
	p0 =	sne.s32 s31, $0x1;
	[sflag:s4] =	ssyncset.done $0x0  }
.Ltmp0:
0x33: {  	s21 =	sadd.s32 s21, s22;
	[sflag:s4] =	ssyncadd.s32 $0xFFFFC000;
	(pc) =	sbr.rel @!p0 .LBB2_2-.Ltmp0, $4  }
0x34: {  	s21 =	sadd.s32 $0x56000, s21;
	[bflag:$0x0] =	sbarrier.arrive $0xFFFF  }
0x35: {  	[hbm:s21], [sflag:s15] =	dma.local [spmem:s16], $0x800  }
0x36: {  	_ =	swait.ge [sflag:s4], $0x800  }
0x37: {  	s22 =	sadd.s32 $0xFFFFFFFF, s31;
	[sflag:s4] =	ssyncset.done $0x0  }
.LBB2_1:
0x38: {  	p0 =	sne.s32 s22, $0x1;
	s22 =	sadd.s32 $0xFFFFFFFF, s22;
	[sflag:s4] =	ssyncadd.s32 $0xFFFFF800  }
0x39: {  	[tilespmem:s3], [sflag:$0x2] =	stream.linear.gather [hbm4b:s5+s3], $0x200, $0x38;
	[tilespmem:$0x14200] =	vst v63  }
0x3a: {  	_ =	swait.ge [sflag:s4], $0x200  }
0x3b: {  	[sflag:s4] =	ssyncset.done $0x0  }
0x3c: {  	[sflag:s4] =	ssyncadd.s32 $0xFFFFFE00  }
0x3d: {  	[tilespmem:s9], [sflag:$0x1] =	stream.linear.gather [hbm4b:s6+s3], $0x4000, $0x38;
	[tilespmem:$0x14200] =	vst v63  }
0x3e: {  	_ = 	snop  }
0x3f: {  	[tilespmem:s11], [sflag:$0x1] =	stream.linear.gather [hbm4b:s7+s3], $0x4000, $0x38;
	[tilespmem:$0x14200] =	vst v63  }
0x40: {  	_ = 	snop  }
0x41: {  	[tilespmem:s13], [sflag:$0x1] =	stream.linear.gather [hbm4b:s8+s3], $0x4000, $0x38;
	[tilespmem:$0x14200] =	vst v63  }
0x42: {  	_ = 	snop  }
0x43: {  	[tilespmem:s14], [sflag:$0x1] =	stream.linear.gather [hbm4b:s10+s3], $0x4000, $0x38;
	[tilespmem:$0x14200] =	vst v63  }
0x44: {  	[spmem:s16], [sflag:s15] =	dma.local [hbm:s12], $0x800  }
0x45: {  	_ =	swait.ge [sflag:s4], $0x800  }
0x46: {  	[sflag:s4] =	ssyncset.done $0x0  }
0x47: {  	[sflag:s4] =	ssyncadd.s32 $0xFFFFF800  }
0x48: {  	[bflag:$0x0] =	sbarrier.arrive $0xFFFF  }
0x49: {  	_ =	swait.ge [sflag:s17], $0x4000  }
0x4a: {  	[sflag:s17] =	ssyncset.done $0x0  }
0x4b: {  	[sflag:s17] =	ssyncadd.s32 $0xFFFFC000  }
0x4c: {  	[spmem:s2] =	stream.indirect.scatter.add.f32 [tilespmem:s9], [sflag:$0x2], $0x80, s3, s18, $0xb8;
	[tilespmem:$0x14200] =	vst v63  }
0x4d: {  	_ =	swait.ge [sflag:s4], $0x4000  }
0x4e: {  	[sflag:s4] =	ssyncset.done $0x0  }
0x4f: {  	[sflag:s4] =	ssyncadd.s32 $0xFFFFC000  }
0x50: {  	_ =	swait.ge [sflag:s17], $0x4000  }
0x51: {  	[sflag:s17] =	ssyncset.done $0x0  }
0x52: {  	[sflag:s17] =	ssyncadd.s32 $0xFFFFC000  }
0x53: {  	[spmem:s2] =	stream.indirect.scatter.add.f32 [tilespmem:s11], [sflag:$0x2], $0x80, s18, s18, $0xb8;
	[tilespmem:$0x14200] =	vst v63  }
0x54: {  	_ =	swait.ge [sflag:s4], $0x4000  }
0x55: {  	[sflag:s4] =	ssyncset.done $0x0  }
0x56: {  	[sflag:s4] =	ssyncadd.s32 $0xFFFFC000  }
0x57: {  	_ =	swait.ge [sflag:s17], $0x4000  }
0x58: {  	[sflag:s17] =	ssyncset.done $0x0  }
0x59: {  	[sflag:s17] =	ssyncadd.s32 $0xFFFFC000  }
0x5a: {  	[spmem:s2] =	stream.indirect.scatter.add.f32 [tilespmem:s13], [sflag:$0x2], $0x80, s19, s18, $0xb8;
	[tilespmem:$0x14200] =	vst v63  }
0x5b: {  	_ =	swait.ge [sflag:s4], $0x4000  }
0x5c: {  	[sflag:s4] =	ssyncset.done $0x0  }
0x5d: {  	[sflag:s4] =	ssyncadd.s32 $0xFFFFC000  }
0x5e: {  	_ =	swait.ge [sflag:s17], $0x4000  }
0x5f: {  	[sflag:s17] =	ssyncset.done $0x0  }
0x60: {  	[sflag:s17] =	ssyncadd.s32 $0xFFFFC000  }
0x61: {  	[spmem:s2] =	stream.indirect.scatter.add.f32 [tilespmem:s14], [sflag:$0x2], $0x80, s20, s18, $0xb8;
	[tilespmem:$0x14200] =	vst v63  }
0x62: {  	_ =	swait.ge [sflag:s4], $0x4000  }
0x63: {  	[sflag:s4] =	ssyncset.done $0x0  }
.Ltmp1:
0x64: {  	[sflag:s4] =	ssyncadd.s32 $0xFFFFC000;
	(pc) =	sbr.rel @p0 .LBB2_1-.Ltmp1, $4  }
0x65: {  	[bflag:$0x0] =	sbarrier.arrive $0xFFFF  }
0x66: {  	[hbm:s21], [sflag:s15] =	dma.local [spmem:s16], $0x800  }
0x67: {  	_ =	swait.ge [sflag:s4], $0x800  }
0x68: {  	[sflag:s4] =	ssyncset.done $0x0  }
.LBB2_2:
0x69: {  	[sflag:s4] =	ssyncadd.s32 $0xFFFFF800  }
0x6a: {  	_ =	sfence.sel $0x180000  }
0x6b: {  	[bflag:$0x0] =	sbarrier.arrive $0xFFFF  }
0x6c: {  	p0 =	sne.s32 s0, $0x0;
	_ =	strace $0x90000059  }
0x6d: {  	s0 =	sadd.s32 @!p0 $0x100000, s1;
	[bflag:$0x2] =	sbarrier.arrive $0xFFFF  }
0x6e: {  	[sflag:s0] =	ssyncadd.tile.s32 @!p0 $0x1;
	_ =	shalt  }
.Lfunc_end2:
_tile_overlayer_lowered:
.L_overlay_start_2:
0x6f: {  	(tag) =	ssettag $0x2  }
0x70: {  	s0 =	rddreg [dreg:$0x0];
	s2 =	stileid.u32  }
0x71: {  	s1 =	rddreg [dreg:$0x1];
	p0 =	sne.s32 s2, $0x0  }
0x72: {  	s3 =	rddreg [dreg:$0x2];
	[bflag:$0x3] =	sbarrier.arrive $0xFFFF;
	s2 =	simm.s32 @!p0 $0x1C02  }
0x73: {  	[timem:s3], [sflag:s2] =	dma.local @!p0 [hbm:s0], s1  }
0x74: {  	s0 =	simm.s32 @!p0 $0x2  }
0x75: {  	_ =	swait.ge @!p0 [sflag:s0], s1  }
0x76: {  	s1 =	ssub.s32 @!p0 $0x0, s1;
	[sflag:s0] =	ssyncset.done @!p0 $0x0  }
0x77: {  	[sflag:s0] =	ssyncadd.s32 @!p0 s1  }
0x78: {  	[bflag:$0x3] =	sbarrier.arrive $0xFFFF  }
0x79: {  	_ =	shalt  }

</sc_bundles>
